<compile_context>
chip_gen: v7x
topology: tpu7x:2x2x1
jax: 0.10.2.dev20260603
libtpu: 0.0.44.dev20260713+nightly
codegen_flags: <defaults>
</compile_context>

<pallas_src>
import functools

import jax
import jax.numpy as jnp
from jax import lax
from jax.experimental import pallas as pl
from jax.experimental.pallas import tpu as pltpu
from jax.experimental.pallas import tpu_sc as plsc

N = 10000
D = 300
Q = 75
QP = 80
E = 160000
NTILES = 16
CH = 128
NCH = 79
EPT = CH * NCH
EPAD = NTILES * EPT
NP = 10112
RPT = NP // NTILES
BR = 1264

_f32 = jnp.float32


def _agg_body(q0_hbm, q1_hbm, q2_hbm, q3_hbm, src_hbm, dst_hbm, z_hbm,
              a0_hbm, a1_hbm, a2_hbm, a3_hbm,
              srcb, dstb, rb0, rb1, zbuf, acc, sem0, sem1):
    c = lax.axis_index("c")
    s = lax.axis_index("s")
    base = s * RPT

    pltpu.sync_copy(src_hbm.at[s], srcb)
    pltpu.sync_copy(dst_hbm.at[s], dstb)
    pltpu.sync_copy(z_hbm, zbuf)

    def one_pass(h_hbm, out_hbm):
        for j in range(4):
            pltpu.sync_copy(zbuf, acc.at[pl.ds(base + j * CH, CH)])
        pltpu.sync_copy(zbuf.at[pl.ds(0, RPT - 4 * CH)],
                        acc.at[pl.ds(base + 4 * CH, RPT - 4 * CH)])
        plsc.subcore_barrier()

        @pl.loop(0, NCH)
        def _(j):
            pltpu.sync_copy(h_hbm.at[srcb.at[j]], rb0)
            pltpu.sync_copy(rb0, acc.at[dstb.at[j]], add=True)

        plsc.subcore_barrier()
        pltpu.sync_copy(acc.at[pl.ds(base, RPT)], out_hbm.at[pl.ds(base, RPT)])
        plsc.subcore_barrier()

    @pl.when(c == 0)
    def _():
        one_pass(q0_hbm, a0_hbm)
        one_pass(q1_hbm, a1_hbm)

    @pl.when(c == 1)
    def _():
        one_pass(q2_hbm, a2_hbm)
        one_pass(q3_hbm, a3_hbm)


_sc_aggregate = functools.partial(
    pl.kernel,
    _agg_body,
    out_type=tuple(jax.ShapeDtypeStruct((NP, QP), _f32) for _ in range(4)),
    mesh=plsc.VectorSubcoreMesh(core_axis_name="c", subcore_axis_name="s"),
    scratch_types=[
        pltpu.VMEM((NCH, CH), jnp.int32),
        pltpu.VMEM((NCH, CH), jnp.int32),
        pltpu.VMEM((CH, QP), _f32),
        pltpu.VMEM((CH, QP), _f32),
        pltpu.VMEM((CH, QP), _f32),
        pltpu.VMEM_SHARED((NP, QP), _f32),
        pltpu.SemaphoreType.DMA,
        pltpu.SemaphoreType.DMA,
    ],
    compiler_params=pltpu.CompilerParams(use_tc_tiling_on_sc=False),
)()


def _hidden(refs):
    h0, h1, h2, h3, a0, a1, a2, a3, w1, b1 = refs
    m = jnp.concatenate(
        [(h0[...] + a0[...])[:, :Q], (h1[...] + a1[...])[:, :Q],
         (h2[...] + a2[...])[:, :Q], (h3[...] + a3[...])[:, :Q]], axis=1)
    t = jnp.dot(m, w1[...], preferred_element_type=_f32)
    return jnp.maximum(t + b1[...], 0.0)


def _quarter_out(o_refs, y):
    zpad = jnp.zeros((y.shape[0], QP - Q), _f32)
    for q, o_ref in enumerate(o_refs):
        o_ref[...] = jnp.concatenate([y[:, q * Q:(q + 1) * Q], zpad], axis=1)


def _mlp_layer_body(*refs):
    t = _hidden(refs[:10])
    w2, b2, o0, o1, o2, o3 = refs[10:]
    y = jnp.dot(t, w2[...], preferred_element_type=_f32) + b2[...]
    _quarter_out((o0, o1, o2, o3), jnp.maximum(y, 0.0))


def _specs():
    quarter = pl.BlockSpec((BR, QP), lambda i: (i, 0))
    full = lambda shape: pl.BlockSpec(shape, lambda i: (0, 0))
    return quarter, full


def _tc_layer(hq, aq, w1, b1, w2, b2):
    quarter, full = _specs()
    return pl.pallas_call(
        _mlp_layer_body,
        grid=(NP // BR,),
        in_specs=[quarter] * 8
        + [full((D, D)), full((1, D)), full((D, D)), full((1, D))],
        out_specs=[quarter] * 4,
        out_shape=tuple(jax.ShapeDtypeStruct((NP, QP), _f32) for _ in range(4)),
    )(*hq, *aq, w1, b1, w2, b2)


def _mlp_final_body(*refs):
    t = _hidden(refs[:10])
    (w2, b2, ap0, apb0, ap1, apb1, ap2, apb2, o) = refs[10:]
    dot = functools.partial(jnp.dot, preferred_element_type=_f32)
    h = dot(t, w2[...]) + b2[...]
    a = jnp.maximum(dot(h, ap0[...]) + apb0[...], 0.0)
    a = jnp.maximum(dot(a, ap1[...]) + apb1[...], 0.0)
    o[...] = dot(a, ap2[...]) + apb2[...]


def _tc_final(hq, aq, w1, b1, w2, b2, ap0, apb0, ap1, apb1, ap2, apb2):
    quarter, full = _specs()
    return pl.pallas_call(
        _mlp_final_body,
        grid=(NP // BR,),
        in_specs=[quarter] * 8
        + [full((D, D)), full((1, D)),
           full((D, D)), full((1, D)),
           full((D, D)), full((1, D)),
           full((D, D)), full((1, D)),
           full((D, 1)), full((1, 1))],
        out_specs=pl.BlockSpec((BR, 1), lambda i: (i, 0)),
        out_shape=jax.ShapeDtypeStruct((NP, 1), _f32),
    )(*hq, *aq, w1, b1, w2, b2, ap0, apb0, ap1, apb1, ap2, apb2)


def kernel(x, edge_index, gin_w1, gin_b1, gin_w2, gin_b2,
           ap_w0, ap_b0, ap_w1, ap_b1, ap_w2, ap_b2):
    src = edge_index[0]
    dst = edge_index[1]

    pad = EPAD - E
    src_p = jnp.concatenate([src, jnp.zeros((pad,), jnp.int32)])
    dst_p = jnp.concatenate(
        [dst, N + (jnp.arange(pad, dtype=jnp.int32) % (NP - N))])
    src3 = src_p.reshape(NTILES, NCH, CH)
    dst3 = dst_p.reshape(NTILES, NCH, CH)
    zchunk = jnp.zeros((CH, QP), _f32)

    hq = tuple(
        jnp.pad(x[:, q * Q:(q + 1) * Q], ((0, NP - N), (0, QP - Q)))
        for q in range(4))

    nl = gin_w1.shape[0]
    for l in range(nl):
        aq = _sc_aggregate(*hq, src3, dst3, zchunk)
        b1 = gin_b1[l].reshape(1, D)
        b2 = gin_b2[l].reshape(1, D)
        if l < nl - 1:
            hq = _tc_layer(hq, aq, gin_w1[l], b1, gin_w2[l], b2)
        else:
            out = _tc_final(hq, aq, gin_w1[l], b1, gin_w2[l], b2,
                            ap_w0, ap_b0.reshape(1, D),
                            ap_w1, ap_b1.reshape(1, D),
                            ap_w2, ap_b2.reshape(1, 1))
    return out[:N, 0]

# --- scband reference (transcript-rebuilt; emitter-appended) ---
"""Pipeline reference for scband-molecular-prediction-network-86079734546997 (READ-ONLY COPY).

The authoritative reference and input builder live on the scoring server;
editing this copy changes nothing except your own understanding.
"""

import jax, jax.numpy as jnp
import numpy as np

N = 10000
E = 160000
D = 300
L = 5


def setup_inputs(seed: int = 0) -> dict:
    key = jax.random.key(seed)
    ks = jax.random.split(key, 14)
    x = jax.random.normal(ks[0], (N, D), dtype=jnp.float32)
    edge_index = jax.random.randint(ks[1], (2, E), 0, N, dtype=jnp.int32)
    s = 0.05
    # 5 GIN layers, each with a 2-layer MLP (Linear(300,300)->ReLU->Linear(300,300)), eps=0
    gin_w1 = jax.random.normal(ks[2], (L, D, D), dtype=jnp.float32) * s
    gin_b1 = jnp.zeros((L, D), dtype=jnp.float32)
    gin_w2 = jax.random.normal(ks[3], (L, D, D), dtype=jnp.float32) * s
    gin_b2 = jnp.zeros((L, D), dtype=jnp.float32)
    # AtomPredictionNetwork(input=300, hidden=300, num_layers=2):
    # Linear(300,300)->ReLU->Linear(300,300)->Dropout(eval: identity)->ReLU->Linear(300,1)
    ap_w0 = jax.random.normal(ks[4], (D, D), dtype=jnp.float32) * s
    ap_b0 = jnp.zeros((D,), dtype=jnp.float32)
    ap_w1 = jax.random.normal(ks[5], (D, D), dtype=jnp.float32) * s
    ap_b1 = jnp.zeros((D,), dtype=jnp.float32)
    ap_w2 = jax.random.normal(ks[6], (D, 1), dtype=jnp.float32) * s
    ap_b2 = jnp.zeros((1,), dtype=jnp.float32)
    return {
        "x": x, "edge_index": edge_index,
        "gin_w1": gin_w1, "gin_b1": gin_b1, "gin_w2": gin_w2, "gin_b2": gin_b2,
        "ap_w0": ap_w0, "ap_b0": ap_b0, "ap_w1": ap_w1, "ap_b1": ap_b1,
        "ap_w2": ap_w2, "ap_b2": ap_b2,
    }


def reference(x, edge_index, gin_w1, gin_b1, gin_w2, gin_b2,
              ap_w0, ap_b0, ap_w1, ap_b1, ap_w2, ap_b2):
    src = edge_index[0]
    dst = edge_index[1]
    h = x
    n_layers = gin_w1.shape[0]
    for l in range(n_layers):
        # GIN aggregation: sum of neighbor messages (scatter-add over dst)
        agg = jnp.zeros_like(h).at[dst].add(h[src])
        m = agg + h  # (1 + eps) * h with eps = 0
        m = jnp.maximum(jnp.dot(m, gin_w1[l]) + gin_b1[l], 0.0)
        h2 = jnp.dot(m, gin_w2[l]) + gin_b2[l]
        if l < n_layers - 1:
            h = jnp.maximum(h2, 0.0)
        else:
            h = h2
    # AtomPredictionNetwork applied per node (vectorized over nodes)
    a = jnp.maximum(jnp.dot(h, ap_w0) + ap_b0, 0.0)
    a = jnp.maximum(jnp.dot(a, ap_w1) + ap_b1, 0.0)  # dropout is identity in eval
    out = jnp.dot(a, ap_w2) + ap_b2
    return out[:, 0]

if __name__ == "__main__":
    import jax
    _d = setup_inputs()
    print(jax.jit(kernel)(*tuple(_d.values())))

</pallas_src>

<mosaic_0001>
#map = affine_map<(d0, d1) -> (0, 0)>
#map1 = affine_map<(d0, d1) -> (0, 0, 0)>
module attributes {stable_mosaic.version = 14 : i64} {
  func.func @_agg_body(%arg0: i32, %arg1: i32, %arg2: memref<10112x80xf32, #tpu.memory_space<hbm>>, %arg3: memref<10112x80xf32, #tpu.memory_space<hbm>>, %arg4: memref<10112x80xf32, #tpu.memory_space<hbm>>, %arg5: memref<10112x80xf32, #tpu.memory_space<hbm>>, %arg6: memref<16x79x128xi32, #tpu.memory_space<hbm>>, %arg7: memref<16x79x128xi32, #tpu.memory_space<hbm>>, %arg8: memref<128x80xf32, #tpu.memory_space<hbm>>, %arg9: memref<10112x80xf32, #tpu.memory_space<hbm>>, %arg10: memref<10112x80xf32, #tpu.memory_space<hbm>>, %arg11: memref<10112x80xf32, #tpu.memory_space<hbm>>, %arg12: memref<10112x80xf32, #tpu.memory_space<hbm>>, %arg13: memref<79x128xi32, #tpu.memory_space<vmem>>, %arg14: memref<79x128xi32, #tpu.memory_space<vmem>>, %arg15: memref<128x80xf32, #tpu.memory_space<vmem>>, %arg16: memref<128x80xf32, #tpu.memory_space<vmem>>, %arg17: memref<128x80xf32, #tpu.memory_space<vmem>>, %arg18: memref<10112x80xf32, #tpu.memory_space<vmem_shared>>, %arg19: memref<!tpu.dma_semaphore, #tpu.memory_space<semaphore_mem>>, %arg20: memref<!tpu.dma_semaphore, #tpu.memory_space<semaphore_mem>>) attributes {dimension_semantics = [#tpu.dimension_semantics<core_parallel>, #tpu.dimension_semantics<subcore_parallel>], iteration_bounds = array<i64: 2, 16>, scalar_prefetch = 0 : i64, scratch_operands = 8 : i64, tpu.core_type = #tpu.core_type<sc_vector_subcore>, window_params = [{transform_indices = #map}, {transform_indices = #map}, {transform_indices = #map}, {transform_indices = #map}, {transform_indices = #map1}, {transform_indices = #map1}, {transform_indices = #map}, {transform_indices = #map}, {transform_indices = #map}, {transform_indices = #map}, {transform_indices = #map}]} {
    %mul3A = arith.constant 632 : i32
    %mul3A_0 = arith.muli %arg1, %mul3A : i32
    "tpu.region"() ({
      %run_scoped3A = tpu.sem_alloc : memref<!tpu.dma_semaphore, #tpu.memory_space<semaphore_mem>>
      %dma_start3A = arith.constant 0 : i32
      %dma_start3A_8 = arith.constant 0 : i32
      %dma_start3A_9 = tpu.memref_slice %arg6[%arg1, %dma_start3A, %dma_start3A_8] : memref<16x79x128xi32, #tpu.memory_space<hbm>> -> memref<1x79x128xi32, #tpu.memory_space<hbm>>
      %dma_start3A_10 = tpu.memref_squeeze %dma_start3A_9 : memref<1x79x128xi32, #tpu.memory_space<hbm>> -> memref<79x128xi32, #tpu.memory_space<hbm>>
      %dma_start3A_11 = arith.constant 0 : i32
      %dma_start3A_12 = arith.constant 0 : i32
      %dma_start3A_13 = tpu.memref_slice %arg6[%arg1, %dma_start3A_11, %dma_start3A_12] : memref<16x79x128xi32, #tpu.memory_space<hbm>> -> memref<1x79x128xi32, #tpu.memory_space<hbm>>
      %dma_start3A_14 = tpu.memref_squeeze %dma_start3A_13 : memref<1x79x128xi32, #tpu.memory_space<hbm>> -> memref<79x128xi32, #tpu.memory_space<hbm>>
      tpu.enqueue_dma source(%dma_start3A_14 : memref<79x128xi32, #tpu.memory_space<hbm>>) target(%arg13 : memref<79x128xi32, #tpu.memory_space<vmem>>) target_semaphore(%run_scoped3A : memref<!tpu.dma_semaphore, #tpu.memory_space<semaphore_mem>>)
      %dma_wait3A = arith.constant 0 : i32
      %dma_wait3A_15 = arith.constant 0 : i32
      %dma_wait3A_16 = tpu.memref_slice %arg6[%arg1, %dma_wait3A, %dma_wait3A_15] : memref<16x79x128xi32, #tpu.memory_space<hbm>> -> memref<1x79x128xi32, #tpu.memory_space<hbm>>
      %dma_wait3A_17 = tpu.memref_squeeze %dma_wait3A_16 : memref<1x79x128xi32, #tpu.memory_space<hbm>> -> memref<79x128xi32, #tpu.memory_space<hbm>>
      %dma_wait3A_18 = arith.constant 0 : i32
      %dma_wait3A_19 = arith.constant 0 : i32
      %dma_wait3A_20 = tpu.memref_slice %arg6[%arg1, %dma_wait3A_18, %dma_wait3A_19] : memref<16x79x128xi32, #tpu.memory_space<hbm>> -> memref<1x79x128xi32, #tpu.memory_space<hbm>>
      %dma_wait3A_21 = tpu.memref_squeeze %dma_wait3A_20 : memref<1x79x128xi32, #tpu.memory_space<hbm>> -> memref<79x128xi32, #tpu.memory_space<hbm>>
      tpu.wait_dma2 semaphore(%run_scoped3A : memref<!tpu.dma_semaphore, #tpu.memory_space<semaphore_mem>>) src(%dma_wait3A_21 : memref<79x128xi32, #tpu.memory_space<hbm>>) dst(%arg13 : memref<79x128xi32, #tpu.memory_space<vmem>>)
      tpu.yield
    }) : () -> ()
    "tpu.region"() ({
      %run_scoped3A = tpu.sem_alloc : memref<!tpu.dma_semaphore, #tpu.memory_space<semaphore_mem>>
      %dma_start3A = arith.constant 0 : i32
      %dma_start3A_8 = arith.constant 0 : i32
      %dma_start3A_9 = tpu.memref_slice %arg7[%arg1, %dma_start3A, %dma_start3A_8] : memref<16x79x128xi32, #tpu.memory_space<hbm>> -> memref<1x79x128xi32, #tpu.memory_space<hbm>>
      %dma_start3A_10 = tpu.memref_squeeze %dma_start3A_9 : memref<1x79x128xi32, #tpu.memory_space<hbm>> -> memref<79x128xi32, #tpu.memory_space<hbm>>
      %dma_start3A_11 = arith.constant 0 : i32
      %dma_start3A_12 = arith.constant 0 : i32
      %dma_start3A_13 = tpu.memref_slice %arg7[%arg1, %dma_start3A_11, %dma_start3A_12] : memref<16x79x128xi32, #tpu.memory_space<hbm>> -> memref<1x79x128xi32, #tpu.memory_space<hbm>>
      %dma_start3A_14 = tpu.memref_squeeze %dma_start3A_13 : memref<1x79x128xi32, #tpu.memory_space<hbm>> -> memref<79x128xi32, #tpu.memory_space<hbm>>
      tpu.enqueue_dma source(%dma_start3A_14 : memref<79x128xi32, #tpu.memory_space<hbm>>) target(%arg14 : memref<79x128xi32, #tpu.memory_space<vmem>>) target_semaphore(%run_scoped3A : memref<!tpu.dma_semaphore, #tpu.memory_space<semaphore_mem>>)
      %dma_wait3A = arith.constant 0 : i32
      %dma_wait3A_15 = arith.constant 0 : i32
      %dma_wait3A_16 = tpu.memref_slice %arg7[%arg1, %dma_wait3A, %dma_wait3A_15] : memref<16x79x128xi32, #tpu.memory_space<hbm>> -> memref<1x79x128xi32, #tpu.memory_space<hbm>>
      %dma_wait3A_17 = tpu.memref_squeeze %dma_wait3A_16 : memref<1x79x128xi32, #tpu.memory_space<hbm>> -> memref<79x128xi32, #tpu.memory_space<hbm>>
      %dma_wait3A_18 = arith.constant 0 : i32
      %dma_wait3A_19 = arith.constant 0 : i32
      %dma_wait3A_20 = tpu.memref_slice %arg7[%arg1, %dma_wait3A_18, %dma_wait3A_19] : memref<16x79x128xi32, #tpu.memory_space<hbm>> -> memref<1x79x128xi32, #tpu.memory_space<hbm>>
      %dma_wait3A_21 = tpu.memref_squeeze %dma_wait3A_20 : memref<1x79x128xi32, #tpu.memory_space<hbm>> -> memref<79x128xi32, #tpu.memory_space<hbm>>
      tpu.wait_dma2 semaphore(%run_scoped3A : memref<!tpu.dma_semaphore, #tpu.memory_space<semaphore_mem>>) src(%dma_wait3A_21 : memref<79x128xi32, #tpu.memory_space<hbm>>) dst(%arg14 : memref<79x128xi32, #tpu.memory_space<vmem>>)
      tpu.yield
    }) : () -> ()
    "tpu.region"() ({
      %run_scoped3A = tpu.sem_alloc : memref<!tpu.dma_semaphore, #tpu.memory_space<semaphore_mem>>
      tpu.enqueue_dma source(%arg8 : memref<128x80xf32, #tpu.memory_space<hbm>>) target(%arg17 : memref<128x80xf32, #tpu.memory_space<vmem>>) target_semaphore(%run_scoped3A : memref<!tpu.dma_semaphore, #tpu.memory_space<semaphore_mem>>)
      tpu.wait_dma2 semaphore(%run_scoped3A : memref<!tpu.dma_semaphore, #tpu.memory_space<semaphore_mem>>) src(%arg8 : memref<128x80xf32, #tpu.memory_space<hbm>>) dst(%arg17 : memref<128x80xf32, #tpu.memory_space<vmem>>)
      tpu.yield
    }) : () -> ()
    %eq3A = arith.constant 0 : i32
    %eq3A_1 = arith.cmpi eq, %arg0, %eq3A : i32
    %convert_element_type3A = arith.extui %eq3A_1 : i1 to i32
    %cond3A = arith.constant 0 : i32
    %cond3A_2 = arith.cmpi ne, %convert_element_type3A, %cond3A : i32
    scf.if %cond3A_2 {
      %add3A = arith.constant 0 : i32
      %add3A_8 = arith.addi %mul3A_0, %add3A : i32
      "tpu.region"() ({
        %run_scoped3A = tpu.sem_alloc : memref<!tpu.dma_semaphore, #tpu.memory_space<semaphore_mem>>
        %dma_start3A = arith.constant 0 : i32
        %dma_start3A_41 = tpu.memref_slice %arg18[%add3A_8, %dma_start3A] : memref<10112x80xf32, #tpu.memory_space<vmem_shared>> -> memref<128x80xf32, #tpu.memory_space<vmem_shared>>
        %dma_start3A_42 = arith.constant 0 : i32
        %dma_start3A_43 = tpu.memref_slice %arg18[%add3A_8, %dma_start3A_42] : memref<10112x80xf32, #tpu.memory_space<vmem_shared>> -> memref<128x80xf32, #tpu.memory_space<vmem_shared>>
        tpu.enqueue_dma source(%arg17 : memref<128x80xf32, #tpu.memory_space<vmem>>) target(%dma_start3A_43 : memref<128x80xf32, #tpu.memory_space<vmem_shared>>) target_semaphore(%run_scoped3A : memref<!tpu.dma_semaphore, #tpu.memory_space<semaphore_mem>>)
        %dma_wait3A = arith.constant 0 : i32
        %dma_wait3A_44 = tpu.memref_slice %arg18[%add3A_8, %dma_wait3A] : memref<10112x80xf32, #tpu.memory_space<vmem_shared>> -> memref<128x80xf32, #tpu.memory_space<vmem_shared>>
        %dma_wait3A_45 = arith.constant 0 : i32
        %dma_wait3A_46 = tpu.memref_slice %arg18[%add3A_8, %dma_wait3A_45] : memref<10112x80xf32, #tpu.memory_space<vmem_shared>> -> memref<128x80xf32, #tpu.memory_space<vmem_shared>>
        tpu.wait_dma2 semaphore(%run_scoped3A : memref<!tpu.dma_semaphore, #tpu.memory_space<semaphore_mem>>) src(%arg17 : memref<128x80xf32, #tpu.memory_space<vmem>>) dst(%dma_wait3A_46 : memref<128x80xf32, #tpu.memory_space<vmem_shared>>)
        tpu.yield
      }) : () -> ()
      %add3A_9 = arith.constant 128 : i32
      %add3A_10 = arith.addi %mul3A_0, %add3A_9 : i32
      "tpu.region"() ({
        %run_scoped3A = tpu.sem_alloc : memref<!tpu.dma_semaphore, #tpu.memory_space<semaphore_mem>>
        %dma_start3A = arith.constant 0 : i32
        %dma_start3A_41 = tpu.memref_slice %arg18[%add3A_10, %dma_start3A] : memref<10112x80xf32, #tpu.memory_space<vmem_shared>> -> memref<128x80xf32, #tpu.memory_space<vmem_shared>>
        %dma_start3A_42 = arith.constant 0 : i32
        %dma_start3A_43 = tpu.memref_slice %arg18[%add3A_10, %dma_start3A_42] : memref<10112x80xf32, #tpu.memory_space<vmem_shared>> -> memref<128x80xf32, #tpu.memory_space<vmem_shared>>
        tpu.enqueue_dma source(%arg17 : memref<128x80xf32, #tpu.memory_space<vmem>>) target(%dma_start3A_43 : memref<128x80xf32, #tpu.memory_space<vmem_shared>>) target_semaphore(%run_scoped3A : memref<!tpu.dma_semaphore, #tpu.memory_space<semaphore_mem>>)
        %dma_wait3A = arith.constant 0 : i32
        %dma_wait3A_44 = tpu.memref_slice %arg18[%add3A_10, %dma_wait3A] : memref<10112x80xf32, #tpu.memory_space<vmem_shared>> -> memref<128x80xf32, #tpu.memory_space<vmem_shared>>
        %dma_wait3A_45 = arith.constant 0 : i32
        %dma_wait3A_46 = tpu.memref_slice %arg18[%add3A_10, %dma_wait3A_45] : memref<10112x80xf32, #tpu.memory_space<vmem_shared>> -> memref<128x80xf32, #tpu.memory_space<vmem_shared>>
        tpu.wait_dma2 semaphore(%run_scoped3A : memref<!tpu.dma_semaphore, #tpu.memory_space<semaphore_mem>>) src(%arg17 : memref<128x80xf32, #tpu.memory_space<vmem>>) dst(%dma_wait3A_46 : memref<128x80xf32, #tpu.memory_space<vmem_shared>>)
        tpu.yield
      }) : () -> ()
      %add3A_11 = arith.constant 256 : i32
      %add3A_12 = arith.addi %mul3A_0, %add3A_11 : i32
      "tpu.region"() ({
        %run_scoped3A = tpu.sem_alloc : memref<!tpu.dma_semaphore, #tpu.memory_space<semaphore_mem>>
        %dma_start3A = arith.constant 0 : i32
        %dma_start3A_41 = tpu.memref_slice %arg18[%add3A_12, %dma_start3A] : memref<10112x80xf32, #tpu.memory_space<vmem_shared>> -> memref<128x80xf32, #tpu.memory_space<vmem_shared>>
        %dma_start3A_42 = arith.constant 0 : i32
        %dma_start3A_43 = tpu.memref_slice %arg18[%add3A_12, %dma_start3A_42] : memref<10112x80xf32, #tpu.memory_space<vmem_shared>> -> memref<128x80xf32, #tpu.memory_space<vmem_shared>>
        tpu.enqueue_dma source(%arg17 : memref<128x80xf32, #tpu.memory_space<vmem>>) target(%dma_start3A_43 : memref<128x80xf32, #tpu.memory_space<vmem_shared>>) target_semaphore(%run_scoped3A : memref<!tpu.dma_semaphore, #tpu.memory_space<semaphore_mem>>)
        %dma_wait3A = arith.constant 0 : i32
        %dma_wait3A_44 = tpu.memref_slice %arg18[%add3A_12, %dma_wait3A] : memref<10112x80xf32, #tpu.memory_space<vmem_shared>> -> memref<128x80xf32, #tpu.memory_space<vmem_shared>>
        %dma_wait3A_45 = arith.constant 0 : i32
        %dma_wait3A_46 = tpu.memref_slice %arg18[%add3A_12, %dma_wait3A_45] : memref<10112x80xf32, #tpu.memory_space<vmem_shared>> -> memref<128x80xf32, #tpu.memory_space<vmem_shared>>
        tpu.wait_dma2 semaphore(%run_scoped3A : memref<!tpu.dma_semaphore, #tpu.memory_space<semaphore_mem>>) src(%arg17 : memref<128x80xf32, #tpu.memory_space<vmem>>) dst(%dma_wait3A_46 : memref<128x80xf32, #tpu.memory_space<vmem_shared>>)
        tpu.yield
      }) : () -> ()
      %add3A_13 = arith.constant 384 : i32
      %add3A_14 = arith.addi %mul3A_0, %add3A_13 : i32
      "tpu.region"() ({
        %run_scoped3A = tpu.sem_alloc : memref<!tpu.dma_semaphore, #tpu.memory_space<semaphore_mem>>
        %dma_start3A = arith.constant 0 : i32
        %dma_start3A_41 = tpu.memref_slice %arg18[%add3A_14, %dma_start3A] : memref<10112x80xf32, #tpu.memory_space<vmem_shared>> -> memref<128x80xf32, #tpu.memory_space<vmem_shared>>
        %dma_start3A_42 = arith.constant 0 : i32
        %dma_start3A_43 = tpu.memref_slice %arg18[%add3A_14, %dma_start3A_42] : memref<10112x80xf32, #tpu.memory_space<vmem_shared>> -> memref<128x80xf32, #tpu.memory_space<vmem_shared>>
        tpu.enqueue_dma source(%arg17 : memref<128x80xf32, #tpu.memory_space<vmem>>) target(%dma_start3A_43 : memref<128x80xf32, #tpu.memory_space<vmem_shared>>) target_semaphore(%run_scoped3A : memref<!tpu.dma_semaphore, #tpu.memory_space<semaphore_mem>>)
        %dma_wait3A = arith.constant 0 : i32
        %dma_wait3A_44 = tpu.memref_slice %arg18[%add3A_14, %dma_wait3A] : memref<10112x80xf32, #tpu.memory_space<vmem_shared>> -> memref<128x80xf32, #tpu.memory_space<vmem_shared>>
        %dma_wait3A_45 = arith.constant 0 : i32
        %dma_wait3A_46 = tpu.memref_slice %arg18[%add3A_14, %dma_wait3A_45] : memref<10112x80xf32, #tpu.memory_space<vmem_shared>> -> memref<128x80xf32, #tpu.memory_space<vmem_shared>>
        tpu.wait_dma2 semaphore(%run_scoped3A : memref<!tpu.dma_semaphore, #tpu.memory_space<semaphore_mem>>) src(%arg17 : memref<128x80xf32, #tpu.memory_space<vmem>>) dst(%dma_wait3A_46 : memref<128x80xf32, #tpu.memory_space<vmem_shared>>)
        tpu.yield
      }) : () -> ()
      %add3A_15 = arith.constant 512 : i32
      %add3A_16 = arith.addi %mul3A_0, %add3A_15 : i32
      "tpu.region"() ({
        %run_scoped3A = tpu.sem_alloc : memref<!tpu.dma_semaphore, #tpu.memory_space<semaphore_mem>>
        %dma_start3A = arith.constant 0 : i32
        %dma_start3A_41 = arith.constant 0 : i32
        %dma_start3A_42 = tpu.memref_slice %arg17[%dma_start3A, %dma_start3A_41] : memref<128x80xf32, #tpu.memory_space<vmem>> -> memref<120x80xf32, #tpu.memory_space<vmem>>
        %dma_start3A_43 = arith.constant 0 : i32
        %dma_start3A_44 = tpu.memref_slice %arg18[%add3A_16, %dma_start3A_43] : memref<10112x80xf32, #tpu.memory_space<vmem_shared>> -> memref<120x80xf32, #tpu.memory_space<vmem_shared>>
        %dma_start3A_45 = arith.constant 0 : i32
        %dma_start3A_46 = tpu.memref_slice %arg18[%add3A_16, %dma_start3A_45] : memref<10112x80xf32, #tpu.memory_space<vmem_shared>> -> memref<120x80xf32, #tpu.memory_space<vmem_shared>>
        %dma_start3A_47 = arith.constant 0 : i32
        %dma_start3A_48 = arith.constant 0 : i32
        %dma_start3A_49 = tpu.memref_slice %arg17[%dma_start3A_47, %dma_start3A_48] : memref<128x80xf32, #tpu.memory_space<vmem>> -> memref<120x80xf32, #tpu.memory_space<vmem>>
        tpu.enqueue_dma source(%dma_start3A_49 : memref<120x80xf32, #tpu.memory_space<vmem>>) target(%dma_start3A_46 : memref<120x80xf32, #tpu.memory_space<vmem_shared>>) target_semaphore(%run_scoped3A : memref<!tpu.dma_semaphore, #tpu.memory_space<semaphore_mem>>)
        %dma_wait3A = arith.constant 0 : i32
        %dma_wait3A_50 = arith.constant 0 : i32
        %dma_wait3A_51 = tpu.memref_slice %arg17[%dma_wait3A, %dma_wait3A_50] : memref<128x80xf32, #tpu.memory_space<vmem>> -> memref<120x80xf32, #tpu.memory_space<vmem>>
        %dma_wait3A_52 = arith.constant 0 : i32
        %dma_wait3A_53 = tpu.memref_slice %arg18[%add3A_16, %dma_wait3A_52] : memref<10112x80xf32, #tpu.memory_space<vmem_shared>> -> memref<120x80xf32, #tpu.memory_space<vmem_shared>>
        %dma_wait3A_54 = arith.constant 0 : i32
        %dma_wait3A_55 = tpu.memref_slice %arg18[%add3A_16, %dma_wait3A_54] : memref<10112x80xf32, #tpu.memory_space<vmem_shared>> -> memref<120x80xf32, #tpu.memory_space<vmem_shared>>
        %dma_wait3A_56 = arith.constant 0 : i32
        %dma_wait3A_57 = arith.constant 0 : i32
        %dma_wait3A_58 = tpu.memref_slice %arg17[%dma_wait3A_56, %dma_wait3A_57] : memref<128x80xf32, #tpu.memory_space<vmem>> -> memref<120x80xf32, #tpu.memory_space<vmem>>
        tpu.wait_dma2 semaphore(%run_scoped3A : memref<!tpu.dma_semaphore, #tpu.memory_space<semaphore_mem>>) src(%dma_wait3A_58 : memref<120x80xf32, #tpu.memory_space<vmem>>) dst(%dma_wait3A_55 : memref<120x80xf32, #tpu.memory_space<vmem_shared>>)
        tpu.yield
      }) : () -> ()
      %barrier3A = arith.constant 0 : index
      tpu.barrier barrier_id(%barrier3A)
      %scan3A = arith.constant 0 : i32
      %scan3A_17 = arith.constant 79 : i32
      %scan3A_18 = arith.addi %scan3A, %scan3A_17 : i32
      %scan3A_19 = arith.constant 1 : i32
      scf.for %scan3A_41 = %scan3A to %scan3A_18 step %scan3A_19  : i32 {
        %mul3A_42 = arith.constant 1 : i32
        %mul3A_43 = arith.muli %scan3A_41, %mul3A_42 : i32
        %add3A_44 = arith.constant 0 : i32
        %add3A_45 = arith.addi %add3A_44, %mul3A_43 : i32
        "tpu.region"() ({
          %run_scoped3A = tpu.sem_alloc : memref<!tpu.dma_semaphore, #tpu.memory_space<semaphore_mem>>
          %dma_start3A = arith.constant 0 : i32
          %dma_start3A_46 = tpu.memref_slice %arg13[%add3A_45, %dma_start3A] : memref<79x128xi32, #tpu.memory_space<vmem>> -> memref<1x128xi32, #tpu.memory_space<vmem>>
          %dma_start3A_47 = tpu.memref_squeeze %dma_start3A_46 : memref<1x128xi32, #tpu.memory_space<vmem>> -> memref<128xi32, #tpu.memory_space<vmem>>
          %dma_start3A_48 = arith.constant 0 : i32
          %dma_start3A_49 = arith.constant 0 : i32
          %dma_start3A_50 = tpu.memref_slice %arg2[%dma_start3A_48, %dma_start3A_49] : memref<10112x80xf32, #tpu.memory_space<hbm>> -> memref<10112x80xf32, #tpu.memory_space<hbm>>
          tpu.enqueue_indirect_dma source(%dma_start3A_50 : memref<10112x80xf32, #tpu.memory_space<hbm>>) target(%arg15 : memref<128x80xf32, #tpu.memory_space<vmem>>) offsets(%dma_start3A_47 : memref<128xi32, #tpu.memory_space<vmem>>) semaphore(%run_scoped3A : memref<!tpu.dma_semaphore, #tpu.memory_space<semaphore_mem>>)
          %dma_wait3A = arith.constant 0 : i32
          %dma_wait3A_51 = tpu.memref_slice %arg13[%add3A_45, %dma_wait3A] : memref<79x128xi32, #tpu.memory_space<vmem>> -> memref<1x128xi32, #tpu.memory_space<vmem>>
          %dma_wait3A_52 = tpu.memref_squeeze %dma_wait3A_51 : memref<1x128xi32, #tpu.memory_space<vmem>> -> memref<128xi32, #tpu.memory_space<vmem>>
          %dma_wait3A_53 = arith.constant 0 : i32
          %dma_wait3A_54 = arith.constant 0 : i32
          %dma_wait3A_55 = tpu.memref_slice %arg2[%dma_wait3A_53, %dma_wait3A_54] : memref<10112x80xf32, #tpu.memory_space<hbm>> -> memref<10112x80xf32, #tpu.memory_space<hbm>>
          tpu.wait_indirect_dma semaphore(%run_scoped3A : memref<!tpu.dma_semaphore, #tpu.memory_space<semaphore_mem>>) src(%dma_wait3A_55 : memref<10112x80xf32, #tpu.memory_space<hbm>>) dst(%arg15 : memref<128x80xf32, #tpu.memory_space<vmem>>)
          tpu.yield
        }) : () -> ()
        "tpu.region"() ({
          %run_scoped3A = tpu.sem_alloc : memref<!tpu.dma_semaphore, #tpu.memory_space<semaphore_mem>>
          %dma_start3A = arith.constant 0 : i32
          %dma_start3A_46 = tpu.memref_slice %arg14[%add3A_45, %dma_start3A] : memref<79x128xi32, #tpu.memory_space<vmem>> -> memref<1x128xi32, #tpu.memory_space<vmem>>
          %dma_start3A_47 = tpu.memref_squeeze %dma_start3A_46 : memref<1x128xi32, #tpu.memory_space<vmem>> -> memref<128xi32, #tpu.memory_space<vmem>>
          %dma_start3A_48 = arith.constant 0 : i32
          %dma_start3A_49 = arith.constant 0 : i32
          %dma_start3A_50 = tpu.memref_slice %arg18[%dma_start3A_48, %dma_start3A_49] : memref<10112x80xf32, #tpu.memory_space<vmem_shared>> -> memref<10112x80xf32, #tpu.memory_space<vmem_shared>>
          tpu.enqueue_indirect_dma source(%arg15 : memref<128x80xf32, #tpu.memory_space<vmem>>) target(%dma_start3A_50 : memref<10112x80xf32, #tpu.memory_space<vmem_shared>>) offsets(%dma_start3A_47 : memref<128xi32, #tpu.memory_space<vmem>>) semaphore(%run_scoped3A : memref<!tpu.dma_semaphore, #tpu.memory_space<semaphore_mem>>) {add = true}
          %dma_wait3A = arith.constant 0 : i32
          %dma_wait3A_51 = tpu.memref_slice %arg14[%add3A_45, %dma_wait3A] : memref<79x128xi32, #tpu.memory_space<vmem>> -> memref<1x128xi32, #tpu.memory_space<vmem>>
          %dma_wait3A_52 = tpu.memref_squeeze %dma_wait3A_51 : memref<1x128xi32, #tpu.memory_space<vmem>> -> memref<128xi32, #tpu.memory_space<vmem>>
          %dma_wait3A_53 = arith.constant 0 : i32
          %dma_wait3A_54 = arith.constant 0 : i32
          %dma_wait3A_55 = tpu.memref_slice %arg18[%dma_wait3A_53, %dma_wait3A_54] : memref<10112x80xf32, #tpu.memory_space<vmem_shared>> -> memref<10112x80xf32, #tpu.memory_space<vmem_shared>>
          tpu.wait_indirect_dma semaphore(%run_scoped3A : memref<!tpu.dma_semaphore, #tpu.memory_space<semaphore_mem>>) src(%arg15 : memref<128x80xf32, #tpu.memory_space<vmem>>) dst(%dma_wait3A_55 : memref<10112x80xf32, #tpu.memory_space<vmem_shared>>)
          tpu.yield
        }) : () -> ()
      }
      %scan3A_20 = arith.constant 79 : i32
      %barrier3A_21 = arith.constant 0 : index
      tpu.barrier barrier_id(%barrier3A_21)
      "tpu.region"() ({
        %run_scoped3A = tpu.sem_alloc : memref<!tpu.dma_semaphore, #tpu.memory_space<semaphore_mem>>
        %dma_start3A = arith.constant 0 : i32
        %dma_start3A_41 = tpu.memref_slice %arg9[%mul3A_0, %dma_start3A] : memref<10112x80xf32, #tpu.memory_space<hbm>> -> memref<632x80xf32, #tpu.memory_space<hbm>>
        %dma_start3A_42 = arith.constant 0 : i32
        %dma_start3A_43 = tpu.memref_slice %arg18[%mul3A_0, %dma_start3A_42] : memref<10112x80xf32, #tpu.memory_space<vmem_shared>> -> memref<632x80xf32, #tpu.memory_space<vmem_shared>>
        tpu.enqueue_dma source(%dma_start3A_43 : memref<632x80xf32, #tpu.memory_space<vmem_shared>>) target(%dma_start3A_41 : memref<632x80xf32, #tpu.memory_space<hbm>>) target_semaphore(%run_scoped3A : memref<!tpu.dma_semaphore, #tpu.memory_space<semaphore_mem>>)
        %dma_wait3A = arith.constant 0 : i32
        %dma_wait3A_44 = tpu.memref_slice %arg9[%mul3A_0, %dma_wait3A] : memref<10112x80xf32, #tpu.memory_space<hbm>> -> memref<632x80xf32, #tpu.memory_space<hbm>>
        %dma_wait3A_45 = arith.constant 0 : i32
        %dma_wait3A_46 = tpu.memref_slice %arg18[%mul3A_0, %dma_wait3A_45] : memref<10112x80xf32, #tpu.memory_space<vmem_shared>> -> memref<632x80xf32, #tpu.memory_space<vmem_shared>>
        tpu.wait_dma2 semaphore(%run_scoped3A : memref<!tpu.dma_semaphore, #tpu.memory_space<semaphore_mem>>) src(%dma_wait3A_46 : memref<632x80xf32, #tpu.memory_space<vmem_shared>>) dst(%dma_wait3A_44 : memref<632x80xf32, #tpu.memory_space<hbm>>)
        tpu.yield
      }) : () -> ()
      %barrier3A_22 = arith.constant 0 : index
      tpu.barrier barrier_id(%barrier3A_22)
      %add3A_23 = arith.constant 0 : i32
      %add3A_24 = arith.addi %mul3A_0, %add3A_23 : i32
      "tpu.region"() ({
        %run_scoped3A = tpu.sem_alloc : memref<!tpu.dma_semaphore, #tpu.memory_space<semaphore_mem>>
        %dma_start3A = arith.constant 0 : i32
        %dma_start3A_41 = tpu.memref_slice %arg18[%add3A_24, %dma_start3A] : memref<10112x80xf32, #tpu.memory_space<vmem_shared>> -> memref<128x80xf32, #tpu.memory_space<vmem_shared>>
        %dma_start3A_42 = arith.constant 0 : i32
        %dma_start3A_43 = tpu.memref_slice %arg18[%add3A_24, %dma_start3A_42] : memref<10112x80xf32, #tpu.memory_space<vmem_shared>> -> memref<128x80xf32, #tpu.memory_space<vmem_shared>>
        tpu.enqueue_dma source(%arg17 : memref<128x80xf32, #tpu.memory_space<vmem>>) target(%dma_start3A_43 : memref<128x80xf32, #tpu.memory_space<vmem_shared>>) target_semaphore(%run_scoped3A : memref<!tpu.dma_semaphore, #tpu.memory_space<semaphore_mem>>)
        %dma_wait3A = arith.constant 0 : i32
        %dma_wait3A_44 = tpu.memref_slice %arg18[%add3A_24, %dma_wait3A] : memref<10112x80xf32, #tpu.memory_space<vmem_shared>> -> memref<128x80xf32, #tpu.memory_space<vmem_shared>>
        %dma_wait3A_45 = arith.constant 0 : i32
        %dma_wait3A_46 = tpu.memref_slice %arg18[%add3A_24, %dma_wait3A_45] : memref<10112x80xf32, #tpu.memory_space<vmem_shared>> -> memref<128x80xf32, #tpu.memory_space<vmem_shared>>
        tpu.wait_dma2 semaphore(%run_scoped3A : memref<!tpu.dma_semaphore, #tpu.memory_space<semaphore_mem>>) src(%arg17 : memref<128x80xf32, #tpu.memory_space<vmem>>) dst(%dma_wait3A_46 : memref<128x80xf32, #tpu.memory_space<vmem_shared>>)
        tpu.yield
      }) : () -> ()
      %add3A_25 = arith.constant 128 : i32
      %add3A_26 = arith.addi %mul3A_0, %add3A_25 : i32
      "tpu.region"() ({
        %run_scoped3A = tpu.sem_alloc : memref<!tpu.dma_semaphore, #tpu.memory_space<semaphore_mem>>
        %dma_start3A = arith.constant 0 : i32
        %dma_start3A_41 = tpu.memref_slice %arg18[%add3A_26, %dma_start3A] : memref<10112x80xf32, #tpu.memory_space<vmem_shared>> -> memref<128x80xf32, #tpu.memory_space<vmem_shared>>
        %dma_start3A_42 = arith.constant 0 : i32
        %dma_start3A_43 = tpu.memref_slice %arg18[%add3A_26, %dma_start3A_42] : memref<10112x80xf32, #tpu.memory_space<vmem_shared>> -> memref<128x80xf32, #tpu.memory_space<vmem_shared>>
        tpu.enqueue_dma source(%arg17 : memref<128x80xf32, #tpu.memory_space<vmem>>) target(%dma_start3A_43 : memref<128x80xf32, #tpu.memory_space<vmem_shared>>) target_semaphore(%run_scoped3A : memref<!tpu.dma_semaphore, #tpu.memory_space<semaphore_mem>>)
        %dma_wait3A = arith.constant 0 : i32
        %dma_wait3A_44 = tpu.memref_slice %arg18[%add3A_26, %dma_wait3A] : memref<10112x80xf32, #tpu.memory_space<vmem_shared>> -> memref<128x80xf32, #tpu.memory_space<vmem_shared>>
        %dma_wait3A_45 = arith.constant 0 : i32
        %dma_wait3A_46 = tpu.memref_slice %arg18[%add3A_26, %dma_wait3A_45] : memref<10112x80xf32, #tpu.memory_space<vmem_shared>> -> memref<128x80xf32, #tpu.memory_space<vmem_shared>>
        tpu.wait_dma2 semaphore(%run_scoped3A : memref<!tpu.dma_semaphore, #tpu.memory_space<semaphore_mem>>) src(%arg17 : memref<128x80xf32, #tpu.memory_space<vmem>>) dst(%dma_wait3A_46 : memref<128x80xf32, #tpu.memory_space<vmem_shared>>)
        tpu.yield
      }) : () -> ()
      %add3A_27 = arith.constant 256 : i32
      %add3A_28 = arith.addi %mul3A_0, %add3A_27 : i32
      "tpu.region"() ({
        %run_scoped3A = tpu.sem_alloc : memref<!tpu.dma_semaphore, #tpu.memory_space<semaphore_mem>>
        %dma_start3A = arith.constant 0 : i32
        %dma_start3A_41 = tpu.memref_slice %arg18[%add3A_28, %dma_start3A] : memref<10112x80xf32, #tpu.memory_space<vmem_shared>> -> memref<128x80xf32, #tpu.memory_space<vmem_shared>>
        %dma_start3A_42 = arith.constant 0 : i32
        %dma_start3A_43 = tpu.memref_slice %arg18[%add3A_28, %dma_start3A_42] : memref<10112x80xf32, #tpu.memory_space<vmem_shared>> -> memref<128x80xf32, #tpu.memory_space<vmem_shared>>
        tpu.enqueue_dma source(%arg17 : memref<128x80xf32, #tpu.memory_space<vmem>>) target(%dma_start3A_43 : memref<128x80xf32, #tpu.memory_space<vmem_shared>>) target_semaphore(%run_scoped3A : memref<!tpu.dma_semaphore, #tpu.memory_space<semaphore_mem>>)
        %dma_wait3A = arith.constant 0 : i32
        %dma_wait3A_44 = tpu.memref_slice %arg18[%add3A_28, %dma_wait3A] : memref<10112x80xf32, #tpu.memory_space<vmem_shared>> -> memref<128x80xf32, #tpu.memory_space<vmem_shared>>
        %dma_wait3A_45 = arith.constant 0 : i32
        %dma_wait3A_46 = tpu.memref_slice %arg18[%add3A_28, %dma_wait3A_45] : memref<10112x80xf32, #tpu.memory_space<vmem_shared>> -> memref<128x80xf32, #tpu.memory_space<vmem_shared>>
        tpu.wait_dma2 semaphore(%run_scoped3A : memref<!tpu.dma_semaphore, #tpu.memory_space<semaphore_mem>>) src(%arg17 : memref<128x80xf32, #tpu.memory_space<vmem>>) dst(%dma_wait3A_46 : memref<128x80xf32, #tpu.memory_space<vmem_shared>>)
        tpu.yield
      }) : () -> ()
      %add3A_29 = arith.constant 384 : i32
      %add3A_30 = arith.addi %mul3A_0, %add3A_29 : i32
      "tpu.region"() ({
        %run_scoped3A = tpu.sem_alloc : memref<!tpu.dma_semaphore, #tpu.memory_space<semaphore_mem>>
        %dma_start3A = arith.constant 0 : i32
        %dma_start3A_41 = tpu.memref_slice %arg18[%add3A_30, %dma_start3A] : memref<10112x80xf32, #tpu.memory_space<vmem_shared>> -> memref<128x80xf32, #tpu.memory_space<vmem_shared>>
        %dma_start3A_42 = arith.constant 0 : i32
        %dma_start3A_43 = tpu.memref_slice %arg18[%add3A_30, %dma_start3A_42] : memref<10112x80xf32, #tpu.memory_space<vmem_shared>> -> memref<128x80xf32, #tpu.memory_space<vmem_shared>>
        tpu.enqueue_dma source(%arg17 : memref<128x80xf32, #tpu.memory_space<vmem>>) target(%dma_start3A_43 : memref<128x80xf32, #tpu.memory_space<vmem_shared>>) target_semaphore(%run_scoped3A : memref<!tpu.dma_semaphore, #tpu.memory_space<semaphore_mem>>)
        %dma_wait3A = arith.constant 0 : i32
        %dma_wait3A_44 = tpu.memref_slice %arg18[%add3A_30, %dma_wait3A] : memref<10112x80xf32, #tpu.memory_space<vmem_shared>> -> memref<128x80xf32, #tpu.memory_space<vmem_shared>>
        %dma_wait3A_45 = arith.constant 0 : i32
        %dma_wait3A_46 = tpu.memref_slice %arg18[%add3A_30, %dma_wait3A_45] : memref<10112x80xf32, #tpu.memory_space<vmem_shared>> -> memref<128x80xf32, #tpu.memory_space<vmem_shared>>
        tpu.wait_dma2 semaphore(%run_scoped3A : memref<!tpu.dma_semaphore, #tpu.memory_space<semaphore_mem>>) src(%arg17 : memref<128x80xf32, #tpu.memory_space<vmem>>) dst(%dma_wait3A_46 : memref<128x80xf32, #tpu.memory_space<vmem_shared>>)
        tpu.yield
      }) : () -> ()
      %add3A_31 = arith.constant 512 : i32
      %add3A_32 = arith.addi %mul3A_0, %add3A_31 : i32
      "tpu.region"() ({
        %run_scoped3A = tpu.sem_alloc : memref<!tpu.dma_semaphore, #tpu.memory_space<semaphore_mem>>
        %dma_start3A = arith.constant 0 : i32
        %dma_start3A_41 = arith.constant 0 : i32
        %dma_start3A_42 = tpu.memref_slice %arg17[%dma_start3A, %dma_start3A_41] : memref<128x80xf32, #tpu.memory_space<vmem>> -> memref<120x80xf32, #tpu.memory_space<vmem>>
        %dma_start3A_43 = arith.constant 0 : i32
        %dma_start3A_44 = tpu.memref_slice %arg18[%add3A_32, %dma_start3A_43] : memref<10112x80xf32, #tpu.memory_space<vmem_shared>> -> memref<120x80xf32, #tpu.memory_space<vmem_shared>>
        %dma_start3A_45 = arith.constant 0 : i32
        %dma_start3A_46 = tpu.memref_slice %arg18[%add3A_32, %dma_start3A_45] : memref<10112x80xf32, #tpu.memory_space<vmem_shared>> -> memref<120x80xf32, #tpu.memory_space<vmem_shared>>
        %dma_start3A_47 = arith.constant 0 : i32
        %dma_start3A_48 = arith.constant 0 : i32
        %dma_start3A_49 = tpu.memref_slice %arg17[%dma_start3A_47, %dma_start3A_48] : memref<128x80xf32, #tpu.memory_space<vmem>> -> memref<120x80xf32, #tpu.memory_space<vmem>>
        tpu.enqueue_dma source(%dma_start3A_49 : memref<120x80xf32, #tpu.memory_space<vmem>>) target(%dma_start3A_46 : memref<120x80xf32, #tpu.memory_space<vmem_shared>>) target_semaphore(%run_scoped3A : memref<!tpu.dma_semaphore, #tpu.memory_space<semaphore_mem>>)
        %dma_wait3A = arith.constant 0 : i32
        %dma_wait3A_50 = arith.constant 0 : i32
        %dma_wait3A_51 = tpu.memref_slice %arg17[%dma_wait3A, %dma_wait3A_50] : memref<128x80xf32, #tpu.memory_space<vmem>> -> memref<120x80xf32, #tpu.memory_space<vmem>>
        %dma_wait3A_52 = arith.constant 0 : i32
        %dma_wait3A_53 = tpu.memref_slice %arg18[%add3A_32, %dma_wait3A_52] : memref<10112x80xf32, #tpu.memory_space<vmem_shared>> -> memref<120x80xf32, #tpu.memory_space<vmem_shared>>
        %dma_wait3A_54 = arith.constant 0 : i32
        %dma_wait3A_55 = tpu.memref_slice %arg18[%add3A_32, %dma_wait3A_54] : memref<10112x80xf32, #tpu.memory_space<vmem_shared>> -> memref<120x80xf32, #tpu.memory_space<vmem_shared>>
        %dma_wait3A_56 = arith.constant 0 : i32
        %dma_wait3A_57 = arith.constant 0 : i32
        %dma_wait3A_58 = tpu.memref_slice %arg17[%dma_wait3A_56, %dma_wait3A_57] : memref<128x80xf32, #tpu.memory_space<vmem>> -> memref<120x80xf32, #tpu.memory_space<vmem>>
        tpu.wait_dma2 semaphore(%run_scoped3A : memref<!tpu.dma_semaphore, #tpu.memory_space<semaphore_mem>>) src(%dma_wait3A_58 : memref<120x80xf32, #tpu.memory_space<vmem>>) dst(%dma_wait3A_55 : memref<120x80xf32, #tpu.memory_space<vmem_shared>>)
        tpu.yield
      }) : () -> ()
      %barrier3A_33 = arith.constant 0 : index
      tpu.barrier barrier_id(%barrier3A_33)
      %scan3A_34 = arith.constant 0 : i32
      %scan3A_35 = arith.constant 79 : i32
      %scan3A_36 = arith.addi %scan3A_34, %scan3A_35 : i32
      %scan3A_37 = arith.constant 1 : i32
      scf.for %scan3A_41 = %scan3A_34 to %scan3A_36 step %scan3A_37  : i32 {
        %mul3A_42 = arith.constant 1 : i32
        %mul3A_43 = arith.muli %scan3A_41, %mul3A_42 : i32
        %add3A_44 = arith.constant 0 : i32
        %add3A_45 = arith.addi %add3A_44, %mul3A_43 : i32
        "tpu.region"() ({
          %run_scoped3A = tpu.sem_alloc : memref<!tpu.dma_semaphore, #tpu.memory_space<semaphore_mem>>
          %dma_start3A = arith.constant 0 : i32
          %dma_start3A_46 = tpu.memref_slice %arg13[%add3A_45, %dma_start3A] : memref<79x128xi32, #tpu.memory_space<vmem>> -> memref<1x128xi32, #tpu.memory_space<vmem>>
          %dma_start3A_47 = tpu.memref_squeeze %dma_start3A_46 : memref<1x128xi32, #tpu.memory_space<vmem>> -> memref<128xi32, #tpu.memory_space<vmem>>
          %dma_start3A_48 = arith.constant 0 : i32
          %dma_start3A_49 = arith.constant 0 : i32
          %dma_start3A_50 = tpu.memref_slice %arg3[%dma_start3A_48, %dma_start3A_49] : memref<10112x80xf32, #tpu.memory_space<hbm>> -> memref<10112x80xf32, #tpu.memory_space<hbm>>
          tpu.enqueue_indirect_dma source(%dma_start3A_50 : memref<10112x80xf32, #tpu.memory_space<hbm>>) target(%arg15 : memref<128x80xf32, #tpu.memory_space<vmem>>) offsets(%dma_start3A_47 : memref<128xi32, #tpu.memory_space<vmem>>) semaphore(%run_scoped3A : memref<!tpu.dma_semaphore, #tpu.memory_space<semaphore_mem>>)
          %dma_wait3A = arith.constant 0 : i32
          %dma_wait3A_51 = tpu.memref_slice %arg13[%add3A_45, %dma_wait3A] : memref<79x128xi32, #tpu.memory_space<vmem>> -> memref<1x128xi32, #tpu.memory_space<vmem>>
          %dma_wait3A_52 = tpu.memref_squeeze %dma_wait3A_51 : memref<1x128xi32, #tpu.memory_space<vmem>> -> memref<128xi32, #tpu.memory_space<vmem>>
          %dma_wait3A_53 = arith.constant 0 : i32
          %dma_wait3A_54 = arith.constant 0 : i32
          %dma_wait3A_55 = tpu.memref_slice %arg3[%dma_wait3A_53, %dma_wait3A_54] : memref<10112x80xf32, #tpu.memory_space<hbm>> -> memref<10112x80xf32, #tpu.memory_space<hbm>>
          tpu.wait_indirect_dma semaphore(%run_scoped3A : memref<!tpu.dma_semaphore, #tpu.memory_space<semaphore_mem>>) src(%dma_wait3A_55 : memref<10112x80xf32, #tpu.memory_space<hbm>>) dst(%arg15 : memref<128x80xf32, #tpu.memory_space<vmem>>)
          tpu.yield
        }) : () -> ()
        "tpu.region"() ({
          %run_scoped3A = tpu.sem_alloc : memref<!tpu.dma_semaphore, #tpu.memory_space<semaphore_mem>>
          %dma_start3A = arith.constant 0 : i32
          %dma_start3A_46 = tpu.memref_slice %arg14[%add3A_45, %dma_start3A] : memref<79x128xi32, #tpu.memory_space<vmem>> -> memref<1x128xi32, #tpu.memory_space<vmem>>
          %dma_start3A_47 = tpu.memref_squeeze %dma_start3A_46 : memref<1x128xi32, #tpu.memory_space<vmem>> -> memref<128xi32, #tpu.memory_space<vmem>>
          %dma_start3A_48 = arith.constant 0 : i32
          %dma_start3A_49 = arith.constant 0 : i32
          %dma_start3A_50 = tpu.memref_slice %arg18[%dma_start3A_48, %dma_start3A_49] : memref<10112x80xf32, #tpu.memory_space<vmem_shared>> -> memref<10112x80xf32, #tpu.memory_space<vmem_shared>>
          tpu.enqueue_indirect_dma source(%arg15 : memref<128x80xf32, #tpu.memory_space<vmem>>) target(%dma_start3A_50 : memref<10112x80xf32, #tpu.memory_space<vmem_shared>>) offsets(%dma_start3A_47 : memref<128xi32, #tpu.memory_space<vmem>>) semaphore(%run_scoped3A : memref<!tpu.dma_semaphore, #tpu.memory_space<semaphore_mem>>) {add = true}
          %dma_wait3A = arith.constant 0 : i32
          %dma_wait3A_51 = tpu.memref_slice %arg14[%add3A_45, %dma_wait3A] : memref<79x128xi32, #tpu.memory_space<vmem>> -> memref<1x128xi32, #tpu.memory_space<vmem>>
          %dma_wait3A_52 = tpu.memref_squeeze %dma_wait3A_51 : memref<1x128xi32, #tpu.memory_space<vmem>> -> memref<128xi32, #tpu.memory_space<vmem>>
          %dma_wait3A_53 = arith.constant 0 : i32
          %dma_wait3A_54 = arith.constant 0 : i32
          %dma_wait3A_55 = tpu.memref_slice %arg18[%dma_wait3A_53, %dma_wait3A_54] : memref<10112x80xf32, #tpu.memory_space<vmem_shared>> -> memref<10112x80xf32, #tpu.memory_space<vmem_shared>>
          tpu.wait_indirect_dma semaphore(%run_scoped3A : memref<!tpu.dma_semaphore, #tpu.memory_space<semaphore_mem>>) src(%arg15 : memref<128x80xf32, #tpu.memory_space<vmem>>) dst(%dma_wait3A_55 : memref<10112x80xf32, #tpu.memory_space<vmem_shared>>)
          tpu.yield
        }) : () -> ()
      }
      %scan3A_38 = arith.constant 79 : i32
      %barrier3A_39 = arith.constant 0 : index
      tpu.barrier barrier_id(%barrier3A_39)
      "tpu.region"() ({
        %run_scoped3A = tpu.sem_alloc : memref<!tpu.dma_semaphore, #tpu.memory_space<semaphore_mem>>
        %dma_start3A = arith.constant 0 : i32
        %dma_start3A_41 = tpu.memref_slice %arg10[%mul3A_0, %dma_start3A] : memref<10112x80xf32, #tpu.memory_space<hbm>> -> memref<632x80xf32, #tpu.memory_space<hbm>>
        %dma_start3A_42 = arith.constant 0 : i32
        %dma_start3A_43 = tpu.memref_slice %arg18[%mul3A_0, %dma_start3A_42] : memref<10112x80xf32, #tpu.memory_space<vmem_shared>> -> memref<632x80xf32, #tpu.memory_space<vmem_shared>>
        tpu.enqueue_dma source(%dma_start3A_43 : memref<632x80xf32, #tpu.memory_space<vmem_shared>>) target(%dma_start3A_41 : memref<632x80xf32, #tpu.memory_space<hbm>>) target_semaphore(%run_scoped3A : memref<!tpu.dma_semaphore, #tpu.memory_space<semaphore_mem>>)
        %dma_wait3A = arith.constant 0 : i32
        %dma_wait3A_44 = tpu.memref_slice %arg10[%mul3A_0, %dma_wait3A] : memref<10112x80xf32, #tpu.memory_space<hbm>> -> memref<632x80xf32, #tpu.memory_space<hbm>>
        %dma_wait3A_45 = arith.constant 0 : i32
        %dma_wait3A_46 = tpu.memref_slice %arg18[%mul3A_0, %dma_wait3A_45] : memref<10112x80xf32, #tpu.memory_space<vmem_shared>> -> memref<632x80xf32, #tpu.memory_space<vmem_shared>>
        tpu.wait_dma2 semaphore(%run_scoped3A : memref<!tpu.dma_semaphore, #tpu.memory_space<semaphore_mem>>) src(%dma_wait3A_46 : memref<632x80xf32, #tpu.memory_space<vmem_shared>>) dst(%dma_wait3A_44 : memref<632x80xf32, #tpu.memory_space<hbm>>)
        tpu.yield
      }) : () -> ()
      %barrier3A_40 = arith.constant 0 : index
      tpu.barrier barrier_id(%barrier3A_40)
    } else {
    }
    %eq3A_3 = arith.constant 1 : i32
    %eq3A_4 = arith.cmpi eq, %arg0, %eq3A_3 : i32
    %convert_element_type3A_5 = arith.extui %eq3A_4 : i1 to i32
    %cond3A_6 = arith.constant 0 : i32
    %cond3A_7 = arith.cmpi ne, %convert_element_type3A_5, %cond3A_6 : i32
    scf.if %cond3A_7 {
      %add3A = arith.constant 0 : i32
      %add3A_8 = arith.addi %mul3A_0, %add3A : i32
      "tpu.region"() ({
        %run_scoped3A = tpu.sem_alloc : memref<!tpu.dma_semaphore, #tpu.memory_space<semaphore_mem>>
        %dma_start3A = arith.constant 0 : i32
        %dma_start3A_41 = tpu.memref_slice %arg18[%add3A_8, %dma_start3A] : memref<10112x80xf32, #tpu.memory_space<vmem_shared>> -> memref<128x80xf32, #tpu.memory_space<vmem_shared>>
        %dma_start3A_42 = arith.constant 0 : i32
        %dma_start3A_43 = tpu.memref_slice %arg18[%add3A_8, %dma_start3A_42] : memref<10112x80xf32, #tpu.memory_space<vmem_shared>> -> memref<128x80xf32, #tpu.memory_space<vmem_shared>>
        tpu.enqueue_dma source(%arg17 : memref<128x80xf32, #tpu.memory_space<vmem>>) target(%dma_start3A_43 : memref<128x80xf32, #tpu.memory_space<vmem_shared>>) target_semaphore(%run_scoped3A : memref<!tpu.dma_semaphore, #tpu.memory_space<semaphore_mem>>)
        %dma_wait3A = arith.constant 0 : i32
        %dma_wait3A_44 = tpu.memref_slice %arg18[%add3A_8, %dma_wait3A] : memref<10112x80xf32, #tpu.memory_space<vmem_shared>> -> memref<128x80xf32, #tpu.memory_space<vmem_shared>>
        %dma_wait3A_45 = arith.constant 0 : i32
        %dma_wait3A_46 = tpu.memref_slice %arg18[%add3A_8, %dma_wait3A_45] : memref<10112x80xf32, #tpu.memory_space<vmem_shared>> -> memref<128x80xf32, #tpu.memory_space<vmem_shared>>
        tpu.wait_dma2 semaphore(%run_scoped3A : memref<!tpu.dma_semaphore, #tpu.memory_space<semaphore_mem>>) src(%arg17 : memref<128x80xf32, #tpu.memory_space<vmem>>) dst(%dma_wait3A_46 : memref<128x80xf32, #tpu.memory_space<vmem_shared>>)
        tpu.yield
      }) : () -> ()
      %add3A_9 = arith.constant 128 : i32
      %add3A_10 = arith.addi %mul3A_0, %add3A_9 : i32
      "tpu.region"() ({
        %run_scoped3A = tpu.sem_alloc : memref<!tpu.dma_semaphore, #tpu.memory_space<semaphore_mem>>
        %dma_start3A = arith.constant 0 : i32
        %dma_start3A_41 = tpu.memref_slice %arg18[%add3A_10, %dma_start3A] : memref<10112x80xf32, #tpu.memory_space<vmem_shared>> -> memref<128x80xf32, #tpu.memory_space<vmem_shared>>
        %dma_start3A_42 = arith.constant 0 : i32
        %dma_start3A_43 = tpu.memref_slice %arg18[%add3A_10, %dma_start3A_42] : memref<10112x80xf32, #tpu.memory_space<vmem_shared>> -> memref<128x80xf32, #tpu.memory_space<vmem_shared>>
        tpu.enqueue_dma source(%arg17 : memref<128x80xf32, #tpu.memory_space<vmem>>) target(%dma_start3A_43 : memref<128x80xf32, #tpu.memory_space<vmem_shared>>) target_semaphore(%run_scoped3A : memref<!tpu.dma_semaphore, #tpu.memory_space<semaphore_mem>>)
        %dma_wait3A = arith.constant 0 : i32
        %dma_wait3A_44 = tpu.memref_slice %arg18[%add3A_10, %dma_wait3A] : memref<10112x80xf32, #tpu.memory_space<vmem_shared>> -> memref<128x80xf32, #tpu.memory_space<vmem_shared>>
        %dma_wait3A_45 = arith.constant 0 : i32
        %dma_wait3A_46 = tpu.memref_slice %arg18[%add3A_10, %dma_wait3A_45] : memref<10112x80xf32, #tpu.memory_space<vmem_shared>> -> memref<128x80xf32, #tpu.memory_space<vmem_shared>>
        tpu.wait_dma2 semaphore(%run_scoped3A : memref<!tpu.dma_semaphore, #tpu.memory_space<semaphore_mem>>) src(%arg17 : memref<128x80xf32, #tpu.memory_space<vmem>>) dst(%dma_wait3A_46 : memref<128x80xf32, #tpu.memory_space<vmem_shared>>)
        tpu.yield
      }) : () -> ()
      %add3A_11 = arith.constant 256 : i32
      %add3A_12 = arith.addi %mul3A_0, %add3A_11 : i32
      "tpu.region"() ({
        %run_scoped3A = tpu.sem_alloc : memref<!tpu.dma_semaphore, #tpu.memory_space<semaphore_mem>>
        %dma_start3A = arith.constant 0 : i32
        %dma_start3A_41 = tpu.memref_slice %arg18[%add3A_12, %dma_start3A] : memref<10112x80xf32, #tpu.memory_space<vmem_shared>> -> memref<128x80xf32, #tpu.memory_space<vmem_shared>>
        %dma_start3A_42 = arith.constant 0 : i32
        %dma_start3A_43 = tpu.memref_slice %arg18[%add3A_12, %dma_start3A_42] : memref<10112x80xf32, #tpu.memory_space<vmem_shared>> -> memref<128x80xf32, #tpu.memory_space<vmem_shared>>
        tpu.enqueue_dma source(%arg17 : memref<128x80xf32, #tpu.memory_space<vmem>>) target(%dma_start3A_43 : memref<128x80xf32, #tpu.memory_space<vmem_shared>>) target_semaphore(%run_scoped3A : memref<!tpu.dma_semaphore, #tpu.memory_space<semaphore_mem>>)
        %dma_wait3A = arith.constant 0 : i32
        %dma_wait3A_44 = tpu.memref_slice %arg18[%add3A_12, %dma_wait3A] : memref<10112x80xf32, #tpu.memory_space<vmem_shared>> -> memref<128x80xf32, #tpu.memory_space<vmem_shared>>
        %dma_wait3A_45 = arith.constant 0 : i32
        %dma_wait3A_46 = tpu.memref_slice %arg18[%add3A_12, %dma_wait3A_45] : memref<10112x80xf32, #tpu.memory_space<vmem_shared>> -> memref<128x80xf32, #tpu.memory_space<vmem_shared>>
        tpu.wait_dma2 semaphore(%run_scoped3A : memref<!tpu.dma_semaphore, #tpu.memory_space<semaphore_mem>>) src(%arg17 : memref<128x80xf32, #tpu.memory_space<vmem>>) dst(%dma_wait3A_46 : memref<128x80xf32, #tpu.memory_space<vmem_shared>>)
        tpu.yield
      }) : () -> ()
      %add3A_13 = arith.constant 384 : i32
      %add3A_14 = arith.addi %mul3A_0, %add3A_13 : i32
      "tpu.region"() ({
        %run_scoped3A = tpu.sem_alloc : memref<!tpu.dma_semaphore, #tpu.memory_space<semaphore_mem>>
        %dma_start3A = arith.constant 0 : i32
        %dma_start3A_41 = tpu.memref_slice %arg18[%add3A_14, %dma_start3A] : memref<10112x80xf32, #tpu.memory_space<vmem_shared>> -> memref<128x80xf32, #tpu.memory_space<vmem_shared>>
        %dma_start3A_42 = arith.constant 0 : i32
        %dma_start3A_43 = tpu.memref_slice %arg18[%add3A_14, %dma_start3A_42] : memref<10112x80xf32, #tpu.memory_space<vmem_shared>> -> memref<128x80xf32, #tpu.memory_space<vmem_shared>>
        tpu.enqueue_dma source(%arg17 : memref<128x80xf32, #tpu.memory_space<vmem>>) target(%dma_start3A_43 : memref<128x80xf32, #tpu.memory_space<vmem_shared>>) target_semaphore(%run_scoped3A : memref<!tpu.dma_semaphore, #tpu.memory_space<semaphore_mem>>)
        %dma_wait3A = arith.constant 0 : i32
        %dma_wait3A_44 = tpu.memref_slice %arg18[%add3A_14, %dma_wait3A] : memref<10112x80xf32, #tpu.memory_space<vmem_shared>> -> memref<128x80xf32, #tpu.memory_space<vmem_shared>>
        %dma_wait3A_45 = arith.constant 0 : i32
        %dma_wait3A_46 = tpu.memref_slice %arg18[%add3A_14, %dma_wait3A_45] : memref<10112x80xf32, #tpu.memory_space<vmem_shared>> -> memref<128x80xf32, #tpu.memory_space<vmem_shared>>
        tpu.wait_dma2 semaphore(%run_scoped3A : memref<!tpu.dma_semaphore, #tpu.memory_space<semaphore_mem>>) src(%arg17 : memref<128x80xf32, #tpu.memory_space<vmem>>) dst(%dma_wait3A_46 : memref<128x80xf32, #tpu.memory_space<vmem_shared>>)
        tpu.yield
      }) : () -> ()
      %add3A_15 = arith.constant 512 : i32
      %add3A_16 = arith.addi %mul3A_0, %add3A_15 : i32
      "tpu.region"() ({
        %run_scoped3A = tpu.sem_alloc : memref<!tpu.dma_semaphore, #tpu.memory_space<semaphore_mem>>
        %dma_start3A = arith.constant 0 : i32
        %dma_start3A_41 = arith.constant 0 : i32
        %dma_start3A_42 = tpu.memref_slice %arg17[%dma_start3A, %dma_start3A_41] : memref<128x80xf32, #tpu.memory_space<vmem>> -> memref<120x80xf32, #tpu.memory_space<vmem>>
        %dma_start3A_43 = arith.constant 0 : i32
        %dma_start3A_44 = tpu.memref_slice %arg18[%add3A_16, %dma_start3A_43] : memref<10112x80xf32, #tpu.memory_space<vmem_shared>> -> memref<120x80xf32, #tpu.memory_space<vmem_shared>>
        %dma_start3A_45 = arith.constant 0 : i32
        %dma_start3A_46 = tpu.memref_slice %arg18[%add3A_16, %dma_start3A_45] : memref<10112x80xf32, #tpu.memory_space<vmem_shared>> -> memref<120x80xf32, #tpu.memory_space<vmem_shared>>
        %dma_start3A_47 = arith.constant 0 : i32
        %dma_start3A_48 = arith.constant 0 : i32
        %dma_start3A_49 = tpu.memref_slice %arg17[%dma_start3A_47, %dma_start3A_48] : memref<128x80xf32, #tpu.memory_space<vmem>> -> memref<120x80xf32, #tpu.memory_space<vmem>>
        tpu.enqueue_dma source(%dma_start3A_49 : memref<120x80xf32, #tpu.memory_space<vmem>>) target(%dma_start3A_46 : memref<120x80xf32, #tpu.memory_space<vmem_shared>>) target_semaphore(%run_scoped3A : memref<!tpu.dma_semaphore, #tpu.memory_space<semaphore_mem>>)
        %dma_wait3A = arith.constant 0 : i32
        %dma_wait3A_50 = arith.constant 0 : i32
        %dma_wait3A_51 = tpu.memref_slice %arg17[%dma_wait3A, %dma_wait3A_50] : memref<128x80xf32, #tpu.memory_space<vmem>> -> memref<120x80xf32, #tpu.memory_space<vmem>>
        %dma_wait3A_52 = arith.constant 0 : i32
        %dma_wait3A_53 = tpu.memref_slice %arg18[%add3A_16, %dma_wait3A_52] : memref<10112x80xf32, #tpu.memory_space<vmem_shared>> -> memref<120x80xf32, #tpu.memory_space<vmem_shared>>
        %dma_wait3A_54 = arith.constant 0 : i32
        %dma_wait3A_55 = tpu.memref_slice %arg18[%add3A_16, %dma_wait3A_54] : memref<10112x80xf32, #tpu.memory_space<vmem_shared>> -> memref<120x80xf32, #tpu.memory_space<vmem_shared>>
        %dma_wait3A_56 = arith.constant 0 : i32
        %dma_wait3A_57 = arith.constant 0 : i32
        %dma_wait3A_58 = tpu.memref_slice %arg17[%dma_wait3A_56, %dma_wait3A_57] : memref<128x80xf32, #tpu.memory_space<vmem>> -> memref<120x80xf32, #tpu.memory_space<vmem>>
        tpu.wait_dma2 semaphore(%run_scoped3A : memref<!tpu.dma_semaphore, #tpu.memory_space<semaphore_mem>>) src(%dma_wait3A_58 : memref<120x80xf32, #tpu.memory_space<vmem>>) dst(%dma_wait3A_55 : memref<120x80xf32, #tpu.memory_space<vmem_shared>>)
        tpu.yield
      }) : () -> ()
      %barrier3A = arith.constant 0 : index
      tpu.barrier barrier_id(%barrier3A)
      %scan3A = arith.constant 0 : i32
      %scan3A_17 = arith.constant 79 : i32
      %scan3A_18 = arith.addi %scan3A, %scan3A_17 : i32
      %scan3A_19 = arith.constant 1 : i32
      scf.for %scan3A_41 = %scan3A to %scan3A_18 step %scan3A_19  : i32 {
        %mul3A_42 = arith.constant 1 : i32
        %mul3A_43 = arith.muli %scan3A_41, %mul3A_42 : i32
        %add3A_44 = arith.constant 0 : i32
        %add3A_45 = arith.addi %add3A_44, %mul3A_43 : i32
        "tpu.region"() ({
          %run_scoped3A = tpu.sem_alloc : memref<!tpu.dma_semaphore, #tpu.memory_space<semaphore_mem>>
          %dma_start3A = arith.constant 0 : i32
          %dma_start3A_46 = tpu.memref_slice %arg13[%add3A_45, %dma_start3A] : memref<79x128xi32, #tpu.memory_space<vmem>> -> memref<1x128xi32, #tpu.memory_space<vmem>>
          %dma_start3A_47 = tpu.memref_squeeze %dma_start3A_46 : memref<1x128xi32, #tpu.memory_space<vmem>> -> memref<128xi32, #tpu.memory_space<vmem>>
          %dma_start3A_48 = arith.constant 0 : i32
          %dma_start3A_49 = arith.constant 0 : i32
          %dma_start3A_50 = tpu.memref_slice %arg4[%dma_start3A_48, %dma_start3A_49] : memref<10112x80xf32, #tpu.memory_space<hbm>> -> memref<10112x80xf32, #tpu.memory_space<hbm>>
          tpu.enqueue_indirect_dma source(%dma_start3A_50 : memref<10112x80xf32, #tpu.memory_space<hbm>>) target(%arg15 : memref<128x80xf32, #tpu.memory_space<vmem>>) offsets(%dma_start3A_47 : memref<128xi32, #tpu.memory_space<vmem>>) semaphore(%run_scoped3A : memref<!tpu.dma_semaphore, #tpu.memory_space<semaphore_mem>>)
          %dma_wait3A = arith.constant 0 : i32
          %dma_wait3A_51 = tpu.memref_slice %arg13[%add3A_45, %dma_wait3A] : memref<79x128xi32, #tpu.memory_space<vmem>> -> memref<1x128xi32, #tpu.memory_space<vmem>>
          %dma_wait3A_52 = tpu.memref_squeeze %dma_wait3A_51 : memref<1x128xi32, #tpu.memory_space<vmem>> -> memref<128xi32, #tpu.memory_space<vmem>>
          %dma_wait3A_53 = arith.constant 0 : i32
          %dma_wait3A_54 = arith.constant 0 : i32
          %dma_wait3A_55 = tpu.memref_slice %arg4[%dma_wait3A_53, %dma_wait3A_54] : memref<10112x80xf32, #tpu.memory_space<hbm>> -> memref<10112x80xf32, #tpu.memory_space<hbm>>
          tpu.wait_indirect_dma semaphore(%run_scoped3A : memref<!tpu.dma_semaphore, #tpu.memory_space<semaphore_mem>>) src(%dma_wait3A_55 : memref<10112x80xf32, #tpu.memory_space<hbm>>) dst(%arg15 : memref<128x80xf32, #tpu.memory_space<vmem>>)
          tpu.yield
        }) : () -> ()
        "tpu.region"() ({
          %run_scoped3A = tpu.sem_alloc : memref<!tpu.dma_semaphore, #tpu.memory_space<semaphore_mem>>
          %dma_start3A = arith.constant 0 : i32
          %dma_start3A_46 = tpu.memref_slice %arg14[%add3A_45, %dma_start3A] : memref<79x128xi32, #tpu.memory_space<vmem>> -> memref<1x128xi32, #tpu.memory_space<vmem>>
          %dma_start3A_47 = tpu.memref_squeeze %dma_start3A_46 : memref<1x128xi32, #tpu.memory_space<vmem>> -> memref<128xi32, #tpu.memory_space<vmem>>
          %dma_start3A_48 = arith.constant 0 : i32
          %dma_start3A_49 = arith.constant 0 : i32
          %dma_start3A_50 = tpu.memref_slice %arg18[%dma_start3A_48, %dma_start3A_49] : memref<10112x80xf32, #tpu.memory_space<vmem_shared>> -> memref<10112x80xf32, #tpu.memory_space<vmem_shared>>
          tpu.enqueue_indirect_dma source(%arg15 : memref<128x80xf32, #tpu.memory_space<vmem>>) target(%dma_start3A_50 : memref<10112x80xf32, #tpu.memory_space<vmem_shared>>) offsets(%dma_start3A_47 : memref<128xi32, #tpu.memory_space<vmem>>) semaphore(%run_scoped3A : memref<!tpu.dma_semaphore, #tpu.memory_space<semaphore_mem>>) {add = true}
          %dma_wait3A = arith.constant 0 : i32
          %dma_wait3A_51 = tpu.memref_slice %arg14[%add3A_45, %dma_wait3A] : memref<79x128xi32, #tpu.memory_space<vmem>> -> memref<1x128xi32, #tpu.memory_space<vmem>>
          %dma_wait3A_52 = tpu.memref_squeeze %dma_wait3A_51 : memref<1x128xi32, #tpu.memory_space<vmem>> -> memref<128xi32, #tpu.memory_space<vmem>>
          %dma_wait3A_53 = arith.constant 0 : i32
          %dma_wait3A_54 = arith.constant 0 : i32
          %dma_wait3A_55 = tpu.memref_slice %arg18[%dma_wait3A_53, %dma_wait3A_54] : memref<10112x80xf32, #tpu.memory_space<vmem_shared>> -> memref<10112x80xf32, #tpu.memory_space<vmem_shared>>
          tpu.wait_indirect_dma semaphore(%run_scoped3A : memref<!tpu.dma_semaphore, #tpu.memory_space<semaphore_mem>>) src(%arg15 : memref<128x80xf32, #tpu.memory_space<vmem>>) dst(%dma_wait3A_55 : memref<10112x80xf32, #tpu.memory_space<vmem_shared>>)
          tpu.yield
        }) : () -> ()
      }
      %scan3A_20 = arith.constant 79 : i32
      %barrier3A_21 = arith.constant 0 : index
      tpu.barrier barrier_id(%barrier3A_21)
      "tpu.region"() ({
        %run_scoped3A = tpu.sem_alloc : memref<!tpu.dma_semaphore, #tpu.memory_space<semaphore_mem>>
        %dma_start3A = arith.constant 0 : i32
        %dma_start3A_41 = tpu.memref_slice %arg11[%mul3A_0, %dma_start3A] : memref<10112x80xf32, #tpu.memory_space<hbm>> -> memref<632x80xf32, #tpu.memory_space<hbm>>
        %dma_start3A_42 = arith.constant 0 : i32
        %dma_start3A_43 = tpu.memref_slice %arg18[%mul3A_0, %dma_start3A_42] : memref<10112x80xf32, #tpu.memory_space<vmem_shared>> -> memref<632x80xf32, #tpu.memory_space<vmem_shared>>
        tpu.enqueue_dma source(%dma_start3A_43 : memref<632x80xf32, #tpu.memory_space<vmem_shared>>) target(%dma_start3A_41 : memref<632x80xf32, #tpu.memory_space<hbm>>) target_semaphore(%run_scoped3A : memref<!tpu.dma_semaphore, #tpu.memory_space<semaphore_mem>>)
        %dma_wait3A = arith.constant 0 : i32
        %dma_wait3A_44 = tpu.memref_slice %arg11[%mul3A_0, %dma_wait3A] : memref<10112x80xf32, #tpu.memory_space<hbm>> -> memref<632x80xf32, #tpu.memory_space<hbm>>
        %dma_wait3A_45 = arith.constant 0 : i32
        %dma_wait3A_46 = tpu.memref_slice %arg18[%mul3A_0, %dma_wait3A_45] : memref<10112x80xf32, #tpu.memory_space<vmem_shared>> -> memref<632x80xf32, #tpu.memory_space<vmem_shared>>
        tpu.wait_dma2 semaphore(%run_scoped3A : memref<!tpu.dma_semaphore, #tpu.memory_space<semaphore_mem>>) src(%dma_wait3A_46 : memref<632x80xf32, #tpu.memory_space<vmem_shared>>) dst(%dma_wait3A_44 : memref<632x80xf32, #tpu.memory_space<hbm>>)
        tpu.yield
      }) : () -> ()
      %barrier3A_22 = arith.constant 0 : index
      tpu.barrier barrier_id(%barrier3A_22)
      %add3A_23 = arith.constant 0 : i32
      %add3A_24 = arith.addi %mul3A_0, %add3A_23 : i32
      "tpu.region"() ({
        %run_scoped3A = tpu.sem_alloc : memref<!tpu.dma_semaphore, #tpu.memory_space<semaphore_mem>>
        %dma_start3A = arith.constant 0 : i32
        %dma_start3A_41 = tpu.memref_slice %arg18[%add3A_24, %dma_start3A] : memref<10112x80xf32, #tpu.memory_space<vmem_shared>> -> memref<128x80xf32, #tpu.memory_space<vmem_shared>>
        %dma_start3A_42 = arith.constant 0 : i32
        %dma_start3A_43 = tpu.memref_slice %arg18[%add3A_24, %dma_start3A_42] : memref<10112x80xf32, #tpu.memory_space<vmem_shared>> -> memref<128x80xf32, #tpu.memory_space<vmem_shared>>
        tpu.enqueue_dma source(%arg17 : memref<128x80xf32, #tpu.memory_space<vmem>>) target(%dma_start3A_43 : memref<128x80xf32, #tpu.memory_space<vmem_shared>>) target_semaphore(%run_scoped3A : memref<!tpu.dma_semaphore, #tpu.memory_space<semaphore_mem>>)
        %dma_wait3A = arith.constant 0 : i32
        %dma_wait3A_44 = tpu.memref_slice %arg18[%add3A_24, %dma_wait3A] : memref<10112x80xf32, #tpu.memory_space<vmem_shared>> -> memref<128x80xf32, #tpu.memory_space<vmem_shared>>
        %dma_wait3A_45 = arith.constant 0 : i32
        %dma_wait3A_46 = tpu.memref_slice %arg18[%add3A_24, %dma_wait3A_45] : memref<10112x80xf32, #tpu.memory_space<vmem_shared>> -> memref<128x80xf32, #tpu.memory_space<vmem_shared>>
        tpu.wait_dma2 semaphore(%run_scoped3A : memref<!tpu.dma_semaphore, #tpu.memory_space<semaphore_mem>>) src(%arg17 : memref<128x80xf32, #tpu.memory_space<vmem>>) dst(%dma_wait3A_46 : memref<128x80xf32, #tpu.memory_space<vmem_shared>>)
        tpu.yield
      }) : () -> ()
      %add3A_25 = arith.constant 128 : i32
      %add3A_26 = arith.addi %mul3A_0, %add3A_25 : i32
      "tpu.region"() ({
        %run_scoped3A = tpu.sem_alloc : memref<!tpu.dma_semaphore, #tpu.memory_space<semaphore_mem>>
        %dma_start3A = arith.constant 0 : i32
        %dma_start3A_41 = tpu.memref_slice %arg18[%add3A_26, %dma_start3A] : memref<10112x80xf32, #tpu.memory_space<vmem_shared>> -> memref<128x80xf32, #tpu.memory_space<vmem_shared>>
        %dma_start3A_42 = arith.constant 0 : i32
        %dma_start3A_43 = tpu.memref_slice %arg18[%add3A_26, %dma_start3A_42] : memref<10112x80xf32, #tpu.memory_space<vmem_shared>> -> memref<128x80xf32, #tpu.memory_space<vmem_shared>>
        tpu.enqueue_dma source(%arg17 : memref<128x80xf32, #tpu.memory_space<vmem>>) target(%dma_start3A_43 : memref<128x80xf32, #tpu.memory_space<vmem_shared>>) target_semaphore(%run_scoped3A : memref<!tpu.dma_semaphore, #tpu.memory_space<semaphore_mem>>)
        %dma_wait3A = arith.constant 0 : i32
        %dma_wait3A_44 = tpu.memref_slice %arg18[%add3A_26, %dma_wait3A] : memref<10112x80xf32, #tpu.memory_space<vmem_shared>> -> memref<128x80xf32, #tpu.memory_space<vmem_shared>>
        %dma_wait3A_45 = arith.constant 0 : i32
        %dma_wait3A_46 = tpu.memref_slice %arg18[%add3A_26, %dma_wait3A_45] : memref<10112x80xf32, #tpu.memory_space<vmem_shared>> -> memref<128x80xf32, #tpu.memory_space<vmem_shared>>
        tpu.wait_dma2 semaphore(%run_scoped3A : memref<!tpu.dma_semaphore, #tpu.memory_space<semaphore_mem>>) src(%arg17 : memref<128x80xf32, #tpu.memory_space<vmem>>) dst(%dma_wait3A_46 : memref<128x80xf32, #tpu.memory_space<vmem_shared>>)
        tpu.yield
      }) : () -> ()
      %add3A_27 = arith.constant 256 : i32
      %add3A_28 = arith.addi %mul3A_0, %add3A_27 : i32
      "tpu.region"() ({
        %run_scoped3A = tpu.sem_alloc : memref<!tpu.dma_semaphore, #tpu.memory_space<semaphore_mem>>
        %dma_start3A = arith.constant 0 : i32
        %dma_start3A_41 = tpu.memref_slice %arg18[%add3A_28, %dma_start3A] : memref<10112x80xf32, #tpu.memory_space<vmem_shared>> -> memref<128x80xf32, #tpu.memory_space<vmem_shared>>
        %dma_start3A_42 = arith.constant 0 : i32
        %dma_start3A_43 = tpu.memref_slice %arg18[%add3A_28, %dma_start3A_42] : memref<10112x80xf32, #tpu.memory_space<vmem_shared>> -> memref<128x80xf32, #tpu.memory_space<vmem_shared>>
        tpu.enqueue_dma source(%arg17 : memref<128x80xf32, #tpu.memory_space<vmem>>) target(%dma_start3A_43 : memref<128x80xf32, #tpu.memory_space<vmem_shared>>) target_semaphore(%run_scoped3A : memref<!tpu.dma_semaphore, #tpu.memory_space<semaphore_mem>>)
        %dma_wait3A = arith.constant 0 : i32
        %dma_wait3A_44 = tpu.memref_slice %arg18[%add3A_28, %dma_wait3A] : memref<10112x80xf32, #tpu.memory_space<vmem_shared>> -> memref<128x80xf32, #tpu.memory_space<vmem_shared>>
        %dma_wait3A_45 = arith.constant 0 : i32
        %dma_wait3A_46 = tpu.memref_slice %arg18[%add3A_28, %dma_wait3A_45] : memref<10112x80xf32, #tpu.memory_space<vmem_shared>> -> memref<128x80xf32, #tpu.memory_space<vmem_shared>>
        tpu.wait_dma2 semaphore(%run_scoped3A : memref<!tpu.dma_semaphore, #tpu.memory_space<semaphore_mem>>) src(%arg17 : memref<128x80xf32, #tpu.memory_space<vmem>>) dst(%dma_wait3A_46 : memref<128x80xf32, #tpu.memory_space<vmem_shared>>)
        tpu.yield
      }) : () -> ()
      %add3A_29 = arith.constant 384 : i32
      %add3A_30 = arith.addi %mul3A_0, %add3A_29 : i32
      "tpu.region"() ({
        %run_scoped3A = tpu.sem_alloc : memref<!tpu.dma_semaphore, #tpu.memory_space<semaphore_mem>>
        %dma_start3A = arith.constant 0 : i32
        %dma_start3A_41 = tpu.memref_slice %arg18[%add3A_30, %dma_start3A] : memref<10112x80xf32, #tpu.memory_space<vmem_shared>> -> memref<128x80xf32, #tpu.memory_space<vmem_shared>>
        %dma_start3A_42 = arith.constant 0 : i32
        %dma_start3A_43 = tpu.memref_slice %arg18[%add3A_30, %dma_start3A_42] : memref<10112x80xf32, #tpu.memory_space<vmem_shared>> -> memref<128x80xf32, #tpu.memory_space<vmem_shared>>
        tpu.enqueue_dma source(%arg17 : memref<128x80xf32, #tpu.memory_space<vmem>>) target(%dma_start3A_43 : memref<128x80xf32, #tpu.memory_space<vmem_shared>>) target_semaphore(%run_scoped3A : memref<!tpu.dma_semaphore, #tpu.memory_space<semaphore_mem>>)
        %dma_wait3A = arith.constant 0 : i32
        %dma_wait3A_44 = tpu.memref_slice %arg18[%add3A_30, %dma_wait3A] : memref<10112x80xf32, #tpu.memory_space<vmem_shared>> -> memref<128x80xf32, #tpu.memory_space<vmem_shared>>
        %dma_wait3A_45 = arith.constant 0 : i32
        %dma_wait3A_46 = tpu.memref_slice %arg18[%add3A_30, %dma_wait3A_45] : memref<10112x80xf32, #tpu.memory_space<vmem_shared>> -> memref<128x80xf32, #tpu.memory_space<vmem_shared>>
        tpu.wait_dma2 semaphore(%run_scoped3A : memref<!tpu.dma_semaphore, #tpu.memory_space<semaphore_mem>>) src(%arg17 : memref<128x80xf32, #tpu.memory_space<vmem>>) dst(%dma_wait3A_46 : memref<128x80xf32, #tpu.memory_space<vmem_shared>>)
        tpu.yield
      }) : () -> ()
      %add3A_31 = arith.constant 512 : i32
      %add3A_32 = arith.addi %mul3A_0, %add3A_31 : i32
      "tpu.region"() ({
        %run_scoped3A = tpu.sem_alloc : memref<!tpu.dma_semaphore, #tpu.memory_space<semaphore_mem>>
        %dma_start3A = arith.constant 0 : i32
        %dma_start3A_41 = arith.constant 0 : i32
        %dma_start3A_42 = tpu.memref_slice %arg17[%dma_start3A, %dma_start3A_41] : memref<128x80xf32, #tpu.memory_space<vmem>> -> memref<120x80xf32, #tpu.memory_space<vmem>>
        %dma_start3A_43 = arith.constant 0 : i32
        %dma_start3A_44 = tpu.memref_slice %arg18[%add3A_32, %dma_start3A_43] : memref<10112x80xf32, #tpu.memory_space<vmem_shared>> -> memref<120x80xf32, #tpu.memory_space<vmem_shared>>
        %dma_start3A_45 = arith.constant 0 : i32
        %dma_start3A_46 = tpu.memref_slice %arg18[%add3A_32, %dma_start3A_45] : memref<10112x80xf32, #tpu.memory_space<vmem_shared>> -> memref<120x80xf32, #tpu.memory_space<vmem_shared>>
        %dma_start3A_47 = arith.constant 0 : i32
        %dma_start3A_48 = arith.constant 0 : i32
        %dma_start3A_49 = tpu.memref_slice %arg17[%dma_start3A_47, %dma_start3A_48] : memref<128x80xf32, #tpu.memory_space<vmem>> -> memref<120x80xf32, #tpu.memory_space<vmem>>
        tpu.enqueue_dma source(%dma_start3A_49 : memref<120x80xf32, #tpu.memory_space<vmem>>) target(%dma_start3A_46 : memref<120x80xf32, #tpu.memory_space<vmem_shared>>) target_semaphore(%run_scoped3A : memref<!tpu.dma_semaphore, #tpu.memory_space<semaphore_mem>>)
        %dma_wait3A = arith.constant 0 : i32
        %dma_wait3A_50 = arith.constant 0 : i32
        %dma_wait3A_51 = tpu.memref_slice %arg17[%dma_wait3A, %dma_wait3A_50] : memref<128x80xf32, #tpu.memory_space<vmem>> -> memref<120x80xf32, #tpu.memory_space<vmem>>
        %dma_wait3A_52 = arith.constant 0 : i32
        %dma_wait3A_53 = tpu.memref_slice %arg18[%add3A_32, %dma_wait3A_52] : memref<10112x80xf32, #tpu.memory_space<vmem_shared>> -> memref<120x80xf32, #tpu.memory_space<vmem_shared>>
        %dma_wait3A_54 = arith.constant 0 : i32
        %dma_wait3A_55 = tpu.memref_slice %arg18[%add3A_32, %dma_wait3A_54] : memref<10112x80xf32, #tpu.memory_space<vmem_shared>> -> memref<120x80xf32, #tpu.memory_space<vmem_shared>>
        %dma_wait3A_56 = arith.constant 0 : i32
        %dma_wait3A_57 = arith.constant 0 : i32
        %dma_wait3A_58 = tpu.memref_slice %arg17[%dma_wait3A_56, %dma_wait3A_57] : memref<128x80xf32, #tpu.memory_space<vmem>> -> memref<120x80xf32, #tpu.memory_space<vmem>>
        tpu.wait_dma2 semaphore(%run_scoped3A : memref<!tpu.dma_semaphore, #tpu.memory_space<semaphore_mem>>) src(%dma_wait3A_58 : memref<120x80xf32, #tpu.memory_space<vmem>>) dst(%dma_wait3A_55 : memref<120x80xf32, #tpu.memory_space<vmem_shared>>)
        tpu.yield
      }) : () -> ()
      %barrier3A_33 = arith.constant 0 : index
      tpu.barrier barrier_id(%barrier3A_33)
      %scan3A_34 = arith.constant 0 : i32
      %scan3A_35 = arith.constant 79 : i32
      %scan3A_36 = arith.addi %scan3A_34, %scan3A_35 : i32
      %scan3A_37 = arith.constant 1 : i32
      scf.for %scan3A_41 = %scan3A_34 to %scan3A_36 step %scan3A_37  : i32 {
        %mul3A_42 = arith.constant 1 : i32
        %mul3A_43 = arith.muli %scan3A_41, %mul3A_42 : i32
        %add3A_44 = arith.constant 0 : i32
        %add3A_45 = arith.addi %add3A_44, %mul3A_43 : i32
        "tpu.region"() ({
          %run_scoped3A = tpu.sem_alloc : memref<!tpu.dma_semaphore, #tpu.memory_space<semaphore_mem>>
          %dma_start3A = arith.constant 0 : i32
          %dma_start3A_46 = tpu.memref_slice %arg13[%add3A_45, %dma_start3A] : memref<79x128xi32, #tpu.memory_space<vmem>> -> memref<1x128xi32, #tpu.memory_space<vmem>>
          %dma_start3A_47 = tpu.memref_squeeze %dma_start3A_46 : memref<1x128xi32, #tpu.memory_space<vmem>> -> memref<128xi32, #tpu.memory_space<vmem>>
          %dma_start3A_48 = arith.constant 0 : i32
          %dma_start3A_49 = arith.constant 0 : i32
          %dma_start3A_50 = tpu.memref_slice %arg5[%dma_start3A_48, %dma_start3A_49] : memref<10112x80xf32, #tpu.memory_space<hbm>> -> memref<10112x80xf32, #tpu.memory_space<hbm>>
          tpu.enqueue_indirect_dma source(%dma_start3A_50 : memref<10112x80xf32, #tpu.memory_space<hbm>>) target(%arg15 : memref<128x80xf32, #tpu.memory_space<vmem>>) offsets(%dma_start3A_47 : memref<128xi32, #tpu.memory_space<vmem>>) semaphore(%run_scoped3A : memref<!tpu.dma_semaphore, #tpu.memory_space<semaphore_mem>>)
          %dma_wait3A = arith.constant 0 : i32
          %dma_wait3A_51 = tpu.memref_slice %arg13[%add3A_45, %dma_wait3A] : memref<79x128xi32, #tpu.memory_space<vmem>> -> memref<1x128xi32, #tpu.memory_space<vmem>>
          %dma_wait3A_52 = tpu.memref_squeeze %dma_wait3A_51 : memref<1x128xi32, #tpu.memory_space<vmem>> -> memref<128xi32, #tpu.memory_space<vmem>>
          %dma_wait3A_53 = arith.constant 0 : i32
          %dma_wait3A_54 = arith.constant 0 : i32
          %dma_wait3A_55 = tpu.memref_slice %arg5[%dma_wait3A_53, %dma_wait3A_54] : memref<10112x80xf32, #tpu.memory_space<hbm>> -> memref<10112x80xf32, #tpu.memory_space<hbm>>
          tpu.wait_indirect_dma semaphore(%run_scoped3A : memref<!tpu.dma_semaphore, #tpu.memory_space<semaphore_mem>>) src(%dma_wait3A_55 : memref<10112x80xf32, #tpu.memory_space<hbm>>) dst(%arg15 : memref<128x80xf32, #tpu.memory_space<vmem>>)
          tpu.yield
        }) : () -> ()
        "tpu.region"() ({
          %run_scoped3A = tpu.sem_alloc : memref<!tpu.dma_semaphore, #tpu.memory_space<semaphore_mem>>
          %dma_start3A = arith.constant 0 : i32
          %dma_start3A_46 = tpu.memref_slice %arg14[%add3A_45, %dma_start3A] : memref<79x128xi32, #tpu.memory_space<vmem>> -> memref<1x128xi32, #tpu.memory_space<vmem>>
          %dma_start3A_47 = tpu.memref_squeeze %dma_start3A_46 : memref<1x128xi32, #tpu.memory_space<vmem>> -> memref<128xi32, #tpu.memory_space<vmem>>
          %dma_start3A_48 = arith.constant 0 : i32
          %dma_start3A_49 = arith.constant 0 : i32
          %dma_start3A_50 = tpu.memref_slice %arg18[%dma_start3A_48, %dma_start3A_49] : memref<10112x80xf32, #tpu.memory_space<vmem_shared>> -> memref<10112x80xf32, #tpu.memory_space<vmem_shared>>
          tpu.enqueue_indirect_dma source(%arg15 : memref<128x80xf32, #tpu.memory_space<vmem>>) target(%dma_start3A_50 : memref<10112x80xf32, #tpu.memory_space<vmem_shared>>) offsets(%dma_start3A_47 : memref<128xi32, #tpu.memory_space<vmem>>) semaphore(%run_scoped3A : memref<!tpu.dma_semaphore, #tpu.memory_space<semaphore_mem>>) {add = true}
          %dma_wait3A = arith.constant 0 : i32
          %dma_wait3A_51 = tpu.memref_slice %arg14[%add3A_45, %dma_wait3A] : memref<79x128xi32, #tpu.memory_space<vmem>> -> memref<1x128xi32, #tpu.memory_space<vmem>>
          %dma_wait3A_52 = tpu.memref_squeeze %dma_wait3A_51 : memref<1x128xi32, #tpu.memory_space<vmem>> -> memref<128xi32, #tpu.memory_space<vmem>>
          %dma_wait3A_53 = arith.constant 0 : i32
          %dma_wait3A_54 = arith.constant 0 : i32
          %dma_wait3A_55 = tpu.memref_slice %arg18[%dma_wait3A_53, %dma_wait3A_54] : memref<10112x80xf32, #tpu.memory_space<vmem_shared>> -> memref<10112x80xf32, #tpu.memory_space<vmem_shared>>
          tpu.wait_indirect_dma semaphore(%run_scoped3A : memref<!tpu.dma_semaphore, #tpu.memory_space<semaphore_mem>>) src(%arg15 : memref<128x80xf32, #tpu.memory_space<vmem>>) dst(%dma_wait3A_55 : memref<10112x80xf32, #tpu.memory_space<vmem_shared>>)
          tpu.yield
        }) : () -> ()
      }
      %scan3A_38 = arith.constant 79 : i32
      %barrier3A_39 = arith.constant 0 : index
      tpu.barrier barrier_id(%barrier3A_39)
      "tpu.region"() ({
        %run_scoped3A = tpu.sem_alloc : memref<!tpu.dma_semaphore, #tpu.memory_space<semaphore_mem>>
        %dma_start3A = arith.constant 0 : i32
        %dma_start3A_41 = tpu.memref_slice %arg12[%mul3A_0, %dma_start3A] : memref<10112x80xf32, #tpu.memory_space<hbm>> -> memref<632x80xf32, #tpu.memory_space<hbm>>
        %dma_start3A_42 = arith.constant 0 : i32
        %dma_start3A_43 = tpu.memref_slice %arg18[%mul3A_0, %dma_start3A_42] : memref<10112x80xf32, #tpu.memory_space<vmem_shared>> -> memref<632x80xf32, #tpu.memory_space<vmem_shared>>
        tpu.enqueue_dma source(%dma_start3A_43 : memref<632x80xf32, #tpu.memory_space<vmem_shared>>) target(%dma_start3A_41 : memref<632x80xf32, #tpu.memory_space<hbm>>) target_semaphore(%run_scoped3A : memref<!tpu.dma_semaphore, #tpu.memory_space<semaphore_mem>>)
        %dma_wait3A = arith.constant 0 : i32
        %dma_wait3A_44 = tpu.memref_slice %arg12[%mul3A_0, %dma_wait3A] : memref<10112x80xf32, #tpu.memory_space<hbm>> -> memref<632x80xf32, #tpu.memory_space<hbm>>
        %dma_wait3A_45 = arith.constant 0 : i32
        %dma_wait3A_46 = tpu.memref_slice %arg18[%mul3A_0, %dma_wait3A_45] : memref<10112x80xf32, #tpu.memory_space<vmem_shared>> -> memref<632x80xf32, #tpu.memory_space<vmem_shared>>
        tpu.wait_dma2 semaphore(%run_scoped3A : memref<!tpu.dma_semaphore, #tpu.memory_space<semaphore_mem>>) src(%dma_wait3A_46 : memref<632x80xf32, #tpu.memory_space<vmem_shared>>) dst(%dma_wait3A_44 : memref<632x80xf32, #tpu.memory_space<hbm>>)
        tpu.yield
      }) : () -> ()
      %barrier3A_40 = arith.constant 0 : index
      tpu.barrier barrier_id(%barrier3A_40)
    } else {
    }
    return
  }
}

#map = affine_map<(d0, d1) -> (0, 0)>
#map1 = affine_map<(d0, d1) -> (0, 0, 0)>
module attributes {stable_mosaic.version = 14 : i64} {
  func.func @_agg_body(%arg0: i32, %arg1: i32, %arg2: memref<10112x80xf32, #tpu.memory_space<hbm>>, %arg3: memref<10112x80xf32, #tpu.memory_space<hbm>>, %arg4: memref<10112x80xf32, #tpu.memory_space<hbm>>, %arg5: memref<10112x80xf32, #tpu.memory_space<hbm>>, %arg6: memref<16x79x128xi32, #tpu.memory_space<hbm>>, %arg7: memref<16x79x128xi32, #tpu.memory_space<hbm>>, %arg8: memref<128x80xf32, #tpu.memory_space<hbm>>, %arg9: memref<10112x80xf32, #tpu.memory_space<hbm>>, %arg10: memref<10112x80xf32, #tpu.memory_space<hbm>>, %arg11: memref<10112x80xf32, #tpu.memory_space<hbm>>, %arg12: memref<10112x80xf32, #tpu.memory_space<hbm>>, %arg13: memref<79x128xi32, #tpu.memory_space<vmem>>, %arg14: memref<79x128xi32, #tpu.memory_space<vmem>>, %arg15: memref<128x80xf32, #tpu.memory_space<vmem>>, %arg16: memref<128x80xf32, #tpu.memory_space<vmem>>, %arg17: memref<128x80xf32, #tpu.memory_space<vmem>>, %arg18: memref<10112x80xf32, #tpu.memory_space<vmem_shared>>, %arg19: memref<!tpu.dma_semaphore, #tpu.memory_space<semaphore_mem>>, %arg20: memref<!tpu.dma_semaphore, #tpu.memory_space<semaphore_mem>>) attributes {dimension_semantics = [#tpu.dimension_semantics<core_parallel>, #tpu.dimension_semantics<subcore_parallel>], iteration_bounds = array<i64: 2, 16>, scalar_prefetch = 0 : i64, scratch_operands = 8 : i64, tpu.core_type = #tpu.core_type<sc_vector_subcore>, window_params = [{transform_indices = #map}, {transform_indices = #map}, {transform_indices = #map}, {transform_indices = #map}, {transform_indices = #map1}, {transform_indices = #map1}, {transform_indices = #map}, {transform_indices = #map}, {transform_indices = #map}, {transform_indices = #map}, {transform_indices = #map}]} {
    %mul3A = arith.constant 632 : i32
    %mul3A_0 = arith.muli %arg1, %mul3A : i32
    "tpu.region"() ({
      %run_scoped3A = tpu.sem_alloc : memref<!tpu.dma_semaphore, #tpu.memory_space<semaphore_mem>>
      %dma_start3A = arith.constant 0 : i32
      %dma_start3A_8 = arith.constant 0 : i32
      %dma_start3A_9 = tpu.memref_slice %arg6[%arg1, %dma_start3A, %dma_start3A_8] : memref<16x79x128xi32, #tpu.memory_space<hbm>> -> memref<1x79x128xi32, #tpu.memory_space<hbm>>
      %dma_start3A_10 = tpu.memref_squeeze %dma_start3A_9 : memref<1x79x128xi32, #tpu.memory_space<hbm>> -> memref<79x128xi32, #tpu.memory_space<hbm>>
      %dma_start3A_11 = arith.constant 0 : i32
      %dma_start3A_12 = arith.constant 0 : i32
      %dma_start3A_13 = tpu.memref_slice %arg6[%arg1, %dma_start3A_11, %dma_start3A_12] : memref<16x79x128xi32, #tpu.memory_space<hbm>> -> memref<1x79x128xi32, #tpu.memory_space<hbm>>
      %dma_start3A_14 = tpu.memref_squeeze %dma_start3A_13 : memref<1x79x128xi32, #tpu.memory_space<hbm>> -> memref<79x128xi32, #tpu.memory_space<hbm>>
      tpu.enqueue_dma source(%dma_start3A_14 : memref<79x128xi32, #tpu.memory_space<hbm>>) target(%arg13 : memref<79x128xi32, #tpu.memory_space<vmem>>) target_semaphore(%run_scoped3A : memref<!tpu.dma_semaphore, #tpu.memory_space<semaphore_mem>>)
      %dma_wait3A = arith.constant 0 : i32
      %dma_wait3A_15 = arith.constant 0 : i32
      %dma_wait3A_16 = tpu.memref_slice %arg6[%arg1, %dma_wait3A, %dma_wait3A_15] : memref<16x79x128xi32, #tpu.memory_space<hbm>> -> memref<1x79x128xi32, #tpu.memory_space<hbm>>
      %dma_wait3A_17 = tpu.memref_squeeze %dma_wait3A_16 : memref<1x79x128xi32, #tpu.memory_space<hbm>> -> memref<79x128xi32, #tpu.memory_space<hbm>>
      %dma_wait3A_18 = arith.constant 0 : i32
      %dma_wait3A_19 = arith.constant 0 : i32
      %dma_wait3A_20 = tpu.memref_slice %arg6[%arg1, %dma_wait3A_18, %dma_wait3A_19] : memref<16x79x128xi32, #tpu.memory_space<hbm>> -> memref<1x79x128xi32, #tpu.memory_space<hbm>>
      %dma_wait3A_21 = tpu.memref_squeeze %dma_wait3A_20 : memref<1x79x128xi32, #tpu.memory_space<hbm>> -> memref<79x128xi32, #tpu.memory_space<hbm>>
      tpu.wait_dma2 semaphore(%run_scoped3A : memref<!tpu.dma_semaphore, #tpu.memory_space<semaphore_mem>>) src(%dma_wait3A_21 : memref<79x128xi32, #tpu.memory_space<hbm>>) dst(%arg13 : memref<79x128xi32, #tpu.memory_space<vmem>>)
      tpu.yield
    }) : () -> ()
    "tpu.region"() ({
      %run_scoped3A = tpu.sem_alloc : memref<!tpu.dma_semaphore, #tpu.memory_space<semaphore_mem>>
      %dma_start3A = arith.constant 0 : i32
      %dma_start3A_8 = arith.constant 0 : i32
      %dma_start3A_9 = tpu.memref_slice %arg7[%arg1, %dma_start3A, %dma_start3A_8] : memref<16x79x128xi32, #tpu.memory_space<hbm>> -> memref<1x79x128xi32, #tpu.memory_space<hbm>>
      %dma_start3A_10 = tpu.memref_squeeze %dma_start3A_9 : memref<1x79x128xi32, #tpu.memory_space<hbm>> -> memref<79x128xi32, #tpu.memory_space<hbm>>
      %dma_start3A_11 = arith.constant 0 : i32
      %dma_start3A_12 = arith.constant 0 : i32
      %dma_start3A_13 = tpu.memref_slice %arg7[%arg1, %dma_start3A_11, %dma_start3A_12] : memref<16x79x128xi32, #tpu.memory_space<hbm>> -> memref<1x79x128xi32, #tpu.memory_space<hbm>>
      %dma_start3A_14 = tpu.memref_squeeze %dma_start3A_13 : memref<1x79x128xi32, #tpu.memory_space<hbm>> -> memref<79x128xi32, #tpu.memory_space<hbm>>
      tpu.enqueue_dma source(%dma_start3A_14 : memref<79x128xi32, #tpu.memory_space<hbm>>) target(%arg14 : memref<79x128xi32, #tpu.memory_space<vmem>>) target_semaphore(%run_scoped3A : memref<!tpu.dma_semaphore, #tpu.memory_space<semaphore_mem>>)
      %dma_wait3A = arith.constant 0 : i32
      %dma_wait3A_15 = arith.constant 0 : i32
      %dma_wait3A_16 = tpu.memref_slice %arg7[%arg1, %dma_wait3A, %dma_wait3A_15] : memref<16x79x128xi32, #tpu.memory_space<hbm>> -> memref<1x79x128xi32, #tpu.memory_space<hbm>>
      %dma_wait3A_17 = tpu.memref_squeeze %dma_wait3A_16 : memref<1x79x128xi32, #tpu.memory_space<hbm>> -> memref<79x128xi32, #tpu.memory_space<hbm>>
      %dma_wait3A_18 = arith.constant 0 : i32
      %dma_wait3A_19 = arith.constant 0 : i32
      %dma_wait3A_20 = tpu.memref_slice %arg7[%arg1, %dma_wait3A_18, %dma_wait3A_19] : memref<16x79x128xi32, #tpu.memory_space<hbm>> -> memref<1x79x128xi32, #tpu.memory_space<hbm>>
      %dma_wait3A_21 = tpu.memref_squeeze %dma_wait3A_20 : memref<1x79x128xi32, #tpu.memory_space<hbm>> -> memref<79x128xi32, #tpu.memory_space<hbm>>
      tpu.wait_dma2 semaphore(%run_scoped3A : memref<!tpu.dma_semaphore, #tpu.memory_space<semaphore_mem>>) src(%dma_wait3A_21 : memref<79x128xi32, #tpu.memory_space<hbm>>) dst(%arg14 : memref<79x128xi32, #tpu.memory_space<vmem>>)
      tpu.yield
    }) : () -> ()
    "tpu.region"() ({
      %run_scoped3A = tpu.sem_alloc : memref<!tpu.dma_semaphore, #tpu.memory_space<semaphore_mem>>
      tpu.enqueue_dma source(%arg8 : memref<128x80xf32, #tpu.memory_space<hbm>>) target(%arg17 : memref<128x80xf32, #tpu.memory_space<vmem>>) target_semaphore(%run_scoped3A : memref<!tpu.dma_semaphore, #tpu.memory_space<semaphore_mem>>)
      tpu.wait_dma2 semaphore(%run_scoped3A : memref<!tpu.dma_semaphore, #tpu.memory_space<semaphore_mem>>) src(%arg8 : memref<128x80xf32, #tpu.memory_space<hbm>>) dst(%arg17 : memref<128x80xf32, #tpu.memory_space<vmem>>)
      tpu.yield
    }) : () -> ()
    %eq3A = arith.constant 0 : i32
    %eq3A_1 = arith.cmpi eq, %arg0, %eq3A : i32
    %convert_element_type3A = arith.extui %eq3A_1 : i1 to i32
    %cond3A = arith.constant 0 : i32
    %cond3A_2 = arith.cmpi ne, %convert_element_type3A, %cond3A : i32
    scf.if %cond3A_2 {
      %add3A = arith.constant 0 : i32
      %add3A_8 = arith.addi %mul3A_0, %add3A : i32
      "tpu.region"() ({
        %run_scoped3A = tpu.sem_alloc : memref<!tpu.dma_semaphore, #tpu.memory_space<semaphore_mem>>
        %dma_start3A = arith.constant 0 : i32
        %dma_start3A_41 = tpu.memref_slice %arg18[%add3A_8, %dma_start3A] : memref<10112x80xf32, #tpu.memory_space<vmem_shared>> -> memref<128x80xf32, #tpu.memory_space<vmem_shared>>
        %dma_start3A_42 = arith.constant 0 : i32
        %dma_start3A_43 = tpu.memref_slice %arg18[%add3A_8, %dma_start3A_42] : memref<10112x80xf32, #tpu.memory_space<vmem_shared>> -> memref<128x80xf32, #tpu.memory_space<vmem_shared>>
        tpu.enqueue_dma source(%arg17 : memref<128x80xf32, #tpu.memory_space<vmem>>) target(%dma_start3A_43 : memref<128x80xf32, #tpu.memory_space<vmem_shared>>) target_semaphore(%run_scoped3A : memref<!tpu.dma_semaphore, #tpu.memory_space<semaphore_mem>>)
        %dma_wait3A = arith.constant 0 : i32
        %dma_wait3A_44 = tpu.memref_slice %arg18[%add3A_8, %dma_wait3A] : memref<10112x80xf32, #tpu.memory_space<vmem_shared>> -> memref<128x80xf32, #tpu.memory_space<vmem_shared>>
        %dma_wait3A_45 = arith.constant 0 : i32
        %dma_wait3A_46 = tpu.memref_slice %arg18[%add3A_8, %dma_wait3A_45] : memref<10112x80xf32, #tpu.memory_space<vmem_shared>> -> memref<128x80xf32, #tpu.memory_space<vmem_shared>>
        tpu.wait_dma2 semaphore(%run_scoped3A : memref<!tpu.dma_semaphore, #tpu.memory_space<semaphore_mem>>) src(%arg17 : memref<128x80xf32, #tpu.memory_space<vmem>>) dst(%dma_wait3A_46 : memref<128x80xf32, #tpu.memory_space<vmem_shared>>)
        tpu.yield
      }) : () -> ()
      %add3A_9 = arith.constant 128 : i32
      %add3A_10 = arith.addi %mul3A_0, %add3A_9 : i32
      "tpu.region"() ({
        %run_scoped3A = tpu.sem_alloc : memref<!tpu.dma_semaphore, #tpu.memory_space<semaphore_mem>>
        %dma_start3A = arith.constant 0 : i32
        %dma_start3A_41 = tpu.memref_slice %arg18[%add3A_10, %dma_start3A] : memref<10112x80xf32, #tpu.memory_space<vmem_shared>> -> memref<128x80xf32, #tpu.memory_space<vmem_shared>>
        %dma_start3A_42 = arith.constant 0 : i32
        %dma_start3A_43 = tpu.memref_slice %arg18[%add3A_10, %dma_start3A_42] : memref<10112x80xf32, #tpu.memory_space<vmem_shared>> -> memref<128x80xf32, #tpu.memory_space<vmem_shared>>
        tpu.enqueue_dma source(%arg17 : memref<128x80xf32, #tpu.memory_space<vmem>>) target(%dma_start3A_43 : memref<128x80xf32, #tpu.memory_space<vmem_shared>>) target_semaphore(%run_scoped3A : memref<!tpu.dma_semaphore, #tpu.memory_space<semaphore_mem>>)
        %dma_wait3A = arith.constant 0 : i32
        %dma_wait3A_44 = tpu.memref_slice %arg18[%add3A_10, %dma_wait3A] : memref<10112x80xf32, #tpu.memory_space<vmem_shared>> -> memref<128x80xf32, #tpu.memory_space<vmem_shared>>
        %dma_wait3A_45 = arith.constant 0 : i32
        %dma_wait3A_46 = tpu.memref_slice %arg18[%add3A_10, %dma_wait3A_45] : memref<10112x80xf32, #tpu.memory_space<vmem_shared>> -> memref<128x80xf32, #tpu.memory_space<vmem_shared>>
        tpu.wait_dma2 semaphore(%run_scoped3A : memref<!tpu.dma_semaphore, #tpu.memory_space<semaphore_mem>>) src(%arg17 : memref<128x80xf32, #tpu.memory_space<vmem>>) dst(%dma_wait3A_46 : memref<128x80xf32, #tpu.memory_space<vmem_shared>>)
        tpu.yield
      }) : () -> ()
      %add3A_11 = arith.constant 256 : i32
      %add3A_12 = arith.addi %mul3A_0, %add3A_11 : i32
      "tpu.region"() ({
        %run_scoped3A = tpu.sem_alloc : memref<!tpu.dma_semaphore, #tpu.memory_space<semaphore_mem>>
        %dma_start3A = arith.constant 0 : i32
        %dma_start3A_41 = tpu.memref_slice %arg18[%add3A_12, %dma_start3A] : memref<10112x80xf32, #tpu.memory_space<vmem_shared>> -> memref<128x80xf32, #tpu.memory_space<vmem_shared>>
        %dma_start3A_42 = arith.constant 0 : i32
        %dma_start3A_43 = tpu.memref_slice %arg18[%add3A_12, %dma_start3A_42] : memref<10112x80xf32, #tpu.memory_space<vmem_shared>> -> memref<128x80xf32, #tpu.memory_space<vmem_shared>>
        tpu.enqueue_dma source(%arg17 : memref<128x80xf32, #tpu.memory_space<vmem>>) target(%dma_start3A_43 : memref<128x80xf32, #tpu.memory_space<vmem_shared>>) target_semaphore(%run_scoped3A : memref<!tpu.dma_semaphore, #tpu.memory_space<semaphore_mem>>)
        %dma_wait3A = arith.constant 0 : i32
        %dma_wait3A_44 = tpu.memref_slice %arg18[%add3A_12, %dma_wait3A] : memref<10112x80xf32, #tpu.memory_space<vmem_shared>> -> memref<128x80xf32, #tpu.memory_space<vmem_shared>>
        %dma_wait3A_45 = arith.constant 0 : i32
        %dma_wait3A_46 = tpu.memref_slice %arg18[%add3A_12, %dma_wait3A_45] : memref<10112x80xf32, #tpu.memory_space<vmem_shared>> -> memref<128x80xf32, #tpu.memory_space<vmem_shared>>
        tpu.wait_dma2 semaphore(%run_scoped3A : memref<!tpu.dma_semaphore, #tpu.memory_space<semaphore_mem>>) src(%arg17 : memref<128x80xf32, #tpu.memory_space<vmem>>) dst(%dma_wait3A_46 : memref<128x80xf32, #tpu.memory_space<vmem_shared>>)
        tpu.yield
      }) : () -> ()
      %add3A_13 = arith.constant 384 : i32
      %add3A_14 = arith.addi %mul3A_0, %add3A_13 : i32
      "tpu.region"() ({
        %run_scoped3A = tpu.sem_alloc : memref<!tpu.dma_semaphore, #tpu.memory_space<semaphore_mem>>
        %dma_start3A = arith.constant 0 : i32
        %dma_start3A_41 = tpu.memref_slice %arg18[%add3A_14, %dma_start3A] : memref<10112x80xf32, #tpu.memory_space<vmem_shared>> -> memref<128x80xf32, #tpu.memory_space<vmem_shared>>
        %dma_start3A_42 = arith.constant 0 : i32
        %dma_start3A_43 = tpu.memref_slice %arg18[%add3A_14, %dma_start3A_42] : memref<10112x80xf32, #tpu.memory_space<vmem_shared>> -> memref<128x80xf32, #tpu.memory_space<vmem_shared>>
        tpu.enqueue_dma source(%arg17 : memref<128x80xf32, #tpu.memory_space<vmem>>) target(%dma_start3A_43 : memref<128x80xf32, #tpu.memory_space<vmem_shared>>) target_semaphore(%run_scoped3A : memref<!tpu.dma_semaphore, #tpu.memory_space<semaphore_mem>>)
        %dma_wait3A = arith.constant 0 : i32
        %dma_wait3A_44 = tpu.memref_slice %arg18[%add3A_14, %dma_wait3A] : memref<10112x80xf32, #tpu.memory_space<vmem_shared>> -> memref<128x80xf32, #tpu.memory_space<vmem_shared>>
        %dma_wait3A_45 = arith.constant 0 : i32
        %dma_wait3A_46 = tpu.memref_slice %arg18[%add3A_14, %dma_wait3A_45] : memref<10112x80xf32, #tpu.memory_space<vmem_shared>> -> memref<128x80xf32, #tpu.memory_space<vmem_shared>>
        tpu.wait_dma2 semaphore(%run_scoped3A : memref<!tpu.dma_semaphore, #tpu.memory_space<semaphore_mem>>) src(%arg17 : memref<128x80xf32, #tpu.memory_space<vmem>>) dst(%dma_wait3A_46 : memref<128x80xf32, #tpu.memory_space<vmem_shared>>)
        tpu.yield
      }) : () -> ()
      %add3A_15 = arith.constant 512 : i32
      %add3A_16 = arith.addi %mul3A_0, %add3A_15 : i32
      "tpu.region"() ({
        %run_scoped3A = tpu.sem_alloc : memref<!tpu.dma_semaphore, #tpu.memory_space<semaphore_mem>>
        %dma_start3A = arith.constant 0 : i32
        %dma_start3A_41 = arith.constant 0 : i32
        %dma_start3A_42 = tpu.memref_slice %arg17[%dma_start3A, %dma_start3A_41] : memref<128x80xf32, #tpu.memory_space<vmem>> -> memref<120x80xf32, #tpu.memory_space<vmem>>
        %dma_start3A_43 = arith.constant 0 : i32
        %dma_start3A_44 = tpu.memref_slice %arg18[%add3A_16, %dma_start3A_43] : memref<10112x80xf32, #tpu.memory_space<vmem_shared>> -> memref<120x80xf32, #tpu.memory_space<vmem_shared>>
        %dma_start3A_45 = arith.constant 0 : i32
        %dma_start3A_46 = tpu.memref_slice %arg18[%add3A_16, %dma_start3A_45] : memref<10112x80xf32, #tpu.memory_space<vmem_shared>> -> memref<120x80xf32, #tpu.memory_space<vmem_shared>>
        %dma_start3A_47 = arith.constant 0 : i32
        %dma_start3A_48 = arith.constant 0 : i32
        %dma_start3A_49 = tpu.memref_slice %arg17[%dma_start3A_47, %dma_start3A_48] : memref<128x80xf32, #tpu.memory_space<vmem>> -> memref<120x80xf32, #tpu.memory_space<vmem>>
        tpu.enqueue_dma source(%dma_start3A_49 : memref<120x80xf32, #tpu.memory_space<vmem>>) target(%dma_start3A_46 : memref<120x80xf32, #tpu.memory_space<vmem_shared>>) target_semaphore(%run_scoped3A : memref<!tpu.dma_semaphore, #tpu.memory_space<semaphore_mem>>)
        %dma_wait3A = arith.constant 0 : i32
        %dma_wait3A_50 = arith.constant 0 : i32
        %dma_wait3A_51 = tpu.memref_slice %arg17[%dma_wait3A, %dma_wait3A_50] : memref<128x80xf32, #tpu.memory_space<vmem>> -> memref<120x80xf32, #tpu.memory_space<vmem>>
        %dma_wait3A_52 = arith.constant 0 : i32
        %dma_wait3A_53 = tpu.memref_slice %arg18[%add3A_16, %dma_wait3A_52] : memref<10112x80xf32, #tpu.memory_space<vmem_shared>> -> memref<120x80xf32, #tpu.memory_space<vmem_shared>>
        %dma_wait3A_54 = arith.constant 0 : i32
        %dma_wait3A_55 = tpu.memref_slice %arg18[%add3A_16, %dma_wait3A_54] : memref<10112x80xf32, #tpu.memory_space<vmem_shared>> -> memref<120x80xf32, #tpu.memory_space<vmem_shared>>
        %dma_wait3A_56 = arith.constant 0 : i32
        %dma_wait3A_57 = arith.constant 0 : i32
        %dma_wait3A_58 = tpu.memref_slice %arg17[%dma_wait3A_56, %dma_wait3A_57] : memref<128x80xf32, #tpu.memory_space<vmem>> -> memref<120x80xf32, #tpu.memory_space<vmem>>
        tpu.wait_dma2 semaphore(%run_scoped3A : memref<!tpu.dma_semaphore, #tpu.memory_space<semaphore_mem>>) src(%dma_wait3A_58 : memref<120x80xf32, #tpu.memory_space<vmem>>) dst(%dma_wait3A_55 : memref<120x80xf32, #tpu.memory_space<vmem_shared>>)
        tpu.yield
      }) : () -> ()
      %barrier3A = arith.constant 0 : index
      tpu.barrier barrier_id(%barrier3A)
      %scan3A = arith.constant 0 : i32
      %scan3A_17 = arith.constant 79 : i32
      %scan3A_18 = arith.addi %scan3A, %scan3A_17 : i32
      %scan3A_19 = arith.constant 1 : i32
      scf.for %scan3A_41 = %scan3A to %scan3A_18 step %scan3A_19  : i32 {
        %mul3A_42 = arith.constant 1 : i32
        %mul3A_43 = arith.muli %scan3A_41, %mul3A_42 : i32
        %add3A_44 = arith.constant 0 : i32
        %add3A_45 = arith.addi %add3A_44, %mul3A_43 : i32
        "tpu.region"() ({
          %run_scoped3A = tpu.sem_alloc : memref<!tpu.dma_semaphore, #tpu.memory_space<semaphore_mem>>
          %dma_start3A = arith.constant 0 : i32
          %dma_start3A_46 = tpu.memref_slice %arg13[%add3A_45, %dma_start3A] : memref<79x128xi32, #tpu.memory_space<vmem>> -> memref<1x128xi32, #tpu.memory_space<vmem>>
          %dma_start3A_47 = tpu.memref_squeeze %dma_start3A_46 : memref<1x128xi32, #tpu.memory_space<vmem>> -> memref<128xi32, #tpu.memory_space<vmem>>
          %dma_start3A_48 = arith.constant 0 : i32
          %dma_start3A_49 = arith.constant 0 : i32
          %dma_start3A_50 = tpu.memref_slice %arg2[%dma_start3A_48, %dma_start3A_49] : memref<10112x80xf32, #tpu.memory_space<hbm>> -> memref<10112x80xf32, #tpu.memory_space<hbm>>
          tpu.enqueue_indirect_dma source(%dma_start3A_50 : memref<10112x80xf32, #tpu.memory_space<hbm>>) target(%arg15 : memref<128x80xf32, #tpu.memory_space<vmem>>) offsets(%dma_start3A_47 : memref<128xi32, #tpu.memory_space<vmem>>) semaphore(%run_scoped3A : memref<!tpu.dma_semaphore, #tpu.memory_space<semaphore_mem>>)
          %dma_wait3A = arith.constant 0 : i32
          %dma_wait3A_51 = tpu.memref_slice %arg13[%add3A_45, %dma_wait3A] : memref<79x128xi32, #tpu.memory_space<vmem>> -> memref<1x128xi32, #tpu.memory_space<vmem>>
          %dma_wait3A_52 = tpu.memref_squeeze %dma_wait3A_51 : memref<1x128xi32, #tpu.memory_space<vmem>> -> memref<128xi32, #tpu.memory_space<vmem>>
          %dma_wait3A_53 = arith.constant 0 : i32
          %dma_wait3A_54 = arith.constant 0 : i32
          %dma_wait3A_55 = tpu.memref_slice %arg2[%dma_wait3A_53, %dma_wait3A_54] : memref<10112x80xf32, #tpu.memory_space<hbm>> -> memref<10112x80xf32, #tpu.memory_space<hbm>>
          tpu.wait_indirect_dma semaphore(%run_scoped3A : memref<!tpu.dma_semaphore, #tpu.memory_space<semaphore_mem>>) src(%dma_wait3A_55 : memref<10112x80xf32, #tpu.memory_space<hbm>>) dst(%arg15 : memref<128x80xf32, #tpu.memory_space<vmem>>)
          tpu.yield
        }) : () -> ()
        "tpu.region"() ({
          %run_scoped3A = tpu.sem_alloc : memref<!tpu.dma_semaphore, #tpu.memory_space<semaphore_mem>>
          %dma_start3A = arith.constant 0 : i32
          %dma_start3A_46 = tpu.memref_slice %arg14[%add3A_45, %dma_start3A] : memref<79x128xi32, #tpu.memory_space<vmem>> -> memref<1x128xi32, #tpu.memory_space<vmem>>
          %dma_start3A_47 = tpu.memref_squeeze %dma_start3A_46 : memref<1x128xi32, #tpu.memory_space<vmem>> -> memref<128xi32, #tpu.memory_space<vmem>>
          %dma_start3A_48 = arith.constant 0 : i32
          %dma_start3A_49 = arith.constant 0 : i32
          %dma_start3A_50 = tpu.memref_slice %arg18[%dma_start3A_48, %dma_start3A_49] : memref<10112x80xf32, #tpu.memory_space<vmem_shared>> -> memref<10112x80xf32, #tpu.memory_space<vmem_shared>>
          tpu.enqueue_indirect_dma source(%arg15 : memref<128x80xf32, #tpu.memory_space<vmem>>) target(%dma_start3A_50 : memref<10112x80xf32, #tpu.memory_space<vmem_shared>>) offsets(%dma_start3A_47 : memref<128xi32, #tpu.memory_space<vmem>>) semaphore(%run_scoped3A : memref<!tpu.dma_semaphore, #tpu.memory_space<semaphore_mem>>) {add = true}
          %dma_wait3A = arith.constant 0 : i32
          %dma_wait3A_51 = tpu.memref_slice %arg14[%add3A_45, %dma_wait3A] : memref<79x128xi32, #tpu.memory_space<vmem>> -> memref<1x128xi32, #tpu.memory_space<vmem>>
          %dma_wait3A_52 = tpu.memref_squeeze %dma_wait3A_51 : memref<1x128xi32, #tpu.memory_space<vmem>> -> memref<128xi32, #tpu.memory_space<vmem>>
          %dma_wait3A_53 = arith.constant 0 : i32
          %dma_wait3A_54 = arith.constant 0 : i32
          %dma_wait3A_55 = tpu.memref_slice %arg18[%dma_wait3A_53, %dma_wait3A_54] : memref<10112x80xf32, #tpu.memory_space<vmem_shared>> -> memref<10112x80xf32, #tpu.memory_space<vmem_shared>>
          tpu.wait_indirect_dma semaphore(%run_scoped3A : memref<!tpu.dma_semaphore, #tpu.memory_space<semaphore_mem>>) src(%arg15 : memref<128x80xf32, #tpu.memory_space<vmem>>) dst(%dma_wait3A_55 : memref<10112x80xf32, #tpu.memory_space<vmem_shared>>)
          tpu.yield
        }) : () -> ()
      }
      %scan3A_20 = arith.constant 79 : i32
      %barrier3A_21 = arith.constant 0 : index
      tpu.barrier barrier_id(%barrier3A_21)
      "tpu.region"() ({
        %run_scoped3A = tpu.sem_alloc : memref<!tpu.dma_semaphore, #tpu.memory_space<semaphore_mem>>
        %dma_start3A = arith.constant 0 : i32
        %dma_start3A_41 = tpu.memref_slice %arg9[%mul3A_0, %dma_start3A] : memref<10112x80xf32, #tpu.memory_space<hbm>> -> memref<632x80xf32, #tpu.memory_space<hbm>>
        %dma_start3A_42 = arith.constant 0 : i32
        %dma_start3A_43 = tpu.memref_slice %arg18[%mul3A_0, %dma_start3A_42] : memref<10112x80xf32, #tpu.memory_space<vmem_shared>> -> memref<632x80xf32, #tpu.memory_space<vmem_shared>>
        tpu.enqueue_dma source(%dma_start3A_43 : memref<632x80xf32, #tpu.memory_space<vmem_shared>>) target(%dma_start3A_41 : memref<632x80xf32, #tpu.memory_space<hbm>>) target_semaphore(%run_scoped3A : memref<!tpu.dma_semaphore, #tpu.memory_space<semaphore_mem>>)
        %dma_wait3A = arith.constant 0 : i32
        %dma_wait3A_44 = tpu.memref_slice %arg9[%mul3A_0, %dma_wait3A] : memref<10112x80xf32, #tpu.memory_space<hbm>> -> memref<632x80xf32, #tpu.memory_space<hbm>>
        %dma_wait3A_45 = arith.constant 0 : i32
        %dma_wait3A_46 = tpu.memref_slice %arg18[%mul3A_0, %dma_wait3A_45] : memref<10112x80xf32, #tpu.memory_space<vmem_shared>> -> memref<632x80xf32, #tpu.memory_space<vmem_shared>>
        tpu.wait_dma2 semaphore(%run_scoped3A : memref<!tpu.dma_semaphore, #tpu.memory_space<semaphore_mem>>) src(%dma_wait3A_46 : memref<632x80xf32, #tpu.memory_space<vmem_shared>>) dst(%dma_wait3A_44 : memref<632x80xf32, #tpu.memory_space<hbm>>)
        tpu.yield
      }) : () -> ()
      %barrier3A_22 = arith.constant 0 : index
      tpu.barrier barrier_id(%barrier3A_22)
      %add3A_23 = arith.constant 0 : i32
      %add3A_24 = arith.addi %mul3A_0, %add3A_23 : i32
      "tpu.region"() ({
        %run_scoped3A = tpu.sem_alloc : memref<!tpu.dma_semaphore, #tpu.memory_space<semaphore_mem>>
        %dma_start3A = arith.constant 0 : i32
        %dma_start3A_41 = tpu.memref_slice %arg18[%add3A_24, %dma_start3A] : memref<10112x80xf32, #tpu.memory_space<vmem_shared>> -> memref<128x80xf32, #tpu.memory_space<vmem_shared>>
        %dma_start3A_42 = arith.constant 0 : i32
        %dma_start3A_43 = tpu.memref_slice %arg18[%add3A_24, %dma_start3A_42] : memref<10112x80xf32, #tpu.memory_space<vmem_shared>> -> memref<128x80xf32, #tpu.memory_space<vmem_shared>>
        tpu.enqueue_dma source(%arg17 : memref<128x80xf32, #tpu.memory_space<vmem>>) target(%dma_start3A_43 : memref<128x80xf32, #tpu.memory_space<vmem_shared>>) target_semaphore(%run_scoped3A : memref<!tpu.dma_semaphore, #tpu.memory_space<semaphore_mem>>)
        %dma_wait3A = arith.constant 0 : i32
        %dma_wait3A_44 = tpu.memref_slice %arg18[%add3A_24, %dma_wait3A] : memref<10112x80xf32, #tpu.memory_space<vmem_shared>> -> memref<128x80xf32, #tpu.memory_space<vmem_shared>>
        %dma_wait3A_45 = arith.constant 0 : i32
        %dma_wait3A_46 = tpu.memref_slice %arg18[%add3A_24, %dma_wait3A_45] : memref<10112x80xf32, #tpu.memory_space<vmem_shared>> -> memref<128x80xf32, #tpu.memory_space<vmem_shared>>
        tpu.wait_dma2 semaphore(%run_scoped3A : memref<!tpu.dma_semaphore, #tpu.memory_space<semaphore_mem>>) src(%arg17 : memref<128x80xf32, #tpu.memory_space<vmem>>) dst(%dma_wait3A_46 : memref<128x80xf32, #tpu.memory_space<vmem_shared>>)
        tpu.yield
      }) : () -> ()
      %add3A_25 = arith.constant 128 : i32
      %add3A_26 = arith.addi %mul3A_0, %add3A_25 : i32
      "tpu.region"() ({
        %run_scoped3A = tpu.sem_alloc : memref<!tpu.dma_semaphore, #tpu.memory_space<semaphore_mem>>
        %dma_start3A = arith.constant 0 : i32
        %dma_start3A_41 = tpu.memref_slice %arg18[%add3A_26, %dma_start3A] : memref<10112x80xf32, #tpu.memory_space<vmem_shared>> -> memref<128x80xf32, #tpu.memory_space<vmem_shared>>
        %dma_start3A_42 = arith.constant 0 : i32
        %dma_start3A_43 = tpu.memref_slice %arg18[%add3A_26, %dma_start3A_42] : memref<10112x80xf32, #tpu.memory_space<vmem_shared>> -> memref<128x80xf32, #tpu.memory_space<vmem_shared>>
        tpu.enqueue_dma source(%arg17 : memref<128x80xf32, #tpu.memory_space<vmem>>) target(%dma_start3A_43 : memref<128x80xf32, #tpu.memory_space<vmem_shared>>) target_semaphore(%run_scoped3A : memref<!tpu.dma_semaphore, #tpu.memory_space<semaphore_mem>>)
        %dma_wait3A = arith.constant 0 : i32
        %dma_wait3A_44 = tpu.memref_slice %arg18[%add3A_26, %dma_wait3A] : memref<10112x80xf32, #tpu.memory_space<vmem_shared>> -> memref<128x80xf32, #tpu.memory_space<vmem_shared>>
        %dma_wait3A_45 = arith.constant 0 : i32
        %dma_wait3A_46 = tpu.memref_slice %arg18[%add3A_26, %dma_wait3A_45] : memref<10112x80xf32, #tpu.memory_space<vmem_shared>> -> memref<128x80xf32, #tpu.memory_space<vmem_shared>>
        tpu.wait_dma2 semaphore(%run_scoped3A : memref<!tpu.dma_semaphore, #tpu.memory_space<semaphore_mem>>) src(%arg17 : memref<128x80xf32, #tpu.memory_space<vmem>>) dst(%dma_wait3A_46 : memref<128x80xf32, #tpu.memory_space<vmem_shared>>)
        tpu.yield
      }) : () -> ()
      %add3A_27 = arith.constant 256 : i32
      %add3A_28 = arith.addi %mul3A_0, %add3A_27 : i32
      "tpu.region"() ({
        %run_scoped3A = tpu.sem_alloc : memref<!tpu.dma_semaphore, #tpu.memory_space<semaphore_mem>>
        %dma_start3A = arith.constant 0 : i32
        %dma_start3A_41 = tpu.memref_slice %arg18[%add3A_28, %dma_start3A] : memref<10112x80xf32, #tpu.memory_space<vmem_shared>> -> memref<128x80xf32, #tpu.memory_space<vmem_shared>>
        %dma_start3A_42 = arith.constant 0 : i32
        %dma_start3A_43 = tpu.memref_slice %arg18[%add3A_28, %dma_start3A_42] : memref<10112x80xf32, #tpu.memory_space<vmem_shared>> -> memref<128x80xf32, #tpu.memory_space<vmem_shared>>
        tpu.enqueue_dma source(%arg17 : memref<128x80xf32, #tpu.memory_space<vmem>>) target(%dma_start3A_43 : memref<128x80xf32, #tpu.memory_space<vmem_shared>>) target_semaphore(%run_scoped3A : memref<!tpu.dma_semaphore, #tpu.memory_space<semaphore_mem>>)
        %dma_wait3A = arith.constant 0 : i32
        %dma_wait3A_44 = tpu.memref_slice %arg18[%add3A_28, %dma_wait3A] : memref<10112x80xf32, #tpu.memory_space<vmem_shared>> -> memref<128x80xf32, #tpu.memory_space<vmem_shared>>
        %dma_wait3A_45 = arith.constant 0 : i32
        %dma_wait3A_46 = tpu.memref_slice %arg18[%add3A_28, %dma_wait3A_45] : memref<10112x80xf32, #tpu.memory_space<vmem_shared>> -> memref<128x80xf32, #tpu.memory_space<vmem_shared>>
        tpu.wait_dma2 semaphore(%run_scoped3A : memref<!tpu.dma_semaphore, #tpu.memory_space<semaphore_mem>>) src(%arg17 : memref<128x80xf32, #tpu.memory_space<vmem>>) dst(%dma_wait3A_46 : memref<128x80xf32, #tpu.memory_space<vmem_shared>>)
        tpu.yield
      }) : () -> ()
      %add3A_29 = arith.constant 384 : i32
      %add3A_30 = arith.addi %mul3A_0, %add3A_29 : i32
      "tpu.region"() ({
        %run_scoped3A = tpu.sem_alloc : memref<!tpu.dma_semaphore, #tpu.memory_space<semaphore_mem>>
        %dma_start3A = arith.constant 0 : i32
        %dma_start3A_41 = tpu.memref_slice %arg18[%add3A_30, %dma_start3A] : memref<10112x80xf32, #tpu.memory_space<vmem_shared>> -> memref<128x80xf32, #tpu.memory_space<vmem_shared>>
        %dma_start3A_42 = arith.constant 0 : i32
        %dma_start3A_43 = tpu.memref_slice %arg18[%add3A_30, %dma_start3A_42] : memref<10112x80xf32, #tpu.memory_space<vmem_shared>> -> memref<128x80xf32, #tpu.memory_space<vmem_shared>>
        tpu.enqueue_dma source(%arg17 : memref<128x80xf32, #tpu.memory_space<vmem>>) target(%dma_start3A_43 : memref<128x80xf32, #tpu.memory_space<vmem_shared>>) target_semaphore(%run_scoped3A : memref<!tpu.dma_semaphore, #tpu.memory_space<semaphore_mem>>)
        %dma_wait3A = arith.constant 0 : i32
        %dma_wait3A_44 = tpu.memref_slice %arg18[%add3A_30, %dma_wait3A] : memref<10112x80xf32, #tpu.memory_space<vmem_shared>> -> memref<128x80xf32, #tpu.memory_space<vmem_shared>>
        %dma_wait3A_45 = arith.constant 0 : i32
        %dma_wait3A_46 = tpu.memref_slice %arg18[%add3A_30, %dma_wait3A_45] : memref<10112x80xf32, #tpu.memory_space<vmem_shared>> -> memref<128x80xf32, #tpu.memory_space<vmem_shared>>
        tpu.wait_dma2 semaphore(%run_scoped3A : memref<!tpu.dma_semaphore, #tpu.memory_space<semaphore_mem>>) src(%arg17 : memref<128x80xf32, #tpu.memory_space<vmem>>) dst(%dma_wait3A_46 : memref<128x80xf32, #tpu.memory_space<vmem_shared>>)
        tpu.yield
      }) : () -> ()
      %add3A_31 = arith.constant 512 : i32
      %add3A_32 = arith.addi %mul3A_0, %add3A_31 : i32
      "tpu.region"() ({
        %run_scoped3A = tpu.sem_alloc : memref<!tpu.dma_semaphore, #tpu.memory_space<semaphore_mem>>
        %dma_start3A = arith.constant 0 : i32
        %dma_start3A_41 = arith.constant 0 : i32
        %dma_start3A_42 = tpu.memref_slice %arg17[%dma_start3A, %dma_start3A_41] : memref<128x80xf32, #tpu.memory_space<vmem>> -> memref<120x80xf32, #tpu.memory_space<vmem>>
        %dma_start3A_43 = arith.constant 0 : i32
        %dma_start3A_44 = tpu.memref_slice %arg18[%add3A_32, %dma_start3A_43] : memref<10112x80xf32, #tpu.memory_space<vmem_shared>> -> memref<120x80xf32, #tpu.memory_space<vmem_shared>>
        %dma_start3A_45 = arith.constant 0 : i32
        %dma_start3A_46 = tpu.memref_slice %arg18[%add3A_32, %dma_start3A_45] : memref<10112x80xf32, #tpu.memory_space<vmem_shared>> -> memref<120x80xf32, #tpu.memory_space<vmem_shared>>
        %dma_start3A_47 = arith.constant 0 : i32
        %dma_start3A_48 = arith.constant 0 : i32
        %dma_start3A_49 = tpu.memref_slice %arg17[%dma_start3A_47, %dma_start3A_48] : memref<128x80xf32, #tpu.memory_space<vmem>> -> memref<120x80xf32, #tpu.memory_space<vmem>>
        tpu.enqueue_dma source(%dma_start3A_49 : memref<120x80xf32, #tpu.memory_space<vmem>>) target(%dma_start3A_46 : memref<120x80xf32, #tpu.memory_space<vmem_shared>>) target_semaphore(%run_scoped3A : memref<!tpu.dma_semaphore, #tpu.memory_space<semaphore_mem>>)
        %dma_wait3A = arith.constant 0 : i32
        %dma_wait3A_50 = arith.constant 0 : i32
        %dma_wait3A_51 = tpu.memref_slice %arg17[%dma_wait3A, %dma_wait3A_50] : memref<128x80xf32, #tpu.memory_space<vmem>> -> memref<120x80xf32, #tpu.memory_space<vmem>>
        %dma_wait3A_52 = arith.constant 0 : i32
        %dma_wait3A_53 = tpu.memref_slice %arg18[%add3A_32, %dma_wait3A_52] : memref<10112x80xf32, #tpu.memory_space<vmem_shared>> -> memref<120x80xf32, #tpu.memory_space<vmem_shared>>
        %dma_wait3A_54 = arith.constant 0 : i32
        %dma_wait3A_55 = tpu.memref_slice %arg18[%add3A_32, %dma_wait3A_54] : memref<10112x80xf32, #tpu.memory_space<vmem_shared>> -> memref<120x80xf32, #tpu.memory_space<vmem_shared>>
        %dma_wait3A_56 = arith.constant 0 : i32
        %dma_wait3A_57 = arith.constant 0 : i32
        %dma_wait3A_58 = tpu.memref_slice %arg17[%dma_wait3A_56, %dma_wait3A_57] : memref<128x80xf32, #tpu.memory_space<vmem>> -> memref<120x80xf32, #tpu.memory_space<vmem>>
        tpu.wait_dma2 semaphore(%run_scoped3A : memref<!tpu.dma_semaphore, #tpu.memory_space<semaphore_mem>>) src(%dma_wait3A_58 : memref<120x80xf32, #tpu.memory_space<vmem>>) dst(%dma_wait3A_55 : memref<120x80xf32, #tpu.memory_space<vmem_shared>>)
        tpu.yield
      }) : () -> ()
      %barrier3A_33 = arith.constant 0 : index
      tpu.barrier barrier_id(%barrier3A_33)
      %scan3A_34 = arith.constant 0 : i32
      %scan3A_35 = arith.constant 79 : i32
      %scan3A_36 = arith.addi %scan3A_34, %scan3A_35 : i32
      %scan3A_37 = arith.constant 1 : i32
      scf.for %scan3A_41 = %scan3A_34 to %scan3A_36 step %scan3A_37  : i32 {
        %mul3A_42 = arith.constant 1 : i32
        %mul3A_43 = arith.muli %scan3A_41, %mul3A_42 : i32
        %add3A_44 = arith.constant 0 : i32
        %add3A_45 = arith.addi %add3A_44, %mul3A_43 : i32
        "tpu.region"() ({
          %run_scoped3A = tpu.sem_alloc : memref<!tpu.dma_semaphore, #tpu.memory_space<semaphore_mem>>
          %dma_start3A = arith.constant 0 : i32
          %dma_start3A_46 = tpu.memref_slice %arg13[%add3A_45, %dma_start3A] : memref<79x128xi32, #tpu.memory_space<vmem>> -> memref<1x128xi32, #tpu.memory_space<vmem>>
          %dma_start3A_47 = tpu.memref_squeeze %dma_start3A_46 : memref<1x128xi32, #tpu.memory_space<vmem>> -> memref<128xi32, #tpu.memory_space<vmem>>
          %dma_start3A_48 = arith.constant 0 : i32
          %dma_start3A_49 = arith.constant 0 : i32
          %dma_start3A_50 = tpu.memref_slice %arg3[%dma_start3A_48, %dma_start3A_49] : memref<10112x80xf32, #tpu.memory_space<hbm>> -> memref<10112x80xf32, #tpu.memory_space<hbm>>
          tpu.enqueue_indirect_dma source(%dma_start3A_50 : memref<10112x80xf32, #tpu.memory_space<hbm>>) target(%arg15 : memref<128x80xf32, #tpu.memory_space<vmem>>) offsets(%dma_start3A_47 : memref<128xi32, #tpu.memory_space<vmem>>) semaphore(%run_scoped3A : memref<!tpu.dma_semaphore, #tpu.memory_space<semaphore_mem>>)
          %dma_wait3A = arith.constant 0 : i32
          %dma_wait3A_51 = tpu.memref_slice %arg13[%add3A_45, %dma_wait3A] : memref<79x128xi32, #tpu.memory_space<vmem>> -> memref<1x128xi32, #tpu.memory_space<vmem>>
          %dma_wait3A_52 = tpu.memref_squeeze %dma_wait3A_51 : memref<1x128xi32, #tpu.memory_space<vmem>> -> memref<128xi32, #tpu.memory_space<vmem>>
          %dma_wait3A_53 = arith.constant 0 : i32
          %dma_wait3A_54 = arith.constant 0 : i32
          %dma_wait3A_55 = tpu.memref_slice %arg3[%dma_wait3A_53, %dma_wait3A_54] : memref<10112x80xf32, #tpu.memory_space<hbm>> -> memref<10112x80xf32, #tpu.memory_space<hbm>>
          tpu.wait_indirect_dma semaphore(%run_scoped3A : memref<!tpu.dma_semaphore, #tpu.memory_space<semaphore_mem>>) src(%dma_wait3A_55 : memref<10112x80xf32, #tpu.memory_space<hbm>>) dst(%arg15 : memref<128x80xf32, #tpu.memory_space<vmem>>)
          tpu.yield
        }) : () -> ()
        "tpu.region"() ({
          %run_scoped3A = tpu.sem_alloc : memref<!tpu.dma_semaphore, #tpu.memory_space<semaphore_mem>>
          %dma_start3A = arith.constant 0 : i32
          %dma_start3A_46 = tpu.memref_slice %arg14[%add3A_45, %dma_start3A] : memref<79x128xi32, #tpu.memory_space<vmem>> -> memref<1x128xi32, #tpu.memory_space<vmem>>
          %dma_start3A_47 = tpu.memref_squeeze %dma_start3A_46 : memref<1x128xi32, #tpu.memory_space<vmem>> -> memref<128xi32, #tpu.memory_space<vmem>>
          %dma_start3A_48 = arith.constant 0 : i32
          %dma_start3A_49 = arith.constant 0 : i32
          %dma_start3A_50 = tpu.memref_slice %arg18[%dma_start3A_48, %dma_start3A_49] : memref<10112x80xf32, #tpu.memory_space<vmem_shared>> -> memref<10112x80xf32, #tpu.memory_space<vmem_shared>>
          tpu.enqueue_indirect_dma source(%arg15 : memref<128x80xf32, #tpu.memory_space<vmem>>) target(%dma_start3A_50 : memref<10112x80xf32, #tpu.memory_space<vmem_shared>>) offsets(%dma_start3A_47 : memref<128xi32, #tpu.memory_space<vmem>>) semaphore(%run_scoped3A : memref<!tpu.dma_semaphore, #tpu.memory_space<semaphore_mem>>) {add = true}
          %dma_wait3A = arith.constant 0 : i32
          %dma_wait3A_51 = tpu.memref_slice %arg14[%add3A_45, %dma_wait3A] : memref<79x128xi32, #tpu.memory_space<vmem>> -> memref<1x128xi32, #tpu.memory_space<vmem>>
          %dma_wait3A_52 = tpu.memref_squeeze %dma_wait3A_51 : memref<1x128xi32, #tpu.memory_space<vmem>> -> memref<128xi32, #tpu.memory_space<vmem>>
          %dma_wait3A_53 = arith.constant 0 : i32
          %dma_wait3A_54 = arith.constant 0 : i32
          %dma_wait3A_55 = tpu.memref_slice %arg18[%dma_wait3A_53, %dma_wait3A_54] : memref<10112x80xf32, #tpu.memory_space<vmem_shared>> -> memref<10112x80xf32, #tpu.memory_space<vmem_shared>>
          tpu.wait_indirect_dma semaphore(%run_scoped3A : memref<!tpu.dma_semaphore, #tpu.memory_space<semaphore_mem>>) src(%arg15 : memref<128x80xf32, #tpu.memory_space<vmem>>) dst(%dma_wait3A_55 : memref<10112x80xf32, #tpu.memory_space<vmem_shared>>)
          tpu.yield
        }) : () -> ()
      }
      %scan3A_38 = arith.constant 79 : i32
      %barrier3A_39 = arith.constant 0 : index
      tpu.barrier barrier_id(%barrier3A_39)
      "tpu.region"() ({
        %run_scoped3A = tpu.sem_alloc : memref<!tpu.dma_semaphore, #tpu.memory_space<semaphore_mem>>
        %dma_start3A = arith.constant 0 : i32
        %dma_start3A_41 = tpu.memref_slice %arg10[%mul3A_0, %dma_start3A] : memref<10112x80xf32, #tpu.memory_space<hbm>> -> memref<632x80xf32, #tpu.memory_space<hbm>>
        %dma_start3A_42 = arith.constant 0 : i32
        %dma_start3A_43 = tpu.memref_slice %arg18[%mul3A_0, %dma_start3A_42] : memref<10112x80xf32, #tpu.memory_space<vmem_shared>> -> memref<632x80xf32, #tpu.memory_space<vmem_shared>>
        tpu.enqueue_dma source(%dma_start3A_43 : memref<632x80xf32, #tpu.memory_space<vmem_shared>>) target(%dma_start3A_41 : memref<632x80xf32, #tpu.memory_space<hbm>>) target_semaphore(%run_scoped3A : memref<!tpu.dma_semaphore, #tpu.memory_space<semaphore_mem>>)
        %dma_wait3A = arith.constant 0 : i32
        %dma_wait3A_44 = tpu.memref_slice %arg10[%mul3A_0, %dma_wait3A] : memref<10112x80xf32, #tpu.memory_space<hbm>> -> memref<632x80xf32, #tpu.memory_space<hbm>>
        %dma_wait3A_45 = arith.constant 0 : i32
        %dma_wait3A_46 = tpu.memref_slice %arg18[%mul3A_0, %dma_wait3A_45] : memref<10112x80xf32, #tpu.memory_space<vmem_shared>> -> memref<632x80xf32, #tpu.memory_space<vmem_shared>>
        tpu.wait_dma2 semaphore(%run_scoped3A : memref<!tpu.dma_semaphore, #tpu.memory_space<semaphore_mem>>) src(%dma_wait3A_46 : memref<632x80xf32, #tpu.memory_space<vmem_shared>>) dst(%dma_wait3A_44 : memref<632x80xf32, #tpu.memory_space<hbm>>)
        tpu.yield
      }) : () -> ()
      %barrier3A_40 = arith.constant 0 : index
      tpu.barrier barrier_id(%barrier3A_40)
    } else {
    }
    %eq3A_3 = arith.constant 1 : i32
    %eq3A_4 = arith.cmpi eq, %arg0, %eq3A_3 : i32
    %convert_element_type3A_5 = arith.extui %eq3A_4 : i1 to i32
    %cond3A_6 = arith.constant 0 : i32
    %cond3A_7 = arith.cmpi ne, %convert_element_type3A_5, %cond3A_6 : i32
    scf.if %cond3A_7 {
      %add3A = arith.constant 0 : i32
      %add3A_8 = arith.addi %mul3A_0, %add3A : i32
      "tpu.region"() ({
        %run_scoped3A = tpu.sem_alloc : memref<!tpu.dma_semaphore, #tpu.memory_space<semaphore_mem>>
        %dma_start3A = arith.constant 0 : i32
        %dma_start3A_41 = tpu.memref_slice %arg18[%add3A_8, %dma_start3A] : memref<10112x80xf32, #tpu.memory_space<vmem_shared>> -> memref<128x80xf32, #tpu.memory_space<vmem_shared>>
        %dma_start3A_42 = arith.constant 0 : i32
        %dma_start3A_43 = tpu.memref_slice %arg18[%add3A_8, %dma_start3A_42] : memref<10112x80xf32, #tpu.memory_space<vmem_shared>> -> memref<128x80xf32, #tpu.memory_space<vmem_shared>>
        tpu.enqueue_dma source(%arg17 : memref<128x80xf32, #tpu.memory_space<vmem>>) target(%dma_start3A_43 : memref<128x80xf32, #tpu.memory_space<vmem_shared>>) target_semaphore(%run_scoped3A : memref<!tpu.dma_semaphore, #tpu.memory_space<semaphore_mem>>)
        %dma_wait3A = arith.constant 0 : i32
        %dma_wait3A_44 = tpu.memref_slice %arg18[%add3A_8, %dma_wait3A] : memref<10112x80xf32, #tpu.memory_space<vmem_shared>> -> memref<128x80xf32, #tpu.memory_space<vmem_shared>>
        %dma_wait3A_45 = arith.constant 0 : i32
        %dma_wait3A_46 = tpu.memref_slice %arg18[%add3A_8, %dma_wait3A_45] : memref<10112x80xf32, #tpu.memory_space<vmem_shared>> -> memref<128x80xf32, #tpu.memory_space<vmem_shared>>
        tpu.wait_dma2 semaphore(%run_scoped3A : memref<!tpu.dma_semaphore, #tpu.memory_space<semaphore_mem>>) src(%arg17 : memref<128x80xf32, #tpu.memory_space<vmem>>) dst(%dma_wait3A_46 : memref<128x80xf32, #tpu.memory_space<vmem_shared>>)
        tpu.yield
      }) : () -> ()
      %add3A_9 = arith.constant 128 : i32
      %add3A_10 = arith.addi %mul3A_0, %add3A_9 : i32
      "tpu.region"() ({
        %run_scoped3A = tpu.sem_alloc : memref<!tpu.dma_semaphore, #tpu.memory_space<semaphore_mem>>
        %dma_start3A = arith.constant 0 : i32
        %dma_start3A_41 = tpu.memref_slice %arg18[%add3A_10, %dma_start3A] : memref<10112x80xf32, #tpu.memory_space<vmem_shared>> -> memref<128x80xf32, #tpu.memory_space<vmem_shared>>
        %dma_start3A_42 = arith.constant 0 : i32
        %dma_start3A_43 = tpu.memref_slice %arg18[%add3A_10, %dma_start3A_42] : memref<10112x80xf32, #tpu.memory_space<vmem_shared>> -> memref<128x80xf32, #tpu.memory_space<vmem_shared>>
        tpu.enqueue_dma source(%arg17 : memref<128x80xf32, #tpu.memory_space<vmem>>) target(%dma_start3A_43 : memref<128x80xf32, #tpu.memory_space<vmem_shared>>) target_semaphore(%run_scoped3A : memref<!tpu.dma_semaphore, #tpu.memory_space<semaphore_mem>>)
        %dma_wait3A = arith.constant 0 : i32
        %dma_wait3A_44 = tpu.memref_slice %arg18[%add3A_10, %dma_wait3A] : memref<10112x80xf32, #tpu.memory_space<vmem_shared>> -> memref<128x80xf32, #tpu.memory_space<vmem_shared>>
        %dma_wait3A_45 = arith.constant 0 : i32
        %dma_wait3A_46 = tpu.memref_slice %arg18[%add3A_10, %dma_wait3A_45] : memref<10112x80xf32, #tpu.memory_space<vmem_shared>> -> memref<128x80xf32, #tpu.memory_space<vmem_shared>>
        tpu.wait_dma2 semaphore(%run_scoped3A : memref<!tpu.dma_semaphore, #tpu.memory_space<semaphore_mem>>) src(%arg17 : memref<128x80xf32, #tpu.memory_space<vmem>>) dst(%dma_wait3A_46 : memref<128x80xf32, #tpu.memory_space<vmem_shared>>)
        tpu.yield
      }) : () -> ()
      %add3A_11 = arith.constant 256 : i32
      %add3A_12 = arith.addi %mul3A_0, %add3A_11 : i32
      "tpu.region"() ({
        %run_scoped3A = tpu.sem_alloc : memref<!tpu.dma_semaphore, #tpu.memory_space<semaphore_mem>>
        %dma_start3A = arith.constant 0 : i32
        %dma_start3A_41 = tpu.memref_slice %arg18[%add3A_12, %dma_start3A] : memref<10112x80xf32, #tpu.memory_space<vmem_shared>> -> memref<128x80xf32, #tpu.memory_space<vmem_shared>>
        %dma_start3A_42 = arith.constant 0 : i32
        %dma_start3A_43 = tpu.memref_slice %arg18[%add3A_12, %dma_start3A_42] : memref<10112x80xf32, #tpu.memory_space<vmem_shared>> -> memref<128x80xf32, #tpu.memory_space<vmem_shared>>
        tpu.enqueue_dma source(%arg17 : memref<128x80xf32, #tpu.memory_space<vmem>>) target(%dma_start3A_43 : memref<128x80xf32, #tpu.memory_space<vmem_shared>>) target_semaphore(%run_scoped3A : memref<!tpu.dma_semaphore, #tpu.memory_space<semaphore_mem>>)
        %dma_wait3A = arith.constant 0 : i32
        %dma_wait3A_44 = tpu.memref_slice %arg18[%add3A_12, %dma_wait3A] : memref<10112x80xf32, #tpu.memory_space<vmem_shared>> -> memref<128x80xf32, #tpu.memory_space<vmem_shared>>
        %dma_wait3A_45 = arith.constant 0 : i32
        %dma_wait3A_46 = tpu.memref_slice %arg18[%add3A_12, %dma_wait3A_45] : memref<10112x80xf32, #tpu.memory_space<vmem_shared>> -> memref<128x80xf32, #tpu.memory_space<vmem_shared>>
        tpu.wait_dma2 semaphore(%run_scoped3A : memref<!tpu.dma_semaphore, #tpu.memory_space<semaphore_mem>>) src(%arg17 : memref<128x80xf32, #tpu.memory_space<vmem>>) dst(%dma_wait3A_46 : memref<128x80xf32, #tpu.memory_space<vmem_shared>>)
        tpu.yield
      }) : () -> ()
      %add3A_13 = arith.constant 384 : i32
      %add3A_14 = arith.addi %mul3A_0, %add3A_13 : i32
      "tpu.region"() ({
        %run_scoped3A = tpu.sem_alloc : memref<!tpu.dma_semaphore, #tpu.memory_space<semaphore_mem>>
        %dma_start3A = arith.constant 0 : i32
        %dma_start3A_41 = tpu.memref_slice %arg18[%add3A_14, %dma_start3A] : memref<10112x80xf32, #tpu.memory_space<vmem_shared>> -> memref<128x80xf32, #tpu.memory_space<vmem_shared>>
        %dma_start3A_42 = arith.constant 0 : i32
        %dma_start3A_43 = tpu.memref_slice %arg18[%add3A_14, %dma_start3A_42] : memref<10112x80xf32, #tpu.memory_space<vmem_shared>> -> memref<128x80xf32, #tpu.memory_space<vmem_shared>>
        tpu.enqueue_dma source(%arg17 : memref<128x80xf32, #tpu.memory_space<vmem>>) target(%dma_start3A_43 : memref<128x80xf32, #tpu.memory_space<vmem_shared>>) target_semaphore(%run_scoped3A : memref<!tpu.dma_semaphore, #tpu.memory_space<semaphore_mem>>)
        %dma_wait3A = arith.constant 0 : i32
        %dma_wait3A_44 = tpu.memref_slice %arg18[%add3A_14, %dma_wait3A] : memref<10112x80xf32, #tpu.memory_space<vmem_shared>> -> memref<128x80xf32, #tpu.memory_space<vmem_shared>>
        %dma_wait3A_45 = arith.constant 0 : i32
        %dma_wait3A_46 = tpu.memref_slice %arg18[%add3A_14, %dma_wait3A_45] : memref<10112x80xf32, #tpu.memory_space<vmem_shared>> -> memref<128x80xf32, #tpu.memory_space<vmem_shared>>
        tpu.wait_dma2 semaphore(%run_scoped3A : memref<!tpu.dma_semaphore, #tpu.memory_space<semaphore_mem>>) src(%arg17 : memref<128x80xf32, #tpu.memory_space<vmem>>) dst(%dma_wait3A_46 : memref<128x80xf32, #tpu.memory_space<vmem_shared>>)
        tpu.yield
      }) : () -> ()
      %add3A_15 = arith.constant 512 : i32
      %add3A_16 = arith.addi %mul3A_0, %add3A_15 : i32
      "tpu.region"() ({
        %run_scoped3A = tpu.sem_alloc : memref<!tpu.dma_semaphore, #tpu.memory_space<semaphore_mem>>
        %dma_start3A = arith.constant 0 : i32
        %dma_start3A_41 = arith.constant 0 : i32
        %dma_start3A_42 = tpu.memref_slice %arg17[%dma_start3A, %dma_start3A_41] : memref<128x80xf32, #tpu.memory_space<vmem>> -> memref<120x80xf32, #tpu.memory_space<vmem>>
        %dma_start3A_43 = arith.constant 0 : i32
        %dma_start3A_44 = tpu.memref_slice %arg18[%add3A_16, %dma_start3A_43] : memref<10112x80xf32, #tpu.memory_space<vmem_shared>> -> memref<120x80xf32, #tpu.memory_space<vmem_shared>>
        %dma_start3A_45 = arith.constant 0 : i32
        %dma_start3A_46 = tpu.memref_slice %arg18[%add3A_16, %dma_start3A_45] : memref<10112x80xf32, #tpu.memory_space<vmem_shared>> -> memref<120x80xf32, #tpu.memory_space<vmem_shared>>
        %dma_start3A_47 = arith.constant 0 : i32
        %dma_start3A_48 = arith.constant 0 : i32
        %dma_start3A_49 = tpu.memref_slice %arg17[%dma_start3A_47, %dma_start3A_48] : memref<128x80xf32, #tpu.memory_space<vmem>> -> memref<120x80xf32, #tpu.memory_space<vmem>>
        tpu.enqueue_dma source(%dma_start3A_49 : memref<120x80xf32, #tpu.memory_space<vmem>>) target(%dma_start3A_46 : memref<120x80xf32, #tpu.memory_space<vmem_shared>>) target_semaphore(%run_scoped3A : memref<!tpu.dma_semaphore, #tpu.memory_space<semaphore_mem>>)
        %dma_wait3A = arith.constant 0 : i32
        %dma_wait3A_50 = arith.constant 0 : i32
        %dma_wait3A_51 = tpu.memref_slice %arg17[%dma_wait3A, %dma_wait3A_50] : memref<128x80xf32, #tpu.memory_space<vmem>> -> memref<120x80xf32, #tpu.memory_space<vmem>>
        %dma_wait3A_52 = arith.constant 0 : i32
        %dma_wait3A_53 = tpu.memref_slice %arg18[%add3A_16, %dma_wait3A_52] : memref<10112x80xf32, #tpu.memory_space<vmem_shared>> -> memref<120x80xf32, #tpu.memory_space<vmem_shared>>
        %dma_wait3A_54 = arith.constant 0 : i32
        %dma_wait3A_55 = tpu.memref_slice %arg18[%add3A_16, %dma_wait3A_54] : memref<10112x80xf32, #tpu.memory_space<vmem_shared>> -> memref<120x80xf32, #tpu.memory_space<vmem_shared>>
        %dma_wait3A_56 = arith.constant 0 : i32
        %dma_wait3A_57 = arith.constant 0 : i32
        %dma_wait3A_58 = tpu.memref_slice %arg17[%dma_wait3A_56, %dma_wait3A_57] : memref<128x80xf32, #tpu.memory_space<vmem>> -> memref<120x80xf32, #tpu.memory_space<vmem>>
        tpu.wait_dma2 semaphore(%run_scoped3A : memref<!tpu.dma_semaphore, #tpu.memory_space<semaphore_mem>>) src(%dma_wait3A_58 : memref<120x80xf32, #tpu.memory_space<vmem>>) dst(%dma_wait3A_55 : memref<120x80xf32, #tpu.memory_space<vmem_shared>>)
        tpu.yield
      }) : () -> ()
      %barrier3A = arith.constant 0 : index
      tpu.barrier barrier_id(%barrier3A)
      %scan3A = arith.constant 0 : i32
      %scan3A_17 = arith.constant 79 : i32
      %scan3A_18 = arith.addi %scan3A, %scan3A_17 : i32
      %scan3A_19 = arith.constant 1 : i32
      scf.for %scan3A_41 = %scan3A to %scan3A_18 step %scan3A_19  : i32 {
        %mul3A_42 = arith.constant 1 : i32
        %mul3A_43 = arith.muli %scan3A_41, %mul3A_42 : i32
        %add3A_44 = arith.constant 0 : i32
        %add3A_45 = arith.addi %add3A_44, %mul3A_43 : i32
        "tpu.region"() ({
          %run_scoped3A = tpu.sem_alloc : memref<!tpu.dma_semaphore, #tpu.memory_space<semaphore_mem>>
          %dma_start3A = arith.constant 0 : i32
          %dma_start3A_46 = tpu.memref_slice %arg13[%add3A_45, %dma_start3A] : memref<79x128xi32, #tpu.memory_space<vmem>> -> memref<1x128xi32, #tpu.memory_space<vmem>>
          %dma_start3A_47 = tpu.memref_squeeze %dma_start3A_46 : memref<1x128xi32, #tpu.memory_space<vmem>> -> memref<128xi32, #tpu.memory_space<vmem>>
          %dma_start3A_48 = arith.constant 0 : i32
          %dma_start3A_49 = arith.constant 0 : i32
          %dma_start3A_50 = tpu.memref_slice %arg4[%dma_start3A_48, %dma_start3A_49] : memref<10112x80xf32, #tpu.memory_space<hbm>> -> memref<10112x80xf32, #tpu.memory_space<hbm>>
          tpu.enqueue_indirect_dma source(%dma_start3A_50 : memref<10112x80xf32, #tpu.memory_space<hbm>>) target(%arg15 : memref<128x80xf32, #tpu.memory_space<vmem>>) offsets(%dma_start3A_47 : memref<128xi32, #tpu.memory_space<vmem>>) semaphore(%run_scoped3A : memref<!tpu.dma_semaphore, #tpu.memory_space<semaphore_mem>>)
          %dma_wait3A = arith.constant 0 : i32
          %dma_wait3A_51 = tpu.memref_slice %arg13[%add3A_45, %dma_wait3A] : memref<79x128xi32, #tpu.memory_space<vmem>> -> memref<1x128xi32, #tpu.memory_space<vmem>>
          %dma_wait3A_52 = tpu.memref_squeeze %dma_wait3A_51 : memref<1x128xi32, #tpu.memory_space<vmem>> -> memref<128xi32, #tpu.memory_space<vmem>>
          %dma_wait3A_53 = arith.constant 0 : i32
          %dma_wait3A_54 = arith.constant 0 : i32
          %dma_wait3A_55 = tpu.memref_slice %arg4[%dma_wait3A_53, %dma_wait3A_54] : memref<10112x80xf32, #tpu.memory_space<hbm>> -> memref<10112x80xf32, #tpu.memory_space<hbm>>
          tpu.wait_indirect_dma semaphore(%run_scoped3A : memref<!tpu.dma_semaphore, #tpu.memory_space<semaphore_mem>>) src(%dma_wait3A_55 : memref<10112x80xf32, #tpu.memory_space<hbm>>) dst(%arg15 : memref<128x80xf32, #tpu.memory_space<vmem>>)
          tpu.yield
        }) : () -> ()
        "tpu.region"() ({
          %run_scoped3A = tpu.sem_alloc : memref<!tpu.dma_semaphore, #tpu.memory_space<semaphore_mem>>
          %dma_start3A = arith.constant 0 : i32
          %dma_start3A_46 = tpu.memref_slice %arg14[%add3A_45, %dma_start3A] : memref<79x128xi32, #tpu.memory_space<vmem>> -> memref<1x128xi32, #tpu.memory_space<vmem>>
          %dma_start3A_47 = tpu.memref_squeeze %dma_start3A_46 : memref<1x128xi32, #tpu.memory_space<vmem>> -> memref<128xi32, #tpu.memory_space<vmem>>
          %dma_start3A_48 = arith.constant 0 : i32
          %dma_start3A_49 = arith.constant 0 : i32
          %dma_start3A_50 = tpu.memref_slice %arg18[%dma_start3A_48, %dma_start3A_49] : memref<10112x80xf32, #tpu.memory_space<vmem_shared>> -> memref<10112x80xf32, #tpu.memory_space<vmem_shared>>
          tpu.enqueue_indirect_dma source(%arg15 : memref<128x80xf32, #tpu.memory_space<vmem>>) target(%dma_start3A_50 : memref<10112x80xf32, #tpu.memory_space<vmem_shared>>) offsets(%dma_start3A_47 : memref<128xi32, #tpu.memory_space<vmem>>) semaphore(%run_scoped3A : memref<!tpu.dma_semaphore, #tpu.memory_space<semaphore_mem>>) {add = true}
          %dma_wait3A = arith.constant 0 : i32
          %dma_wait3A_51 = tpu.memref_slice %arg14[%add3A_45, %dma_wait3A] : memref<79x128xi32, #tpu.memory_space<vmem>> -> memref<1x128xi32, #tpu.memory_space<vmem>>
          %dma_wait3A_52 = tpu.memref_squeeze %dma_wait3A_51 : memref<1x128xi32, #tpu.memory_space<vmem>> -> memref<128xi32, #tpu.memory_space<vmem>>
          %dma_wait3A_53 = arith.constant 0 : i32
          %dma_wait3A_54 = arith.constant 0 : i32
          %dma_wait3A_55 = tpu.memref_slice %arg18[%dma_wait3A_53, %dma_wait3A_54] : memref<10112x80xf32, #tpu.memory_space<vmem_shared>> -> memref<10112x80xf32, #tpu.memory_space<vmem_shared>>
          tpu.wait_indirect_dma semaphore(%run_scoped3A : memref<!tpu.dma_semaphore, #tpu.memory_space<semaphore_mem>>) src(%arg15 : memref<128x80xf32, #tpu.memory_space<vmem>>) dst(%dma_wait3A_55 : memref<10112x80xf32, #tpu.memory_space<vmem_shared>>)
          tpu.yield
        }) : () -> ()
      }
      %scan3A_20 = arith.constant 79 : i32
      %barrier3A_21 = arith.constant 0 : index
      tpu.barrier barrier_id(%barrier3A_21)
      "tpu.region"() ({
        %run_scoped3A = tpu.sem_alloc : memref<!tpu.dma_semaphore, #tpu.memory_space<semaphore_mem>>
        %dma_start3A = arith.constant 0 : i32
        %dma_start3A_41 = tpu.memref_slice %arg11[%mul3A_0, %dma_start3A] : memref<10112x80xf32, #tpu.memory_space<hbm>> -> memref<632x80xf32, #tpu.memory_space<hbm>>
        %dma_start3A_42 = arith.constant 0 : i32
        %dma_start3A_43 = tpu.memref_slice %arg18[%mul3A_0, %dma_start3A_42] : memref<10112x80xf32, #tpu.memory_space<vmem_shared>> -> memref<632x80xf32, #tpu.memory_space<vmem_shared>>
        tpu.enqueue_dma source(%dma_start3A_43 : memref<632x80xf32, #tpu.memory_space<vmem_shared>>) target(%dma_start3A_41 : memref<632x80xf32, #tpu.memory_space<hbm>>) target_semaphore(%run_scoped3A : memref<!tpu.dma_semaphore, #tpu.memory_space<semaphore_mem>>)
        %dma_wait3A = arith.constant 0 : i32
        %dma_wait3A_44 = tpu.memref_slice %arg11[%mul3A_0, %dma_wait3A] : memref<10112x80xf32, #tpu.memory_space<hbm>> -> memref<632x80xf32, #tpu.memory_space<hbm>>
        %dma_wait3A_45 = arith.constant 0 : i32
        %dma_wait3A_46 = tpu.memref_slice %arg18[%mul3A_0, %dma_wait3A_45] : memref<10112x80xf32, #tpu.memory_space<vmem_shared>> -> memref<632x80xf32, #tpu.memory_space<vmem_shared>>
        tpu.wait_dma2 semaphore(%run_scoped3A : memref<!tpu.dma_semaphore, #tpu.memory_space<semaphore_mem>>) src(%dma_wait3A_46 : memref<632x80xf32, #tpu.memory_space<vmem_shared>>) dst(%dma_wait3A_44 : memref<632x80xf32, #tpu.memory_space<hbm>>)
        tpu.yield
      }) : () -> ()
      %barrier3A_22 = arith.constant 0 : index
      tpu.barrier barrier_id(%barrier3A_22)
      %add3A_23 = arith.constant 0 : i32
      %add3A_24 = arith.addi %mul3A_0, %add3A_23 : i32
      "tpu.region"() ({
        %run_scoped3A = tpu.sem_alloc : memref<!tpu.dma_semaphore, #tpu.memory_space<semaphore_mem>>
        %dma_start3A = arith.constant 0 : i32
        %dma_start3A_41 = tpu.memref_slice %arg18[%add3A_24, %dma_start3A] : memref<10112x80xf32, #tpu.memory_space<vmem_shared>> -> memref<128x80xf32, #tpu.memory_space<vmem_shared>>
        %dma_start3A_42 = arith.constant 0 : i32
        %dma_start3A_43 = tpu.memref_slice %arg18[%add3A_24, %dma_start3A_42] : memref<10112x80xf32, #tpu.memory_space<vmem_shared>> -> memref<128x80xf32, #tpu.memory_space<vmem_shared>>
        tpu.enqueue_dma source(%arg17 : memref<128x80xf32, #tpu.memory_space<vmem>>) target(%dma_start3A_43 : memref<128x80xf32, #tpu.memory_space<vmem_shared>>) target_semaphore(%run_scoped3A : memref<!tpu.dma_semaphore, #tpu.memory_space<semaphore_mem>>)
        %dma_wait3A = arith.constant 0 : i32
        %dma_wait3A_44 = tpu.memref_slice %arg18[%add3A_24, %dma_wait3A] : memref<10112x80xf32, #tpu.memory_space<vmem_shared>> -> memref<128x80xf32, #tpu.memory_space<vmem_shared>>
        %dma_wait3A_45 = arith.constant 0 : i32
        %dma_wait3A_46 = tpu.memref_slice %arg18[%add3A_24, %dma_wait3A_45] : memref<10112x80xf32, #tpu.memory_space<vmem_shared>> -> memref<128x80xf32, #tpu.memory_space<vmem_shared>>
        tpu.wait_dma2 semaphore(%run_scoped3A : memref<!tpu.dma_semaphore, #tpu.memory_space<semaphore_mem>>) src(%arg17 : memref<128x80xf32, #tpu.memory_space<vmem>>) dst(%dma_wait3A_46 : memref<128x80xf32, #tpu.memory_space<vmem_shared>>)
        tpu.yield
      }) : () -> ()
      %add3A_25 = arith.constant 128 : i32
      %add3A_26 = arith.addi %mul3A_0, %add3A_25 : i32
      "tpu.region"() ({
        %run_scoped3A = tpu.sem_alloc : memref<!tpu.dma_semaphore, #tpu.memory_space<semaphore_mem>>
        %dma_start3A = arith.constant 0 : i32
        %dma_start3A_41 = tpu.memref_slice %arg18[%add3A_26, %dma_start3A] : memref<10112x80xf32, #tpu.memory_space<vmem_shared>> -> memref<128x80xf32, #tpu.memory_space<vmem_shared>>
        %dma_start3A_42 = arith.constant 0 : i32
        %dma_start3A_43 = tpu.memref_slice %arg18[%add3A_26, %dma_start3A_42] : memref<10112x80xf32, #tpu.memory_space<vmem_shared>> -> memref<128x80xf32, #tpu.memory_space<vmem_shared>>
        tpu.enqueue_dma source(%arg17 : memref<128x80xf32, #tpu.memory_space<vmem>>) target(%dma_start3A_43 : memref<128x80xf32, #tpu.memory_space<vmem_shared>>) target_semaphore(%run_scoped3A : memref<!tpu.dma_semaphore, #tpu.memory_space<semaphore_mem>>)
        %dma_wait3A = arith.constant 0 : i32
        %dma_wait3A_44 = tpu.memref_slice %arg18[%add3A_26, %dma_wait3A] : memref<10112x80xf32, #tpu.memory_space<vmem_shared>> -> memref<128x80xf32, #tpu.memory_space<vmem_shared>>
        %dma_wait3A_45 = arith.constant 0 : i32
        %dma_wait3A_46 = tpu.memref_slice %arg18[%add3A_26, %dma_wait3A_45] : memref<10112x80xf32, #tpu.memory_space<vmem_shared>> -> memref<128x80xf32, #tpu.memory_space<vmem_shared>>
        tpu.wait_dma2 semaphore(%run_scoped3A : memref<!tpu.dma_semaphore, #tpu.memory_space<semaphore_mem>>) src(%arg17 : memref<128x80xf32, #tpu.memory_space<vmem>>) dst(%dma_wait3A_46 : memref<128x80xf32, #tpu.memory_space<vmem_shared>>)
        tpu.yield
      }) : () -> ()
      %add3A_27 = arith.constant 256 : i32
      %add3A_28 = arith.addi %mul3A_0, %add3A_27 : i32
      "tpu.region"() ({
        %run_scoped3A = tpu.sem_alloc : memref<!tpu.dma_semaphore, #tpu.memory_space<semaphore_mem>>
        %dma_start3A = arith.constant 0 : i32
        %dma_start3A_41 = tpu.memref_slice %arg18[%add3A_28, %dma_start3A] : memref<10112x80xf32, #tpu.memory_space<vmem_shared>> -> memref<128x80xf32, #tpu.memory_space<vmem_shared>>
        %dma_start3A_42 = arith.constant 0 : i32
        %dma_start3A_43 = tpu.memref_slice %arg18[%add3A_28, %dma_start3A_42] : memref<10112x80xf32, #tpu.memory_space<vmem_shared>> -> memref<128x80xf32, #tpu.memory_space<vmem_shared>>
        tpu.enqueue_dma source(%arg17 : memref<128x80xf32, #tpu.memory_space<vmem>>) target(%dma_start3A_43 : memref<128x80xf32, #tpu.memory_space<vmem_shared>>) target_semaphore(%run_scoped3A : memref<!tpu.dma_semaphore, #tpu.memory_space<semaphore_mem>>)
        %dma_wait3A = arith.constant 0 : i32
        %dma_wait3A_44 = tpu.memref_slice %arg18[%add3A_28, %dma_wait3A] : memref<10112x80xf32, #tpu.memory_space<vmem_shared>> -> memref<128x80xf32, #tpu.memory_space<vmem_shared>>
        %dma_wait3A_45 = arith.constant 0 : i32
        %dma_wait3A_46 = tpu.memref_slice %arg18[%add3A_28, %dma_wait3A_45] : memref<10112x80xf32, #tpu.memory_space<vmem_shared>> -> memref<128x80xf32, #tpu.memory_space<vmem_shared>>
        tpu.wait_dma2 semaphore(%run_scoped3A : memref<!tpu.dma_semaphore, #tpu.memory_space<semaphore_mem>>) src(%arg17 : memref<128x80xf32, #tpu.memory_space<vmem>>) dst(%dma_wait3A_46 : memref<128x80xf32, #tpu.memory_space<vmem_shared>>)
        tpu.yield
      }) : () -> ()
      %add3A_29 = arith.constant 384 : i32
      %add3A_30 = arith.addi %mul3A_0, %add3A_29 : i32
      "tpu.region"() ({
        %run_scoped3A = tpu.sem_alloc : memref<!tpu.dma_semaphore, #tpu.memory_space<semaphore_mem>>
        %dma_start3A = arith.constant 0 : i32
        %dma_start3A_41 = tpu.memref_slice %arg18[%add3A_30, %dma_start3A] : memref<10112x80xf32, #tpu.memory_space<vmem_shared>> -> memref<128x80xf32, #tpu.memory_space<vmem_shared>>
        %dma_start3A_42 = arith.constant 0 : i32
        %dma_start3A_43 = tpu.memref_slice %arg18[%add3A_30, %dma_start3A_42] : memref<10112x80xf32, #tpu.memory_space<vmem_shared>> -> memref<128x80xf32, #tpu.memory_space<vmem_shared>>
        tpu.enqueue_dma source(%arg17 : memref<128x80xf32, #tpu.memory_space<vmem>>) target(%dma_start3A_43 : memref<128x80xf32, #tpu.memory_space<vmem_shared>>) target_semaphore(%run_scoped3A : memref<!tpu.dma_semaphore, #tpu.memory_space<semaphore_mem>>)
        %dma_wait3A = arith.constant 0 : i32
        %dma_wait3A_44 = tpu.memref_slice %arg18[%add3A_30, %dma_wait3A] : memref<10112x80xf32, #tpu.memory_space<vmem_shared>> -> memref<128x80xf32, #tpu.memory_space<vmem_shared>>
        %dma_wait3A_45 = arith.constant 0 : i32
        %dma_wait3A_46 = tpu.memref_slice %arg18[%add3A_30, %dma_wait3A_45] : memref<10112x80xf32, #tpu.memory_space<vmem_shared>> -> memref<128x80xf32, #tpu.memory_space<vmem_shared>>
        tpu.wait_dma2 semaphore(%run_scoped3A : memref<!tpu.dma_semaphore, #tpu.memory_space<semaphore_mem>>) src(%arg17 : memref<128x80xf32, #tpu.memory_space<vmem>>) dst(%dma_wait3A_46 : memref<128x80xf32, #tpu.memory_space<vmem_shared>>)
        tpu.yield
      }) : () -> ()
      %add3A_31 = arith.constant 512 : i32
      %add3A_32 = arith.addi %mul3A_0, %add3A_31 : i32
      "tpu.region"() ({
        %run_scoped3A = tpu.sem_alloc : memref<!tpu.dma_semaphore, #tpu.memory_space<semaphore_mem>>
        %dma_start3A = arith.constant 0 : i32
        %dma_start3A_41 = arith.constant 0 : i32
        %dma_start3A_42 = tpu.memref_slice %arg17[%dma_start3A, %dma_start3A_41] : memref<128x80xf32, #tpu.memory_space<vmem>> -> memref<120x80xf32, #tpu.memory_space<vmem>>
        %dma_start3A_43 = arith.constant 0 : i32
        %dma_start3A_44 = tpu.memref_slice %arg18[%add3A_32, %dma_start3A_43] : memref<10112x80xf32, #tpu.memory_space<vmem_shared>> -> memref<120x80xf32, #tpu.memory_space<vmem_shared>>
        %dma_start3A_45 = arith.constant 0 : i32
        %dma_start3A_46 = tpu.memref_slice %arg18[%add3A_32, %dma_start3A_45] : memref<10112x80xf32, #tpu.memory_space<vmem_shared>> -> memref<120x80xf32, #tpu.memory_space<vmem_shared>>
        %dma_start3A_47 = arith.constant 0 : i32
        %dma_start3A_48 = arith.constant 0 : i32
        %dma_start3A_49 = tpu.memref_slice %arg17[%dma_start3A_47, %dma_start3A_48] : memref<128x80xf32, #tpu.memory_space<vmem>> -> memref<120x80xf32, #tpu.memory_space<vmem>>
        tpu.enqueue_dma source(%dma_start3A_49 : memref<120x80xf32, #tpu.memory_space<vmem>>) target(%dma_start3A_46 : memref<120x80xf32, #tpu.memory_space<vmem_shared>>) target_semaphore(%run_scoped3A : memref<!tpu.dma_semaphore, #tpu.memory_space<semaphore_mem>>)
        %dma_wait3A = arith.constant 0 : i32
        %dma_wait3A_50 = arith.constant 0 : i32
        %dma_wait3A_51 = tpu.memref_slice %arg17[%dma_wait3A, %dma_wait3A_50] : memref<128x80xf32, #tpu.memory_space<vmem>> -> memref<120x80xf32, #tpu.memory_space<vmem>>
        %dma_wait3A_52 = arith.constant 0 : i32
        %dma_wait3A_53 = tpu.memref_slice %arg18[%add3A_32, %dma_wait3A_52] : memref<10112x80xf32, #tpu.memory_space<vmem_shared>> -> memref<120x80xf32, #tpu.memory_space<vmem_shared>>
        %dma_wait3A_54 = arith.constant 0 : i32
        %dma_wait3A_55 = tpu.memref_slice %arg18[%add3A_32, %dma_wait3A_54] : memref<10112x80xf32, #tpu.memory_space<vmem_shared>> -> memref<120x80xf32, #tpu.memory_space<vmem_shared>>
        %dma_wait3A_56 = arith.constant 0 : i32
        %dma_wait3A_57 = arith.constant 0 : i32
        %dma_wait3A_58 = tpu.memref_slice %arg17[%dma_wait3A_56, %dma_wait3A_57] : memref<128x80xf32, #tpu.memory_space<vmem>> -> memref<120x80xf32, #tpu.memory_space<vmem>>
        tpu.wait_dma2 semaphore(%run_scoped3A : memref<!tpu.dma_semaphore, #tpu.memory_space<semaphore_mem>>) src(%dma_wait3A_58 : memref<120x80xf32, #tpu.memory_space<vmem>>) dst(%dma_wait3A_55 : memref<120x80xf32, #tpu.memory_space<vmem_shared>>)
        tpu.yield
      }) : () -> ()
      %barrier3A_33 = arith.constant 0 : index
      tpu.barrier barrier_id(%barrier3A_33)
      %scan3A_34 = arith.constant 0 : i32
      %scan3A_35 = arith.constant 79 : i32
      %scan3A_36 = arith.addi %scan3A_34, %scan3A_35 : i32
      %scan3A_37 = arith.constant 1 : i32
      scf.for %scan3A_41 = %scan3A_34 to %scan3A_36 step %scan3A_37  : i32 {
        %mul3A_42 = arith.constant 1 : i32
        %mul3A_43 = arith.muli %scan3A_41, %mul3A_42 : i32
        %add3A_44 = arith.constant 0 : i32
        %add3A_45 = arith.addi %add3A_44, %mul3A_43 : i32
        "tpu.region"() ({
          %run_scoped3A = tpu.sem_alloc : memref<!tpu.dma_semaphore, #tpu.memory_space<semaphore_mem>>
          %dma_start3A = arith.constant 0 : i32
          %dma_start3A_46 = tpu.memref_slice %arg13[%add3A_45, %dma_start3A] : memref<79x128xi32, #tpu.memory_space<vmem>> -> memref<1x128xi32, #tpu.memory_space<vmem>>
          %dma_start3A_47 = tpu.memref_squeeze %dma_start3A_46 : memref<1x128xi32, #tpu.memory_space<vmem>> -> memref<128xi32, #tpu.memory_space<vmem>>
          %dma_start3A_48 = arith.constant 0 : i32
          %dma_start3A_49 = arith.constant 0 : i32
          %dma_start3A_50 = tpu.memref_slice %arg5[%dma_start3A_48, %dma_start3A_49] : memref<10112x80xf32, #tpu.memory_space<hbm>> -> memref<10112x80xf32, #tpu.memory_space<hbm>>
          tpu.enqueue_indirect_dma source(%dma_start3A_50 : memref<10112x80xf32, #tpu.memory_space<hbm>>) target(%arg15 : memref<128x80xf32, #tpu.memory_space<vmem>>) offsets(%dma_start3A_47 : memref<128xi32, #tpu.memory_space<vmem>>) semaphore(%run_scoped3A : memref<!tpu.dma_semaphore, #tpu.memory_space<semaphore_mem>>)
          %dma_wait3A = arith.constant 0 : i32
          %dma_wait3A_51 = tpu.memref_slice %arg13[%add3A_45, %dma_wait3A] : memref<79x128xi32, #tpu.memory_space<vmem>> -> memref<1x128xi32, #tpu.memory_space<vmem>>
          %dma_wait3A_52 = tpu.memref_squeeze %dma_wait3A_51 : memref<1x128xi32, #tpu.memory_space<vmem>> -> memref<128xi32, #tpu.memory_space<vmem>>
          %dma_wait3A_53 = arith.constant 0 : i32
          %dma_wait3A_54 = arith.constant 0 : i32
          %dma_wait3A_55 = tpu.memref_slice %arg5[%dma_wait3A_53, %dma_wait3A_54] : memref<10112x80xf32, #tpu.memory_space<hbm>> -> memref<10112x80xf32, #tpu.memory_space<hbm>>
          tpu.wait_indirect_dma semaphore(%run_scoped3A : memref<!tpu.dma_semaphore, #tpu.memory_space<semaphore_mem>>) src(%dma_wait3A_55 : memref<10112x80xf32, #tpu.memory_space<hbm>>) dst(%arg15 : memref<128x80xf32, #tpu.memory_space<vmem>>)
          tpu.yield
        }) : () -> ()
        "tpu.region"() ({
          %run_scoped3A = tpu.sem_alloc : memref<!tpu.dma_semaphore, #tpu.memory_space<semaphore_mem>>
          %dma_start3A = arith.constant 0 : i32
          %dma_start3A_46 = tpu.memref_slice %arg14[%add3A_45, %dma_start3A] : memref<79x128xi32, #tpu.memory_space<vmem>> -> memref<1x128xi32, #tpu.memory_space<vmem>>
          %dma_start3A_47 = tpu.memref_squeeze %dma_start3A_46 : memref<1x128xi32, #tpu.memory_space<vmem>> -> memref<128xi32, #tpu.memory_space<vmem>>
          %dma_start3A_48 = arith.constant 0 : i32
          %dma_start3A_49 = arith.constant 0 : i32
          %dma_start3A_50 = tpu.memref_slice %arg18[%dma_start3A_48, %dma_start3A_49] : memref<10112x80xf32, #tpu.memory_space<vmem_shared>> -> memref<10112x80xf32, #tpu.memory_space<vmem_shared>>
          tpu.enqueue_indirect_dma source(%arg15 : memref<128x80xf32, #tpu.memory_space<vmem>>) target(%dma_start3A_50 : memref<10112x80xf32, #tpu.memory_space<vmem_shared>>) offsets(%dma_start3A_47 : memref<128xi32, #tpu.memory_space<vmem>>) semaphore(%run_scoped3A : memref<!tpu.dma_semaphore, #tpu.memory_space<semaphore_mem>>) {add = true}
          %dma_wait3A = arith.constant 0 : i32
          %dma_wait3A_51 = tpu.memref_slice %arg14[%add3A_45, %dma_wait3A] : memref<79x128xi32, #tpu.memory_space<vmem>> -> memref<1x128xi32, #tpu.memory_space<vmem>>
          %dma_wait3A_52 = tpu.memref_squeeze %dma_wait3A_51 : memref<1x128xi32, #tpu.memory_space<vmem>> -> memref<128xi32, #tpu.memory_space<vmem>>
          %dma_wait3A_53 = arith.constant 0 : i32
          %dma_wait3A_54 = arith.constant 0 : i32
          %dma_wait3A_55 = tpu.memref_slice %arg18[%dma_wait3A_53, %dma_wait3A_54] : memref<10112x80xf32, #tpu.memory_space<vmem_shared>> -> memref<10112x80xf32, #tpu.memory_space<vmem_shared>>
          tpu.wait_indirect_dma semaphore(%run_scoped3A : memref<!tpu.dma_semaphore, #tpu.memory_space<semaphore_mem>>) src(%arg15 : memref<128x80xf32, #tpu.memory_space<vmem>>) dst(%dma_wait3A_55 : memref<10112x80xf32, #tpu.memory_space<vmem_shared>>)
          tpu.yield
        }) : () -> ()
      }
      %scan3A_38 = arith.constant 79 : i32
      %barrier3A_39 = arith.constant 0 : index
      tpu.barrier barrier_id(%barrier3A_39)
      "tpu.region"() ({
        %run_scoped3A = tpu.sem_alloc : memref<!tpu.dma_semaphore, #tpu.memory_space<semaphore_mem>>
        %dma_start3A = arith.constant 0 : i32
        %dma_start3A_41 = tpu.memref_slice %arg12[%mul3A_0, %dma_start3A] : memref<10112x80xf32, #tpu.memory_space<hbm>> -> memref<632x80xf32, #tpu.memory_space<hbm>>
        %dma_start3A_42 = arith.constant 0 : i32
        %dma_start3A_43 = tpu.memref_slice %arg18[%mul3A_0, %dma_start3A_42] : memref<10112x80xf32, #tpu.memory_space<vmem_shared>> -> memref<632x80xf32, #tpu.memory_space<vmem_shared>>
        tpu.enqueue_dma source(%dma_start3A_43 : memref<632x80xf32, #tpu.memory_space<vmem_shared>>) target(%dma_start3A_41 : memref<632x80xf32, #tpu.memory_space<hbm>>) target_semaphore(%run_scoped3A : memref<!tpu.dma_semaphore, #tpu.memory_space<semaphore_mem>>)
        %dma_wait3A = arith.constant 0 : i32
        %dma_wait3A_44 = tpu.memref_slice %arg12[%mul3A_0, %dma_wait3A] : memref<10112x80xf32, #tpu.memory_space<hbm>> -> memref<632x80xf32, #tpu.memory_space<hbm>>
        %dma_wait3A_45 = arith.constant 0 : i32
        %dma_wait3A_46 = tpu.memref_slice %arg18[%mul3A_0, %dma_wait3A_45] : memref<10112x80xf32, #tpu.memory_space<vmem_shared>> -> memref<632x80xf32, #tpu.memory_space<vmem_shared>>
        tpu.wait_dma2 semaphore(%run_scoped3A : memref<!tpu.dma_semaphore, #tpu.memory_space<semaphore_mem>>) src(%dma_wait3A_46 : memref<632x80xf32, #tpu.memory_space<vmem_shared>>) dst(%dma_wait3A_44 : memref<632x80xf32, #tpu.memory_space<hbm>>)
        tpu.yield
      }) : () -> ()
      %barrier3A_40 = arith.constant 0 : index
      tpu.barrier barrier_id(%barrier3A_40)
    } else {
    }
    return
  }
}

#map = affine_map<(d0, d1) -> (0, 0)>
#map1 = affine_map<(d0, d1) -> (0, 0, 0)>
module attributes {stable_mosaic.version = 14 : i64} {
  func.func @_agg_body(%arg0: i32, %arg1: i32, %arg2: memref<10112x80xf32, #tpu.memory_space<hbm>>, %arg3: memref<10112x80xf32, #tpu.memory_space<hbm>>, %arg4: memref<10112x80xf32, #tpu.memory_space<hbm>>, %arg5: memref<10112x80xf32, #tpu.memory_space<hbm>>, %arg6: memref<16x79x128xi32, #tpu.memory_space<hbm>>, %arg7: memref<16x79x128xi32, #tpu.memory_space<hbm>>, %arg8: memref<128x80xf32, #tpu.memory_space<hbm>>, %arg9: memref<10112x80xf32, #tpu.memory_space<hbm>>, %arg10: memref<10112x80xf32, #tpu.memory_space<hbm>>, %arg11: memref<10112x80xf32, #tpu.memory_space<hbm>>, %arg12: memref<10112x80xf32, #tpu.memory_space<hbm>>, %arg13: memref<79x128xi32, #tpu.memory_space<vmem>>, %arg14: memref<79x128xi32, #tpu.memory_space<vmem>>, %arg15: memref<128x80xf32, #tpu.memory_space<vmem>>, %arg16: memref<128x80xf32, #tpu.memory_space<vmem>>, %arg17: memref<128x80xf32, #tpu.memory_space<vmem>>, %arg18: memref<10112x80xf32, #tpu.memory_space<vmem_shared>>, %arg19: memref<!tpu.dma_semaphore, #tpu.memory_space<semaphore_mem>>, %arg20: memref<!tpu.dma_semaphore, #tpu.memory_space<semaphore_mem>>) attributes {dimension_semantics = [#tpu.dimension_semantics<core_parallel>, #tpu.dimension_semantics<subcore_parallel>], iteration_bounds = array<i64: 2, 16>, scalar_prefetch = 0 : i64, scratch_operands = 8 : i64, tpu.core_type = #tpu.core_type<sc_vector_subcore>, window_params = [{transform_indices = #map}, {transform_indices = #map}, {transform_indices = #map}, {transform_indices = #map}, {transform_indices = #map1}, {transform_indices = #map1}, {transform_indices = #map}, {transform_indices = #map}, {transform_indices = #map}, {transform_indices = #map}, {transform_indices = #map}]} {
    %mul3A = arith.constant 632 : i32
    %mul3A_0 = arith.muli %arg1, %mul3A : i32
    "tpu.region"() ({
      %run_scoped3A = tpu.sem_alloc : memref<!tpu.dma_semaphore, #tpu.memory_space<semaphore_mem>>
      %dma_start3A = arith.constant 0 : i32
      %dma_start3A_8 = arith.constant 0 : i32
      %dma_start3A_9 = tpu.memref_slice %arg6[%arg1, %dma_start3A, %dma_start3A_8] : memref<16x79x128xi32, #tpu.memory_space<hbm>> -> memref<1x79x128xi32, #tpu.memory_space<hbm>>
      %dma_start3A_10 = tpu.memref_squeeze %dma_start3A_9 : memref<1x79x128xi32, #tpu.memory_space<hbm>> -> memref<79x128xi32, #tpu.memory_space<hbm>>
      %dma_start3A_11 = arith.constant 0 : i32
      %dma_start3A_12 = arith.constant 0 : i32
      %dma_start3A_13 = tpu.memref_slice %arg6[%arg1, %dma_start3A_11, %dma_start3A_12] : memref<16x79x128xi32, #tpu.memory_space<hbm>> -> memref<1x79x128xi32, #tpu.memory_space<hbm>>
      %dma_start3A_14 = tpu.memref_squeeze %dma_start3A_13 : memref<1x79x128xi32, #tpu.memory_space<hbm>> -> memref<79x128xi32, #tpu.memory_space<hbm>>
      tpu.enqueue_dma source(%dma_start3A_14 : memref<79x128xi32, #tpu.memory_space<hbm>>) target(%arg13 : memref<79x128xi32, #tpu.memory_space<vmem>>) target_semaphore(%run_scoped3A : memref<!tpu.dma_semaphore, #tpu.memory_space<semaphore_mem>>)
      %dma_wait3A = arith.constant 0 : i32
      %dma_wait3A_15 = arith.constant 0 : i32
      %dma_wait3A_16 = tpu.memref_slice %arg6[%arg1, %dma_wait3A, %dma_wait3A_15] : memref<16x79x128xi32, #tpu.memory_space<hbm>> -> memref<1x79x128xi32, #tpu.memory_space<hbm>>
      %dma_wait3A_17 = tpu.memref_squeeze %dma_wait3A_16 : memref<1x79x128xi32, #tpu.memory_space<hbm>> -> memref<79x128xi32, #tpu.memory_space<hbm>>
      %dma_wait3A_18 = arith.constant 0 : i32
      %dma_wait3A_19 = arith.constant 0 : i32
      %dma_wait3A_20 = tpu.memref_slice %arg6[%arg1, %dma_wait3A_18, %dma_wait3A_19] : memref<16x79x128xi32, #tpu.memory_space<hbm>> -> memref<1x79x128xi32, #tpu.memory_space<hbm>>
      %dma_wait3A_21 = tpu.memref_squeeze %dma_wait3A_20 : memref<1x79x128xi32, #tpu.memory_space<hbm>> -> memref<79x128xi32, #tpu.memory_space<hbm>>
      tpu.wait_dma2 semaphore(%run_scoped3A : memref<!tpu.dma_semaphore, #tpu.memory_space<semaphore_mem>>) src(%dma_wait3A_21 : memref<79x128xi32, #tpu.memory_space<hbm>>) dst(%arg13 : memref<79x128xi32, #tpu.memory_space<vmem>>)
      tpu.yield
    }) : () -> ()
    "tpu.region"() ({
      %run_scoped3A = tpu.sem_alloc : memref<!tpu.dma_semaphore, #tpu.memory_space<semaphore_mem>>
      %dma_start3A = arith.constant 0 : i32
      %dma_start3A_8 = arith.constant 0 : i32
      %dma_start3A_9 = tpu.memref_slice %arg7[%arg1, %dma_start3A, %dma_start3A_8] : memref<16x79x128xi32, #tpu.memory_space<hbm>> -> memref<1x79x128xi32, #tpu.memory_space<hbm>>
      %dma_start3A_10 = tpu.memref_squeeze %dma_start3A_9 : memref<1x79x128xi32, #tpu.memory_space<hbm>> -> memref<79x128xi32, #tpu.memory_space<hbm>>
      %dma_start3A_11 = arith.constant 0 : i32
      %dma_start3A_12 = arith.constant 0 : i32
      %dma_start3A_13 = tpu.memref_slice %arg7[%arg1, %dma_start3A_11, %dma_start3A_12] : memref<16x79x128xi32, #tpu.memory_space<hbm>> -> memref<1x79x128xi32, #tpu.memory_space<hbm>>
      %dma_start3A_14 = tpu.memref_squeeze %dma_start3A_13 : memref<1x79x128xi32, #tpu.memory_space<hbm>> -> memref<79x128xi32, #tpu.memory_space<hbm>>
      tpu.enqueue_dma source(%dma_start3A_14 : memref<79x128xi32, #tpu.memory_space<hbm>>) target(%arg14 : memref<79x128xi32, #tpu.memory_space<vmem>>) target_semaphore(%run_scoped3A : memref<!tpu.dma_semaphore, #tpu.memory_space<semaphore_mem>>)
      %dma_wait3A = arith.constant 0 : i32
      %dma_wait3A_15 = arith.constant 0 : i32
      %dma_wait3A_16 = tpu.memref_slice %arg7[%arg1, %dma_wait3A, %dma_wait3A_15] : memref<16x79x128xi32, #tpu.memory_space<hbm>> -> memref<1x79x128xi32, #tpu.memory_space<hbm>>
      %dma_wait3A_17 = tpu.memref_squeeze %dma_wait3A_16 : memref<1x79x128xi32, #tpu.memory_space<hbm>> -> memref<79x128xi32, #tpu.memory_space<hbm>>
      %dma_wait3A_18 = arith.constant 0 : i32
      %dma_wait3A_19 = arith.constant 0 : i32
      %dma_wait3A_20 = tpu.memref_slice %arg7[%arg1, %dma_wait3A_18, %dma_wait3A_19] : memref<16x79x128xi32, #tpu.memory_space<hbm>> -> memref<1x79x128xi32, #tpu.memory_space<hbm>>
      %dma_wait3A_21 = tpu.memref_squeeze %dma_wait3A_20 : memref<1x79x128xi32, #tpu.memory_space<hbm>> -> memref<79x128xi32, #tpu.memory_space<hbm>>
      tpu.wait_dma2 semaphore(%run_scoped3A : memref<!tpu.dma_semaphore, #tpu.memory_space<semaphore_mem>>) src(%dma_wait3A_21 : memref<79x128xi32, #tpu.memory_space<hbm>>) dst(%arg14 : memref<79x128xi32, #tpu.memory_space<vmem>>)
      tpu.yield
    }) : () -> ()
    "tpu.region"() ({
      %run_scoped3A = tpu.sem_alloc : memref<!tpu.dma_semaphore, #tpu.memory_space<semaphore_mem>>
      tpu.enqueue_dma source(%arg8 : memref<128x80xf32, #tpu.memory_space<hbm>>) target(%arg17 : memref<128x80xf32, #tpu.memory_space<vmem>>) target_semaphore(%run_scoped3A : memref<!tpu.dma_semaphore, #tpu.memory_space<semaphore_mem>>)
      tpu.wait_dma2 semaphore(%run_scoped3A : memref<!tpu.dma_semaphore, #tpu.memory_space<semaphore_mem>>) src(%arg8 : memref<128x80xf32, #tpu.memory_space<hbm>>) dst(%arg17 : memref<128x80xf32, #tpu.memory_space<vmem>>)
      tpu.yield
    }) : () -> ()
    %eq3A = arith.constant 0 : i32
    %eq3A_1 = arith.cmpi eq, %arg0, %eq3A : i32
    %convert_element_type3A = arith.extui %eq3A_1 : i1 to i32
    %cond3A = arith.constant 0 : i32
    %cond3A_2 = arith.cmpi ne, %convert_element_type3A, %cond3A : i32
    scf.if %cond3A_2 {
      %add3A = arith.constant 0 : i32
      %add3A_8 = arith.addi %mul3A_0, %add3A : i32
      "tpu.region"() ({
        %run_scoped3A = tpu.sem_alloc : memref<!tpu.dma_semaphore, #tpu.memory_space<semaphore_mem>>
        %dma_start3A = arith.constant 0 : i32
        %dma_start3A_41 = tpu.memref_slice %arg18[%add3A_8, %dma_start3A] : memref<10112x80xf32, #tpu.memory_space<vmem_shared>> -> memref<128x80xf32, #tpu.memory_space<vmem_shared>>
        %dma_start3A_42 = arith.constant 0 : i32
        %dma_start3A_43 = tpu.memref_slice %arg18[%add3A_8, %dma_start3A_42] : memref<10112x80xf32, #tpu.memory_space<vmem_shared>> -> memref<128x80xf32, #tpu.memory_space<vmem_shared>>
        tpu.enqueue_dma source(%arg17 : memref<128x80xf32, #tpu.memory_space<vmem>>) target(%dma_start3A_43 : memref<128x80xf32, #tpu.memory_space<vmem_shared>>) target_semaphore(%run_scoped3A : memref<!tpu.dma_semaphore, #tpu.memory_space<semaphore_mem>>)
        %dma_wait3A = arith.constant 0 : i32
        %dma_wait3A_44 = tpu.memref_slice %arg18[%add3A_8, %dma_wait3A] : memref<10112x80xf32, #tpu.memory_space<vmem_shared>> -> memref<128x80xf32, #tpu.memory_space<vmem_shared>>
        %dma_wait3A_45 = arith.constant 0 : i32
        %dma_wait3A_46 = tpu.memref_slice %arg18[%add3A_8, %dma_wait3A_45] : memref<10112x80xf32, #tpu.memory_space<vmem_shared>> -> memref<128x80xf32, #tpu.memory_space<vmem_shared>>
        tpu.wait_dma2 semaphore(%run_scoped3A : memref<!tpu.dma_semaphore, #tpu.memory_space<semaphore_mem>>) src(%arg17 : memref<128x80xf32, #tpu.memory_space<vmem>>) dst(%dma_wait3A_46 : memref<128x80xf32, #tpu.memory_space<vmem_shared>>)
        tpu.yield
      }) : () -> ()
      %add3A_9 = arith.constant 128 : i32
      %add3A_10 = arith.addi %mul3A_0, %add3A_9 : i32
      "tpu.region"() ({
        %run_scoped3A = tpu.sem_alloc : memref<!tpu.dma_semaphore, #tpu.memory_space<semaphore_mem>>
        %dma_start3A = arith.constant 0 : i32
        %dma_start3A_41 = tpu.memref_slice %arg18[%add3A_10, %dma_start3A] : memref<10112x80xf32, #tpu.memory_space<vmem_shared>> -> memref<128x80xf32, #tpu.memory_space<vmem_shared>>
        %dma_start3A_42 = arith.constant 0 : i32
        %dma_start3A_43 = tpu.memref_slice %arg18[%add3A_10, %dma_start3A_42] : memref<10112x80xf32, #tpu.memory_space<vmem_shared>> -> memref<128x80xf32, #tpu.memory_space<vmem_shared>>
        tpu.enqueue_dma source(%arg17 : memref<128x80xf32, #tpu.memory_space<vmem>>) target(%dma_start3A_43 : memref<128x80xf32, #tpu.memory_space<vmem_shared>>) target_semaphore(%run_scoped3A : memref<!tpu.dma_semaphore, #tpu.memory_space<semaphore_mem>>)
        %dma_wait3A = arith.constant 0 : i32
        %dma_wait3A_44 = tpu.memref_slice %arg18[%add3A_10, %dma_wait3A] : memref<10112x80xf32, #tpu.memory_space<vmem_shared>> -> memref<128x80xf32, #tpu.memory_space<vmem_shared>>
        %dma_wait3A_45 = arith.constant 0 : i32
        %dma_wait3A_46 = tpu.memref_slice %arg18[%add3A_10, %dma_wait3A_45] : memref<10112x80xf32, #tpu.memory_space<vmem_shared>> -> memref<128x80xf32, #tpu.memory_space<vmem_shared>>
        tpu.wait_dma2 semaphore(%run_scoped3A : memref<!tpu.dma_semaphore, #tpu.memory_space<semaphore_mem>>) src(%arg17 : memref<128x80xf32, #tpu.memory_space<vmem>>) dst(%dma_wait3A_46 : memref<128x80xf32, #tpu.memory_space<vmem_shared>>)
        tpu.yield
      }) : () -> ()
      %add3A_11 = arith.constant 256 : i32
      %add3A_12 = arith.addi %mul3A_0, %add3A_11 : i32
      "tpu.region"() ({
        %run_scoped3A = tpu.sem_alloc : memref<!tpu.dma_semaphore, #tpu.memory_space<semaphore_mem>>
        %dma_start3A = arith.constant 0 : i32
        %dma_start3A_41 = tpu.memref_slice %arg18[%add3A_12, %dma_start3A] : memref<10112x80xf32, #tpu.memory_space<vmem_shared>> -> memref<128x80xf32, #tpu.memory_space<vmem_shared>>
        %dma_start3A_42 = arith.constant 0 : i32
        %dma_start3A_43 = tpu.memref_slice %arg18[%add3A_12, %dma_start3A_42] : memref<10112x80xf32, #tpu.memory_space<vmem_shared>> -> memref<128x80xf32, #tpu.memory_space<vmem_shared>>
        tpu.enqueue_dma source(%arg17 : memref<128x80xf32, #tpu.memory_space<vmem>>) target(%dma_start3A_43 : memref<128x80xf32, #tpu.memory_space<vmem_shared>>) target_semaphore(%run_scoped3A : memref<!tpu.dma_semaphore, #tpu.memory_space<semaphore_mem>>)
        %dma_wait3A = arith.constant 0 : i32
        %dma_wait3A_44 = tpu.memref_slice %arg18[%add3A_12, %dma_wait3A] : memref<10112x80xf32, #tpu.memory_space<vmem_shared>> -> memref<128x80xf32, #tpu.memory_space<vmem_shared>>
        %dma_wait3A_45 = arith.constant 0 : i32
        %dma_wait3A_46 = tpu.memref_slice %arg18[%add3A_12, %dma_wait3A_45] : memref<10112x80xf32, #tpu.memory_space<vmem_shared>> -> memref<128x80xf32, #tpu.memory_space<vmem_shared>>
        tpu.wait_dma2 semaphore(%run_scoped3A : memref<!tpu.dma_semaphore, #tpu.memory_space<semaphore_mem>>) src(%arg17 : memref<128x80xf32, #tpu.memory_space<vmem>>) dst(%dma_wait3A_46 : memref<128x80xf32, #tpu.memory_space<vmem_shared>>)
        tpu.yield
      }) : () -> ()
      %add3A_13 = arith.constant 384 : i32
      %add3A_14 = arith.addi %mul3A_0, %add3A_13 : i32
      "tpu.region"() ({
        %run_scoped3A = tpu.sem_alloc : memref<!tpu.dma_semaphore, #tpu.memory_space<semaphore_mem>>
        %dma_start3A = arith.constant 0 : i32
        %dma_start3A_41 = tpu.memref_slice %arg18[%add3A_14, %dma_start3A] : memref<10112x80xf32, #tpu.memory_space<vmem_shared>> -> memref<128x80xf32, #tpu.memory_space<vmem_shared>>
        %dma_start3A_42 = arith.constant 0 : i32
        %dma_start3A_43 = tpu.memref_slice %arg18[%add3A_14, %dma_start3A_42] : memref<10112x80xf32, #tpu.memory_space<vmem_shared>> -> memref<128x80xf32, #tpu.memory_space<vmem_shared>>
        tpu.enqueue_dma source(%arg17 : memref<128x80xf32, #tpu.memory_space<vmem>>) target(%dma_start3A_43 : memref<128x80xf32, #tpu.memory_space<vmem_shared>>) target_semaphore(%run_scoped3A : memref<!tpu.dma_semaphore, #tpu.memory_space<semaphore_mem>>)
        %dma_wait3A = arith.constant 0 : i32
        %dma_wait3A_44 = tpu.memref_slice %arg18[%add3A_14, %dma_wait3A] : memref<10112x80xf32, #tpu.memory_space<vmem_shared>> -> memref<128x80xf32, #tpu.memory_space<vmem_shared>>
        %dma_wait3A_45 = arith.constant 0 : i32
        %dma_wait3A_46 = tpu.memref_slice %arg18[%add3A_14, %dma_wait3A_45] : memref<10112x80xf32, #tpu.memory_space<vmem_shared>> -> memref<128x80xf32, #tpu.memory_space<vmem_shared>>
        tpu.wait_dma2 semaphore(%run_scoped3A : memref<!tpu.dma_semaphore, #tpu.memory_space<semaphore_mem>>) src(%arg17 : memref<128x80xf32, #tpu.memory_space<vmem>>) dst(%dma_wait3A_46 : memref<128x80xf32, #tpu.memory_space<vmem_shared>>)
        tpu.yield
      }) : () -> ()
      %add3A_15 = arith.constant 512 : i32
      %add3A_16 = arith.addi %mul3A_0, %add3A_15 : i32
      "tpu.region"() ({
        %run_scoped3A = tpu.sem_alloc : memref<!tpu.dma_semaphore, #tpu.memory_space<semaphore_mem>>
        %dma_start3A = arith.constant 0 : i32
        %dma_start3A_41 = arith.constant 0 : i32
        %dma_start3A_42 = tpu.memref_slice %arg17[%dma_start3A, %dma_start3A_41] : memref<128x80xf32, #tpu.memory_space<vmem>> -> memref<120x80xf32, #tpu.memory_space<vmem>>
        %dma_start3A_43 = arith.constant 0 : i32
        %dma_start3A_44 = tpu.memref_slice %arg18[%add3A_16, %dma_start3A_43] : memref<10112x80xf32, #tpu.memory_space<vmem_shared>> -> memref<120x80xf32, #tpu.memory_space<vmem_shared>>
        %dma_start3A_45 = arith.constant 0 : i32
        %dma_start3A_46 = tpu.memref_slice %arg18[%add3A_16, %dma_start3A_45] : memref<10112x80xf32, #tpu.memory_space<vmem_shared>> -> memref<120x80xf32, #tpu.memory_space<vmem_shared>>
        %dma_start3A_47 = arith.constant 0 : i32
        %dma_start3A_48 = arith.constant 0 : i32
        %dma_start3A_49 = tpu.memref_slice %arg17[%dma_start3A_47, %dma_start3A_48] : memref<128x80xf32, #tpu.memory_space<vmem>> -> memref<120x80xf32, #tpu.memory_space<vmem>>
        tpu.enqueue_dma source(%dma_start3A_49 : memref<120x80xf32, #tpu.memory_space<vmem>>) target(%dma_start3A_46 : memref<120x80xf32, #tpu.memory_space<vmem_shared>>) target_semaphore(%run_scoped3A : memref<!tpu.dma_semaphore, #tpu.memory_space<semaphore_mem>>)
        %dma_wait3A = arith.constant 0 : i32
        %dma_wait3A_50 = arith.constant 0 : i32
        %dma_wait3A_51 = tpu.memref_slice %arg17[%dma_wait3A, %dma_wait3A_50] : memref<128x80xf32, #tpu.memory_space<vmem>> -> memref<120x80xf32, #tpu.memory_space<vmem>>
        %dma_wait3A_52 = arith.constant 0 : i32
        %dma_wait3A_53 = tpu.memref_slice %arg18[%add3A_16, %dma_wait3A_52] : memref<10112x80xf32, #tpu.memory_space<vmem_shared>> -> memref<120x80xf32, #tpu.memory_space<vmem_shared>>
        %dma_wait3A_54 = arith.constant 0 : i32
        %dma_wait3A_55 = tpu.memref_slice %arg18[%add3A_16, %dma_wait3A_54] : memref<10112x80xf32, #tpu.memory_space<vmem_shared>> -> memref<120x80xf32, #tpu.memory_space<vmem_shared>>
        %dma_wait3A_56 = arith.constant 0 : i32
        %dma_wait3A_57 = arith.constant 0 : i32
        %dma_wait3A_58 = tpu.memref_slice %arg17[%dma_wait3A_56, %dma_wait3A_57] : memref<128x80xf32, #tpu.memory_space<vmem>> -> memref<120x80xf32, #tpu.memory_space<vmem>>
        tpu.wait_dma2 semaphore(%run_scoped3A : memref<!tpu.dma_semaphore, #tpu.memory_space<semaphore_mem>>) src(%dma_wait3A_58 : memref<120x80xf32, #tpu.memory_space<vmem>>) dst(%dma_wait3A_55 : memref<120x80xf32, #tpu.memory_space<vmem_shared>>)
        tpu.yield
      }) : () -> ()
      %barrier3A = arith.constant 0 : index
      tpu.barrier barrier_id(%barrier3A)
      %scan3A = arith.constant 0 : i32
      %scan3A_17 = arith.constant 79 : i32
      %scan3A_18 = arith.addi %scan3A, %scan3A_17 : i32
      %scan3A_19 = arith.constant 1 : i32
      scf.for %scan3A_41 = %scan3A to %scan3A_18 step %scan3A_19  : i32 {
        %mul3A_42 = arith.constant 1 : i32
        %mul3A_43 = arith.muli %scan3A_41, %mul3A_42 : i32
        %add3A_44 = arith.constant 0 : i32
        %add3A_45 = arith.addi %add3A_44, %mul3A_43 : i32
        "tpu.region"() ({
          %run_scoped3A = tpu.sem_alloc : memref<!tpu.dma_semaphore, #tpu.memory_space<semaphore_mem>>
          %dma_start3A = arith.constant 0 : i32
          %dma_start3A_46 = tpu.memref_slice %arg13[%add3A_45, %dma_start3A] : memref<79x128xi32, #tpu.memory_space<vmem>> -> memref<1x128xi32, #tpu.memory_space<vmem>>
          %dma_start3A_47 = tpu.memref_squeeze %dma_start3A_46 : memref<1x128xi32, #tpu.memory_space<vmem>> -> memref<128xi32, #tpu.memory_space<vmem>>
          %dma_start3A_48 = arith.constant 0 : i32
          %dma_start3A_49 = arith.constant 0 : i32
          %dma_start3A_50 = tpu.memref_slice %arg2[%dma_start3A_48, %dma_start3A_49] : memref<10112x80xf32, #tpu.memory_space<hbm>> -> memref<10112x80xf32, #tpu.memory_space<hbm>>
          tpu.enqueue_indirect_dma source(%dma_start3A_50 : memref<10112x80xf32, #tpu.memory_space<hbm>>) target(%arg15 : memref<128x80xf32, #tpu.memory_space<vmem>>) offsets(%dma_start3A_47 : memref<128xi32, #tpu.memory_space<vmem>>) semaphore(%run_scoped3A : memref<!tpu.dma_semaphore, #tpu.memory_space<semaphore_mem>>)
          %dma_wait3A = arith.constant 0 : i32
          %dma_wait3A_51 = tpu.memref_slice %arg13[%add3A_45, %dma_wait3A] : memref<79x128xi32, #tpu.memory_space<vmem>> -> memref<1x128xi32, #tpu.memory_space<vmem>>
          %dma_wait3A_52 = tpu.memref_squeeze %dma_wait3A_51 : memref<1x128xi32, #tpu.memory_space<vmem>> -> memref<128xi32, #tpu.memory_space<vmem>>
          %dma_wait3A_53 = arith.constant 0 : i32
          %dma_wait3A_54 = arith.constant 0 : i32
          %dma_wait3A_55 = tpu.memref_slice %arg2[%dma_wait3A_53, %dma_wait3A_54] : memref<10112x80xf32, #tpu.memory_space<hbm>> -> memref<10112x80xf32, #tpu.memory_space<hbm>>
          tpu.wait_indirect_dma semaphore(%run_scoped3A : memref<!tpu.dma_semaphore, #tpu.memory_space<semaphore_mem>>) src(%dma_wait3A_55 : memref<10112x80xf32, #tpu.memory_space<hbm>>) dst(%arg15 : memref<128x80xf32, #tpu.memory_space<vmem>>)
          tpu.yield
        }) : () -> ()
        "tpu.region"() ({
          %run_scoped3A = tpu.sem_alloc : memref<!tpu.dma_semaphore, #tpu.memory_space<semaphore_mem>>
          %dma_start3A = arith.constant 0 : i32
          %dma_start3A_46 = tpu.memref_slice %arg14[%add3A_45, %dma_start3A] : memref<79x128xi32, #tpu.memory_space<vmem>> -> memref<1x128xi32, #tpu.memory_space<vmem>>
          %dma_start3A_47 = tpu.memref_squeeze %dma_start3A_46 : memref<1x128xi32, #tpu.memory_space<vmem>> -> memref<128xi32, #tpu.memory_space<vmem>>
          %dma_start3A_48 = arith.constant 0 : i32
          %dma_start3A_49 = arith.constant 0 : i32
          %dma_start3A_50 = tpu.memref_slice %arg18[%dma_start3A_48, %dma_start3A_49] : memref<10112x80xf32, #tpu.memory_space<vmem_shared>> -> memref<10112x80xf32, #tpu.memory_space<vmem_shared>>
          tpu.enqueue_indirect_dma source(%arg15 : memref<128x80xf32, #tpu.memory_space<vmem>>) target(%dma_start3A_50 : memref<10112x80xf32, #tpu.memory_space<vmem_shared>>) offsets(%dma_start3A_47 : memref<128xi32, #tpu.memory_space<vmem>>) semaphore(%run_scoped3A : memref<!tpu.dma_semaphore, #tpu.memory_space<semaphore_mem>>) {add = true}
          %dma_wait3A = arith.constant 0 : i32
          %dma_wait3A_51 = tpu.memref_slice %arg14[%add3A_45, %dma_wait3A] : memref<79x128xi32, #tpu.memory_space<vmem>> -> memref<1x128xi32, #tpu.memory_space<vmem>>
          %dma_wait3A_52 = tpu.memref_squeeze %dma_wait3A_51 : memref<1x128xi32, #tpu.memory_space<vmem>> -> memref<128xi32, #tpu.memory_space<vmem>>
          %dma_wait3A_53 = arith.constant 0 : i32
          %dma_wait3A_54 = arith.constant 0 : i32
          %dma_wait3A_55 = tpu.memref_slice %arg18[%dma_wait3A_53, %dma_wait3A_54] : memref<10112x80xf32, #tpu.memory_space<vmem_shared>> -> memref<10112x80xf32, #tpu.memory_space<vmem_shared>>
          tpu.wait_indirect_dma semaphore(%run_scoped3A : memref<!tpu.dma_semaphore, #tpu.memory_space<semaphore_mem>>) src(%arg15 : memref<128x80xf32, #tpu.memory_space<vmem>>) dst(%dma_wait3A_55 : memref<10112x80xf32, #tpu.memory_space<vmem_shared>>)
          tpu.yield
        }) : () -> ()
      }
      %scan3A_20 = arith.constant 79 : i32
      %barrier3A_21 = arith.constant 0 : index
      tpu.barrier barrier_id(%barrier3A_21)
      "tpu.region"() ({
        %run_scoped3A = tpu.sem_alloc : memref<!tpu.dma_semaphore, #tpu.memory_space<semaphore_mem>>
        %dma_start3A = arith.constant 0 : i32
        %dma_start3A_41 = tpu.memref_slice %arg9[%mul3A_0, %dma_start3A] : memref<10112x80xf32, #tpu.memory_space<hbm>> -> memref<632x80xf32, #tpu.memory_space<hbm>>
        %dma_start3A_42 = arith.constant 0 : i32
        %dma_start3A_43 = tpu.memref_slice %arg18[%mul3A_0, %dma_start3A_42] : memref<10112x80xf32, #tpu.memory_space<vmem_shared>> -> memref<632x80xf32, #tpu.memory_space<vmem_shared>>
        tpu.enqueue_dma source(%dma_start3A_43 : memref<632x80xf32, #tpu.memory_space<vmem_shared>>) target(%dma_start3A_41 : memref<632x80xf32, #tpu.memory_space<hbm>>) target_semaphore(%run_scoped3A : memref<!tpu.dma_semaphore, #tpu.memory_space<semaphore_mem>>)
        %dma_wait3A = arith.constant 0 : i32
        %dma_wait3A_44 = tpu.memref_slice %arg9[%mul3A_0, %dma_wait3A] : memref<10112x80xf32, #tpu.memory_space<hbm>> -> memref<632x80xf32, #tpu.memory_space<hbm>>
        %dma_wait3A_45 = arith.constant 0 : i32
        %dma_wait3A_46 = tpu.memref_slice %arg18[%mul3A_0, %dma_wait3A_45] : memref<10112x80xf32, #tpu.memory_space<vmem_shared>> -> memref<632x80xf32, #tpu.memory_space<vmem_shared>>
        tpu.wait_dma2 semaphore(%run_scoped3A : memref<!tpu.dma_semaphore, #tpu.memory_space<semaphore_mem>>) src(%dma_wait3A_46 : memref<632x80xf32, #tpu.memory_space<vmem_shared>>) dst(%dma_wait3A_44 : memref<632x80xf32, #tpu.memory_space<hbm>>)
        tpu.yield
      }) : () -> ()
      %barrier3A_22 = arith.constant 0 : index
      tpu.barrier barrier_id(%barrier3A_22)
      %add3A_23 = arith.constant 0 : i32
      %add3A_24 = arith.addi %mul3A_0, %add3A_23 : i32
      "tpu.region"() ({
        %run_scoped3A = tpu.sem_alloc : memref<!tpu.dma_semaphore, #tpu.memory_space<semaphore_mem>>
        %dma_start3A = arith.constant 0 : i32
        %dma_start3A_41 = tpu.memref_slice %arg18[%add3A_24, %dma_start3A] : memref<10112x80xf32, #tpu.memory_space<vmem_shared>> -> memref<128x80xf32, #tpu.memory_space<vmem_shared>>
        %dma_start3A_42 = arith.constant 0 : i32
        %dma_start3A_43 = tpu.memref_slice %arg18[%add3A_24, %dma_start3A_42] : memref<10112x80xf32, #tpu.memory_space<vmem_shared>> -> memref<128x80xf32, #tpu.memory_space<vmem_shared>>
        tpu.enqueue_dma source(%arg17 : memref<128x80xf32, #tpu.memory_space<vmem>>) target(%dma_start3A_43 : memref<128x80xf32, #tpu.memory_space<vmem_shared>>) target_semaphore(%run_scoped3A : memref<!tpu.dma_semaphore, #tpu.memory_space<semaphore_mem>>)
        %dma_wait3A = arith.constant 0 : i32
        %dma_wait3A_44 = tpu.memref_slice %arg18[%add3A_24, %dma_wait3A] : memref<10112x80xf32, #tpu.memory_space<vmem_shared>> -> memref<128x80xf32, #tpu.memory_space<vmem_shared>>
        %dma_wait3A_45 = arith.constant 0 : i32
        %dma_wait3A_46 = tpu.memref_slice %arg18[%add3A_24, %dma_wait3A_45] : memref<10112x80xf32, #tpu.memory_space<vmem_shared>> -> memref<128x80xf32, #tpu.memory_space<vmem_shared>>
        tpu.wait_dma2 semaphore(%run_scoped3A : memref<!tpu.dma_semaphore, #tpu.memory_space<semaphore_mem>>) src(%arg17 : memref<128x80xf32, #tpu.memory_space<vmem>>) dst(%dma_wait3A_46 : memref<128x80xf32, #tpu.memory_space<vmem_shared>>)
        tpu.yield
      }) : () -> ()
      %add3A_25 = arith.constant 128 : i32
      %add3A_26 = arith.addi %mul3A_0, %add3A_25 : i32
      "tpu.region"() ({
        %run_scoped3A = tpu.sem_alloc : memref<!tpu.dma_semaphore, #tpu.memory_space<semaphore_mem>>
        %dma_start3A = arith.constant 0 : i32
        %dma_start3A_41 = tpu.memref_slice %arg18[%add3A_26, %dma_start3A] : memref<10112x80xf32, #tpu.memory_space<vmem_shared>> -> memref<128x80xf32, #tpu.memory_space<vmem_shared>>
        %dma_start3A_42 = arith.constant 0 : i32
        %dma_start3A_43 = tpu.memref_slice %arg18[%add3A_26, %dma_start3A_42] : memref<10112x80xf32, #tpu.memory_space<vmem_shared>> -> memref<128x80xf32, #tpu.memory_space<vmem_shared>>
        tpu.enqueue_dma source(%arg17 : memref<128x80xf32, #tpu.memory_space<vmem>>) target(%dma_start3A_43 : memref<128x80xf32, #tpu.memory_space<vmem_shared>>) target_semaphore(%run_scoped3A : memref<!tpu.dma_semaphore, #tpu.memory_space<semaphore_mem>>)
        %dma_wait3A = arith.constant 0 : i32
        %dma_wait3A_44 = tpu.memref_slice %arg18[%add3A_26, %dma_wait3A] : memref<10112x80xf32, #tpu.memory_space<vmem_shared>> -> memref<128x80xf32, #tpu.memory_space<vmem_shared>>
        %dma_wait3A_45 = arith.constant 0 : i32
        %dma_wait3A_46 = tpu.memref_slice %arg18[%add3A_26, %dma_wait3A_45] : memref<10112x80xf32, #tpu.memory_space<vmem_shared>> -> memref<128x80xf32, #tpu.memory_space<vmem_shared>>
        tpu.wait_dma2 semaphore(%run_scoped3A : memref<!tpu.dma_semaphore, #tpu.memory_space<semaphore_mem>>) src(%arg17 : memref<128x80xf32, #tpu.memory_space<vmem>>) dst(%dma_wait3A_46 : memref<128x80xf32, #tpu.memory_space<vmem_shared>>)
        tpu.yield
      }) : () -> ()
      %add3A_27 = arith.constant 256 : i32
      %add3A_28 = arith.addi %mul3A_0, %add3A_27 : i32
      "tpu.region"() ({
        %run_scoped3A = tpu.sem_alloc : memref<!tpu.dma_semaphore, #tpu.memory_space<semaphore_mem>>
        %dma_start3A = arith.constant 0 : i32
        %dma_start3A_41 = tpu.memref_slice %arg18[%add3A_28, %dma_start3A] : memref<10112x80xf32, #tpu.memory_space<vmem_shared>> -> memref<128x80xf32, #tpu.memory_space<vmem_shared>>
        %dma_start3A_42 = arith.constant 0 : i32
        %dma_start3A_43 = tpu.memref_slice %arg18[%add3A_28, %dma_start3A_42] : memref<10112x80xf32, #tpu.memory_space<vmem_shared>> -> memref<128x80xf32, #tpu.memory_space<vmem_shared>>
        tpu.enqueue_dma source(%arg17 : memref<128x80xf32, #tpu.memory_space<vmem>>) target(%dma_start3A_43 : memref<128x80xf32, #tpu.memory_space<vmem_shared>>) target_semaphore(%run_scoped3A : memref<!tpu.dma_semaphore, #tpu.memory_space<semaphore_mem>>)
        %dma_wait3A = arith.constant 0 : i32
        %dma_wait3A_44 = tpu.memref_slice %arg18[%add3A_28, %dma_wait3A] : memref<10112x80xf32, #tpu.memory_space<vmem_shared>> -> memref<128x80xf32, #tpu.memory_space<vmem_shared>>
        %dma_wait3A_45 = arith.constant 0 : i32
        %dma_wait3A_46 = tpu.memref_slice %arg18[%add3A_28, %dma_wait3A_45] : memref<10112x80xf32, #tpu.memory_space<vmem_shared>> -> memref<128x80xf32, #tpu.memory_space<vmem_shared>>
        tpu.wait_dma2 semaphore(%run_scoped3A : memref<!tpu.dma_semaphore, #tpu.memory_space<semaphore_mem>>) src(%arg17 : memref<128x80xf32, #tpu.memory_space<vmem>>) dst(%dma_wait3A_46 : memref<128x80xf32, #tpu.memory_space<vmem_shared>>)
        tpu.yield
      }) : () -> ()
      %add3A_29 = arith.constant 384 : i32
      %add3A_30 = arith.addi %mul3A_0, %add3A_29 : i32
      "tpu.region"() ({
        %run_scoped3A = tpu.sem_alloc : memref<!tpu.dma_semaphore, #tpu.memory_space<semaphore_mem>>
        %dma_start3A = arith.constant 0 : i32
        %dma_start3A_41 = tpu.memref_slice %arg18[%add3A_30, %dma_start3A] : memref<10112x80xf32, #tpu.memory_space<vmem_shared>> -> memref<128x80xf32, #tpu.memory_space<vmem_shared>>
        %dma_start3A_42 = arith.constant 0 : i32
        %dma_start3A_43 = tpu.memref_slice %arg18[%add3A_30, %dma_start3A_42] : memref<10112x80xf32, #tpu.memory_space<vmem_shared>> -> memref<128x80xf32, #tpu.memory_space<vmem_shared>>
        tpu.enqueue_dma source(%arg17 : memref<128x80xf32, #tpu.memory_space<vmem>>) target(%dma_start3A_43 : memref<128x80xf32, #tpu.memory_space<vmem_shared>>) target_semaphore(%run_scoped3A : memref<!tpu.dma_semaphore, #tpu.memory_space<semaphore_mem>>)
        %dma_wait3A = arith.constant 0 : i32
        %dma_wait3A_44 = tpu.memref_slice %arg18[%add3A_30, %dma_wait3A] : memref<10112x80xf32, #tpu.memory_space<vmem_shared>> -> memref<128x80xf32, #tpu.memory_space<vmem_shared>>
        %dma_wait3A_45 = arith.constant 0 : i32
        %dma_wait3A_46 = tpu.memref_slice %arg18[%add3A_30, %dma_wait3A_45] : memref<10112x80xf32, #tpu.memory_space<vmem_shared>> -> memref<128x80xf32, #tpu.memory_space<vmem_shared>>
        tpu.wait_dma2 semaphore(%run_scoped3A : memref<!tpu.dma_semaphore, #tpu.memory_space<semaphore_mem>>) src(%arg17 : memref<128x80xf32, #tpu.memory_space<vmem>>) dst(%dma_wait3A_46 : memref<128x80xf32, #tpu.memory_space<vmem_shared>>)
        tpu.yield
      }) : () -> ()
      %add3A_31 = arith.constant 512 : i32
      %add3A_32 = arith.addi %mul3A_0, %add3A_31 : i32
      "tpu.region"() ({
        %run_scoped3A = tpu.sem_alloc : memref<!tpu.dma_semaphore, #tpu.memory_space<semaphore_mem>>
        %dma_start3A = arith.constant 0 : i32
        %dma_start3A_41 = arith.constant 0 : i32
        %dma_start3A_42 = tpu.memref_slice %arg17[%dma_start3A, %dma_start3A_41] : memref<128x80xf32, #tpu.memory_space<vmem>> -> memref<120x80xf32, #tpu.memory_space<vmem>>
        %dma_start3A_43 = arith.constant 0 : i32
        %dma_start3A_44 = tpu.memref_slice %arg18[%add3A_32, %dma_start3A_43] : memref<10112x80xf32, #tpu.memory_space<vmem_shared>> -> memref<120x80xf32, #tpu.memory_space<vmem_shared>>
        %dma_start3A_45 = arith.constant 0 : i32
        %dma_start3A_46 = tpu.memref_slice %arg18[%add3A_32, %dma_start3A_45] : memref<10112x80xf32, #tpu.memory_space<vmem_shared>> -> memref<120x80xf32, #tpu.memory_space<vmem_shared>>
        %dma_start3A_47 = arith.constant 0 : i32
        %dma_start3A_48 = arith.constant 0 : i32
        %dma_start3A_49 = tpu.memref_slice %arg17[%dma_start3A_47, %dma_start3A_48] : memref<128x80xf32, #tpu.memory_space<vmem>> -> memref<120x80xf32, #tpu.memory_space<vmem>>
        tpu.enqueue_dma source(%dma_start3A_49 : memref<120x80xf32, #tpu.memory_space<vmem>>) target(%dma_start3A_46 : memref<120x80xf32, #tpu.memory_space<vmem_shared>>) target_semaphore(%run_scoped3A : memref<!tpu.dma_semaphore, #tpu.memory_space<semaphore_mem>>)
        %dma_wait3A = arith.constant 0 : i32
        %dma_wait3A_50 = arith.constant 0 : i32
        %dma_wait3A_51 = tpu.memref_slice %arg17[%dma_wait3A, %dma_wait3A_50] : memref<128x80xf32, #tpu.memory_space<vmem>> -> memref<120x80xf32, #tpu.memory_space<vmem>>
        %dma_wait3A_52 = arith.constant 0 : i32
        %dma_wait3A_53 = tpu.memref_slice %arg18[%add3A_32, %dma_wait3A_52] : memref<10112x80xf32, #tpu.memory_space<vmem_shared>> -> memref<120x80xf32, #tpu.memory_space<vmem_shared>>
        %dma_wait3A_54 = arith.constant 0 : i32
        %dma_wait3A_55 = tpu.memref_slice %arg18[%add3A_32, %dma_wait3A_54] : memref<10112x80xf32, #tpu.memory_space<vmem_shared>> -> memref<120x80xf32, #tpu.memory_space<vmem_shared>>
        %dma_wait3A_56 = arith.constant 0 : i32
        %dma_wait3A_57 = arith.constant 0 : i32
        %dma_wait3A_58 = tpu.memref_slice %arg17[%dma_wait3A_56, %dma_wait3A_57] : memref<128x80xf32, #tpu.memory_space<vmem>> -> memref<120x80xf32, #tpu.memory_space<vmem>>
        tpu.wait_dma2 semaphore(%run_scoped3A : memref<!tpu.dma_semaphore, #tpu.memory_space<semaphore_mem>>) src(%dma_wait3A_58 : memref<120x80xf32, #tpu.memory_space<vmem>>) dst(%dma_wait3A_55 : memref<120x80xf32, #tpu.memory_space<vmem_shared>>)
        tpu.yield
      }) : () -> ()
      %barrier3A_33 = arith.constant 0 : index
      tpu.barrier barrier_id(%barrier3A_33)
      %scan3A_34 = arith.constant 0 : i32
      %scan3A_35 = arith.constant 79 : i32
      %scan3A_36 = arith.addi %scan3A_34, %scan3A_35 : i32
      %scan3A_37 = arith.constant 1 : i32
      scf.for %scan3A_41 = %scan3A_34 to %scan3A_36 step %scan3A_37  : i32 {
        %mul3A_42 = arith.constant 1 : i32
        %mul3A_43 = arith.muli %scan3A_41, %mul3A_42 : i32
        %add3A_44 = arith.constant 0 : i32
        %add3A_45 = arith.addi %add3A_44, %mul3A_43 : i32
        "tpu.region"() ({
          %run_scoped3A = tpu.sem_alloc : memref<!tpu.dma_semaphore, #tpu.memory_space<semaphore_mem>>
          %dma_start3A = arith.constant 0 : i32
          %dma_start3A_46 = tpu.memref_slice %arg13[%add3A_45, %dma_start3A] : memref<79x128xi32, #tpu.memory_space<vmem>> -> memref<1x128xi32, #tpu.memory_space<vmem>>
          %dma_start3A_47 = tpu.memref_squeeze %dma_start3A_46 : memref<1x128xi32, #tpu.memory_space<vmem>> -> memref<128xi32, #tpu.memory_space<vmem>>
          %dma_start3A_48 = arith.constant 0 : i32
          %dma_start3A_49 = arith.constant 0 : i32
          %dma_start3A_50 = tpu.memref_slice %arg3[%dma_start3A_48, %dma_start3A_49] : memref<10112x80xf32, #tpu.memory_space<hbm>> -> memref<10112x80xf32, #tpu.memory_space<hbm>>
          tpu.enqueue_indirect_dma source(%dma_start3A_50 : memref<10112x80xf32, #tpu.memory_space<hbm>>) target(%arg15 : memref<128x80xf32, #tpu.memory_space<vmem>>) offsets(%dma_start3A_47 : memref<128xi32, #tpu.memory_space<vmem>>) semaphore(%run_scoped3A : memref<!tpu.dma_semaphore, #tpu.memory_space<semaphore_mem>>)
          %dma_wait3A = arith.constant 0 : i32
          %dma_wait3A_51 = tpu.memref_slice %arg13[%add3A_45, %dma_wait3A] : memref<79x128xi32, #tpu.memory_space<vmem>> -> memref<1x128xi32, #tpu.memory_space<vmem>>
          %dma_wait3A_52 = tpu.memref_squeeze %dma_wait3A_51 : memref<1x128xi32, #tpu.memory_space<vmem>> -> memref<128xi32, #tpu.memory_space<vmem>>
          %dma_wait3A_53 = arith.constant 0 : i32
          %dma_wait3A_54 = arith.constant 0 : i32
          %dma_wait3A_55 = tpu.memref_slice %arg3[%dma_wait3A_53, %dma_wait3A_54] : memref<10112x80xf32, #tpu.memory_space<hbm>> -> memref<10112x80xf32, #tpu.memory_space<hbm>>
          tpu.wait_indirect_dma semaphore(%run_scoped3A : memref<!tpu.dma_semaphore, #tpu.memory_space<semaphore_mem>>) src(%dma_wait3A_55 : memref<10112x80xf32, #tpu.memory_space<hbm>>) dst(%arg15 : memref<128x80xf32, #tpu.memory_space<vmem>>)
          tpu.yield
        }) : () -> ()
        "tpu.region"() ({
          %run_scoped3A = tpu.sem_alloc : memref<!tpu.dma_semaphore, #tpu.memory_space<semaphore_mem>>
          %dma_start3A = arith.constant 0 : i32
          %dma_start3A_46 = tpu.memref_slice %arg14[%add3A_45, %dma_start3A] : memref<79x128xi32, #tpu.memory_space<vmem>> -> memref<1x128xi32, #tpu.memory_space<vmem>>
          %dma_start3A_47 = tpu.memref_squeeze %dma_start3A_46 : memref<1x128xi32, #tpu.memory_space<vmem>> -> memref<128xi32, #tpu.memory_space<vmem>>
          %dma_start3A_48 = arith.constant 0 : i32
          %dma_start3A_49 = arith.constant 0 : i32
          %dma_start3A_50 = tpu.memref_slice %arg18[%dma_start3A_48, %dma_start3A_49] : memref<10112x80xf32, #tpu.memory_space<vmem_shared>> -> memref<10112x80xf32, #tpu.memory_space<vmem_shared>>
          tpu.enqueue_indirect_dma source(%arg15 : memref<128x80xf32, #tpu.memory_space<vmem>>) target(%dma_start3A_50 : memref<10112x80xf32, #tpu.memory_space<vmem_shared>>) offsets(%dma_start3A_47 : memref<128xi32, #tpu.memory_space<vmem>>) semaphore(%run_scoped3A : memref<!tpu.dma_semaphore, #tpu.memory_space<semaphore_mem>>) {add = true}
          %dma_wait3A = arith.constant 0 : i32
          %dma_wait3A_51 = tpu.memref_slice %arg14[%add3A_45, %dma_wait3A] : memref<79x128xi32, #tpu.memory_space<vmem>> -> memref<1x128xi32, #tpu.memory_space<vmem>>
          %dma_wait3A_52 = tpu.memref_squeeze %dma_wait3A_51 : memref<1x128xi32, #tpu.memory_space<vmem>> -> memref<128xi32, #tpu.memory_space<vmem>>
          %dma_wait3A_53 = arith.constant 0 : i32
          %dma_wait3A_54 = arith.constant 0 : i32
          %dma_wait3A_55 = tpu.memref_slice %arg18[%dma_wait3A_53, %dma_wait3A_54] : memref<10112x80xf32, #tpu.memory_space<vmem_shared>> -> memref<10112x80xf32, #tpu.memory_space<vmem_shared>>
          tpu.wait_indirect_dma semaphore(%run_scoped3A : memref<!tpu.dma_semaphore, #tpu.memory_space<semaphore_mem>>) src(%arg15 : memref<128x80xf32, #tpu.memory_space<vmem>>) dst(%dma_wait3A_55 : memref<10112x80xf32, #tpu.memory_space<vmem_shared>>)
          tpu.yield
        }) : () -> ()
      }
      %scan3A_38 = arith.constant 79 : i32
      %barrier3A_39 = arith.constant 0 : index
      tpu.barrier barrier_id(%barrier3A_39)
      "tpu.region"() ({
        %run_scoped3A = tpu.sem_alloc : memref<!tpu.dma_semaphore, #tpu.memory_space<semaphore_mem>>
        %dma_start3A = arith.constant 0 : i32
        %dma_start3A_41 = tpu.memref_slice %arg10[%mul3A_0, %dma_start3A] : memref<10112x80xf32, #tpu.memory_space<hbm>> -> memref<632x80xf32, #tpu.memory_space<hbm>>
        %dma_start3A_42 = arith.constant 0 : i32
        %dma_start3A_43 = tpu.memref_slice %arg18[%mul3A_0, %dma_start3A_42] : memref<10112x80xf32, #tpu.memory_space<vmem_shared>> -> memref<632x80xf32, #tpu.memory_space<vmem_shared>>
        tpu.enqueue_dma source(%dma_start3A_43 : memref<632x80xf32, #tpu.memory_space<vmem_shared>>) target(%dma_start3A_41 : memref<632x80xf32, #tpu.memory_space<hbm>>) target_semaphore(%run_scoped3A : memref<!tpu.dma_semaphore, #tpu.memory_space<semaphore_mem>>)
        %dma_wait3A = arith.constant 0 : i32
        %dma_wait3A_44 = tpu.memref_slice %arg10[%mul3A_0, %dma_wait3A] : memref<10112x80xf32, #tpu.memory_space<hbm>> -> memref<632x80xf32, #tpu.memory_space<hbm>>
        %dma_wait3A_45 = arith.constant 0 : i32
        %dma_wait3A_46 = tpu.memref_slice %arg18[%mul3A_0, %dma_wait3A_45] : memref<10112x80xf32, #tpu.memory_space<vmem_shared>> -> memref<632x80xf32, #tpu.memory_space<vmem_shared>>
        tpu.wait_dma2 semaphore(%run_scoped3A : memref<!tpu.dma_semaphore, #tpu.memory_space<semaphore_mem>>) src(%dma_wait3A_46 : memref<632x80xf32, #tpu.memory_space<vmem_shared>>) dst(%dma_wait3A_44 : memref<632x80xf32, #tpu.memory_space<hbm>>)
        tpu.yield
      }) : () -> ()
      %barrier3A_40 = arith.constant 0 : index
      tpu.barrier barrier_id(%barrier3A_40)
    } else {
    }
    %eq3A_3 = arith.constant 1 : i32
    %eq3A_4 = arith.cmpi eq, %arg0, %eq3A_3 : i32
    %convert_element_type3A_5 = arith.extui %eq3A_4 : i1 to i32
    %cond3A_6 = arith.constant 0 : i32
    %cond3A_7 = arith.cmpi ne, %convert_element_type3A_5, %cond3A_6 : i32
    scf.if %cond3A_7 {
      %add3A = arith.constant 0 : i32
      %add3A_8 = arith.addi %mul3A_0, %add3A : i32
      "tpu.region"() ({
        %run_scoped3A = tpu.sem_alloc : memref<!tpu.dma_semaphore, #tpu.memory_space<semaphore_mem>>
        %dma_start3A = arith.constant 0 : i32
        %dma_start3A_41 = tpu.memref_slice %arg18[%add3A_8, %dma_start3A] : memref<10112x80xf32, #tpu.memory_space<vmem_shared>> -> memref<128x80xf32, #tpu.memory_space<vmem_shared>>
        %dma_start3A_42 = arith.constant 0 : i32
        %dma_start3A_43 = tpu.memref_slice %arg18[%add3A_8, %dma_start3A_42] : memref<10112x80xf32, #tpu.memory_space<vmem_shared>> -> memref<128x80xf32, #tpu.memory_space<vmem_shared>>
        tpu.enqueue_dma source(%arg17 : memref<128x80xf32, #tpu.memory_space<vmem>>) target(%dma_start3A_43 : memref<128x80xf32, #tpu.memory_space<vmem_shared>>) target_semaphore(%run_scoped3A : memref<!tpu.dma_semaphore, #tpu.memory_space<semaphore_mem>>)
        %dma_wait3A = arith.constant 0 : i32
        %dma_wait3A_44 = tpu.memref_slice %arg18[%add3A_8, %dma_wait3A] : memref<10112x80xf32, #tpu.memory_space<vmem_shared>> -> memref<128x80xf32, #tpu.memory_space<vmem_shared>>
        %dma_wait3A_45 = arith.constant 0 : i32
        %dma_wait3A_46 = tpu.memref_slice %arg18[%add3A_8, %dma_wait3A_45] : memref<10112x80xf32, #tpu.memory_space<vmem_shared>> -> memref<128x80xf32, #tpu.memory_space<vmem_shared>>
        tpu.wait_dma2 semaphore(%run_scoped3A : memref<!tpu.dma_semaphore, #tpu.memory_space<semaphore_mem>>) src(%arg17 : memref<128x80xf32, #tpu.memory_space<vmem>>) dst(%dma_wait3A_46 : memref<128x80xf32, #tpu.memory_space<vmem_shared>>)
        tpu.yield
      }) : () -> ()
      %add3A_9 = arith.constant 128 : i32
      %add3A_10 = arith.addi %mul3A_0, %add3A_9 : i32
      "tpu.region"() ({
        %run_scoped3A = tpu.sem_alloc : memref<!tpu.dma_semaphore, #tpu.memory_space<semaphore_mem>>
        %dma_start3A = arith.constant 0 : i32
        %dma_start3A_41 = tpu.memref_slice %arg18[%add3A_10, %dma_start3A] : memref<10112x80xf32, #tpu.memory_space<vmem_shared>> -> memref<128x80xf32, #tpu.memory_space<vmem_shared>>
        %dma_start3A_42 = arith.constant 0 : i32
        %dma_start3A_43 = tpu.memref_slice %arg18[%add3A_10, %dma_start3A_42] : memref<10112x80xf32, #tpu.memory_space<vmem_shared>> -> memref<128x80xf32, #tpu.memory_space<vmem_shared>>
        tpu.enqueue_dma source(%arg17 : memref<128x80xf32, #tpu.memory_space<vmem>>) target(%dma_start3A_43 : memref<128x80xf32, #tpu.memory_space<vmem_shared>>) target_semaphore(%run_scoped3A : memref<!tpu.dma_semaphore, #tpu.memory_space<semaphore_mem>>)
        %dma_wait3A = arith.constant 0 : i32
        %dma_wait3A_44 = tpu.memref_slice %arg18[%add3A_10, %dma_wait3A] : memref<10112x80xf32, #tpu.memory_space<vmem_shared>> -> memref<128x80xf32, #tpu.memory_space<vmem_shared>>
        %dma_wait3A_45 = arith.constant 0 : i32
        %dma_wait3A_46 = tpu.memref_slice %arg18[%add3A_10, %dma_wait3A_45] : memref<10112x80xf32, #tpu.memory_space<vmem_shared>> -> memref<128x80xf32, #tpu.memory_space<vmem_shared>>
        tpu.wait_dma2 semaphore(%run_scoped3A : memref<!tpu.dma_semaphore, #tpu.memory_space<semaphore_mem>>) src(%arg17 : memref<128x80xf32, #tpu.memory_space<vmem>>) dst(%dma_wait3A_46 : memref<128x80xf32, #tpu.memory_space<vmem_shared>>)
        tpu.yield
      }) : () -> ()
      %add3A_11 = arith.constant 256 : i32
      %add3A_12 = arith.addi %mul3A_0, %add3A_11 : i32
      "tpu.region"() ({
        %run_scoped3A = tpu.sem_alloc : memref<!tpu.dma_semaphore, #tpu.memory_space<semaphore_mem>>
        %dma_start3A = arith.constant 0 : i32
        %dma_start3A_41 = tpu.memref_slice %arg18[%add3A_12, %dma_start3A] : memref<10112x80xf32, #tpu.memory_space<vmem_shared>> -> memref<128x80xf32, #tpu.memory_space<vmem_shared>>
        %dma_start3A_42 = arith.constant 0 : i32
        %dma_start3A_43 = tpu.memref_slice %arg18[%add3A_12, %dma_start3A_42] : memref<10112x80xf32, #tpu.memory_space<vmem_shared>> -> memref<128x80xf32, #tpu.memory_space<vmem_shared>>
        tpu.enqueue_dma source(%arg17 : memref<128x80xf32, #tpu.memory_space<vmem>>) target(%dma_start3A_43 : memref<128x80xf32, #tpu.memory_space<vmem_shared>>) target_semaphore(%run_scoped3A : memref<!tpu.dma_semaphore, #tpu.memory_space<semaphore_mem>>)
        %dma_wait3A = arith.constant 0 : i32
        %dma_wait3A_44 = tpu.memref_slice %arg18[%add3A_12, %dma_wait3A] : memref<10112x80xf32, #tpu.memory_space<vmem_shared>> -> memref<128x80xf32, #tpu.memory_space<vmem_shared>>
        %dma_wait3A_45 = arith.constant 0 : i32
        %dma_wait3A_46 = tpu.memref_slice %arg18[%add3A_12, %dma_wait3A_45] : memref<10112x80xf32, #tpu.memory_space<vmem_shared>> -> memref<128x80xf32, #tpu.memory_space<vmem_shared>>
        tpu.wait_dma2 semaphore(%run_scoped3A : memref<!tpu.dma_semaphore, #tpu.memory_space<semaphore_mem>>) src(%arg17 : memref<128x80xf32, #tpu.memory_space<vmem>>) dst(%dma_wait3A_46 : memref<128x80xf32, #tpu.memory_space<vmem_shared>>)
        tpu.yield
      }) : () -> ()
      %add3A_13 = arith.constant 384 : i32
      %add3A_14 = arith.addi %mul3A_0, %add3A_13 : i32
      "tpu.region"() ({
        %run_scoped3A = tpu.sem_alloc : memref<!tpu.dma_semaphore, #tpu.memory_space<semaphore_mem>>
        %dma_start3A = arith.constant 0 : i32
        %dma_start3A_41 = tpu.memref_slice %arg18[%add3A_14, %dma_start3A] : memref<10112x80xf32, #tpu.memory_space<vmem_shared>> -> memref<128x80xf32, #tpu.memory_space<vmem_shared>>
        %dma_start3A_42 = arith.constant 0 : i32
        %dma_start3A_43 = tpu.memref_slice %arg18[%add3A_14, %dma_start3A_42] : memref<10112x80xf32, #tpu.memory_space<vmem_shared>> -> memref<128x80xf32, #tpu.memory_space<vmem_shared>>
        tpu.enqueue_dma source(%arg17 : memref<128x80xf32, #tpu.memory_space<vmem>>) target(%dma_start3A_43 : memref<128x80xf32, #tpu.memory_space<vmem_shared>>) target_semaphore(%run_scoped3A : memref<!tpu.dma_semaphore, #tpu.memory_space<semaphore_mem>>)
        %dma_wait3A = arith.constant 0 : i32
        %dma_wait3A_44 = tpu.memref_slice %arg18[%add3A_14, %dma_wait3A] : memref<10112x80xf32, #tpu.memory_space<vmem_shared>> -> memref<128x80xf32, #tpu.memory_space<vmem_shared>>
        %dma_wait3A_45 = arith.constant 0 : i32
        %dma_wait3A_46 = tpu.memref_slice %arg18[%add3A_14, %dma_wait3A_45] : memref<10112x80xf32, #tpu.memory_space<vmem_shared>> -> memref<128x80xf32, #tpu.memory_space<vmem_shared>>
        tpu.wait_dma2 semaphore(%run_scoped3A : memref<!tpu.dma_semaphore, #tpu.memory_space<semaphore_mem>>) src(%arg17 : memref<128x80xf32, #tpu.memory_space<vmem>>) dst(%dma_wait3A_46 : memref<128x80xf32, #tpu.memory_space<vmem_shared>>)
        tpu.yield
      }) : () -> ()
      %add3A_15 = arith.constant 512 : i32
      %add3A_16 = arith.addi %mul3A_0, %add3A_15 : i32
      "tpu.region"() ({
        %run_scoped3A = tpu.sem_alloc : memref<!tpu.dma_semaphore, #tpu.memory_space<semaphore_mem>>
        %dma_start3A = arith.constant 0 : i32
        %dma_start3A_41 = arith.constant 0 : i32
        %dma_start3A_42 = tpu.memref_slice %arg17[%dma_start3A, %dma_start3A_41] : memref<128x80xf32, #tpu.memory_space<vmem>> -> memref<120x80xf32, #tpu.memory_space<vmem>>
        %dma_start3A_43 = arith.constant 0 : i32
        %dma_start3A_44 = tpu.memref_slice %arg18[%add3A_16, %dma_start3A_43] : memref<10112x80xf32, #tpu.memory_space<vmem_shared>> -> memref<120x80xf32, #tpu.memory_space<vmem_shared>>
        %dma_start3A_45 = arith.constant 0 : i32
        %dma_start3A_46 = tpu.memref_slice %arg18[%add3A_16, %dma_start3A_45] : memref<10112x80xf32, #tpu.memory_space<vmem_shared>> -> memref<120x80xf32, #tpu.memory_space<vmem_shared>>
        %dma_start3A_47 = arith.constant 0 : i32
        %dma_start3A_48 = arith.constant 0 : i32
        %dma_start3A_49 = tpu.memref_slice %arg17[%dma_start3A_47, %dma_start3A_48] : memref<128x80xf32, #tpu.memory_space<vmem>> -> memref<120x80xf32, #tpu.memory_space<vmem>>
        tpu.enqueue_dma source(%dma_start3A_49 : memref<120x80xf32, #tpu.memory_space<vmem>>) target(%dma_start3A_46 : memref<120x80xf32, #tpu.memory_space<vmem_shared>>) target_semaphore(%run_scoped3A : memref<!tpu.dma_semaphore, #tpu.memory_space<semaphore_mem>>)
        %dma_wait3A = arith.constant 0 : i32
        %dma_wait3A_50 = arith.constant 0 : i32
        %dma_wait3A_51 = tpu.memref_slice %arg17[%dma_wait3A, %dma_wait3A_50] : memref<128x80xf32, #tpu.memory_space<vmem>> -> memref<120x80xf32, #tpu.memory_space<vmem>>
        %dma_wait3A_52 = arith.constant 0 : i32
        %dma_wait3A_53 = tpu.memref_slice %arg18[%add3A_16, %dma_wait3A_52] : memref<10112x80xf32, #tpu.memory_space<vmem_shared>> -> memref<120x80xf32, #tpu.memory_space<vmem_shared>>
        %dma_wait3A_54 = arith.constant 0 : i32
        %dma_wait3A_55 = tpu.memref_slice %arg18[%add3A_16, %dma_wait3A_54] : memref<10112x80xf32, #tpu.memory_space<vmem_shared>> -> memref<120x80xf32, #tpu.memory_space<vmem_shared>>
        %dma_wait3A_56 = arith.constant 0 : i32
        %dma_wait3A_57 = arith.constant 0 : i32
        %dma_wait3A_58 = tpu.memref_slice %arg17[%dma_wait3A_56, %dma_wait3A_57] : memref<128x80xf32, #tpu.memory_space<vmem>> -> memref<120x80xf32, #tpu.memory_space<vmem>>
        tpu.wait_dma2 semaphore(%run_scoped3A : memref<!tpu.dma_semaphore, #tpu.memory_space<semaphore_mem>>) src(%dma_wait3A_58 : memref<120x80xf32, #tpu.memory_space<vmem>>) dst(%dma_wait3A_55 : memref<120x80xf32, #tpu.memory_space<vmem_shared>>)
        tpu.yield
      }) : () -> ()
      %barrier3A = arith.constant 0 : index
      tpu.barrier barrier_id(%barrier3A)
      %scan3A = arith.constant 0 : i32
      %scan3A_17 = arith.constant 79 : i32
      %scan3A_18 = arith.addi %scan3A, %scan3A_17 : i32
      %scan3A_19 = arith.constant 1 : i32
      scf.for %scan3A_41 = %scan3A to %scan3A_18 step %scan3A_19  : i32 {
        %mul3A_42 = arith.constant 1 : i32
        %mul3A_43 = arith.muli %scan3A_41, %mul3A_42 : i32
        %add3A_44 = arith.constant 0 : i32
        %add3A_45 = arith.addi %add3A_44, %mul3A_43 : i32
        "tpu.region"() ({
          %run_scoped3A = tpu.sem_alloc : memref<!tpu.dma_semaphore, #tpu.memory_space<semaphore_mem>>
          %dma_start3A = arith.constant 0 : i32
          %dma_start3A_46 = tpu.memref_slice %arg13[%add3A_45, %dma_start3A] : memref<79x128xi32, #tpu.memory_space<vmem>> -> memref<1x128xi32, #tpu.memory_space<vmem>>
          %dma_start3A_47 = tpu.memref_squeeze %dma_start3A_46 : memref<1x128xi32, #tpu.memory_space<vmem>> -> memref<128xi32, #tpu.memory_space<vmem>>
          %dma_start3A_48 = arith.constant 0 : i32
          %dma_start3A_49 = arith.constant 0 : i32
          %dma_start3A_50 = tpu.memref_slice %arg4[%dma_start3A_48, %dma_start3A_49] : memref<10112x80xf32, #tpu.memory_space<hbm>> -> memref<10112x80xf32, #tpu.memory_space<hbm>>
          tpu.enqueue_indirect_dma source(%dma_start3A_50 : memref<10112x80xf32, #tpu.memory_space<hbm>>) target(%arg15 : memref<128x80xf32, #tpu.memory_space<vmem>>) offsets(%dma_start3A_47 : memref<128xi32, #tpu.memory_space<vmem>>) semaphore(%run_scoped3A : memref<!tpu.dma_semaphore, #tpu.memory_space<semaphore_mem>>)
          %dma_wait3A = arith.constant 0 : i32
          %dma_wait3A_51 = tpu.memref_slice %arg13[%add3A_45, %dma_wait3A] : memref<79x128xi32, #tpu.memory_space<vmem>> -> memref<1x128xi32, #tpu.memory_space<vmem>>
          %dma_wait3A_52 = tpu.memref_squeeze %dma_wait3A_51 : memref<1x128xi32, #tpu.memory_space<vmem>> -> memref<128xi32, #tpu.memory_space<vmem>>
          %dma_wait3A_53 = arith.constant 0 : i32
          %dma_wait3A_54 = arith.constant 0 : i32
          %dma_wait3A_55 = tpu.memref_slice %arg4[%dma_wait3A_53, %dma_wait3A_54] : memref<10112x80xf32, #tpu.memory_space<hbm>> -> memref<10112x80xf32, #tpu.memory_space<hbm>>
          tpu.wait_indirect_dma semaphore(%run_scoped3A : memref<!tpu.dma_semaphore, #tpu.memory_space<semaphore_mem>>) src(%dma_wait3A_55 : memref<10112x80xf32, #tpu.memory_space<hbm>>) dst(%arg15 : memref<128x80xf32, #tpu.memory_space<vmem>>)
          tpu.yield
        }) : () -> ()
        "tpu.region"() ({
          %run_scoped3A = tpu.sem_alloc : memref<!tpu.dma_semaphore, #tpu.memory_space<semaphore_mem>>
          %dma_start3A = arith.constant 0 : i32
          %dma_start3A_46 = tpu.memref_slice %arg14[%add3A_45, %dma_start3A] : memref<79x128xi32, #tpu.memory_space<vmem>> -> memref<1x128xi32, #tpu.memory_space<vmem>>
          %dma_start3A_47 = tpu.memref_squeeze %dma_start3A_46 : memref<1x128xi32, #tpu.memory_space<vmem>> -> memref<128xi32, #tpu.memory_space<vmem>>
          %dma_start3A_48 = arith.constant 0 : i32
          %dma_start3A_49 = arith.constant 0 : i32
          %dma_start3A_50 = tpu.memref_slice %arg18[%dma_start3A_48, %dma_start3A_49] : memref<10112x80xf32, #tpu.memory_space<vmem_shared>> -> memref<10112x80xf32, #tpu.memory_space<vmem_shared>>
          tpu.enqueue_indirect_dma source(%arg15 : memref<128x80xf32, #tpu.memory_space<vmem>>) target(%dma_start3A_50 : memref<10112x80xf32, #tpu.memory_space<vmem_shared>>) offsets(%dma_start3A_47 : memref<128xi32, #tpu.memory_space<vmem>>) semaphore(%run_scoped3A : memref<!tpu.dma_semaphore, #tpu.memory_space<semaphore_mem>>) {add = true}
          %dma_wait3A = arith.constant 0 : i32
          %dma_wait3A_51 = tpu.memref_slice %arg14[%add3A_45, %dma_wait3A] : memref<79x128xi32, #tpu.memory_space<vmem>> -> memref<1x128xi32, #tpu.memory_space<vmem>>
          %dma_wait3A_52 = tpu.memref_squeeze %dma_wait3A_51 : memref<1x128xi32, #tpu.memory_space<vmem>> -> memref<128xi32, #tpu.memory_space<vmem>>
          %dma_wait3A_53 = arith.constant 0 : i32
          %dma_wait3A_54 = arith.constant 0 : i32
          %dma_wait3A_55 = tpu.memref_slice %arg18[%dma_wait3A_53, %dma_wait3A_54] : memref<10112x80xf32, #tpu.memory_space<vmem_shared>> -> memref<10112x80xf32, #tpu.memory_space<vmem_shared>>
          tpu.wait_indirect_dma semaphore(%run_scoped3A : memref<!tpu.dma_semaphore, #tpu.memory_space<semaphore_mem>>) src(%arg15 : memref<128x80xf32, #tpu.memory_space<vmem>>) dst(%dma_wait3A_55 : memref<10112x80xf32, #tpu.memory_space<vmem_shared>>)
          tpu.yield
        }) : () -> ()
      }
      %scan3A_20 = arith.constant 79 : i32
      %barrier3A_21 = arith.constant 0 : index
      tpu.barrier barrier_id(%barrier3A_21)
      "tpu.region"() ({
        %run_scoped3A = tpu.sem_alloc : memref<!tpu.dma_semaphore, #tpu.memory_space<semaphore_mem>>
        %dma_start3A = arith.constant 0 : i32
        %dma_start3A_41 = tpu.memref_slice %arg11[%mul3A_0, %dma_start3A] : memref<10112x80xf32, #tpu.memory_space<hbm>> -> memref<632x80xf32, #tpu.memory_space<hbm>>
        %dma_start3A_42 = arith.constant 0 : i32
        %dma_start3A_43 = tpu.memref_slice %arg18[%mul3A_0, %dma_start3A_42] : memref<10112x80xf32, #tpu.memory_space<vmem_shared>> -> memref<632x80xf32, #tpu.memory_space<vmem_shared>>
        tpu.enqueue_dma source(%dma_start3A_43 : memref<632x80xf32, #tpu.memory_space<vmem_shared>>) target(%dma_start3A_41 : memref<632x80xf32, #tpu.memory_space<hbm>>) target_semaphore(%run_scoped3A : memref<!tpu.dma_semaphore, #tpu.memory_space<semaphore_mem>>)
        %dma_wait3A = arith.constant 0 : i32
        %dma_wait3A_44 = tpu.memref_slice %arg11[%mul3A_0, %dma_wait3A] : memref<10112x80xf32, #tpu.memory_space<hbm>> -> memref<632x80xf32, #tpu.memory_space<hbm>>
        %dma_wait3A_45 = arith.constant 0 : i32
        %dma_wait3A_46 = tpu.memref_slice %arg18[%mul3A_0, %dma_wait3A_45] : memref<10112x80xf32, #tpu.memory_space<vmem_shared>> -> memref<632x80xf32, #tpu.memory_space<vmem_shared>>
        tpu.wait_dma2 semaphore(%run_scoped3A : memref<!tpu.dma_semaphore, #tpu.memory_space<semaphore_mem>>) src(%dma_wait3A_46 : memref<632x80xf32, #tpu.memory_space<vmem_shared>>) dst(%dma_wait3A_44 : memref<632x80xf32, #tpu.memory_space<hbm>>)
        tpu.yield
      }) : () -> ()
      %barrier3A_22 = arith.constant 0 : index
      tpu.barrier barrier_id(%barrier3A_22)
      %add3A_23 = arith.constant 0 : i32
      %add3A_24 = arith.addi %mul3A_0, %add3A_23 : i32
      "tpu.region"() ({
        %run_scoped3A = tpu.sem_alloc : memref<!tpu.dma_semaphore, #tpu.memory_space<semaphore_mem>>
        %dma_start3A = arith.constant 0 : i32
        %dma_start3A_41 = tpu.memref_slice %arg18[%add3A_24, %dma_start3A] : memref<10112x80xf32, #tpu.memory_space<vmem_shared>> -> memref<128x80xf32, #tpu.memory_space<vmem_shared>>
        %dma_start3A_42 = arith.constant 0 : i32
        %dma_start3A_43 = tpu.memref_slice %arg18[%add3A_24, %dma_start3A_42] : memref<10112x80xf32, #tpu.memory_space<vmem_shared>> -> memref<128x80xf32, #tpu.memory_space<vmem_shared>>
        tpu.enqueue_dma source(%arg17 : memref<128x80xf32, #tpu.memory_space<vmem>>) target(%dma_start3A_43 : memref<128x80xf32, #tpu.memory_space<vmem_shared>>) target_semaphore(%run_scoped3A : memref<!tpu.dma_semaphore, #tpu.memory_space<semaphore_mem>>)
        %dma_wait3A = arith.constant 0 : i32
        %dma_wait3A_44 = tpu.memref_slice %arg18[%add3A_24, %dma_wait3A] : memref<10112x80xf32, #tpu.memory_space<vmem_shared>> -> memref<128x80xf32, #tpu.memory_space<vmem_shared>>
        %dma_wait3A_45 = arith.constant 0 : i32
        %dma_wait3A_46 = tpu.memref_slice %arg18[%add3A_24, %dma_wait3A_45] : memref<10112x80xf32, #tpu.memory_space<vmem_shared>> -> memref<128x80xf32, #tpu.memory_space<vmem_shared>>
        tpu.wait_dma2 semaphore(%run_scoped3A : memref<!tpu.dma_semaphore, #tpu.memory_space<semaphore_mem>>) src(%arg17 : memref<128x80xf32, #tpu.memory_space<vmem>>) dst(%dma_wait3A_46 : memref<128x80xf32, #tpu.memory_space<vmem_shared>>)
        tpu.yield
      }) : () -> ()
      %add3A_25 = arith.constant 128 : i32
      %add3A_26 = arith.addi %mul3A_0, %add3A_25 : i32
      "tpu.region"() ({
        %run_scoped3A = tpu.sem_alloc : memref<!tpu.dma_semaphore, #tpu.memory_space<semaphore_mem>>
        %dma_start3A = arith.constant 0 : i32
        %dma_start3A_41 = tpu.memref_slice %arg18[%add3A_26, %dma_start3A] : memref<10112x80xf32, #tpu.memory_space<vmem_shared>> -> memref<128x80xf32, #tpu.memory_space<vmem_shared>>
        %dma_start3A_42 = arith.constant 0 : i32
        %dma_start3A_43 = tpu.memref_slice %arg18[%add3A_26, %dma_start3A_42] : memref<10112x80xf32, #tpu.memory_space<vmem_shared>> -> memref<128x80xf32, #tpu.memory_space<vmem_shared>>
        tpu.enqueue_dma source(%arg17 : memref<128x80xf32, #tpu.memory_space<vmem>>) target(%dma_start3A_43 : memref<128x80xf32, #tpu.memory_space<vmem_shared>>) target_semaphore(%run_scoped3A : memref<!tpu.dma_semaphore, #tpu.memory_space<semaphore_mem>>)
        %dma_wait3A = arith.constant 0 : i32
        %dma_wait3A_44 = tpu.memref_slice %arg18[%add3A_26, %dma_wait3A] : memref<10112x80xf32, #tpu.memory_space<vmem_shared>> -> memref<128x80xf32, #tpu.memory_space<vmem_shared>>
        %dma_wait3A_45 = arith.constant 0 : i32
        %dma_wait3A_46 = tpu.memref_slice %arg18[%add3A_26, %dma_wait3A_45] : memref<10112x80xf32, #tpu.memory_space<vmem_shared>> -> memref<128x80xf32, #tpu.memory_space<vmem_shared>>
        tpu.wait_dma2 semaphore(%run_scoped3A : memref<!tpu.dma_semaphore, #tpu.memory_space<semaphore_mem>>) src(%arg17 : memref<128x80xf32, #tpu.memory_space<vmem>>) dst(%dma_wait3A_46 : memref<128x80xf32, #tpu.memory_space<vmem_shared>>)
        tpu.yield
      }) : () -> ()
      %add3A_27 = arith.constant 256 : i32
      %add3A_28 = arith.addi %mul3A_0, %add3A_27 : i32
      "tpu.region"() ({
        %run_scoped3A = tpu.sem_alloc : memref<!tpu.dma_semaphore, #tpu.memory_space<semaphore_mem>>
        %dma_start3A = arith.constant 0 : i32
        %dma_start3A_41 = tpu.memref_slice %arg18[%add3A_28, %dma_start3A] : memref<10112x80xf32, #tpu.memory_space<vmem_shared>> -> memref<128x80xf32, #tpu.memory_space<vmem_shared>>
        %dma_start3A_42 = arith.constant 0 : i32
        %dma_start3A_43 = tpu.memref_slice %arg18[%add3A_28, %dma_start3A_42] : memref<10112x80xf32, #tpu.memory_space<vmem_shared>> -> memref<128x80xf32, #tpu.memory_space<vmem_shared>>
        tpu.enqueue_dma source(%arg17 : memref<128x80xf32, #tpu.memory_space<vmem>>) target(%dma_start3A_43 : memref<128x80xf32, #tpu.memory_space<vmem_shared>>) target_semaphore(%run_scoped3A : memref<!tpu.dma_semaphore, #tpu.memory_space<semaphore_mem>>)
        %dma_wait3A = arith.constant 0 : i32
        %dma_wait3A_44 = tpu.memref_slice %arg18[%add3A_28, %dma_wait3A] : memref<10112x80xf32, #tpu.memory_space<vmem_shared>> -> memref<128x80xf32, #tpu.memory_space<vmem_shared>>
        %dma_wait3A_45 = arith.constant 0 : i32
        %dma_wait3A_46 = tpu.memref_slice %arg18[%add3A_28, %dma_wait3A_45] : memref<10112x80xf32, #tpu.memory_space<vmem_shared>> -> memref<128x80xf32, #tpu.memory_space<vmem_shared>>
        tpu.wait_dma2 semaphore(%run_scoped3A : memref<!tpu.dma_semaphore, #tpu.memory_space<semaphore_mem>>) src(%arg17 : memref<128x80xf32, #tpu.memory_space<vmem>>) dst(%dma_wait3A_46 : memref<128x80xf32, #tpu.memory_space<vmem_shared>>)
        tpu.yield
      }) : () -> ()
      %add3A_29 = arith.constant 384 : i32
      %add3A_30 = arith.addi %mul3A_0, %add3A_29 : i32
      "tpu.region"() ({
        %run_scoped3A = tpu.sem_alloc : memref<!tpu.dma_semaphore, #tpu.memory_space<semaphore_mem>>
        %dma_start3A = arith.constant 0 : i32
        %dma_start3A_41 = tpu.memref_slice %arg18[%add3A_30, %dma_start3A] : memref<10112x80xf32, #tpu.memory_space<vmem_shared>> -> memref<128x80xf32, #tpu.memory_space<vmem_shared>>
        %dma_start3A_42 = arith.constant 0 : i32
        %dma_start3A_43 = tpu.memref_slice %arg18[%add3A_30, %dma_start3A_42] : memref<10112x80xf32, #tpu.memory_space<vmem_shared>> -> memref<128x80xf32, #tpu.memory_space<vmem_shared>>
        tpu.enqueue_dma source(%arg17 : memref<128x80xf32, #tpu.memory_space<vmem>>) target(%dma_start3A_43 : memref<128x80xf32, #tpu.memory_space<vmem_shared>>) target_semaphore(%run_scoped3A : memref<!tpu.dma_semaphore, #tpu.memory_space<semaphore_mem>>)
        %dma_wait3A = arith.constant 0 : i32
        %dma_wait3A_44 = tpu.memref_slice %arg18[%add3A_30, %dma_wait3A] : memref<10112x80xf32, #tpu.memory_space<vmem_shared>> -> memref<128x80xf32, #tpu.memory_space<vmem_shared>>
        %dma_wait3A_45 = arith.constant 0 : i32
        %dma_wait3A_46 = tpu.memref_slice %arg18[%add3A_30, %dma_wait3A_45] : memref<10112x80xf32, #tpu.memory_space<vmem_shared>> -> memref<128x80xf32, #tpu.memory_space<vmem_shared>>
        tpu.wait_dma2 semaphore(%run_scoped3A : memref<!tpu.dma_semaphore, #tpu.memory_space<semaphore_mem>>) src(%arg17 : memref<128x80xf32, #tpu.memory_space<vmem>>) dst(%dma_wait3A_46 : memref<128x80xf32, #tpu.memory_space<vmem_shared>>)
        tpu.yield
      }) : () -> ()
      %add3A_31 = arith.constant 512 : i32
      %add3A_32 = arith.addi %mul3A_0, %add3A_31 : i32
      "tpu.region"() ({
        %run_scoped3A = tpu.sem_alloc : memref<!tpu.dma_semaphore, #tpu.memory_space<semaphore_mem>>
        %dma_start3A = arith.constant 0 : i32
        %dma_start3A_41 = arith.constant 0 : i32
        %dma_start3A_42 = tpu.memref_slice %arg17[%dma_start3A, %dma_start3A_41] : memref<128x80xf32, #tpu.memory_space<vmem>> -> memref<120x80xf32, #tpu.memory_space<vmem>>
        %dma_start3A_43 = arith.constant 0 : i32
        %dma_start3A_44 = tpu.memref_slice %arg18[%add3A_32, %dma_start3A_43] : memref<10112x80xf32, #tpu.memory_space<vmem_shared>> -> memref<120x80xf32, #tpu.memory_space<vmem_shared>>
        %dma_start3A_45 = arith.constant 0 : i32
        %dma_start3A_46 = tpu.memref_slice %arg18[%add3A_32, %dma_start3A_45] : memref<10112x80xf32, #tpu.memory_space<vmem_shared>> -> memref<120x80xf32, #tpu.memory_space<vmem_shared>>
        %dma_start3A_47 = arith.constant 0 : i32
        %dma_start3A_48 = arith.constant 0 : i32
        %dma_start3A_49 = tpu.memref_slice %arg17[%dma_start3A_47, %dma_start3A_48] : memref<128x80xf32, #tpu.memory_space<vmem>> -> memref<120x80xf32, #tpu.memory_space<vmem>>
        tpu.enqueue_dma source(%dma_start3A_49 : memref<120x80xf32, #tpu.memory_space<vmem>>) target(%dma_start3A_46 : memref<120x80xf32, #tpu.memory_space<vmem_shared>>) target_semaphore(%run_scoped3A : memref<!tpu.dma_semaphore, #tpu.memory_space<semaphore_mem>>)
        %dma_wait3A = arith.constant 0 : i32
        %dma_wait3A_50 = arith.constant 0 : i32
        %dma_wait3A_51 = tpu.memref_slice %arg17[%dma_wait3A, %dma_wait3A_50] : memref<128x80xf32, #tpu.memory_space<vmem>> -> memref<120x80xf32, #tpu.memory_space<vmem>>
        %dma_wait3A_52 = arith.constant 0 : i32
        %dma_wait3A_53 = tpu.memref_slice %arg18[%add3A_32, %dma_wait3A_52] : memref<10112x80xf32, #tpu.memory_space<vmem_shared>> -> memref<120x80xf32, #tpu.memory_space<vmem_shared>>
        %dma_wait3A_54 = arith.constant 0 : i32
        %dma_wait3A_55 = tpu.memref_slice %arg18[%add3A_32, %dma_wait3A_54] : memref<10112x80xf32, #tpu.memory_space<vmem_shared>> -> memref<120x80xf32, #tpu.memory_space<vmem_shared>>
        %dma_wait3A_56 = arith.constant 0 : i32
        %dma_wait3A_57 = arith.constant 0 : i32
        %dma_wait3A_58 = tpu.memref_slice %arg17[%dma_wait3A_56, %dma_wait3A_57] : memref<128x80xf32, #tpu.memory_space<vmem>> -> memref<120x80xf32, #tpu.memory_space<vmem>>
        tpu.wait_dma2 semaphore(%run_scoped3A : memref<!tpu.dma_semaphore, #tpu.memory_space<semaphore_mem>>) src(%dma_wait3A_58 : memref<120x80xf32, #tpu.memory_space<vmem>>) dst(%dma_wait3A_55 : memref<120x80xf32, #tpu.memory_space<vmem_shared>>)
        tpu.yield
      }) : () -> ()
      %barrier3A_33 = arith.constant 0 : index
      tpu.barrier barrier_id(%barrier3A_33)
      %scan3A_34 = arith.constant 0 : i32
      %scan3A_35 = arith.constant 79 : i32
      %scan3A_36 = arith.addi %scan3A_34, %scan3A_35 : i32
      %scan3A_37 = arith.constant 1 : i32
      scf.for %scan3A_41 = %scan3A_34 to %scan3A_36 step %scan3A_37  : i32 {
        %mul3A_42 = arith.constant 1 : i32
        %mul3A_43 = arith.muli %scan3A_41, %mul3A_42 : i32
        %add3A_44 = arith.constant 0 : i32
        %add3A_45 = arith.addi %add3A_44, %mul3A_43 : i32
        "tpu.region"() ({
          %run_scoped3A = tpu.sem_alloc : memref<!tpu.dma_semaphore, #tpu.memory_space<semaphore_mem>>
          %dma_start3A = arith.constant 0 : i32
          %dma_start3A_46 = tpu.memref_slice %arg13[%add3A_45, %dma_start3A] : memref<79x128xi32, #tpu.memory_space<vmem>> -> memref<1x128xi32, #tpu.memory_space<vmem>>
          %dma_start3A_47 = tpu.memref_squeeze %dma_start3A_46 : memref<1x128xi32, #tpu.memory_space<vmem>> -> memref<128xi32, #tpu.memory_space<vmem>>
          %dma_start3A_48 = arith.constant 0 : i32
          %dma_start3A_49 = arith.constant 0 : i32
          %dma_start3A_50 = tpu.memref_slice %arg5[%dma_start3A_48, %dma_start3A_49] : memref<10112x80xf32, #tpu.memory_space<hbm>> -> memref<10112x80xf32, #tpu.memory_space<hbm>>
          tpu.enqueue_indirect_dma source(%dma_start3A_50 : memref<10112x80xf32, #tpu.memory_space<hbm>>) target(%arg15 : memref<128x80xf32, #tpu.memory_space<vmem>>) offsets(%dma_start3A_47 : memref<128xi32, #tpu.memory_space<vmem>>) semaphore(%run_scoped3A : memref<!tpu.dma_semaphore, #tpu.memory_space<semaphore_mem>>)
          %dma_wait3A = arith.constant 0 : i32
          %dma_wait3A_51 = tpu.memref_slice %arg13[%add3A_45, %dma_wait3A] : memref<79x128xi32, #tpu.memory_space<vmem>> -> memref<1x128xi32, #tpu.memory_space<vmem>>
          %dma_wait3A_52 = tpu.memref_squeeze %dma_wait3A_51 : memref<1x128xi32, #tpu.memory_space<vmem>> -> memref<128xi32, #tpu.memory_space<vmem>>
          %dma_wait3A_53 = arith.constant 0 : i32
          %dma_wait3A_54 = arith.constant 0 : i32
          %dma_wait3A_55 = tpu.memref_slice %arg5[%dma_wait3A_53, %dma_wait3A_54] : memref<10112x80xf32, #tpu.memory_space<hbm>> -> memref<10112x80xf32, #tpu.memory_space<hbm>>
          tpu.wait_indirect_dma semaphore(%run_scoped3A : memref<!tpu.dma_semaphore, #tpu.memory_space<semaphore_mem>>) src(%dma_wait3A_55 : memref<10112x80xf32, #tpu.memory_space<hbm>>) dst(%arg15 : memref<128x80xf32, #tpu.memory_space<vmem>>)
          tpu.yield
        }) : () -> ()
        "tpu.region"() ({
          %run_scoped3A = tpu.sem_alloc : memref<!tpu.dma_semaphore, #tpu.memory_space<semaphore_mem>>
          %dma_start3A = arith.constant 0 : i32
          %dma_start3A_46 = tpu.memref_slice %arg14[%add3A_45, %dma_start3A] : memref<79x128xi32, #tpu.memory_space<vmem>> -> memref<1x128xi32, #tpu.memory_space<vmem>>
          %dma_start3A_47 = tpu.memref_squeeze %dma_start3A_46 : memref<1x128xi32, #tpu.memory_space<vmem>> -> memref<128xi32, #tpu.memory_space<vmem>>
          %dma_start3A_48 = arith.constant 0 : i32
          %dma_start3A_49 = arith.constant 0 : i32
          %dma_start3A_50 = tpu.memref_slice %arg18[%dma_start3A_48, %dma_start3A_49] : memref<10112x80xf32, #tpu.memory_space<vmem_shared>> -> memref<10112x80xf32, #tpu.memory_space<vmem_shared>>
          tpu.enqueue_indirect_dma source(%arg15 : memref<128x80xf32, #tpu.memory_space<vmem>>) target(%dma_start3A_50 : memref<10112x80xf32, #tpu.memory_space<vmem_shared>>) offsets(%dma_start3A_47 : memref<128xi32, #tpu.memory_space<vmem>>) semaphore(%run_scoped3A : memref<!tpu.dma_semaphore, #tpu.memory_space<semaphore_mem>>) {add = true}
          %dma_wait3A = arith.constant 0 : i32
          %dma_wait3A_51 = tpu.memref_slice %arg14[%add3A_45, %dma_wait3A] : memref<79x128xi32, #tpu.memory_space<vmem>> -> memref<1x128xi32, #tpu.memory_space<vmem>>
          %dma_wait3A_52 = tpu.memref_squeeze %dma_wait3A_51 : memref<1x128xi32, #tpu.memory_space<vmem>> -> memref<128xi32, #tpu.memory_space<vmem>>
          %dma_wait3A_53 = arith.constant 0 : i32
          %dma_wait3A_54 = arith.constant 0 : i32
          %dma_wait3A_55 = tpu.memref_slice %arg18[%dma_wait3A_53, %dma_wait3A_54] : memref<10112x80xf32, #tpu.memory_space<vmem_shared>> -> memref<10112x80xf32, #tpu.memory_space<vmem_shared>>
          tpu.wait_indirect_dma semaphore(%run_scoped3A : memref<!tpu.dma_semaphore, #tpu.memory_space<semaphore_mem>>) src(%arg15 : memref<128x80xf32, #tpu.memory_space<vmem>>) dst(%dma_wait3A_55 : memref<10112x80xf32, #tpu.memory_space<vmem_shared>>)
          tpu.yield
        }) : () -> ()
      }
      %scan3A_38 = arith.constant 79 : i32
      %barrier3A_39 = arith.constant 0 : index
      tpu.barrier barrier_id(%barrier3A_39)
      "tpu.region"() ({
        %run_scoped3A = tpu.sem_alloc : memref<!tpu.dma_semaphore, #tpu.memory_space<semaphore_mem>>
        %dma_start3A = arith.constant 0 : i32
        %dma_start3A_41 = tpu.memref_slice %arg12[%mul3A_0, %dma_start3A] : memref<10112x80xf32, #tpu.memory_space<hbm>> -> memref<632x80xf32, #tpu.memory_space<hbm>>
        %dma_start3A_42 = arith.constant 0 : i32
        %dma_start3A_43 = tpu.memref_slice %arg18[%mul3A_0, %dma_start3A_42] : memref<10112x80xf32, #tpu.memory_space<vmem_shared>> -> memref<632x80xf32, #tpu.memory_space<vmem_shared>>
        tpu.enqueue_dma source(%dma_start3A_43 : memref<632x80xf32, #tpu.memory_space<vmem_shared>>) target(%dma_start3A_41 : memref<632x80xf32, #tpu.memory_space<hbm>>) target_semaphore(%run_scoped3A : memref<!tpu.dma_semaphore, #tpu.memory_space<semaphore_mem>>)
        %dma_wait3A = arith.constant 0 : i32
        %dma_wait3A_44 = tpu.memref_slice %arg12[%mul3A_0, %dma_wait3A] : memref<10112x80xf32, #tpu.memory_space<hbm>> -> memref<632x80xf32, #tpu.memory_space<hbm>>
        %dma_wait3A_45 = arith.constant 0 : i32
        %dma_wait3A_46 = tpu.memref_slice %arg18[%mul3A_0, %dma_wait3A_45] : memref<10112x80xf32, #tpu.memory_space<vmem_shared>> -> memref<632x80xf32, #tpu.memory_space<vmem_shared>>
        tpu.wait_dma2 semaphore(%run_scoped3A : memref<!tpu.dma_semaphore, #tpu.memory_space<semaphore_mem>>) src(%dma_wait3A_46 : memref<632x80xf32, #tpu.memory_space<vmem_shared>>) dst(%dma_wait3A_44 : memref<632x80xf32, #tpu.memory_space<hbm>>)
        tpu.yield
      }) : () -> ()
      %barrier3A_40 = arith.constant 0 : index
      tpu.barrier barrier_id(%barrier3A_40)
    } else {
    }
    return
  }
}

#map = affine_map<(d0, d1) -> (0, 0)>
#map1 = affine_map<(d0, d1) -> (0, 0, 0)>
module attributes {stable_mosaic.version = 14 : i64} {
  func.func @_agg_body(%arg0: i32, %arg1: i32, %arg2: memref<10112x80xf32, #tpu.memory_space<hbm>>, %arg3: memref<10112x80xf32, #tpu.memory_space<hbm>>, %arg4: memref<10112x80xf32, #tpu.memory_space<hbm>>, %arg5: memref<10112x80xf32, #tpu.memory_space<hbm>>, %arg6: memref<16x79x128xi32, #tpu.memory_space<hbm>>, %arg7: memref<16x79x128xi32, #tpu.memory_space<hbm>>, %arg8: memref<128x80xf32, #tpu.memory_space<hbm>>, %arg9: memref<10112x80xf32, #tpu.memory_space<hbm>>, %arg10: memref<10112x80xf32, #tpu.memory_space<hbm>>, %arg11: memref<10112x80xf32, #tpu.memory_space<hbm>>, %arg12: memref<10112x80xf32, #tpu.memory_space<hbm>>, %arg13: memref<79x128xi32, #tpu.memory_space<vmem>>, %arg14: memref<79x128xi32, #tpu.memory_space<vmem>>, %arg15: memref<128x80xf32, #tpu.memory_space<vmem>>, %arg16: memref<128x80xf32, #tpu.memory_space<vmem>>, %arg17: memref<128x80xf32, #tpu.memory_space<vmem>>, %arg18: memref<10112x80xf32, #tpu.memory_space<vmem_shared>>, %arg19: memref<!tpu.dma_semaphore, #tpu.memory_space<semaphore_mem>>, %arg20: memref<!tpu.dma_semaphore, #tpu.memory_space<semaphore_mem>>) attributes {dimension_semantics = [#tpu.dimension_semantics<core_parallel>, #tpu.dimension_semantics<subcore_parallel>], iteration_bounds = array<i64: 2, 16>, scalar_prefetch = 0 : i64, scratch_operands = 8 : i64, tpu.core_type = #tpu.core_type<sc_vector_subcore>, window_params = [{transform_indices = #map}, {transform_indices = #map}, {transform_indices = #map}, {transform_indices = #map}, {transform_indices = #map1}, {transform_indices = #map1}, {transform_indices = #map}, {transform_indices = #map}, {transform_indices = #map}, {transform_indices = #map}, {transform_indices = #map}]} {
    %mul3A = arith.constant 632 : i32
    %mul3A_0 = arith.muli %arg1, %mul3A : i32
    "tpu.region"() ({
      %run_scoped3A = tpu.sem_alloc : memref<!tpu.dma_semaphore, #tpu.memory_space<semaphore_mem>>
      %dma_start3A = arith.constant 0 : i32
      %dma_start3A_8 = arith.constant 0 : i32
      %dma_start3A_9 = tpu.memref_slice %arg6[%arg1, %dma_start3A, %dma_start3A_8] : memref<16x79x128xi32, #tpu.memory_space<hbm>> -> memref<1x79x128xi32, #tpu.memory_space<hbm>>
      %dma_start3A_10 = tpu.memref_squeeze %dma_start3A_9 : memref<1x79x128xi32, #tpu.memory_space<hbm>> -> memref<79x128xi32, #tpu.memory_space<hbm>>
      %dma_start3A_11 = arith.constant 0 : i32
      %dma_start3A_12 = arith.constant 0 : i32
      %dma_start3A_13 = tpu.memref_slice %arg6[%arg1, %dma_start3A_11, %dma_start3A_12] : memref<16x79x128xi32, #tpu.memory_space<hbm>> -> memref<1x79x128xi32, #tpu.memory_space<hbm>>
      %dma_start3A_14 = tpu.memref_squeeze %dma_start3A_13 : memref<1x79x128xi32, #tpu.memory_space<hbm>> -> memref<79x128xi32, #tpu.memory_space<hbm>>
      tpu.enqueue_dma source(%dma_start3A_14 : memref<79x128xi32, #tpu.memory_space<hbm>>) target(%arg13 : memref<79x128xi32, #tpu.memory_space<vmem>>) target_semaphore(%run_scoped3A : memref<!tpu.dma_semaphore, #tpu.memory_space<semaphore_mem>>)
      %dma_wait3A = arith.constant 0 : i32
      %dma_wait3A_15 = arith.constant 0 : i32
      %dma_wait3A_16 = tpu.memref_slice %arg6[%arg1, %dma_wait3A, %dma_wait3A_15] : memref<16x79x128xi32, #tpu.memory_space<hbm>> -> memref<1x79x128xi32, #tpu.memory_space<hbm>>
      %dma_wait3A_17 = tpu.memref_squeeze %dma_wait3A_16 : memref<1x79x128xi32, #tpu.memory_space<hbm>> -> memref<79x128xi32, #tpu.memory_space<hbm>>
      %dma_wait3A_18 = arith.constant 0 : i32
      %dma_wait3A_19 = arith.constant 0 : i32
      %dma_wait3A_20 = tpu.memref_slice %arg6[%arg1, %dma_wait3A_18, %dma_wait3A_19] : memref<16x79x128xi32, #tpu.memory_space<hbm>> -> memref<1x79x128xi32, #tpu.memory_space<hbm>>
      %dma_wait3A_21 = tpu.memref_squeeze %dma_wait3A_20 : memref<1x79x128xi32, #tpu.memory_space<hbm>> -> memref<79x128xi32, #tpu.memory_space<hbm>>
      tpu.wait_dma2 semaphore(%run_scoped3A : memref<!tpu.dma_semaphore, #tpu.memory_space<semaphore_mem>>) src(%dma_wait3A_21 : memref<79x128xi32, #tpu.memory_space<hbm>>) dst(%arg13 : memref<79x128xi32, #tpu.memory_space<vmem>>)
      tpu.yield
    }) : () -> ()
    "tpu.region"() ({
      %run_scoped3A = tpu.sem_alloc : memref<!tpu.dma_semaphore, #tpu.memory_space<semaphore_mem>>
      %dma_start3A = arith.constant 0 : i32
      %dma_start3A_8 = arith.constant 0 : i32
      %dma_start3A_9 = tpu.memref_slice %arg7[%arg1, %dma_start3A, %dma_start3A_8] : memref<16x79x128xi32, #tpu.memory_space<hbm>> -> memref<1x79x128xi32, #tpu.memory_space<hbm>>
      %dma_start3A_10 = tpu.memref_squeeze %dma_start3A_9 : memref<1x79x128xi32, #tpu.memory_space<hbm>> -> memref<79x128xi32, #tpu.memory_space<hbm>>
      %dma_start3A_11 = arith.constant 0 : i32
      %dma_start3A_12 = arith.constant 0 : i32
      %dma_start3A_13 = tpu.memref_slice %arg7[%arg1, %dma_start3A_11, %dma_start3A_12] : memref<16x79x128xi32, #tpu.memory_space<hbm>> -> memref<1x79x128xi32, #tpu.memory_space<hbm>>
      %dma_start3A_14 = tpu.memref_squeeze %dma_start3A_13 : memref<1x79x128xi32, #tpu.memory_space<hbm>> -> memref<79x128xi32, #tpu.memory_space<hbm>>
      tpu.enqueue_dma source(%dma_start3A_14 : memref<79x128xi32, #tpu.memory_space<hbm>>) target(%arg14 : memref<79x128xi32, #tpu.memory_space<vmem>>) target_semaphore(%run_scoped3A : memref<!tpu.dma_semaphore, #tpu.memory_space<semaphore_mem>>)
      %dma_wait3A = arith.constant 0 : i32
      %dma_wait3A_15 = arith.constant 0 : i32
      %dma_wait3A_16 = tpu.memref_slice %arg7[%arg1, %dma_wait3A, %dma_wait3A_15] : memref<16x79x128xi32, #tpu.memory_space<hbm>> -> memref<1x79x128xi32, #tpu.memory_space<hbm>>
      %dma_wait3A_17 = tpu.memref_squeeze %dma_wait3A_16 : memref<1x79x128xi32, #tpu.memory_space<hbm>> -> memref<79x128xi32, #tpu.memory_space<hbm>>
      %dma_wait3A_18 = arith.constant 0 : i32
      %dma_wait3A_19 = arith.constant 0 : i32
      %dma_wait3A_20 = tpu.memref_slice %arg7[%arg1, %dma_wait3A_18, %dma_wait3A_19] : memref<16x79x128xi32, #tpu.memory_space<hbm>> -> memref<1x79x128xi32, #tpu.memory_space<hbm>>
      %dma_wait3A_21 = tpu.memref_squeeze %dma_wait3A_20 : memref<1x79x128xi32, #tpu.memory_space<hbm>> -> memref<79x128xi32, #tpu.memory_space<hbm>>
      tpu.wait_dma2 semaphore(%run_scoped3A : memref<!tpu.dma_semaphore, #tpu.memory_space<semaphore_mem>>) src(%dma_wait3A_21 : memref<79x128xi32, #tpu.memory_space<hbm>>) dst(%arg14 : memref<79x128xi32, #tpu.memory_space<vmem>>)
      tpu.yield
    }) : () -> ()
    "tpu.region"() ({
      %run_scoped3A = tpu.sem_alloc : memref<!tpu.dma_semaphore, #tpu.memory_space<semaphore_mem>>
      tpu.enqueue_dma source(%arg8 : memref<128x80xf32, #tpu.memory_space<hbm>>) target(%arg17 : memref<128x80xf32, #tpu.memory_space<vmem>>) target_semaphore(%run_scoped3A : memref<!tpu.dma_semaphore, #tpu.memory_space<semaphore_mem>>)
      tpu.wait_dma2 semaphore(%run_scoped3A : memref<!tpu.dma_semaphore, #tpu.memory_space<semaphore_mem>>) src(%arg8 : memref<128x80xf32, #tpu.memory_space<hbm>>) dst(%arg17 : memref<128x80xf32, #tpu.memory_space<vmem>>)
      tpu.yield
    }) : () -> ()
    %eq3A = arith.constant 0 : i32
    %eq3A_1 = arith.cmpi eq, %arg0, %eq3A : i32
    %convert_element_type3A = arith.extui %eq3A_1 : i1 to i32
    %cond3A = arith.constant 0 : i32
    %cond3A_2 = arith.cmpi ne, %convert_element_type3A, %cond3A : i32
    scf.if %cond3A_2 {
      %add3A = arith.constant 0 : i32
      %add3A_8 = arith.addi %mul3A_0, %add3A : i32
      "tpu.region"() ({
        %run_scoped3A = tpu.sem_alloc : memref<!tpu.dma_semaphore, #tpu.memory_space<semaphore_mem>>
        %dma_start3A = arith.constant 0 : i32
        %dma_start3A_41 = tpu.memref_slice %arg18[%add3A_8, %dma_start3A] : memref<10112x80xf32, #tpu.memory_space<vmem_shared>> -> memref<128x80xf32, #tpu.memory_space<vmem_shared>>
        %dma_start3A_42 = arith.constant 0 : i32
        %dma_start3A_43 = tpu.memref_slice %arg18[%add3A_8, %dma_start3A_42] : memref<10112x80xf32, #tpu.memory_space<vmem_shared>> -> memref<128x80xf32, #tpu.memory_space<vmem_shared>>
        tpu.enqueue_dma source(%arg17 : memref<128x80xf32, #tpu.memory_space<vmem>>) target(%dma_start3A_43 : memref<128x80xf32, #tpu.memory_space<vmem_shared>>) target_semaphore(%run_scoped3A : memref<!tpu.dma_semaphore, #tpu.memory_space<semaphore_mem>>)
        %dma_wait3A = arith.constant 0 : i32
        %dma_wait3A_44 = tpu.memref_slice %arg18[%add3A_8, %dma_wait3A] : memref<10112x80xf32, #tpu.memory_space<vmem_shared>> -> memref<128x80xf32, #tpu.memory_space<vmem_shared>>
        %dma_wait3A_45 = arith.constant 0 : i32
        %dma_wait3A_46 = tpu.memref_slice %arg18[%add3A_8, %dma_wait3A_45] : memref<10112x80xf32, #tpu.memory_space<vmem_shared>> -> memref<128x80xf32, #tpu.memory_space<vmem_shared>>
        tpu.wait_dma2 semaphore(%run_scoped3A : memref<!tpu.dma_semaphore, #tpu.memory_space<semaphore_mem>>) src(%arg17 : memref<128x80xf32, #tpu.memory_space<vmem>>) dst(%dma_wait3A_46 : memref<128x80xf32, #tpu.memory_space<vmem_shared>>)
        tpu.yield
      }) : () -> ()
      %add3A_9 = arith.constant 128 : i32
      %add3A_10 = arith.addi %mul3A_0, %add3A_9 : i32
      "tpu.region"() ({
        %run_scoped3A = tpu.sem_alloc : memref<!tpu.dma_semaphore, #tpu.memory_space<semaphore_mem>>
        %dma_start3A = arith.constant 0 : i32
        %dma_start3A_41 = tpu.memref_slice %arg18[%add3A_10, %dma_start3A] : memref<10112x80xf32, #tpu.memory_space<vmem_shared>> -> memref<128x80xf32, #tpu.memory_space<vmem_shared>>
        %dma_start3A_42 = arith.constant 0 : i32
        %dma_start3A_43 = tpu.memref_slice %arg18[%add3A_10, %dma_start3A_42] : memref<10112x80xf32, #tpu.memory_space<vmem_shared>> -> memref<128x80xf32, #tpu.memory_space<vmem_shared>>
        tpu.enqueue_dma source(%arg17 : memref<128x80xf32, #tpu.memory_space<vmem>>) target(%dma_start3A_43 : memref<128x80xf32, #tpu.memory_space<vmem_shared>>) target_semaphore(%run_scoped3A : memref<!tpu.dma_semaphore, #tpu.memory_space<semaphore_mem>>)
        %dma_wait3A = arith.constant 0 : i32
        %dma_wait3A_44 = tpu.memref_slice %arg18[%add3A_10, %dma_wait3A] : memref<10112x80xf32, #tpu.memory_space<vmem_shared>> -> memref<128x80xf32, #tpu.memory_space<vmem_shared>>
        %dma_wait3A_45 = arith.constant 0 : i32
        %dma_wait3A_46 = tpu.memref_slice %arg18[%add3A_10, %dma_wait3A_45] : memref<10112x80xf32, #tpu.memory_space<vmem_shared>> -> memref<128x80xf32, #tpu.memory_space<vmem_shared>>
        tpu.wait_dma2 semaphore(%run_scoped3A : memref<!tpu.dma_semaphore, #tpu.memory_space<semaphore_mem>>) src(%arg17 : memref<128x80xf32, #tpu.memory_space<vmem>>) dst(%dma_wait3A_46 : memref<128x80xf32, #tpu.memory_space<vmem_shared>>)
        tpu.yield
      }) : () -> ()
      %add3A_11 = arith.constant 256 : i32
      %add3A_12 = arith.addi %mul3A_0, %add3A_11 : i32
      "tpu.region"() ({
        %run_scoped3A = tpu.sem_alloc : memref<!tpu.dma_semaphore, #tpu.memory_space<semaphore_mem>>
        %dma_start3A = arith.constant 0 : i32
        %dma_start3A_41 = tpu.memref_slice %arg18[%add3A_12, %dma_start3A] : memref<10112x80xf32, #tpu.memory_space<vmem_shared>> -> memref<128x80xf32, #tpu.memory_space<vmem_shared>>
        %dma_start3A_42 = arith.constant 0 : i32
        %dma_start3A_43 = tpu.memref_slice %arg18[%add3A_12, %dma_start3A_42] : memref<10112x80xf32, #tpu.memory_space<vmem_shared>> -> memref<128x80xf32, #tpu.memory_space<vmem_shared>>
        tpu.enqueue_dma source(%arg17 : memref<128x80xf32, #tpu.memory_space<vmem>>) target(%dma_start3A_43 : memref<128x80xf32, #tpu.memory_space<vmem_shared>>) target_semaphore(%run_scoped3A : memref<!tpu.dma_semaphore, #tpu.memory_space<semaphore_mem>>)
        %dma_wait3A = arith.constant 0 : i32
        %dma_wait3A_44 = tpu.memref_slice %arg18[%add3A_12, %dma_wait3A] : memref<10112x80xf32, #tpu.memory_space<vmem_shared>> -> memref<128x80xf32, #tpu.memory_space<vmem_shared>>
        %dma_wait3A_45 = arith.constant 0 : i32
        %dma_wait3A_46 = tpu.memref_slice %arg18[%add3A_12, %dma_wait3A_45] : memref<10112x80xf32, #tpu.memory_space<vmem_shared>> -> memref<128x80xf32, #tpu.memory_space<vmem_shared>>
        tpu.wait_dma2 semaphore(%run_scoped3A : memref<!tpu.dma_semaphore, #tpu.memory_space<semaphore_mem>>) src(%arg17 : memref<128x80xf32, #tpu.memory_space<vmem>>) dst(%dma_wait3A_46 : memref<128x80xf32, #tpu.memory_space<vmem_shared>>)
        tpu.yield
      }) : () -> ()
      %add3A_13 = arith.constant 384 : i32
      %add3A_14 = arith.addi %mul3A_0, %add3A_13 : i32
      "tpu.region"() ({
        %run_scoped3A = tpu.sem_alloc : memref<!tpu.dma_semaphore, #tpu.memory_space<semaphore_mem>>
        %dma_start3A = arith.constant 0 : i32
        %dma_start3A_41 = tpu.memref_slice %arg18[%add3A_14, %dma_start3A] : memref<10112x80xf32, #tpu.memory_space<vmem_shared>> -> memref<128x80xf32, #tpu.memory_space<vmem_shared>>
        %dma_start3A_42 = arith.constant 0 : i32
        %dma_start3A_43 = tpu.memref_slice %arg18[%add3A_14, %dma_start3A_42] : memref<10112x80xf32, #tpu.memory_space<vmem_shared>> -> memref<128x80xf32, #tpu.memory_space<vmem_shared>>
        tpu.enqueue_dma source(%arg17 : memref<128x80xf32, #tpu.memory_space<vmem>>) target(%dma_start3A_43 : memref<128x80xf32, #tpu.memory_space<vmem_shared>>) target_semaphore(%run_scoped3A : memref<!tpu.dma_semaphore, #tpu.memory_space<semaphore_mem>>)
        %dma_wait3A = arith.constant 0 : i32
        %dma_wait3A_44 = tpu.memref_slice %arg18[%add3A_14, %dma_wait3A] : memref<10112x80xf32, #tpu.memory_space<vmem_shared>> -> memref<128x80xf32, #tpu.memory_space<vmem_shared>>
        %dma_wait3A_45 = arith.constant 0 : i32
        %dma_wait3A_46 = tpu.memref_slice %arg18[%add3A_14, %dma_wait3A_45] : memref<10112x80xf32, #tpu.memory_space<vmem_shared>> -> memref<128x80xf32, #tpu.memory_space<vmem_shared>>
        tpu.wait_dma2 semaphore(%run_scoped3A : memref<!tpu.dma_semaphore, #tpu.memory_space<semaphore_mem>>) src(%arg17 : memref<128x80xf32, #tpu.memory_space<vmem>>) dst(%dma_wait3A_46 : memref<128x80xf32, #tpu.memory_space<vmem_shared>>)
        tpu.yield
      }) : () -> ()
      %add3A_15 = arith.constant 512 : i32
      %add3A_16 = arith.addi %mul3A_0, %add3A_15 : i32
      "tpu.region"() ({
        %run_scoped3A = tpu.sem_alloc : memref<!tpu.dma_semaphore, #tpu.memory_space<semaphore_mem>>
        %dma_start3A = arith.constant 0 : i32
        %dma_start3A_41 = arith.constant 0 : i32
        %dma_start3A_42 = tpu.memref_slice %arg17[%dma_start3A, %dma_start3A_41] : memref<128x80xf32, #tpu.memory_space<vmem>> -> memref<120x80xf32, #tpu.memory_space<vmem>>
        %dma_start3A_43 = arith.constant 0 : i32
        %dma_start3A_44 = tpu.memref_slice %arg18[%add3A_16, %dma_start3A_43] : memref<10112x80xf32, #tpu.memory_space<vmem_shared>> -> memref<120x80xf32, #tpu.memory_space<vmem_shared>>
        %dma_start3A_45 = arith.constant 0 : i32
        %dma_start3A_46 = tpu.memref_slice %arg18[%add3A_16, %dma_start3A_45] : memref<10112x80xf32, #tpu.memory_space<vmem_shared>> -> memref<120x80xf32, #tpu.memory_space<vmem_shared>>
        %dma_start3A_47 = arith.constant 0 : i32
        %dma_start3A_48 = arith.constant 0 : i32
        %dma_start3A_49 = tpu.memref_slice %arg17[%dma_start3A_47, %dma_start3A_48] : memref<128x80xf32, #tpu.memory_space<vmem>> -> memref<120x80xf32, #tpu.memory_space<vmem>>
        tpu.enqueue_dma source(%dma_start3A_49 : memref<120x80xf32, #tpu.memory_space<vmem>>) target(%dma_start3A_46 : memref<120x80xf32, #tpu.memory_space<vmem_shared>>) target_semaphore(%run_scoped3A : memref<!tpu.dma_semaphore, #tpu.memory_space<semaphore_mem>>)
        %dma_wait3A = arith.constant 0 : i32
        %dma_wait3A_50 = arith.constant 0 : i32
        %dma_wait3A_51 = tpu.memref_slice %arg17[%dma_wait3A, %dma_wait3A_50] : memref<128x80xf32, #tpu.memory_space<vmem>> -> memref<120x80xf32, #tpu.memory_space<vmem>>
        %dma_wait3A_52 = arith.constant 0 : i32
        %dma_wait3A_53 = tpu.memref_slice %arg18[%add3A_16, %dma_wait3A_52] : memref<10112x80xf32, #tpu.memory_space<vmem_shared>> -> memref<120x80xf32, #tpu.memory_space<vmem_shared>>
        %dma_wait3A_54 = arith.constant 0 : i32
        %dma_wait3A_55 = tpu.memref_slice %arg18[%add3A_16, %dma_wait3A_54] : memref<10112x80xf32, #tpu.memory_space<vmem_shared>> -> memref<120x80xf32, #tpu.memory_space<vmem_shared>>
        %dma_wait3A_56 = arith.constant 0 : i32
        %dma_wait3A_57 = arith.constant 0 : i32
        %dma_wait3A_58 = tpu.memref_slice %arg17[%dma_wait3A_56, %dma_wait3A_57] : memref<128x80xf32, #tpu.memory_space<vmem>> -> memref<120x80xf32, #tpu.memory_space<vmem>>
        tpu.wait_dma2 semaphore(%run_scoped3A : memref<!tpu.dma_semaphore, #tpu.memory_space<semaphore_mem>>) src(%dma_wait3A_58 : memref<120x80xf32, #tpu.memory_space<vmem>>) dst(%dma_wait3A_55 : memref<120x80xf32, #tpu.memory_space<vmem_shared>>)
        tpu.yield
      }) : () -> ()
      %barrier3A = arith.constant 0 : index
      tpu.barrier barrier_id(%barrier3A)
      %scan3A = arith.constant 0 : i32
      %scan3A_17 = arith.constant 79 : i32
      %scan3A_18 = arith.addi %scan3A, %scan3A_17 : i32
      %scan3A_19 = arith.constant 1 : i32
      scf.for %scan3A_41 = %scan3A to %scan3A_18 step %scan3A_19  : i32 {
        %mul3A_42 = arith.constant 1 : i32
        %mul3A_43 = arith.muli %scan3A_41, %mul3A_42 : i32
        %add3A_44 = arith.constant 0 : i32
        %add3A_45 = arith.addi %add3A_44, %mul3A_43 : i32
        "tpu.region"() ({
          %run_scoped3A = tpu.sem_alloc : memref<!tpu.dma_semaphore, #tpu.memory_space<semaphore_mem>>
          %dma_start3A = arith.constant 0 : i32
          %dma_start3A_46 = tpu.memref_slice %arg13[%add3A_45, %dma_start3A] : memref<79x128xi32, #tpu.memory_space<vmem>> -> memref<1x128xi32, #tpu.memory_space<vmem>>
          %dma_start3A_47 = tpu.memref_squeeze %dma_start3A_46 : memref<1x128xi32, #tpu.memory_space<vmem>> -> memref<128xi32, #tpu.memory_space<vmem>>
          %dma_start3A_48 = arith.constant 0 : i32
          %dma_start3A_49 = arith.constant 0 : i32
          %dma_start3A_50 = tpu.memref_slice %arg2[%dma_start3A_48, %dma_start3A_49] : memref<10112x80xf32, #tpu.memory_space<hbm>> -> memref<10112x80xf32, #tpu.memory_space<hbm>>
          tpu.enqueue_indirect_dma source(%dma_start3A_50 : memref<10112x80xf32, #tpu.memory_space<hbm>>) target(%arg15 : memref<128x80xf32, #tpu.memory_space<vmem>>) offsets(%dma_start3A_47 : memref<128xi32, #tpu.memory_space<vmem>>) semaphore(%run_scoped3A : memref<!tpu.dma_semaphore, #tpu.memory_space<semaphore_mem>>)
          %dma_wait3A = arith.constant 0 : i32
          %dma_wait3A_51 = tpu.memref_slice %arg13[%add3A_45, %dma_wait3A] : memref<79x128xi32, #tpu.memory_space<vmem>> -> memref<1x128xi32, #tpu.memory_space<vmem>>
          %dma_wait3A_52 = tpu.memref_squeeze %dma_wait3A_51 : memref<1x128xi32, #tpu.memory_space<vmem>> -> memref<128xi32, #tpu.memory_space<vmem>>
          %dma_wait3A_53 = arith.constant 0 : i32
          %dma_wait3A_54 = arith.constant 0 : i32
          %dma_wait3A_55 = tpu.memref_slice %arg2[%dma_wait3A_53, %dma_wait3A_54] : memref<10112x80xf32, #tpu.memory_space<hbm>> -> memref<10112x80xf32, #tpu.memory_space<hbm>>
          tpu.wait_indirect_dma semaphore(%run_scoped3A : memref<!tpu.dma_semaphore, #tpu.memory_space<semaphore_mem>>) src(%dma_wait3A_55 : memref<10112x80xf32, #tpu.memory_space<hbm>>) dst(%arg15 : memref<128x80xf32, #tpu.memory_space<vmem>>)
          tpu.yield
        }) : () -> ()
        "tpu.region"() ({
          %run_scoped3A = tpu.sem_alloc : memref<!tpu.dma_semaphore, #tpu.memory_space<semaphore_mem>>
          %dma_start3A = arith.constant 0 : i32
          %dma_start3A_46 = tpu.memref_slice %arg14[%add3A_45, %dma_start3A] : memref<79x128xi32, #tpu.memory_space<vmem>> -> memref<1x128xi32, #tpu.memory_space<vmem>>
          %dma_start3A_47 = tpu.memref_squeeze %dma_start3A_46 : memref<1x128xi32, #tpu.memory_space<vmem>> -> memref<128xi32, #tpu.memory_space<vmem>>
          %dma_start3A_48 = arith.constant 0 : i32
          %dma_start3A_49 = arith.constant 0 : i32
          %dma_start3A_50 = tpu.memref_slice %arg18[%dma_start3A_48, %dma_start3A_49] : memref<10112x80xf32, #tpu.memory_space<vmem_shared>> -> memref<10112x80xf32, #tpu.memory_space<vmem_shared>>
          tpu.enqueue_indirect_dma source(%arg15 : memref<128x80xf32, #tpu.memory_space<vmem>>) target(%dma_start3A_50 : memref<10112x80xf32, #tpu.memory_space<vmem_shared>>) offsets(%dma_start3A_47 : memref<128xi32, #tpu.memory_space<vmem>>) semaphore(%run_scoped3A : memref<!tpu.dma_semaphore, #tpu.memory_space<semaphore_mem>>) {add = true}
          %dma_wait3A = arith.constant 0 : i32
          %dma_wait3A_51 = tpu.memref_slice %arg14[%add3A_45, %dma_wait3A] : memref<79x128xi32, #tpu.memory_space<vmem>> -> memref<1x128xi32, #tpu.memory_space<vmem>>
          %dma_wait3A_52 = tpu.memref_squeeze %dma_wait3A_51 : memref<1x128xi32, #tpu.memory_space<vmem>> -> memref<128xi32, #tpu.memory_space<vmem>>
          %dma_wait3A_53 = arith.constant 0 : i32
          %dma_wait3A_54 = arith.constant 0 : i32
          %dma_wait3A_55 = tpu.memref_slice %arg18[%dma_wait3A_53, %dma_wait3A_54] : memref<10112x80xf32, #tpu.memory_space<vmem_shared>> -> memref<10112x80xf32, #tpu.memory_space<vmem_shared>>
          tpu.wait_indirect_dma semaphore(%run_scoped3A : memref<!tpu.dma_semaphore, #tpu.memory_space<semaphore_mem>>) src(%arg15 : memref<128x80xf32, #tpu.memory_space<vmem>>) dst(%dma_wait3A_55 : memref<10112x80xf32, #tpu.memory_space<vmem_shared>>)
          tpu.yield
        }) : () -> ()
      }
      %scan3A_20 = arith.constant 79 : i32
      %barrier3A_21 = arith.constant 0 : index
      tpu.barrier barrier_id(%barrier3A_21)
      "tpu.region"() ({
        %run_scoped3A = tpu.sem_alloc : memref<!tpu.dma_semaphore, #tpu.memory_space<semaphore_mem>>
        %dma_start3A = arith.constant 0 : i32
        %dma_start3A_41 = tpu.memref_slice %arg9[%mul3A_0, %dma_start3A] : memref<10112x80xf32, #tpu.memory_space<hbm>> -> memref<632x80xf32, #tpu.memory_space<hbm>>
        %dma_start3A_42 = arith.constant 0 : i32
        %dma_start3A_43 = tpu.memref_slice %arg18[%mul3A_0, %dma_start3A_42] : memref<10112x80xf32, #tpu.memory_space<vmem_shared>> -> memref<632x80xf32, #tpu.memory_space<vmem_shared>>
        tpu.enqueue_dma source(%dma_start3A_43 : memref<632x80xf32, #tpu.memory_space<vmem_shared>>) target(%dma_start3A_41 : memref<632x80xf32, #tpu.memory_space<hbm>>) target_semaphore(%run_scoped3A : memref<!tpu.dma_semaphore, #tpu.memory_space<semaphore_mem>>)
        %dma_wait3A = arith.constant 0 : i32
        %dma_wait3A_44 = tpu.memref_slice %arg9[%mul3A_0, %dma_wait3A] : memref<10112x80xf32, #tpu.memory_space<hbm>> -> memref<632x80xf32, #tpu.memory_space<hbm>>
        %dma_wait3A_45 = arith.constant 0 : i32
        %dma_wait3A_46 = tpu.memref_slice %arg18[%mul3A_0, %dma_wait3A_45] : memref<10112x80xf32, #tpu.memory_space<vmem_shared>> -> memref<632x80xf32, #tpu.memory_space<vmem_shared>>
        tpu.wait_dma2 semaphore(%run_scoped3A : memref<!tpu.dma_semaphore, #tpu.memory_space<semaphore_mem>>) src(%dma_wait3A_46 : memref<632x80xf32, #tpu.memory_space<vmem_shared>>) dst(%dma_wait3A_44 : memref<632x80xf32, #tpu.memory_space<hbm>>)
        tpu.yield
      }) : () -> ()
      %barrier3A_22 = arith.constant 0 : index
      tpu.barrier barrier_id(%barrier3A_22)
      %add3A_23 = arith.constant 0 : i32
      %add3A_24 = arith.addi %mul3A_0, %add3A_23 : i32
      "tpu.region"() ({
        %run_scoped3A = tpu.sem_alloc : memref<!tpu.dma_semaphore, #tpu.memory_space<semaphore_mem>>
        %dma_start3A = arith.constant 0 : i32
        %dma_start3A_41 = tpu.memref_slice %arg18[%add3A_24, %dma_start3A] : memref<10112x80xf32, #tpu.memory_space<vmem_shared>> -> memref<128x80xf32, #tpu.memory_space<vmem_shared>>
        %dma_start3A_42 = arith.constant 0 : i32
        %dma_start3A_43 = tpu.memref_slice %arg18[%add3A_24, %dma_start3A_42] : memref<10112x80xf32, #tpu.memory_space<vmem_shared>> -> memref<128x80xf32, #tpu.memory_space<vmem_shared>>
        tpu.enqueue_dma source(%arg17 : memref<128x80xf32, #tpu.memory_space<vmem>>) target(%dma_start3A_43 : memref<128x80xf32, #tpu.memory_space<vmem_shared>>) target_semaphore(%run_scoped3A : memref<!tpu.dma_semaphore, #tpu.memory_space<semaphore_mem>>)
        %dma_wait3A = arith.constant 0 : i32
        %dma_wait3A_44 = tpu.memref_slice %arg18[%add3A_24, %dma_wait3A] : memref<10112x80xf32, #tpu.memory_space<vmem_shared>> -> memref<128x80xf32, #tpu.memory_space<vmem_shared>>
        %dma_wait3A_45 = arith.constant 0 : i32
        %dma_wait3A_46 = tpu.memref_slice %arg18[%add3A_24, %dma_wait3A_45] : memref<10112x80xf32, #tpu.memory_space<vmem_shared>> -> memref<128x80xf32, #tpu.memory_space<vmem_shared>>
        tpu.wait_dma2 semaphore(%run_scoped3A : memref<!tpu.dma_semaphore, #tpu.memory_space<semaphore_mem>>) src(%arg17 : memref<128x80xf32, #tpu.memory_space<vmem>>) dst(%dma_wait3A_46 : memref<128x80xf32, #tpu.memory_space<vmem_shared>>)
        tpu.yield
      }) : () -> ()
      %add3A_25 = arith.constant 128 : i32
      %add3A_26 = arith.addi %mul3A_0, %add3A_25 : i32
      "tpu.region"() ({
        %run_scoped3A = tpu.sem_alloc : memref<!tpu.dma_semaphore, #tpu.memory_space<semaphore_mem>>
        %dma_start3A = arith.constant 0 : i32
        %dma_start3A_41 = tpu.memref_slice %arg18[%add3A_26, %dma_start3A] : memref<10112x80xf32, #tpu.memory_space<vmem_shared>> -> memref<128x80xf32, #tpu.memory_space<vmem_shared>>
        %dma_start3A_42 = arith.constant 0 : i32
        %dma_start3A_43 = tpu.memref_slice %arg18[%add3A_26, %dma_start3A_42] : memref<10112x80xf32, #tpu.memory_space<vmem_shared>> -> memref<128x80xf32, #tpu.memory_space<vmem_shared>>
        tpu.enqueue_dma source(%arg17 : memref<128x80xf32, #tpu.memory_space<vmem>>) target(%dma_start3A_43 : memref<128x80xf32, #tpu.memory_space<vmem_shared>>) target_semaphore(%run_scoped3A : memref<!tpu.dma_semaphore, #tpu.memory_space<semaphore_mem>>)
        %dma_wait3A = arith.constant 0 : i32
        %dma_wait3A_44 = tpu.memref_slice %arg18[%add3A_26, %dma_wait3A] : memref<10112x80xf32, #tpu.memory_space<vmem_shared>> -> memref<128x80xf32, #tpu.memory_space<vmem_shared>>
        %dma_wait3A_45 = arith.constant 0 : i32
        %dma_wait3A_46 = tpu.memref_slice %arg18[%add3A_26, %dma_wait3A_45] : memref<10112x80xf32, #tpu.memory_space<vmem_shared>> -> memref<128x80xf32, #tpu.memory_space<vmem_shared>>
        tpu.wait_dma2 semaphore(%run_scoped3A : memref<!tpu.dma_semaphore, #tpu.memory_space<semaphore_mem>>) src(%arg17 : memref<128x80xf32, #tpu.memory_space<vmem>>) dst(%dma_wait3A_46 : memref<128x80xf32, #tpu.memory_space<vmem_shared>>)
        tpu.yield
      }) : () -> ()
      %add3A_27 = arith.constant 256 : i32
      %add3A_28 = arith.addi %mul3A_0, %add3A_27 : i32
      "tpu.region"() ({
        %run_scoped3A = tpu.sem_alloc : memref<!tpu.dma_semaphore, #tpu.memory_space<semaphore_mem>>
        %dma_start3A = arith.constant 0 : i32
        %dma_start3A_41 = tpu.memref_slice %arg18[%add3A_28, %dma_start3A] : memref<10112x80xf32, #tpu.memory_space<vmem_shared>> -> memref<128x80xf32, #tpu.memory_space<vmem_shared>>
        %dma_start3A_42 = arith.constant 0 : i32
        %dma_start3A_43 = tpu.memref_slice %arg18[%add3A_28, %dma_start3A_42] : memref<10112x80xf32, #tpu.memory_space<vmem_shared>> -> memref<128x80xf32, #tpu.memory_space<vmem_shared>>
        tpu.enqueue_dma source(%arg17 : memref<128x80xf32, #tpu.memory_space<vmem>>) target(%dma_start3A_43 : memref<128x80xf32, #tpu.memory_space<vmem_shared>>) target_semaphore(%run_scoped3A : memref<!tpu.dma_semaphore, #tpu.memory_space<semaphore_mem>>)
        %dma_wait3A = arith.constant 0 : i32
        %dma_wait3A_44 = tpu.memref_slice %arg18[%add3A_28, %dma_wait3A] : memref<10112x80xf32, #tpu.memory_space<vmem_shared>> -> memref<128x80xf32, #tpu.memory_space<vmem_shared>>
        %dma_wait3A_45 = arith.constant 0 : i32
        %dma_wait3A_46 = tpu.memref_slice %arg18[%add3A_28, %dma_wait3A_45] : memref<10112x80xf32, #tpu.memory_space<vmem_shared>> -> memref<128x80xf32, #tpu.memory_space<vmem_shared>>
        tpu.wait_dma2 semaphore(%run_scoped3A : memref<!tpu.dma_semaphore, #tpu.memory_space<semaphore_mem>>) src(%arg17 : memref<128x80xf32, #tpu.memory_space<vmem>>) dst(%dma_wait3A_46 : memref<128x80xf32, #tpu.memory_space<vmem_shared>>)
        tpu.yield
      }) : () -> ()
      %add3A_29 = arith.constant 384 : i32
      %add3A_30 = arith.addi %mul3A_0, %add3A_29 : i32
      "tpu.region"() ({
        %run_scoped3A = tpu.sem_alloc : memref<!tpu.dma_semaphore, #tpu.memory_space<semaphore_mem>>
        %dma_start3A = arith.constant 0 : i32
        %dma_start3A_41 = tpu.memref_slice %arg18[%add3A_30, %dma_start3A] : memref<10112x80xf32, #tpu.memory_space<vmem_shared>> -> memref<128x80xf32, #tpu.memory_space<vmem_shared>>
        %dma_start3A_42 = arith.constant 0 : i32
        %dma_start3A_43 = tpu.memref_slice %arg18[%add3A_30, %dma_start3A_42] : memref<10112x80xf32, #tpu.memory_space<vmem_shared>> -> memref<128x80xf32, #tpu.memory_space<vmem_shared>>
        tpu.enqueue_dma source(%arg17 : memref<128x80xf32, #tpu.memory_space<vmem>>) target(%dma_start3A_43 : memref<128x80xf32, #tpu.memory_space<vmem_shared>>) target_semaphore(%run_scoped3A : memref<!tpu.dma_semaphore, #tpu.memory_space<semaphore_mem>>)
        %dma_wait3A = arith.constant 0 : i32
        %dma_wait3A_44 = tpu.memref_slice %arg18[%add3A_30, %dma_wait3A] : memref<10112x80xf32, #tpu.memory_space<vmem_shared>> -> memref<128x80xf32, #tpu.memory_space<vmem_shared>>
        %dma_wait3A_45 = arith.constant 0 : i32
        %dma_wait3A_46 = tpu.memref_slice %arg18[%add3A_30, %dma_wait3A_45] : memref<10112x80xf32, #tpu.memory_space<vmem_shared>> -> memref<128x80xf32, #tpu.memory_space<vmem_shared>>
        tpu.wait_dma2 semaphore(%run_scoped3A : memref<!tpu.dma_semaphore, #tpu.memory_space<semaphore_mem>>) src(%arg17 : memref<128x80xf32, #tpu.memory_space<vmem>>) dst(%dma_wait3A_46 : memref<128x80xf32, #tpu.memory_space<vmem_shared>>)
        tpu.yield
      }) : () -> ()
      %add3A_31 = arith.constant 512 : i32
      %add3A_32 = arith.addi %mul3A_0, %add3A_31 : i32
      "tpu.region"() ({
        %run_scoped3A = tpu.sem_alloc : memref<!tpu.dma_semaphore, #tpu.memory_space<semaphore_mem>>
        %dma_start3A = arith.constant 0 : i32
        %dma_start3A_41 = arith.constant 0 : i32
        %dma_start3A_42 = tpu.memref_slice %arg17[%dma_start3A, %dma_start3A_41] : memref<128x80xf32, #tpu.memory_space<vmem>> -> memref<120x80xf32, #tpu.memory_space<vmem>>
        %dma_start3A_43 = arith.constant 0 : i32
        %dma_start3A_44 = tpu.memref_slice %arg18[%add3A_32, %dma_start3A_43] : memref<10112x80xf32, #tpu.memory_space<vmem_shared>> -> memref<120x80xf32, #tpu.memory_space<vmem_shared>>
        %dma_start3A_45 = arith.constant 0 : i32
        %dma_start3A_46 = tpu.memref_slice %arg18[%add3A_32, %dma_start3A_45] : memref<10112x80xf32, #tpu.memory_space<vmem_shared>> -> memref<120x80xf32, #tpu.memory_space<vmem_shared>>
        %dma_start3A_47 = arith.constant 0 : i32
        %dma_start3A_48 = arith.constant 0 : i32
        %dma_start3A_49 = tpu.memref_slice %arg17[%dma_start3A_47, %dma_start3A_48] : memref<128x80xf32, #tpu.memory_space<vmem>> -> memref<120x80xf32, #tpu.memory_space<vmem>>
        tpu.enqueue_dma source(%dma_start3A_49 : memref<120x80xf32, #tpu.memory_space<vmem>>) target(%dma_start3A_46 : memref<120x80xf32, #tpu.memory_space<vmem_shared>>) target_semaphore(%run_scoped3A : memref<!tpu.dma_semaphore, #tpu.memory_space<semaphore_mem>>)
        %dma_wait3A = arith.constant 0 : i32
        %dma_wait3A_50 = arith.constant 0 : i32
        %dma_wait3A_51 = tpu.memref_slice %arg17[%dma_wait3A, %dma_wait3A_50] : memref<128x80xf32, #tpu.memory_space<vmem>> -> memref<120x80xf32, #tpu.memory_space<vmem>>
        %dma_wait3A_52 = arith.constant 0 : i32
        %dma_wait3A_53 = tpu.memref_slice %arg18[%add3A_32, %dma_wait3A_52] : memref<10112x80xf32, #tpu.memory_space<vmem_shared>> -> memref<120x80xf32, #tpu.memory_space<vmem_shared>>
        %dma_wait3A_54 = arith.constant 0 : i32
        %dma_wait3A_55 = tpu.memref_slice %arg18[%add3A_32, %dma_wait3A_54] : memref<10112x80xf32, #tpu.memory_space<vmem_shared>> -> memref<120x80xf32, #tpu.memory_space<vmem_shared>>
        %dma_wait3A_56 = arith.constant 0 : i32
        %dma_wait3A_57 = arith.constant 0 : i32
        %dma_wait3A_58 = tpu.memref_slice %arg17[%dma_wait3A_56, %dma_wait3A_57] : memref<128x80xf32, #tpu.memory_space<vmem>> -> memref<120x80xf32, #tpu.memory_space<vmem>>
        tpu.wait_dma2 semaphore(%run_scoped3A : memref<!tpu.dma_semaphore, #tpu.memory_space<semaphore_mem>>) src(%dma_wait3A_58 : memref<120x80xf32, #tpu.memory_space<vmem>>) dst(%dma_wait3A_55 : memref<120x80xf32, #tpu.memory_space<vmem_shared>>)
        tpu.yield
      }) : () -> ()
      %barrier3A_33 = arith.constant 0 : index
      tpu.barrier barrier_id(%barrier3A_33)
      %scan3A_34 = arith.constant 0 : i32
      %scan3A_35 = arith.constant 79 : i32
      %scan3A_36 = arith.addi %scan3A_34, %scan3A_35 : i32
      %scan3A_37 = arith.constant 1 : i32
      scf.for %scan3A_41 = %scan3A_34 to %scan3A_36 step %scan3A_37  : i32 {
        %mul3A_42 = arith.constant 1 : i32
        %mul3A_43 = arith.muli %scan3A_41, %mul3A_42 : i32
        %add3A_44 = arith.constant 0 : i32
        %add3A_45 = arith.addi %add3A_44, %mul3A_43 : i32
        "tpu.region"() ({
          %run_scoped3A = tpu.sem_alloc : memref<!tpu.dma_semaphore, #tpu.memory_space<semaphore_mem>>
          %dma_start3A = arith.constant 0 : i32
          %dma_start3A_46 = tpu.memref_slice %arg13[%add3A_45, %dma_start3A] : memref<79x128xi32, #tpu.memory_space<vmem>> -> memref<1x128xi32, #tpu.memory_space<vmem>>
          %dma_start3A_47 = tpu.memref_squeeze %dma_start3A_46 : memref<1x128xi32, #tpu.memory_space<vmem>> -> memref<128xi32, #tpu.memory_space<vmem>>
          %dma_start3A_48 = arith.constant 0 : i32
          %dma_start3A_49 = arith.constant 0 : i32
          %dma_start3A_50 = tpu.memref_slice %arg3[%dma_start3A_48, %dma_start3A_49] : memref<10112x80xf32, #tpu.memory_space<hbm>> -> memref<10112x80xf32, #tpu.memory_space<hbm>>
          tpu.enqueue_indirect_dma source(%dma_start3A_50 : memref<10112x80xf32, #tpu.memory_space<hbm>>) target(%arg15 : memref<128x80xf32, #tpu.memory_space<vmem>>) offsets(%dma_start3A_47 : memref<128xi32, #tpu.memory_space<vmem>>) semaphore(%run_scoped3A : memref<!tpu.dma_semaphore, #tpu.memory_space<semaphore_mem>>)
          %dma_wait3A = arith.constant 0 : i32
          %dma_wait3A_51 = tpu.memref_slice %arg13[%add3A_45, %dma_wait3A] : memref<79x128xi32, #tpu.memory_space<vmem>> -> memref<1x128xi32, #tpu.memory_space<vmem>>
          %dma_wait3A_52 = tpu.memref_squeeze %dma_wait3A_51 : memref<1x128xi32, #tpu.memory_space<vmem>> -> memref<128xi32, #tpu.memory_space<vmem>>
          %dma_wait3A_53 = arith.constant 0 : i32
          %dma_wait3A_54 = arith.constant 0 : i32
          %dma_wait3A_55 = tpu.memref_slice %arg3[%dma_wait3A_53, %dma_wait3A_54] : memref<10112x80xf32, #tpu.memory_space<hbm>> -> memref<10112x80xf32, #tpu.memory_space<hbm>>
          tpu.wait_indirect_dma semaphore(%run_scoped3A : memref<!tpu.dma_semaphore, #tpu.memory_space<semaphore_mem>>) src(%dma_wait3A_55 : memref<10112x80xf32, #tpu.memory_space<hbm>>) dst(%arg15 : memref<128x80xf32, #tpu.memory_space<vmem>>)
          tpu.yield
        }) : () -> ()
        "tpu.region"() ({
          %run_scoped3A = tpu.sem_alloc : memref<!tpu.dma_semaphore, #tpu.memory_space<semaphore_mem>>
          %dma_start3A = arith.constant 0 : i32
          %dma_start3A_46 = tpu.memref_slice %arg14[%add3A_45, %dma_start3A] : memref<79x128xi32, #tpu.memory_space<vmem>> -> memref<1x128xi32, #tpu.memory_space<vmem>>
          %dma_start3A_47 = tpu.memref_squeeze %dma_start3A_46 : memref<1x128xi32, #tpu.memory_space<vmem>> -> memref<128xi32, #tpu.memory_space<vmem>>
          %dma_start3A_48 = arith.constant 0 : i32
          %dma_start3A_49 = arith.constant 0 : i32
          %dma_start3A_50 = tpu.memref_slice %arg18[%dma_start3A_48, %dma_start3A_49] : memref<10112x80xf32, #tpu.memory_space<vmem_shared>> -> memref<10112x80xf32, #tpu.memory_space<vmem_shared>>
          tpu.enqueue_indirect_dma source(%arg15 : memref<128x80xf32, #tpu.memory_space<vmem>>) target(%dma_start3A_50 : memref<10112x80xf32, #tpu.memory_space<vmem_shared>>) offsets(%dma_start3A_47 : memref<128xi32, #tpu.memory_space<vmem>>) semaphore(%run_scoped3A : memref<!tpu.dma_semaphore, #tpu.memory_space<semaphore_mem>>) {add = true}
          %dma_wait3A = arith.constant 0 : i32
          %dma_wait3A_51 = tpu.memref_slice %arg14[%add3A_45, %dma_wait3A] : memref<79x128xi32, #tpu.memory_space<vmem>> -> memref<1x128xi32, #tpu.memory_space<vmem>>
          %dma_wait3A_52 = tpu.memref_squeeze %dma_wait3A_51 : memref<1x128xi32, #tpu.memory_space<vmem>> -> memref<128xi32, #tpu.memory_space<vmem>>
          %dma_wait3A_53 = arith.constant 0 : i32
          %dma_wait3A_54 = arith.constant 0 : i32
          %dma_wait3A_55 = tpu.memref_slice %arg18[%dma_wait3A_53, %dma_wait3A_54] : memref<10112x80xf32, #tpu.memory_space<vmem_shared>> -> memref<10112x80xf32, #tpu.memory_space<vmem_shared>>
          tpu.wait_indirect_dma semaphore(%run_scoped3A : memref<!tpu.dma_semaphore, #tpu.memory_space<semaphore_mem>>) src(%arg15 : memref<128x80xf32, #tpu.memory_space<vmem>>) dst(%dma_wait3A_55 : memref<10112x80xf32, #tpu.memory_space<vmem_shared>>)
          tpu.yield
        }) : () -> ()
      }
      %scan3A_38 = arith.constant 79 : i32
      %barrier3A_39 = arith.constant 0 : index
      tpu.barrier barrier_id(%barrier3A_39)
      "tpu.region"() ({
        %run_scoped3A = tpu.sem_alloc : memref<!tpu.dma_semaphore, #tpu.memory_space<semaphore_mem>>
        %dma_start3A = arith.constant 0 : i32
        %dma_start3A_41 = tpu.memref_slice %arg10[%mul3A_0, %dma_start3A] : memref<10112x80xf32, #tpu.memory_space<hbm>> -> memref<632x80xf32, #tpu.memory_space<hbm>>
        %dma_start3A_42 = arith.constant 0 : i32
        %dma_start3A_43 = tpu.memref_slice %arg18[%mul3A_0, %dma_start3A_42] : memref<10112x80xf32, #tpu.memory_space<vmem_shared>> -> memref<632x80xf32, #tpu.memory_space<vmem_shared>>
        tpu.enqueue_dma source(%dma_start3A_43 : memref<632x80xf32, #tpu.memory_space<vmem_shared>>) target(%dma_start3A_41 : memref<632x80xf32, #tpu.memory_space<hbm>>) target_semaphore(%run_scoped3A : memref<!tpu.dma_semaphore, #tpu.memory_space<semaphore_mem>>)
        %dma_wait3A = arith.constant 0 : i32
        %dma_wait3A_44 = tpu.memref_slice %arg10[%mul3A_0, %dma_wait3A] : memref<10112x80xf32, #tpu.memory_space<hbm>> -> memref<632x80xf32, #tpu.memory_space<hbm>>
        %dma_wait3A_45 = arith.constant 0 : i32
        %dma_wait3A_46 = tpu.memref_slice %arg18[%mul3A_0, %dma_wait3A_45] : memref<10112x80xf32, #tpu.memory_space<vmem_shared>> -> memref<632x80xf32, #tpu.memory_space<vmem_shared>>
        tpu.wait_dma2 semaphore(%run_scoped3A : memref<!tpu.dma_semaphore, #tpu.memory_space<semaphore_mem>>) src(%dma_wait3A_46 : memref<632x80xf32, #tpu.memory_space<vmem_shared>>) dst(%dma_wait3A_44 : memref<632x80xf32, #tpu.memory_space<hbm>>)
        tpu.yield
      }) : () -> ()
      %barrier3A_40 = arith.constant 0 : index
      tpu.barrier barrier_id(%barrier3A_40)
    } else {
    }
    %eq3A_3 = arith.constant 1 : i32
    %eq3A_4 = arith.cmpi eq, %arg0, %eq3A_3 : i32
    %convert_element_type3A_5 = arith.extui %eq3A_4 : i1 to i32
    %cond3A_6 = arith.constant 0 : i32
    %cond3A_7 = arith.cmpi ne, %convert_element_type3A_5, %cond3A_6 : i32
    scf.if %cond3A_7 {
      %add3A = arith.constant 0 : i32
      %add3A_8 = arith.addi %mul3A_0, %add3A : i32
      "tpu.region"() ({
        %run_scoped3A = tpu.sem_alloc : memref<!tpu.dma_semaphore, #tpu.memory_space<semaphore_mem>>
        %dma_start3A = arith.constant 0 : i32
        %dma_start3A_41 = tpu.memref_slice %arg18[%add3A_8, %dma_start3A] : memref<10112x80xf32, #tpu.memory_space<vmem_shared>> -> memref<128x80xf32, #tpu.memory_space<vmem_shared>>
        %dma_start3A_42 = arith.constant 0 : i32
        %dma_start3A_43 = tpu.memref_slice %arg18[%add3A_8, %dma_start3A_42] : memref<10112x80xf32, #tpu.memory_space<vmem_shared>> -> memref<128x80xf32, #tpu.memory_space<vmem_shared>>
        tpu.enqueue_dma source(%arg17 : memref<128x80xf32, #tpu.memory_space<vmem>>) target(%dma_start3A_43 : memref<128x80xf32, #tpu.memory_space<vmem_shared>>) target_semaphore(%run_scoped3A : memref<!tpu.dma_semaphore, #tpu.memory_space<semaphore_mem>>)
        %dma_wait3A = arith.constant 0 : i32
        %dma_wait3A_44 = tpu.memref_slice %arg18[%add3A_8, %dma_wait3A] : memref<10112x80xf32, #tpu.memory_space<vmem_shared>> -> memref<128x80xf32, #tpu.memory_space<vmem_shared>>
        %dma_wait3A_45 = arith.constant 0 : i32
        %dma_wait3A_46 = tpu.memref_slice %arg18[%add3A_8, %dma_wait3A_45] : memref<10112x80xf32, #tpu.memory_space<vmem_shared>> -> memref<128x80xf32, #tpu.memory_space<vmem_shared>>
        tpu.wait_dma2 semaphore(%run_scoped3A : memref<!tpu.dma_semaphore, #tpu.memory_space<semaphore_mem>>) src(%arg17 : memref<128x80xf32, #tpu.memory_space<vmem>>) dst(%dma_wait3A_46 : memref<128x80xf32, #tpu.memory_space<vmem_shared>>)
        tpu.yield
      }) : () -> ()
      %add3A_9 = arith.constant 128 : i32
      %add3A_10 = arith.addi %mul3A_0, %add3A_9 : i32
      "tpu.region"() ({
        %run_scoped3A = tpu.sem_alloc : memref<!tpu.dma_semaphore, #tpu.memory_space<semaphore_mem>>
        %dma_start3A = arith.constant 0 : i32
        %dma_start3A_41 = tpu.memref_slice %arg18[%add3A_10, %dma_start3A] : memref<10112x80xf32, #tpu.memory_space<vmem_shared>> -> memref<128x80xf32, #tpu.memory_space<vmem_shared>>
        %dma_start3A_42 = arith.constant 0 : i32
        %dma_start3A_43 = tpu.memref_slice %arg18[%add3A_10, %dma_start3A_42] : memref<10112x80xf32, #tpu.memory_space<vmem_shared>> -> memref<128x80xf32, #tpu.memory_space<vmem_shared>>
        tpu.enqueue_dma source(%arg17 : memref<128x80xf32, #tpu.memory_space<vmem>>) target(%dma_start3A_43 : memref<128x80xf32, #tpu.memory_space<vmem_shared>>) target_semaphore(%run_scoped3A : memref<!tpu.dma_semaphore, #tpu.memory_space<semaphore_mem>>)
        %dma_wait3A = arith.constant 0 : i32
        %dma_wait3A_44 = tpu.memref_slice %arg18[%add3A_10, %dma_wait3A] : memref<10112x80xf32, #tpu.memory_space<vmem_shared>> -> memref<128x80xf32, #tpu.memory_space<vmem_shared>>
        %dma_wait3A_45 = arith.constant 0 : i32
        %dma_wait3A_46 = tpu.memref_slice %arg18[%add3A_10, %dma_wait3A_45] : memref<10112x80xf32, #tpu.memory_space<vmem_shared>> -> memref<128x80xf32, #tpu.memory_space<vmem_shared>>
        tpu.wait_dma2 semaphore(%run_scoped3A : memref<!tpu.dma_semaphore, #tpu.memory_space<semaphore_mem>>) src(%arg17 : memref<128x80xf32, #tpu.memory_space<vmem>>) dst(%dma_wait3A_46 : memref<128x80xf32, #tpu.memory_space<vmem_shared>>)
        tpu.yield
      }) : () -> ()
      %add3A_11 = arith.constant 256 : i32
      %add3A_12 = arith.addi %mul3A_0, %add3A_11 : i32
      "tpu.region"() ({
        %run_scoped3A = tpu.sem_alloc : memref<!tpu.dma_semaphore, #tpu.memory_space<semaphore_mem>>
        %dma_start3A = arith.constant 0 : i32
        %dma_start3A_41 = tpu.memref_slice %arg18[%add3A_12, %dma_start3A] : memref<10112x80xf32, #tpu.memory_space<vmem_shared>> -> memref<128x80xf32, #tpu.memory_space<vmem_shared>>
        %dma_start3A_42 = arith.constant 0 : i32
        %dma_start3A_43 = tpu.memref_slice %arg18[%add3A_12, %dma_start3A_42] : memref<10112x80xf32, #tpu.memory_space<vmem_shared>> -> memref<128x80xf32, #tpu.memory_space<vmem_shared>>
        tpu.enqueue_dma source(%arg17 : memref<128x80xf32, #tpu.memory_space<vmem>>) target(%dma_start3A_43 : memref<128x80xf32, #tpu.memory_space<vmem_shared>>) target_semaphore(%run_scoped3A : memref<!tpu.dma_semaphore, #tpu.memory_space<semaphore_mem>>)
        %dma_wait3A = arith.constant 0 : i32
        %dma_wait3A_44 = tpu.memref_slice %arg18[%add3A_12, %dma_wait3A] : memref<10112x80xf32, #tpu.memory_space<vmem_shared>> -> memref<128x80xf32, #tpu.memory_space<vmem_shared>>
        %dma_wait3A_45 = arith.constant 0 : i32
        %dma_wait3A_46 = tpu.memref_slice %arg18[%add3A_12, %dma_wait3A_45] : memref<10112x80xf32, #tpu.memory_space<vmem_shared>> -> memref<128x80xf32, #tpu.memory_space<vmem_shared>>
        tpu.wait_dma2 semaphore(%run_scoped3A : memref<!tpu.dma_semaphore, #tpu.memory_space<semaphore_mem>>) src(%arg17 : memref<128x80xf32, #tpu.memory_space<vmem>>) dst(%dma_wait3A_46 : memref<128x80xf32, #tpu.memory_space<vmem_shared>>)
        tpu.yield
      }) : () -> ()
      %add3A_13 = arith.constant 384 : i32
      %add3A_14 = arith.addi %mul3A_0, %add3A_13 : i32
      "tpu.region"() ({
        %run_scoped3A = tpu.sem_alloc : memref<!tpu.dma_semaphore, #tpu.memory_space<semaphore_mem>>
        %dma_start3A = arith.constant 0 : i32
        %dma_start3A_41 = tpu.memref_slice %arg18[%add3A_14, %dma_start3A] : memref<10112x80xf32, #tpu.memory_space<vmem_shared>> -> memref<128x80xf32, #tpu.memory_space<vmem_shared>>
        %dma_start3A_42 = arith.constant 0 : i32
        %dma_start3A_43 = tpu.memref_slice %arg18[%add3A_14, %dma_start3A_42] : memref<10112x80xf32, #tpu.memory_space<vmem_shared>> -> memref<128x80xf32, #tpu.memory_space<vmem_shared>>
        tpu.enqueue_dma source(%arg17 : memref<128x80xf32, #tpu.memory_space<vmem>>) target(%dma_start3A_43 : memref<128x80xf32, #tpu.memory_space<vmem_shared>>) target_semaphore(%run_scoped3A : memref<!tpu.dma_semaphore, #tpu.memory_space<semaphore_mem>>)
        %dma_wait3A = arith.constant 0 : i32
        %dma_wait3A_44 = tpu.memref_slice %arg18[%add3A_14, %dma_wait3A] : memref<10112x80xf32, #tpu.memory_space<vmem_shared>> -> memref<128x80xf32, #tpu.memory_space<vmem_shared>>
        %dma_wait3A_45 = arith.constant 0 : i32
        %dma_wait3A_46 = tpu.memref_slice %arg18[%add3A_14, %dma_wait3A_45] : memref<10112x80xf32, #tpu.memory_space<vmem_shared>> -> memref<128x80xf32, #tpu.memory_space<vmem_shared>>
        tpu.wait_dma2 semaphore(%run_scoped3A : memref<!tpu.dma_semaphore, #tpu.memory_space<semaphore_mem>>) src(%arg17 : memref<128x80xf32, #tpu.memory_space<vmem>>) dst(%dma_wait3A_46 : memref<128x80xf32, #tpu.memory_space<vmem_shared>>)
        tpu.yield
      }) : () -> ()
      %add3A_15 = arith.constant 512 : i32
      %add3A_16 = arith.addi %mul3A_0, %add3A_15 : i32
      "tpu.region"() ({
        %run_scoped3A = tpu.sem_alloc : memref<!tpu.dma_semaphore, #tpu.memory_space<semaphore_mem>>
        %dma_start3A = arith.constant 0 : i32
        %dma_start3A_41 = arith.constant 0 : i32
        %dma_start3A_42 = tpu.memref_slice %arg17[%dma_start3A, %dma_start3A_41] : memref<128x80xf32, #tpu.memory_space<vmem>> -> memref<120x80xf32, #tpu.memory_space<vmem>>
        %dma_start3A_43 = arith.constant 0 : i32
        %dma_start3A_44 = tpu.memref_slice %arg18[%add3A_16, %dma_start3A_43] : memref<10112x80xf32, #tpu.memory_space<vmem_shared>> -> memref<120x80xf32, #tpu.memory_space<vmem_shared>>
        %dma_start3A_45 = arith.constant 0 : i32
        %dma_start3A_46 = tpu.memref_slice %arg18[%add3A_16, %dma_start3A_45] : memref<10112x80xf32, #tpu.memory_space<vmem_shared>> -> memref<120x80xf32, #tpu.memory_space<vmem_shared>>
        %dma_start3A_47 = arith.constant 0 : i32
        %dma_start3A_48 = arith.constant 0 : i32
        %dma_start3A_49 = tpu.memref_slice %arg17[%dma_start3A_47, %dma_start3A_48] : memref<128x80xf32, #tpu.memory_space<vmem>> -> memref<120x80xf32, #tpu.memory_space<vmem>>
        tpu.enqueue_dma source(%dma_start3A_49 : memref<120x80xf32, #tpu.memory_space<vmem>>) target(%dma_start3A_46 : memref<120x80xf32, #tpu.memory_space<vmem_shared>>) target_semaphore(%run_scoped3A : memref<!tpu.dma_semaphore, #tpu.memory_space<semaphore_mem>>)
        %dma_wait3A = arith.constant 0 : i32
        %dma_wait3A_50 = arith.constant 0 : i32
        %dma_wait3A_51 = tpu.memref_slice %arg17[%dma_wait3A, %dma_wait3A_50] : memref<128x80xf32, #tpu.memory_space<vmem>> -> memref<120x80xf32, #tpu.memory_space<vmem>>
        %dma_wait3A_52 = arith.constant 0 : i32
        %dma_wait3A_53 = tpu.memref_slice %arg18[%add3A_16, %dma_wait3A_52] : memref<10112x80xf32, #tpu.memory_space<vmem_shared>> -> memref<120x80xf32, #tpu.memory_space<vmem_shared>>
        %dma_wait3A_54 = arith.constant 0 : i32
        %dma_wait3A_55 = tpu.memref_slice %arg18[%add3A_16, %dma_wait3A_54] : memref<10112x80xf32, #tpu.memory_space<vmem_shared>> -> memref<120x80xf32, #tpu.memory_space<vmem_shared>>
        %dma_wait3A_56 = arith.constant 0 : i32
        %dma_wait3A_57 = arith.constant 0 : i32
        %dma_wait3A_58 = tpu.memref_slice %arg17[%dma_wait3A_56, %dma_wait3A_57] : memref<128x80xf32, #tpu.memory_space<vmem>> -> memref<120x80xf32, #tpu.memory_space<vmem>>
        tpu.wait_dma2 semaphore(%run_scoped3A : memref<!tpu.dma_semaphore, #tpu.memory_space<semaphore_mem>>) src(%dma_wait3A_58 : memref<120x80xf32, #tpu.memory_space<vmem>>) dst(%dma_wait3A_55 : memref<120x80xf32, #tpu.memory_space<vmem_shared>>)
        tpu.yield
      }) : () -> ()
      %barrier3A = arith.constant 0 : index
      tpu.barrier barrier_id(%barrier3A)
      %scan3A = arith.constant 0 : i32
      %scan3A_17 = arith.constant 79 : i32
      %scan3A_18 = arith.addi %scan3A, %scan3A_17 : i32
      %scan3A_19 = arith.constant 1 : i32
      scf.for %scan3A_41 = %scan3A to %scan3A_18 step %scan3A_19  : i32 {
        %mul3A_42 = arith.constant 1 : i32
        %mul3A_43 = arith.muli %scan3A_41, %mul3A_42 : i32
        %add3A_44 = arith.constant 0 : i32
        %add3A_45 = arith.addi %add3A_44, %mul3A_43 : i32
        "tpu.region"() ({
          %run_scoped3A = tpu.sem_alloc : memref<!tpu.dma_semaphore, #tpu.memory_space<semaphore_mem>>
          %dma_start3A = arith.constant 0 : i32
          %dma_start3A_46 = tpu.memref_slice %arg13[%add3A_45, %dma_start3A] : memref<79x128xi32, #tpu.memory_space<vmem>> -> memref<1x128xi32, #tpu.memory_space<vmem>>
          %dma_start3A_47 = tpu.memref_squeeze %dma_start3A_46 : memref<1x128xi32, #tpu.memory_space<vmem>> -> memref<128xi32, #tpu.memory_space<vmem>>
          %dma_start3A_48 = arith.constant 0 : i32
          %dma_start3A_49 = arith.constant 0 : i32
          %dma_start3A_50 = tpu.memref_slice %arg4[%dma_start3A_48, %dma_start3A_49] : memref<10112x80xf32, #tpu.memory_space<hbm>> -> memref<10112x80xf32, #tpu.memory_space<hbm>>
          tpu.enqueue_indirect_dma source(%dma_start3A_50 : memref<10112x80xf32, #tpu.memory_space<hbm>>) target(%arg15 : memref<128x80xf32, #tpu.memory_space<vmem>>) offsets(%dma_start3A_47 : memref<128xi32, #tpu.memory_space<vmem>>) semaphore(%run_scoped3A : memref<!tpu.dma_semaphore, #tpu.memory_space<semaphore_mem>>)
          %dma_wait3A = arith.constant 0 : i32
          %dma_wait3A_51 = tpu.memref_slice %arg13[%add3A_45, %dma_wait3A] : memref<79x128xi32, #tpu.memory_space<vmem>> -> memref<1x128xi32, #tpu.memory_space<vmem>>
          %dma_wait3A_52 = tpu.memref_squeeze %dma_wait3A_51 : memref<1x128xi32, #tpu.memory_space<vmem>> -> memref<128xi32, #tpu.memory_space<vmem>>
          %dma_wait3A_53 = arith.constant 0 : i32
          %dma_wait3A_54 = arith.constant 0 : i32
          %dma_wait3A_55 = tpu.memref_slice %arg4[%dma_wait3A_53, %dma_wait3A_54] : memref<10112x80xf32, #tpu.memory_space<hbm>> -> memref<10112x80xf32, #tpu.memory_space<hbm>>
          tpu.wait_indirect_dma semaphore(%run_scoped3A : memref<!tpu.dma_semaphore, #tpu.memory_space<semaphore_mem>>) src(%dma_wait3A_55 : memref<10112x80xf32, #tpu.memory_space<hbm>>) dst(%arg15 : memref<128x80xf32, #tpu.memory_space<vmem>>)
          tpu.yield
        }) : () -> ()
        "tpu.region"() ({
          %run_scoped3A = tpu.sem_alloc : memref<!tpu.dma_semaphore, #tpu.memory_space<semaphore_mem>>
          %dma_start3A = arith.constant 0 : i32
          %dma_start3A_46 = tpu.memref_slice %arg14[%add3A_45, %dma_start3A] : memref<79x128xi32, #tpu.memory_space<vmem>> -> memref<1x128xi32, #tpu.memory_space<vmem>>
          %dma_start3A_47 = tpu.memref_squeeze %dma_start3A_46 : memref<1x128xi32, #tpu.memory_space<vmem>> -> memref<128xi32, #tpu.memory_space<vmem>>
          %dma_start3A_48 = arith.constant 0 : i32
          %dma_start3A_49 = arith.constant 0 : i32
          %dma_start3A_50 = tpu.memref_slice %arg18[%dma_start3A_48, %dma_start3A_49] : memref<10112x80xf32, #tpu.memory_space<vmem_shared>> -> memref<10112x80xf32, #tpu.memory_space<vmem_shared>>
          tpu.enqueue_indirect_dma source(%arg15 : memref<128x80xf32, #tpu.memory_space<vmem>>) target(%dma_start3A_50 : memref<10112x80xf32, #tpu.memory_space<vmem_shared>>) offsets(%dma_start3A_47 : memref<128xi32, #tpu.memory_space<vmem>>) semaphore(%run_scoped3A : memref<!tpu.dma_semaphore, #tpu.memory_space<semaphore_mem>>) {add = true}
          %dma_wait3A = arith.constant 0 : i32
          %dma_wait3A_51 = tpu.memref_slice %arg14[%add3A_45, %dma_wait3A] : memref<79x128xi32, #tpu.memory_space<vmem>> -> memref<1x128xi32, #tpu.memory_space<vmem>>
          %dma_wait3A_52 = tpu.memref_squeeze %dma_wait3A_51 : memref<1x128xi32, #tpu.memory_space<vmem>> -> memref<128xi32, #tpu.memory_space<vmem>>
          %dma_wait3A_53 = arith.constant 0 : i32
          %dma_wait3A_54 = arith.constant 0 : i32
          %dma_wait3A_55 = tpu.memref_slice %arg18[%dma_wait3A_53, %dma_wait3A_54] : memref<10112x80xf32, #tpu.memory_space<vmem_shared>> -> memref<10112x80xf32, #tpu.memory_space<vmem_shared>>
          tpu.wait_indirect_dma semaphore(%run_scoped3A : memref<!tpu.dma_semaphore, #tpu.memory_space<semaphore_mem>>) src(%arg15 : memref<128x80xf32, #tpu.memory_space<vmem>>) dst(%dma_wait3A_55 : memref<10112x80xf32, #tpu.memory_space<vmem_shared>>)
          tpu.yield
        }) : () -> ()
      }
      %scan3A_20 = arith.constant 79 : i32
      %barrier3A_21 = arith.constant 0 : index
      tpu.barrier barrier_id(%barrier3A_21)
      "tpu.region"() ({
        %run_scoped3A = tpu.sem_alloc : memref<!tpu.dma_semaphore, #tpu.memory_space<semaphore_mem>>
        %dma_start3A = arith.constant 0 : i32
        %dma_start3A_41 = tpu.memref_slice %arg11[%mul3A_0, %dma_start3A] : memref<10112x80xf32, #tpu.memory_space<hbm>> -> memref<632x80xf32, #tpu.memory_space<hbm>>
        %dma_start3A_42 = arith.constant 0 : i32
        %dma_start3A_43 = tpu.memref_slice %arg18[%mul3A_0, %dma_start3A_42] : memref<10112x80xf32, #tpu.memory_space<vmem_shared>> -> memref<632x80xf32, #tpu.memory_space<vmem_shared>>
        tpu.enqueue_dma source(%dma_start3A_43 : memref<632x80xf32, #tpu.memory_space<vmem_shared>>) target(%dma_start3A_41 : memref<632x80xf32, #tpu.memory_space<hbm>>) target_semaphore(%run_scoped3A : memref<!tpu.dma_semaphore, #tpu.memory_space<semaphore_mem>>)
        %dma_wait3A = arith.constant 0 : i32
        %dma_wait3A_44 = tpu.memref_slice %arg11[%mul3A_0, %dma_wait3A] : memref<10112x80xf32, #tpu.memory_space<hbm>> -> memref<632x80xf32, #tpu.memory_space<hbm>>
        %dma_wait3A_45 = arith.constant 0 : i32
        %dma_wait3A_46 = tpu.memref_slice %arg18[%mul3A_0, %dma_wait3A_45] : memref<10112x80xf32, #tpu.memory_space<vmem_shared>> -> memref<632x80xf32, #tpu.memory_space<vmem_shared>>
        tpu.wait_dma2 semaphore(%run_scoped3A : memref<!tpu.dma_semaphore, #tpu.memory_space<semaphore_mem>>) src(%dma_wait3A_46 : memref<632x80xf32, #tpu.memory_space<vmem_shared>>) dst(%dma_wait3A_44 : memref<632x80xf32, #tpu.memory_space<hbm>>)
        tpu.yield
      }) : () -> ()
      %barrier3A_22 = arith.constant 0 : index
      tpu.barrier barrier_id(%barrier3A_22)
      %add3A_23 = arith.constant 0 : i32
      %add3A_24 = arith.addi %mul3A_0, %add3A_23 : i32
      "tpu.region"() ({
        %run_scoped3A = tpu.sem_alloc : memref<!tpu.dma_semaphore, #tpu.memory_space<semaphore_mem>>
        %dma_start3A = arith.constant 0 : i32
        %dma_start3A_41 = tpu.memref_slice %arg18[%add3A_24, %dma_start3A] : memref<10112x80xf32, #tpu.memory_space<vmem_shared>> -> memref<128x80xf32, #tpu.memory_space<vmem_shared>>
        %dma_start3A_42 = arith.constant 0 : i32
        %dma_start3A_43 = tpu.memref_slice %arg18[%add3A_24, %dma_start3A_42] : memref<10112x80xf32, #tpu.memory_space<vmem_shared>> -> memref<128x80xf32, #tpu.memory_space<vmem_shared>>
        tpu.enqueue_dma source(%arg17 : memref<128x80xf32, #tpu.memory_space<vmem>>) target(%dma_start3A_43 : memref<128x80xf32, #tpu.memory_space<vmem_shared>>) target_semaphore(%run_scoped3A : memref<!tpu.dma_semaphore, #tpu.memory_space<semaphore_mem>>)
        %dma_wait3A = arith.constant 0 : i32
        %dma_wait3A_44 = tpu.memref_slice %arg18[%add3A_24, %dma_wait3A] : memref<10112x80xf32, #tpu.memory_space<vmem_shared>> -> memref<128x80xf32, #tpu.memory_space<vmem_shared>>
        %dma_wait3A_45 = arith.constant 0 : i32
        %dma_wait3A_46 = tpu.memref_slice %arg18[%add3A_24, %dma_wait3A_45] : memref<10112x80xf32, #tpu.memory_space<vmem_shared>> -> memref<128x80xf32, #tpu.memory_space<vmem_shared>>
        tpu.wait_dma2 semaphore(%run_scoped3A : memref<!tpu.dma_semaphore, #tpu.memory_space<semaphore_mem>>) src(%arg17 : memref<128x80xf32, #tpu.memory_space<vmem>>) dst(%dma_wait3A_46 : memref<128x80xf32, #tpu.memory_space<vmem_shared>>)
        tpu.yield
      }) : () -> ()
      %add3A_25 = arith.constant 128 : i32
      %add3A_26 = arith.addi %mul3A_0, %add3A_25 : i32
      "tpu.region"() ({
        %run_scoped3A = tpu.sem_alloc : memref<!tpu.dma_semaphore, #tpu.memory_space<semaphore_mem>>
        %dma_start3A = arith.constant 0 : i32
        %dma_start3A_41 = tpu.memref_slice %arg18[%add3A_26, %dma_start3A] : memref<10112x80xf32, #tpu.memory_space<vmem_shared>> -> memref<128x80xf32, #tpu.memory_space<vmem_shared>>
        %dma_start3A_42 = arith.constant 0 : i32
        %dma_start3A_43 = tpu.memref_slice %arg18[%add3A_26, %dma_start3A_42] : memref<10112x80xf32, #tpu.memory_space<vmem_shared>> -> memref<128x80xf32, #tpu.memory_space<vmem_shared>>
        tpu.enqueue_dma source(%arg17 : memref<128x80xf32, #tpu.memory_space<vmem>>) target(%dma_start3A_43 : memref<128x80xf32, #tpu.memory_space<vmem_shared>>) target_semaphore(%run_scoped3A : memref<!tpu.dma_semaphore, #tpu.memory_space<semaphore_mem>>)
        %dma_wait3A = arith.constant 0 : i32
        %dma_wait3A_44 = tpu.memref_slice %arg18[%add3A_26, %dma_wait3A] : memref<10112x80xf32, #tpu.memory_space<vmem_shared>> -> memref<128x80xf32, #tpu.memory_space<vmem_shared>>
        %dma_wait3A_45 = arith.constant 0 : i32
        %dma_wait3A_46 = tpu.memref_slice %arg18[%add3A_26, %dma_wait3A_45] : memref<10112x80xf32, #tpu.memory_space<vmem_shared>> -> memref<128x80xf32, #tpu.memory_space<vmem_shared>>
        tpu.wait_dma2 semaphore(%run_scoped3A : memref<!tpu.dma_semaphore, #tpu.memory_space<semaphore_mem>>) src(%arg17 : memref<128x80xf32, #tpu.memory_space<vmem>>) dst(%dma_wait3A_46 : memref<128x80xf32, #tpu.memory_space<vmem_shared>>)
        tpu.yield
      }) : () -> ()
      %add3A_27 = arith.constant 256 : i32
      %add3A_28 = arith.addi %mul3A_0, %add3A_27 : i32
      "tpu.region"() ({
        %run_scoped3A = tpu.sem_alloc : memref<!tpu.dma_semaphore, #tpu.memory_space<semaphore_mem>>
        %dma_start3A = arith.constant 0 : i32
        %dma_start3A_41 = tpu.memref_slice %arg18[%add3A_28, %dma_start3A] : memref<10112x80xf32, #tpu.memory_space<vmem_shared>> -> memref<128x80xf32, #tpu.memory_space<vmem_shared>>
        %dma_start3A_42 = arith.constant 0 : i32
        %dma_start3A_43 = tpu.memref_slice %arg18[%add3A_28, %dma_start3A_42] : memref<10112x80xf32, #tpu.memory_space<vmem_shared>> -> memref<128x80xf32, #tpu.memory_space<vmem_shared>>
        tpu.enqueue_dma source(%arg17 : memref<128x80xf32, #tpu.memory_space<vmem>>) target(%dma_start3A_43 : memref<128x80xf32, #tpu.memory_space<vmem_shared>>) target_semaphore(%run_scoped3A : memref<!tpu.dma_semaphore, #tpu.memory_space<semaphore_mem>>)
        %dma_wait3A = arith.constant 0 : i32
        %dma_wait3A_44 = tpu.memref_slice %arg18[%add3A_28, %dma_wait3A] : memref<10112x80xf32, #tpu.memory_space<vmem_shared>> -> memref<128x80xf32, #tpu.memory_space<vmem_shared>>
        %dma_wait3A_45 = arith.constant 0 : i32
        %dma_wait3A_46 = tpu.memref_slice %arg18[%add3A_28, %dma_wait3A_45] : memref<10112x80xf32, #tpu.memory_space<vmem_shared>> -> memref<128x80xf32, #tpu.memory_space<vmem_shared>>
        tpu.wait_dma2 semaphore(%run_scoped3A : memref<!tpu.dma_semaphore, #tpu.memory_space<semaphore_mem>>) src(%arg17 : memref<128x80xf32, #tpu.memory_space<vmem>>) dst(%dma_wait3A_46 : memref<128x80xf32, #tpu.memory_space<vmem_shared>>)
        tpu.yield
      }) : () -> ()
      %add3A_29 = arith.constant 384 : i32
      %add3A_30 = arith.addi %mul3A_0, %add3A_29 : i32
      "tpu.region"() ({
        %run_scoped3A = tpu.sem_alloc : memref<!tpu.dma_semaphore, #tpu.memory_space<semaphore_mem>>
        %dma_start3A = arith.constant 0 : i32
        %dma_start3A_41 = tpu.memref_slice %arg18[%add3A_30, %dma_start3A] : memref<10112x80xf32, #tpu.memory_space<vmem_shared>> -> memref<128x80xf32, #tpu.memory_space<vmem_shared>>
        %dma_start3A_42 = arith.constant 0 : i32
        %dma_start3A_43 = tpu.memref_slice %arg18[%add3A_30, %dma_start3A_42] : memref<10112x80xf32, #tpu.memory_space<vmem_shared>> -> memref<128x80xf32, #tpu.memory_space<vmem_shared>>
        tpu.enqueue_dma source(%arg17 : memref<128x80xf32, #tpu.memory_space<vmem>>) target(%dma_start3A_43 : memref<128x80xf32, #tpu.memory_space<vmem_shared>>) target_semaphore(%run_scoped3A : memref<!tpu.dma_semaphore, #tpu.memory_space<semaphore_mem>>)
        %dma_wait3A = arith.constant 0 : i32
        %dma_wait3A_44 = tpu.memref_slice %arg18[%add3A_30, %dma_wait3A] : memref<10112x80xf32, #tpu.memory_space<vmem_shared>> -> memref<128x80xf32, #tpu.memory_space<vmem_shared>>
        %dma_wait3A_45 = arith.constant 0 : i32
        %dma_wait3A_46 = tpu.memref_slice %arg18[%add3A_30, %dma_wait3A_45] : memref<10112x80xf32, #tpu.memory_space<vmem_shared>> -> memref<128x80xf32, #tpu.memory_space<vmem_shared>>
        tpu.wait_dma2 semaphore(%run_scoped3A : memref<!tpu.dma_semaphore, #tpu.memory_space<semaphore_mem>>) src(%arg17 : memref<128x80xf32, #tpu.memory_space<vmem>>) dst(%dma_wait3A_46 : memref<128x80xf32, #tpu.memory_space<vmem_shared>>)
        tpu.yield
      }) : () -> ()
      %add3A_31 = arith.constant 512 : i32
      %add3A_32 = arith.addi %mul3A_0, %add3A_31 : i32
      "tpu.region"() ({
        %run_scoped3A = tpu.sem_alloc : memref<!tpu.dma_semaphore, #tpu.memory_space<semaphore_mem>>
        %dma_start3A = arith.constant 0 : i32
        %dma_start3A_41 = arith.constant 0 : i32
        %dma_start3A_42 = tpu.memref_slice %arg17[%dma_start3A, %dma_start3A_41] : memref<128x80xf32, #tpu.memory_space<vmem>> -> memref<120x80xf32, #tpu.memory_space<vmem>>
        %dma_start3A_43 = arith.constant 0 : i32
        %dma_start3A_44 = tpu.memref_slice %arg18[%add3A_32, %dma_start3A_43] : memref<10112x80xf32, #tpu.memory_space<vmem_shared>> -> memref<120x80xf32, #tpu.memory_space<vmem_shared>>
        %dma_start3A_45 = arith.constant 0 : i32
        %dma_start3A_46 = tpu.memref_slice %arg18[%add3A_32, %dma_start3A_45] : memref<10112x80xf32, #tpu.memory_space<vmem_shared>> -> memref<120x80xf32, #tpu.memory_space<vmem_shared>>
        %dma_start3A_47 = arith.constant 0 : i32
        %dma_start3A_48 = arith.constant 0 : i32
        %dma_start3A_49 = tpu.memref_slice %arg17[%dma_start3A_47, %dma_start3A_48] : memref<128x80xf32, #tpu.memory_space<vmem>> -> memref<120x80xf32, #tpu.memory_space<vmem>>
        tpu.enqueue_dma source(%dma_start3A_49 : memref<120x80xf32, #tpu.memory_space<vmem>>) target(%dma_start3A_46 : memref<120x80xf32, #tpu.memory_space<vmem_shared>>) target_semaphore(%run_scoped3A : memref<!tpu.dma_semaphore, #tpu.memory_space<semaphore_mem>>)
        %dma_wait3A = arith.constant 0 : i32
        %dma_wait3A_50 = arith.constant 0 : i32
        %dma_wait3A_51 = tpu.memref_slice %arg17[%dma_wait3A, %dma_wait3A_50] : memref<128x80xf32, #tpu.memory_space<vmem>> -> memref<120x80xf32, #tpu.memory_space<vmem>>
        %dma_wait3A_52 = arith.constant 0 : i32
        %dma_wait3A_53 = tpu.memref_slice %arg18[%add3A_32, %dma_wait3A_52] : memref<10112x80xf32, #tpu.memory_space<vmem_shared>> -> memref<120x80xf32, #tpu.memory_space<vmem_shared>>
        %dma_wait3A_54 = arith.constant 0 : i32
        %dma_wait3A_55 = tpu.memref_slice %arg18[%add3A_32, %dma_wait3A_54] : memref<10112x80xf32, #tpu.memory_space<vmem_shared>> -> memref<120x80xf32, #tpu.memory_space<vmem_shared>>
        %dma_wait3A_56 = arith.constant 0 : i32
        %dma_wait3A_57 = arith.constant 0 : i32
        %dma_wait3A_58 = tpu.memref_slice %arg17[%dma_wait3A_56, %dma_wait3A_57] : memref<128x80xf32, #tpu.memory_space<vmem>> -> memref<120x80xf32, #tpu.memory_space<vmem>>
        tpu.wait_dma2 semaphore(%run_scoped3A : memref<!tpu.dma_semaphore, #tpu.memory_space<semaphore_mem>>) src(%dma_wait3A_58 : memref<120x80xf32, #tpu.memory_space<vmem>>) dst(%dma_wait3A_55 : memref<120x80xf32, #tpu.memory_space<vmem_shared>>)
        tpu.yield
      }) : () -> ()
      %barrier3A_33 = arith.constant 0 : index
      tpu.barrier barrier_id(%barrier3A_33)
      %scan3A_34 = arith.constant 0 : i32
      %scan3A_35 = arith.constant 79 : i32
      %scan3A_36 = arith.addi %scan3A_34, %scan3A_35 : i32
      %scan3A_37 = arith.constant 1 : i32
      scf.for %scan3A_41 = %scan3A_34 to %scan3A_36 step %scan3A_37  : i32 {
        %mul3A_42 = arith.constant 1 : i32
        %mul3A_43 = arith.muli %scan3A_41, %mul3A_42 : i32
        %add3A_44 = arith.constant 0 : i32
        %add3A_45 = arith.addi %add3A_44, %mul3A_43 : i32
        "tpu.region"() ({
          %run_scoped3A = tpu.sem_alloc : memref<!tpu.dma_semaphore, #tpu.memory_space<semaphore_mem>>
          %dma_start3A = arith.constant 0 : i32
          %dma_start3A_46 = tpu.memref_slice %arg13[%add3A_45, %dma_start3A] : memref<79x128xi32, #tpu.memory_space<vmem>> -> memref<1x128xi32, #tpu.memory_space<vmem>>
          %dma_start3A_47 = tpu.memref_squeeze %dma_start3A_46 : memref<1x128xi32, #tpu.memory_space<vmem>> -> memref<128xi32, #tpu.memory_space<vmem>>
          %dma_start3A_48 = arith.constant 0 : i32
          %dma_start3A_49 = arith.constant 0 : i32
          %dma_start3A_50 = tpu.memref_slice %arg5[%dma_start3A_48, %dma_start3A_49] : memref<10112x80xf32, #tpu.memory_space<hbm>> -> memref<10112x80xf32, #tpu.memory_space<hbm>>
          tpu.enqueue_indirect_dma source(%dma_start3A_50 : memref<10112x80xf32, #tpu.memory_space<hbm>>) target(%arg15 : memref<128x80xf32, #tpu.memory_space<vmem>>) offsets(%dma_start3A_47 : memref<128xi32, #tpu.memory_space<vmem>>) semaphore(%run_scoped3A : memref<!tpu.dma_semaphore, #tpu.memory_space<semaphore_mem>>)
          %dma_wait3A = arith.constant 0 : i32
          %dma_wait3A_51 = tpu.memref_slice %arg13[%add3A_45, %dma_wait3A] : memref<79x128xi32, #tpu.memory_space<vmem>> -> memref<1x128xi32, #tpu.memory_space<vmem>>
          %dma_wait3A_52 = tpu.memref_squeeze %dma_wait3A_51 : memref<1x128xi32, #tpu.memory_space<vmem>> -> memref<128xi32, #tpu.memory_space<vmem>>
          %dma_wait3A_53 = arith.constant 0 : i32
          %dma_wait3A_54 = arith.constant 0 : i32
          %dma_wait3A_55 = tpu.memref_slice %arg5[%dma_wait3A_53, %dma_wait3A_54] : memref<10112x80xf32, #tpu.memory_space<hbm>> -> memref<10112x80xf32, #tpu.memory_space<hbm>>
          tpu.wait_indirect_dma semaphore(%run_scoped3A : memref<!tpu.dma_semaphore, #tpu.memory_space<semaphore_mem>>) src(%dma_wait3A_55 : memref<10112x80xf32, #tpu.memory_space<hbm>>) dst(%arg15 : memref<128x80xf32, #tpu.memory_space<vmem>>)
          tpu.yield
        }) : () -> ()
        "tpu.region"() ({
          %run_scoped3A = tpu.sem_alloc : memref<!tpu.dma_semaphore, #tpu.memory_space<semaphore_mem>>
          %dma_start3A = arith.constant 0 : i32
          %dma_start3A_46 = tpu.memref_slice %arg14[%add3A_45, %dma_start3A] : memref<79x128xi32, #tpu.memory_space<vmem>> -> memref<1x128xi32, #tpu.memory_space<vmem>>
          %dma_start3A_47 = tpu.memref_squeeze %dma_start3A_46 : memref<1x128xi32, #tpu.memory_space<vmem>> -> memref<128xi32, #tpu.memory_space<vmem>>
          %dma_start3A_48 = arith.constant 0 : i32
          %dma_start3A_49 = arith.constant 0 : i32
          %dma_start3A_50 = tpu.memref_slice %arg18[%dma_start3A_48, %dma_start3A_49] : memref<10112x80xf32, #tpu.memory_space<vmem_shared>> -> memref<10112x80xf32, #tpu.memory_space<vmem_shared>>
          tpu.enqueue_indirect_dma source(%arg15 : memref<128x80xf32, #tpu.memory_space<vmem>>) target(%dma_start3A_50 : memref<10112x80xf32, #tpu.memory_space<vmem_shared>>) offsets(%dma_start3A_47 : memref<128xi32, #tpu.memory_space<vmem>>) semaphore(%run_scoped3A : memref<!tpu.dma_semaphore, #tpu.memory_space<semaphore_mem>>) {add = true}
          %dma_wait3A = arith.constant 0 : i32
          %dma_wait3A_51 = tpu.memref_slice %arg14[%add3A_45, %dma_wait3A] : memref<79x128xi32, #tpu.memory_space<vmem>> -> memref<1x128xi32, #tpu.memory_space<vmem>>
          %dma_wait3A_52 = tpu.memref_squeeze %dma_wait3A_51 : memref<1x128xi32, #tpu.memory_space<vmem>> -> memref<128xi32, #tpu.memory_space<vmem>>
          %dma_wait3A_53 = arith.constant 0 : i32
          %dma_wait3A_54 = arith.constant 0 : i32
          %dma_wait3A_55 = tpu.memref_slice %arg18[%dma_wait3A_53, %dma_wait3A_54] : memref<10112x80xf32, #tpu.memory_space<vmem_shared>> -> memref<10112x80xf32, #tpu.memory_space<vmem_shared>>
          tpu.wait_indirect_dma semaphore(%run_scoped3A : memref<!tpu.dma_semaphore, #tpu.memory_space<semaphore_mem>>) src(%arg15 : memref<128x80xf32, #tpu.memory_space<vmem>>) dst(%dma_wait3A_55 : memref<10112x80xf32, #tpu.memory_space<vmem_shared>>)
          tpu.yield
        }) : () -> ()
      }
      %scan3A_38 = arith.constant 79 : i32
      %barrier3A_39 = arith.constant 0 : index
      tpu.barrier barrier_id(%barrier3A_39)
      "tpu.region"() ({
        %run_scoped3A = tpu.sem_alloc : memref<!tpu.dma_semaphore, #tpu.memory_space<semaphore_mem>>
        %dma_start3A = arith.constant 0 : i32
        %dma_start3A_41 = tpu.memref_slice %arg12[%mul3A_0, %dma_start3A] : memref<10112x80xf32, #tpu.memory_space<hbm>> -> memref<632x80xf32, #tpu.memory_space<hbm>>
        %dma_start3A_42 = arith.constant 0 : i32
        %dma_start3A_43 = tpu.memref_slice %arg18[%mul3A_0, %dma_start3A_42] : memref<10112x80xf32, #tpu.memory_space<vmem_shared>> -> memref<632x80xf32, #tpu.memory_space<vmem_shared>>
        tpu.enqueue_dma source(%dma_start3A_43 : memref<632x80xf32, #tpu.memory_space<vmem_shared>>) target(%dma_start3A_41 : memref<632x80xf32, #tpu.memory_space<hbm>>) target_semaphore(%run_scoped3A : memref<!tpu.dma_semaphore, #tpu.memory_space<semaphore_mem>>)
        %dma_wait3A = arith.constant 0 : i32
        %dma_wait3A_44 = tpu.memref_slice %arg12[%mul3A_0, %dma_wait3A] : memref<10112x80xf32, #tpu.memory_space<hbm>> -> memref<632x80xf32, #tpu.memory_space<hbm>>
        %dma_wait3A_45 = arith.constant 0 : i32
        %dma_wait3A_46 = tpu.memref_slice %arg18[%mul3A_0, %dma_wait3A_45] : memref<10112x80xf32, #tpu.memory_space<vmem_shared>> -> memref<632x80xf32, #tpu.memory_space<vmem_shared>>
        tpu.wait_dma2 semaphore(%run_scoped3A : memref<!tpu.dma_semaphore, #tpu.memory_space<semaphore_mem>>) src(%dma_wait3A_46 : memref<632x80xf32, #tpu.memory_space<vmem_shared>>) dst(%dma_wait3A_44 : memref<632x80xf32, #tpu.memory_space<hbm>>)
        tpu.yield
      }) : () -> ()
      %barrier3A_40 = arith.constant 0 : index
      tpu.barrier barrier_id(%barrier3A_40)
    } else {
    }
    return
  }
}

#map = affine_map<(d0, d1) -> (0, 0)>
#map1 = affine_map<(d0, d1) -> (0, 0, 0)>
module attributes {stable_mosaic.version = 14 : i64} {
  func.func @_agg_body(%arg0: i32, %arg1: i32, %arg2: memref<10112x80xf32, #tpu.memory_space<hbm>>, %arg3: memref<10112x80xf32, #tpu.memory_space<hbm>>, %arg4: memref<10112x80xf32, #tpu.memory_space<hbm>>, %arg5: memref<10112x80xf32, #tpu.memory_space<hbm>>, %arg6: memref<16x79x128xi32, #tpu.memory_space<hbm>>, %arg7: memref<16x79x128xi32, #tpu.memory_space<hbm>>, %arg8: memref<128x80xf32, #tpu.memory_space<hbm>>, %arg9: memref<10112x80xf32, #tpu.memory_space<hbm>>, %arg10: memref<10112x80xf32, #tpu.memory_space<hbm>>, %arg11: memref<10112x80xf32, #tpu.memory_space<hbm>>, %arg12: memref<10112x80xf32, #tpu.memory_space<hbm>>, %arg13: memref<79x128xi32, #tpu.memory_space<vmem>>, %arg14: memref<79x128xi32, #tpu.memory_space<vmem>>, %arg15: memref<128x80xf32, #tpu.memory_space<vmem>>, %arg16: memref<128x80xf32, #tpu.memory_space<vmem>>, %arg17: memref<128x80xf32, #tpu.memory_space<vmem>>, %arg18: memref<10112x80xf32, #tpu.memory_space<vmem_shared>>, %arg19: memref<!tpu.dma_semaphore, #tpu.memory_space<semaphore_mem>>, %arg20: memref<!tpu.dma_semaphore, #tpu.memory_space<semaphore_mem>>) attributes {dimension_semantics = [#tpu.dimension_semantics<core_parallel>, #tpu.dimension_semantics<subcore_parallel>], iteration_bounds = array<i64: 2, 16>, scalar_prefetch = 0 : i64, scratch_operands = 8 : i64, tpu.core_type = #tpu.core_type<sc_vector_subcore>, window_params = [{transform_indices = #map}, {transform_indices = #map}, {transform_indices = #map}, {transform_indices = #map}, {transform_indices = #map1}, {transform_indices = #map1}, {transform_indices = #map}, {transform_indices = #map}, {transform_indices = #map}, {transform_indices = #map}, {transform_indices = #map}]} {
    %mul3A = arith.constant 632 : i32
    %mul3A_0 = arith.muli %arg1, %mul3A : i32
    "tpu.region"() ({
      %run_scoped3A = tpu.sem_alloc : memref<!tpu.dma_semaphore, #tpu.memory_space<semaphore_mem>>
      %dma_start3A = arith.constant 0 : i32
      %dma_start3A_8 = arith.constant 0 : i32
      %dma_start3A_9 = tpu.memref_slice %arg6[%arg1, %dma_start3A, %dma_start3A_8] : memref<16x79x128xi32, #tpu.memory_space<hbm>> -> memref<1x79x128xi32, #tpu.memory_space<hbm>>
      %dma_start3A_10 = tpu.memref_squeeze %dma_start3A_9 : memref<1x79x128xi32, #tpu.memory_space<hbm>> -> memref<79x128xi32, #tpu.memory_space<hbm>>
      %dma_start3A_11 = arith.constant 0 : i32
      %dma_start3A_12 = arith.constant 0 : i32
      %dma_start3A_13 = tpu.memref_slice %arg6[%arg1, %dma_start3A_11, %dma_start3A_12] : memref<16x79x128xi32, #tpu.memory_space<hbm>> -> memref<1x79x128xi32, #tpu.memory_space<hbm>>
      %dma_start3A_14 = tpu.memref_squeeze %dma_start3A_13 : memref<1x79x128xi32, #tpu.memory_space<hbm>> -> memref<79x128xi32, #tpu.memory_space<hbm>>
      tpu.enqueue_dma source(%dma_start3A_14 : memref<79x128xi32, #tpu.memory_space<hbm>>) target(%arg13 : memref<79x128xi32, #tpu.memory_space<vmem>>) target_semaphore(%run_scoped3A : memref<!tpu.dma_semaphore, #tpu.memory_space<semaphore_mem>>)
      %dma_wait3A = arith.constant 0 : i32
      %dma_wait3A_15 = arith.constant 0 : i32
      %dma_wait3A_16 = tpu.memref_slice %arg6[%arg1, %dma_wait3A, %dma_wait3A_15] : memref<16x79x128xi32, #tpu.memory_space<hbm>> -> memref<1x79x128xi32, #tpu.memory_space<hbm>>
      %dma_wait3A_17 = tpu.memref_squeeze %dma_wait3A_16 : memref<1x79x128xi32, #tpu.memory_space<hbm>> -> memref<79x128xi32, #tpu.memory_space<hbm>>
      %dma_wait3A_18 = arith.constant 0 : i32
      %dma_wait3A_19 = arith.constant 0 : i32
      %dma_wait3A_20 = tpu.memref_slice %arg6[%arg1, %dma_wait3A_18, %dma_wait3A_19] : memref<16x79x128xi32, #tpu.memory_space<hbm>> -> memref<1x79x128xi32, #tpu.memory_space<hbm>>
      %dma_wait3A_21 = tpu.memref_squeeze %dma_wait3A_20 : memref<1x79x128xi32, #tpu.memory_space<hbm>> -> memref<79x128xi32, #tpu.memory_space<hbm>>
      tpu.wait_dma2 semaphore(%run_scoped3A : memref<!tpu.dma_semaphore, #tpu.memory_space<semaphore_mem>>) src(%dma_wait3A_21 : memref<79x128xi32, #tpu.memory_space<hbm>>) dst(%arg13 : memref<79x128xi32, #tpu.memory_space<vmem>>)
      tpu.yield
    }) : () -> ()
    "tpu.region"() ({
      %run_scoped3A = tpu.sem_alloc : memref<!tpu.dma_semaphore, #tpu.memory_space<semaphore_mem>>
      %dma_start3A = arith.constant 0 : i32
      %dma_start3A_8 = arith.constant 0 : i32
      %dma_start3A_9 = tpu.memref_slice %arg7[%arg1, %dma_start3A, %dma_start3A_8] : memref<16x79x128xi32, #tpu.memory_space<hbm>> -> memref<1x79x128xi32, #tpu.memory_space<hbm>>
      %dma_start3A_10 = tpu.memref_squeeze %dma_start3A_9 : memref<1x79x128xi32, #tpu.memory_space<hbm>> -> memref<79x128xi32, #tpu.memory_space<hbm>>
      %dma_start3A_11 = arith.constant 0 : i32
      %dma_start3A_12 = arith.constant 0 : i32
      %dma_start3A_13 = tpu.memref_slice %arg7[%arg1, %dma_start3A_11, %dma_start3A_12] : memref<16x79x128xi32, #tpu.memory_space<hbm>> -> memref<1x79x128xi32, #tpu.memory_space<hbm>>
      %dma_start3A_14 = tpu.memref_squeeze %dma_start3A_13 : memref<1x79x128xi32, #tpu.memory_space<hbm>> -> memref<79x128xi32, #tpu.memory_space<hbm>>
      tpu.enqueue_dma source(%dma_start3A_14 : memref<79x128xi32, #tpu.memory_space<hbm>>) target(%arg14 : memref<79x128xi32, #tpu.memory_space<vmem>>) target_semaphore(%run_scoped3A : memref<!tpu.dma_semaphore, #tpu.memory_space<semaphore_mem>>)
      %dma_wait3A = arith.constant 0 : i32
      %dma_wait3A_15 = arith.constant 0 : i32
      %dma_wait3A_16 = tpu.memref_slice %arg7[%arg1, %dma_wait3A, %dma_wait3A_15] : memref<16x79x128xi32, #tpu.memory_space<hbm>> -> memref<1x79x128xi32, #tpu.memory_space<hbm>>
      %dma_wait3A_17 = tpu.memref_squeeze %dma_wait3A_16 : memref<1x79x128xi32, #tpu.memory_space<hbm>> -> memref<79x128xi32, #tpu.memory_space<hbm>>
      %dma_wait3A_18 = arith.constant 0 : i32
      %dma_wait3A_19 = arith.constant 0 : i32
      %dma_wait3A_20 = tpu.memref_slice %arg7[%arg1, %dma_wait3A_18, %dma_wait3A_19] : memref<16x79x128xi32, #tpu.memory_space<hbm>> -> memref<1x79x128xi32, #tpu.memory_space<hbm>>
      %dma_wait3A_21 = tpu.memref_squeeze %dma_wait3A_20 : memref<1x79x128xi32, #tpu.memory_space<hbm>> -> memref<79x128xi32, #tpu.memory_space<hbm>>
      tpu.wait_dma2 semaphore(%run_scoped3A : memref<!tpu.dma_semaphore, #tpu.memory_space<semaphore_mem>>) src(%dma_wait3A_21 : memref<79x128xi32, #tpu.memory_space<hbm>>) dst(%arg14 : memref<79x128xi32, #tpu.memory_space<vmem>>)
      tpu.yield
    }) : () -> ()
    "tpu.region"() ({
      %run_scoped3A = tpu.sem_alloc : memref<!tpu.dma_semaphore, #tpu.memory_space<semaphore_mem>>
      tpu.enqueue_dma source(%arg8 : memref<128x80xf32, #tpu.memory_space<hbm>>) target(%arg17 : memref<128x80xf32, #tpu.memory_space<vmem>>) target_semaphore(%run_scoped3A : memref<!tpu.dma_semaphore, #tpu.memory_space<semaphore_mem>>)
      tpu.wait_dma2 semaphore(%run_scoped3A : memref<!tpu.dma_semaphore, #tpu.memory_space<semaphore_mem>>) src(%arg8 : memref<128x80xf32, #tpu.memory_space<hbm>>) dst(%arg17 : memref<128x80xf32, #tpu.memory_space<vmem>>)
      tpu.yield
    }) : () -> ()
    %eq3A = arith.constant 0 : i32
    %eq3A_1 = arith.cmpi eq, %arg0, %eq3A : i32
    %convert_element_type3A = arith.extui %eq3A_1 : i1 to i32
    %cond3A = arith.constant 0 : i32
    %cond3A_2 = arith.cmpi ne, %convert_element_type3A, %cond3A : i32
    scf.if %cond3A_2 {
      %add3A = arith.constant 0 : i32
      %add3A_8 = arith.addi %mul3A_0, %add3A : i32
      "tpu.region"() ({
        %run_scoped3A = tpu.sem_alloc : memref<!tpu.dma_semaphore, #tpu.memory_space<semaphore_mem>>
        %dma_start3A = arith.constant 0 : i32
        %dma_start3A_41 = tpu.memref_slice %arg18[%add3A_8, %dma_start3A] : memref<10112x80xf32, #tpu.memory_space<vmem_shared>> -> memref<128x80xf32, #tpu.memory_space<vmem_shared>>
        %dma_start3A_42 = arith.constant 0 : i32
        %dma_start3A_43 = tpu.memref_slice %arg18[%add3A_8, %dma_start3A_42] : memref<10112x80xf32, #tpu.memory_space<vmem_shared>> -> memref<128x80xf32, #tpu.memory_space<vmem_shared>>
        tpu.enqueue_dma source(%arg17 : memref<128x80xf32, #tpu.memory_space<vmem>>) target(%dma_start3A_43 : memref<128x80xf32, #tpu.memory_space<vmem_shared>>) target_semaphore(%run_scoped3A : memref<!tpu.dma_semaphore, #tpu.memory_space<semaphore_mem>>)
        %dma_wait3A = arith.constant 0 : i32
        %dma_wait3A_44 = tpu.memref_slice %arg18[%add3A_8, %dma_wait3A] : memref<10112x80xf32, #tpu.memory_space<vmem_shared>> -> memref<128x80xf32, #tpu.memory_space<vmem_shared>>
        %dma_wait3A_45 = arith.constant 0 : i32
        %dma_wait3A_46 = tpu.memref_slice %arg18[%add3A_8, %dma_wait3A_45] : memref<10112x80xf32, #tpu.memory_space<vmem_shared>> -> memref<128x80xf32, #tpu.memory_space<vmem_shared>>
        tpu.wait_dma2 semaphore(%run_scoped3A : memref<!tpu.dma_semaphore, #tpu.memory_space<semaphore_mem>>) src(%arg17 : memref<128x80xf32, #tpu.memory_space<vmem>>) dst(%dma_wait3A_46 : memref<128x80xf32, #tpu.memory_space<vmem_shared>>)
        tpu.yield
      }) : () -> ()
      %add3A_9 = arith.constant 128 : i32
      %add3A_10 = arith.addi %mul3A_0, %add3A_9 : i32
      "tpu.region"() ({
        %run_scoped3A = tpu.sem_alloc : memref<!tpu.dma_semaphore, #tpu.memory_space<semaphore_mem>>
        %dma_start3A = arith.constant 0 : i32
        %dma_start3A_41 = tpu.memref_slice %arg18[%add3A_10, %dma_start3A] : memref<10112x80xf32, #tpu.memory_space<vmem_shared>> -> memref<128x80xf32, #tpu.memory_space<vmem_shared>>
        %dma_start3A_42 = arith.constant 0 : i32
        %dma_start3A_43 = tpu.memref_slice %arg18[%add3A_10, %dma_start3A_42] : memref<10112x80xf32, #tpu.memory_space<vmem_shared>> -> memref<128x80xf32, #tpu.memory_space<vmem_shared>>
        tpu.enqueue_dma source(%arg17 : memref<128x80xf32, #tpu.memory_space<vmem>>) target(%dma_start3A_43 : memref<128x80xf32, #tpu.memory_space<vmem_shared>>) target_semaphore(%run_scoped3A : memref<!tpu.dma_semaphore, #tpu.memory_space<semaphore_mem>>)
        %dma_wait3A = arith.constant 0 : i32
        %dma_wait3A_44 = tpu.memref_slice %arg18[%add3A_10, %dma_wait3A] : memref<10112x80xf32, #tpu.memory_space<vmem_shared>> -> memref<128x80xf32, #tpu.memory_space<vmem_shared>>
        %dma_wait3A_45 = arith.constant 0 : i32
        %dma_wait3A_46 = tpu.memref_slice %arg18[%add3A_10, %dma_wait3A_45] : memref<10112x80xf32, #tpu.memory_space<vmem_shared>> -> memref<128x80xf32, #tpu.memory_space<vmem_shared>>
        tpu.wait_dma2 semaphore(%run_scoped3A : memref<!tpu.dma_semaphore, #tpu.memory_space<semaphore_mem>>) src(%arg17 : memref<128x80xf32, #tpu.memory_space<vmem>>) dst(%dma_wait3A_46 : memref<128x80xf32, #tpu.memory_space<vmem_shared>>)
        tpu.yield
      }) : () -> ()
      %add3A_11 = arith.constant 256 : i32
      %add3A_12 = arith.addi %mul3A_0, %add3A_11 : i32
      "tpu.region"() ({
        %run_scoped3A = tpu.sem_alloc : memref<!tpu.dma_semaphore, #tpu.memory_space<semaphore_mem>>
        %dma_start3A = arith.constant 0 : i32
        %dma_start3A_41 = tpu.memref_slice %arg18[%add3A_12, %dma_start3A] : memref<10112x80xf32, #tpu.memory_space<vmem_shared>> -> memref<128x80xf32, #tpu.memory_space<vmem_shared>>
        %dma_start3A_42 = arith.constant 0 : i32
        %dma_start3A_43 = tpu.memref_slice %arg18[%add3A_12, %dma_start3A_42] : memref<10112x80xf32, #tpu.memory_space<vmem_shared>> -> memref<128x80xf32, #tpu.memory_space<vmem_shared>>
        tpu.enqueue_dma source(%arg17 : memref<128x80xf32, #tpu.memory_space<vmem>>) target(%dma_start3A_43 : memref<128x80xf32, #tpu.memory_space<vmem_shared>>) target_semaphore(%run_scoped3A : memref<!tpu.dma_semaphore, #tpu.memory_space<semaphore_mem>>)
        %dma_wait3A = arith.constant 0 : i32
        %dma_wait3A_44 = tpu.memref_slice %arg18[%add3A_12, %dma_wait3A] : memref<10112x80xf32, #tpu.memory_space<vmem_shared>> -> memref<128x80xf32, #tpu.memory_space<vmem_shared>>
        %dma_wait3A_45 = arith.constant 0 : i32
        %dma_wait3A_46 = tpu.memref_slice %arg18[%add3A_12, %dma_wait3A_45] : memref<10112x80xf32, #tpu.memory_space<vmem_shared>> -> memref<128x80xf32, #tpu.memory_space<vmem_shared>>
        tpu.wait_dma2 semaphore(%run_scoped3A : memref<!tpu.dma_semaphore, #tpu.memory_space<semaphore_mem>>) src(%arg17 : memref<128x80xf32, #tpu.memory_space<vmem>>) dst(%dma_wait3A_46 : memref<128x80xf32, #tpu.memory_space<vmem_shared>>)
        tpu.yield
      }) : () -> ()
      %add3A_13 = arith.constant 384 : i32
      %add3A_14 = arith.addi %mul3A_0, %add3A_13 : i32
      "tpu.region"() ({
        %run_scoped3A = tpu.sem_alloc : memref<!tpu.dma_semaphore, #tpu.memory_space<semaphore_mem>>
        %dma_start3A = arith.constant 0 : i32
        %dma_start3A_41 = tpu.memref_slice %arg18[%add3A_14, %dma_start3A] : memref<10112x80xf32, #tpu.memory_space<vmem_shared>> -> memref<128x80xf32, #tpu.memory_space<vmem_shared>>
        %dma_start3A_42 = arith.constant 0 : i32
        %dma_start3A_43 = tpu.memref_slice %arg18[%add3A_14, %dma_start3A_42] : memref<10112x80xf32, #tpu.memory_space<vmem_shared>> -> memref<128x80xf32, #tpu.memory_space<vmem_shared>>
        tpu.enqueue_dma source(%arg17 : memref<128x80xf32, #tpu.memory_space<vmem>>) target(%dma_start3A_43 : memref<128x80xf32, #tpu.memory_space<vmem_shared>>) target_semaphore(%run_scoped3A : memref<!tpu.dma_semaphore, #tpu.memory_space<semaphore_mem>>)
        %dma_wait3A = arith.constant 0 : i32
        %dma_wait3A_44 = tpu.memref_slice %arg18[%add3A_14, %dma_wait3A] : memref<10112x80xf32, #tpu.memory_space<vmem_shared>> -> memref<128x80xf32, #tpu.memory_space<vmem_shared>>
        %dma_wait3A_45 = arith.constant 0 : i32
        %dma_wait3A_46 = tpu.memref_slice %arg18[%add3A_14, %dma_wait3A_45] : memref<10112x80xf32, #tpu.memory_space<vmem_shared>> -> memref<128x80xf32, #tpu.memory_space<vmem_shared>>
        tpu.wait_dma2 semaphore(%run_scoped3A : memref<!tpu.dma_semaphore, #tpu.memory_space<semaphore_mem>>) src(%arg17 : memref<128x80xf32, #tpu.memory_space<vmem>>) dst(%dma_wait3A_46 : memref<128x80xf32, #tpu.memory_space<vmem_shared>>)
        tpu.yield
      }) : () -> ()
      %add3A_15 = arith.constant 512 : i32
      %add3A_16 = arith.addi %mul3A_0, %add3A_15 : i32
      "tpu.region"() ({
        %run_scoped3A = tpu.sem_alloc : memref<!tpu.dma_semaphore, #tpu.memory_space<semaphore_mem>>
        %dma_start3A = arith.constant 0 : i32
        %dma_start3A_41 = arith.constant 0 : i32
        %dma_start3A_42 = tpu.memref_slice %arg17[%dma_start3A, %dma_start3A_41] : memref<128x80xf32, #tpu.memory_space<vmem>> -> memref<120x80xf32, #tpu.memory_space<vmem>>
        %dma_start3A_43 = arith.constant 0 : i32
        %dma_start3A_44 = tpu.memref_slice %arg18[%add3A_16, %dma_start3A_43] : memref<10112x80xf32, #tpu.memory_space<vmem_shared>> -> memref<120x80xf32, #tpu.memory_space<vmem_shared>>
        %dma_start3A_45 = arith.constant 0 : i32
        %dma_start3A_46 = tpu.memref_slice %arg18[%add3A_16, %dma_start3A_45] : memref<10112x80xf32, #tpu.memory_space<vmem_shared>> -> memref<120x80xf32, #tpu.memory_space<vmem_shared>>
        %dma_start3A_47 = arith.constant 0 : i32
        %dma_start3A_48 = arith.constant 0 : i32
        %dma_start3A_49 = tpu.memref_slice %arg17[%dma_start3A_47, %dma_start3A_48] : memref<128x80xf32, #tpu.memory_space<vmem>> -> memref<120x80xf32, #tpu.memory_space<vmem>>
        tpu.enqueue_dma source(%dma_start3A_49 : memref<120x80xf32, #tpu.memory_space<vmem>>) target(%dma_start3A_46 : memref<120x80xf32, #tpu.memory_space<vmem_shared>>) target_semaphore(%run_scoped3A : memref<!tpu.dma_semaphore, #tpu.memory_space<semaphore_mem>>)
        %dma_wait3A = arith.constant 0 : i32
        %dma_wait3A_50 = arith.constant 0 : i32
        %dma_wait3A_51 = tpu.memref_slice %arg17[%dma_wait3A, %dma_wait3A_50] : memref<128x80xf32, #tpu.memory_space<vmem>> -> memref<120x80xf32, #tpu.memory_space<vmem>>
        %dma_wait3A_52 = arith.constant 0 : i32
        %dma_wait3A_53 = tpu.memref_slice %arg18[%add3A_16, %dma_wait3A_52] : memref<10112x80xf32, #tpu.memory_space<vmem_shared>> -> memref<120x80xf32, #tpu.memory_space<vmem_shared>>
        %dma_wait3A_54 = arith.constant 0 : i32
        %dma_wait3A_55 = tpu.memref_slice %arg18[%add3A_16, %dma_wait3A_54] : memref<10112x80xf32, #tpu.memory_space<vmem_shared>> -> memref<120x80xf32, #tpu.memory_space<vmem_shared>>
        %dma_wait3A_56 = arith.constant 0 : i32
        %dma_wait3A_57 = arith.constant 0 : i32
        %dma_wait3A_58 = tpu.memref_slice %arg17[%dma_wait3A_56, %dma_wait3A_57] : memref<128x80xf32, #tpu.memory_space<vmem>> -> memref<120x80xf32, #tpu.memory_space<vmem>>
        tpu.wait_dma2 semaphore(%run_scoped3A : memref<!tpu.dma_semaphore, #tpu.memory_space<semaphore_mem>>) src(%dma_wait3A_58 : memref<120x80xf32, #tpu.memory_space<vmem>>) dst(%dma_wait3A_55 : memref<120x80xf32, #tpu.memory_space<vmem_shared>>)
        tpu.yield
      }) : () -> ()
      %barrier3A = arith.constant 0 : index
      tpu.barrier barrier_id(%barrier3A)
      %scan3A = arith.constant 0 : i32
      %scan3A_17 = arith.constant 79 : i32
      %scan3A_18 = arith.addi %scan3A, %scan3A_17 : i32
      %scan3A_19 = arith.constant 1 : i32
      scf.for %scan3A_41 = %scan3A to %scan3A_18 step %scan3A_19  : i32 {
        %mul3A_42 = arith.constant 1 : i32
        %mul3A_43 = arith.muli %scan3A_41, %mul3A_42 : i32
        %add3A_44 = arith.constant 0 : i32
        %add3A_45 = arith.addi %add3A_44, %mul3A_43 : i32
        "tpu.region"() ({
          %run_scoped3A = tpu.sem_alloc : memref<!tpu.dma_semaphore, #tpu.memory_space<semaphore_mem>>
          %dma_start3A = arith.constant 0 : i32
          %dma_start3A_46 = tpu.memref_slice %arg13[%add3A_45, %dma_start3A] : memref<79x128xi32, #tpu.memory_space<vmem>> -> memref<1x128xi32, #tpu.memory_space<vmem>>
          %dma_start3A_47 = tpu.memref_squeeze %dma_start3A_46 : memref<1x128xi32, #tpu.memory_space<vmem>> -> memref<128xi32, #tpu.memory_space<vmem>>
          %dma_start3A_48 = arith.constant 0 : i32
          %dma_start3A_49 = arith.constant 0 : i32
          %dma_start3A_50 = tpu.memref_slice %arg2[%dma_start3A_48, %dma_start3A_49] : memref<10112x80xf32, #tpu.memory_space<hbm>> -> memref<10112x80xf32, #tpu.memory_space<hbm>>
          tpu.enqueue_indirect_dma source(%dma_start3A_50 : memref<10112x80xf32, #tpu.memory_space<hbm>>) target(%arg15 : memref<128x80xf32, #tpu.memory_space<vmem>>) offsets(%dma_start3A_47 : memref<128xi32, #tpu.memory_space<vmem>>) semaphore(%run_scoped3A : memref<!tpu.dma_semaphore, #tpu.memory_space<semaphore_mem>>)
          %dma_wait3A = arith.constant 0 : i32
          %dma_wait3A_51 = tpu.memref_slice %arg13[%add3A_45, %dma_wait3A] : memref<79x128xi32, #tpu.memory_space<vmem>> -> memref<1x128xi32, #tpu.memory_space<vmem>>
          %dma_wait3A_52 = tpu.memref_squeeze %dma_wait3A_51 : memref<1x128xi32, #tpu.memory_space<vmem>> -> memref<128xi32, #tpu.memory_space<vmem>>
          %dma_wait3A_53 = arith.constant 0 : i32
          %dma_wait3A_54 = arith.constant 0 : i32
          %dma_wait3A_55 = tpu.memref_slice %arg2[%dma_wait3A_53, %dma_wait3A_54] : memref<10112x80xf32, #tpu.memory_space<hbm>> -> memref<10112x80xf32, #tpu.memory_space<hbm>>
          tpu.wait_indirect_dma semaphore(%run_scoped3A : memref<!tpu.dma_semaphore, #tpu.memory_space<semaphore_mem>>) src(%dma_wait3A_55 : memref<10112x80xf32, #tpu.memory_space<hbm>>) dst(%arg15 : memref<128x80xf32, #tpu.memory_space<vmem>>)
          tpu.yield
        }) : () -> ()
        "tpu.region"() ({
          %run_scoped3A = tpu.sem_alloc : memref<!tpu.dma_semaphore, #tpu.memory_space<semaphore_mem>>
          %dma_start3A = arith.constant 0 : i32
          %dma_start3A_46 = tpu.memref_slice %arg14[%add3A_45, %dma_start3A] : memref<79x128xi32, #tpu.memory_space<vmem>> -> memref<1x128xi32, #tpu.memory_space<vmem>>
          %dma_start3A_47 = tpu.memref_squeeze %dma_start3A_46 : memref<1x128xi32, #tpu.memory_space<vmem>> -> memref<128xi32, #tpu.memory_space<vmem>>
          %dma_start3A_48 = arith.constant 0 : i32
          %dma_start3A_49 = arith.constant 0 : i32
          %dma_start3A_50 = tpu.memref_slice %arg18[%dma_start3A_48, %dma_start3A_49] : memref<10112x80xf32, #tpu.memory_space<vmem_shared>> -> memref<10112x80xf32, #tpu.memory_space<vmem_shared>>
          tpu.enqueue_indirect_dma source(%arg15 : memref<128x80xf32, #tpu.memory_space<vmem>>) target(%dma_start3A_50 : memref<10112x80xf32, #tpu.memory_space<vmem_shared>>) offsets(%dma_start3A_47 : memref<128xi32, #tpu.memory_space<vmem>>) semaphore(%run_scoped3A : memref<!tpu.dma_semaphore, #tpu.memory_space<semaphore_mem>>) {add = true}
          %dma_wait3A = arith.constant 0 : i32
          %dma_wait3A_51 = tpu.memref_slice %arg14[%add3A_45, %dma_wait3A] : memref<79x128xi32, #tpu.memory_space<vmem>> -> memref<1x128xi32, #tpu.memory_space<vmem>>
          %dma_wait3A_52 = tpu.memref_squeeze %dma_wait3A_51 : memref<1x128xi32, #tpu.memory_space<vmem>> -> memref<128xi32, #tpu.memory_space<vmem>>
          %dma_wait3A_53 = arith.constant 0 : i32
          %dma_wait3A_54 = arith.constant 0 : i32
          %dma_wait3A_55 = tpu.memref_slice %arg18[%dma_wait3A_53, %dma_wait3A_54] : memref<10112x80xf32, #tpu.memory_space<vmem_shared>> -> memref<10112x80xf32, #tpu.memory_space<vmem_shared>>
          tpu.wait_indirect_dma semaphore(%run_scoped3A : memref<!tpu.dma_semaphore, #tpu.memory_space<semaphore_mem>>) src(%arg15 : memref<128x80xf32, #tpu.memory_space<vmem>>) dst(%dma_wait3A_55 : memref<10112x80xf32, #tpu.memory_space<vmem_shared>>)
          tpu.yield
        }) : () -> ()
      }
      %scan3A_20 = arith.constant 79 : i32
      %barrier3A_21 = arith.constant 0 : index
      tpu.barrier barrier_id(%barrier3A_21)
      "tpu.region"() ({
        %run_scoped3A = tpu.sem_alloc : memref<!tpu.dma_semaphore, #tpu.memory_space<semaphore_mem>>
        %dma_start3A = arith.constant 0 : i32
        %dma_start3A_41 = tpu.memref_slice %arg9[%mul3A_0, %dma_start3A] : memref<10112x80xf32, #tpu.memory_space<hbm>> -> memref<632x80xf32, #tpu.memory_space<hbm>>
        %dma_start3A_42 = arith.constant 0 : i32
        %dma_start3A_43 = tpu.memref_slice %arg18[%mul3A_0, %dma_start3A_42] : memref<10112x80xf32, #tpu.memory_space<vmem_shared>> -> memref<632x80xf32, #tpu.memory_space<vmem_shared>>
        tpu.enqueue_dma source(%dma_start3A_43 : memref<632x80xf32, #tpu.memory_space<vmem_shared>>) target(%dma_start3A_41 : memref<632x80xf32, #tpu.memory_space<hbm>>) target_semaphore(%run_scoped3A : memref<!tpu.dma_semaphore, #tpu.memory_space<semaphore_mem>>)
        %dma_wait3A = arith.constant 0 : i32
        %dma_wait3A_44 = tpu.memref_slice %arg9[%mul3A_0, %dma_wait3A] : memref<10112x80xf32, #tpu.memory_space<hbm>> -> memref<632x80xf32, #tpu.memory_space<hbm>>
        %dma_wait3A_45 = arith.constant 0 : i32
        %dma_wait3A_46 = tpu.memref_slice %arg18[%mul3A_0, %dma_wait3A_45] : memref<10112x80xf32, #tpu.memory_space<vmem_shared>> -> memref<632x80xf32, #tpu.memory_space<vmem_shared>>
        tpu.wait_dma2 semaphore(%run_scoped3A : memref<!tpu.dma_semaphore, #tpu.memory_space<semaphore_mem>>) src(%dma_wait3A_46 : memref<632x80xf32, #tpu.memory_space<vmem_shared>>) dst(%dma_wait3A_44 : memref<632x80xf32, #tpu.memory_space<hbm>>)
        tpu.yield
      }) : () -> ()
      %barrier3A_22 = arith.constant 0 : index
      tpu.barrier barrier_id(%barrier3A_22)
      %add3A_23 = arith.constant 0 : i32
      %add3A_24 = arith.addi %mul3A_0, %add3A_23 : i32
      "tpu.region"() ({
        %run_scoped3A = tpu.sem_alloc : memref<!tpu.dma_semaphore, #tpu.memory_space<semaphore_mem>>
        %dma_start3A = arith.constant 0 : i32
        %dma_start3A_41 = tpu.memref_slice %arg18[%add3A_24, %dma_start3A] : memref<10112x80xf32, #tpu.memory_space<vmem_shared>> -> memref<128x80xf32, #tpu.memory_space<vmem_shared>>
        %dma_start3A_42 = arith.constant 0 : i32
        %dma_start3A_43 = tpu.memref_slice %arg18[%add3A_24, %dma_start3A_42] : memref<10112x80xf32, #tpu.memory_space<vmem_shared>> -> memref<128x80xf32, #tpu.memory_space<vmem_shared>>
        tpu.enqueue_dma source(%arg17 : memref<128x80xf32, #tpu.memory_space<vmem>>) target(%dma_start3A_43 : memref<128x80xf32, #tpu.memory_space<vmem_shared>>) target_semaphore(%run_scoped3A : memref<!tpu.dma_semaphore, #tpu.memory_space<semaphore_mem>>)
        %dma_wait3A = arith.constant 0 : i32
        %dma_wait3A_44 = tpu.memref_slice %arg18[%add3A_24, %dma_wait3A] : memref<10112x80xf32, #tpu.memory_space<vmem_shared>> -> memref<128x80xf32, #tpu.memory_space<vmem_shared>>
        %dma_wait3A_45 = arith.constant 0 : i32
        %dma_wait3A_46 = tpu.memref_slice %arg18[%add3A_24, %dma_wait3A_45] : memref<10112x80xf32, #tpu.memory_space<vmem_shared>> -> memref<128x80xf32, #tpu.memory_space<vmem_shared>>
        tpu.wait_dma2 semaphore(%run_scoped3A : memref<!tpu.dma_semaphore, #tpu.memory_space<semaphore_mem>>) src(%arg17 : memref<128x80xf32, #tpu.memory_space<vmem>>) dst(%dma_wait3A_46 : memref<128x80xf32, #tpu.memory_space<vmem_shared>>)
        tpu.yield
      }) : () -> ()
      %add3A_25 = arith.constant 128 : i32
      %add3A_26 = arith.addi %mul3A_0, %add3A_25 : i32
      "tpu.region"() ({
        %run_scoped3A = tpu.sem_alloc : memref<!tpu.dma_semaphore, #tpu.memory_space<semaphore_mem>>
        %dma_start3A = arith.constant 0 : i32
        %dma_start3A_41 = tpu.memref_slice %arg18[%add3A_26, %dma_start3A] : memref<10112x80xf32, #tpu.memory_space<vmem_shared>> -> memref<128x80xf32, #tpu.memory_space<vmem_shared>>
        %dma_start3A_42 = arith.constant 0 : i32
        %dma_start3A_43 = tpu.memref_slice %arg18[%add3A_26, %dma_start3A_42] : memref<10112x80xf32, #tpu.memory_space<vmem_shared>> -> memref<128x80xf32, #tpu.memory_space<vmem_shared>>
        tpu.enqueue_dma source(%arg17 : memref<128x80xf32, #tpu.memory_space<vmem>>) target(%dma_start3A_43 : memref<128x80xf32, #tpu.memory_space<vmem_shared>>) target_semaphore(%run_scoped3A : memref<!tpu.dma_semaphore, #tpu.memory_space<semaphore_mem>>)
        %dma_wait3A = arith.constant 0 : i32
        %dma_wait3A_44 = tpu.memref_slice %arg18[%add3A_26, %dma_wait3A] : memref<10112x80xf32, #tpu.memory_space<vmem_shared>> -> memref<128x80xf32, #tpu.memory_space<vmem_shared>>
        %dma_wait3A_45 = arith.constant 0 : i32
        %dma_wait3A_46 = tpu.memref_slice %arg18[%add3A_26, %dma_wait3A_45] : memref<10112x80xf32, #tpu.memory_space<vmem_shared>> -> memref<128x80xf32, #tpu.memory_space<vmem_shared>>
        tpu.wait_dma2 semaphore(%run_scoped3A : memref<!tpu.dma_semaphore, #tpu.memory_space<semaphore_mem>>) src(%arg17 : memref<128x80xf32, #tpu.memory_space<vmem>>) dst(%dma_wait3A_46 : memref<128x80xf32, #tpu.memory_space<vmem_shared>>)
        tpu.yield
      }) : () -> ()
      %add3A_27 = arith.constant 256 : i32
      %add3A_28 = arith.addi %mul3A_0, %add3A_27 : i32
      "tpu.region"() ({
        %run_scoped3A = tpu.sem_alloc : memref<!tpu.dma_semaphore, #tpu.memory_space<semaphore_mem>>
        %dma_start3A = arith.constant 0 : i32
        %dma_start3A_41 = tpu.memref_slice %arg18[%add3A_28, %dma_start3A] : memref<10112x80xf32, #tpu.memory_space<vmem_shared>> -> memref<128x80xf32, #tpu.memory_space<vmem_shared>>
        %dma_start3A_42 = arith.constant 0 : i32
        %dma_start3A_43 = tpu.memref_slice %arg18[%add3A_28, %dma_start3A_42] : memref<10112x80xf32, #tpu.memory_space<vmem_shared>> -> memref<128x80xf32, #tpu.memory_space<vmem_shared>>
        tpu.enqueue_dma source(%arg17 : memref<128x80xf32, #tpu.memory_space<vmem>>) target(%dma_start3A_43 : memref<128x80xf32, #tpu.memory_space<vmem_shared>>) target_semaphore(%run_scoped3A : memref<!tpu.dma_semaphore, #tpu.memory_space<semaphore_mem>>)
        %dma_wait3A = arith.constant 0 : i32
        %dma_wait3A_44 = tpu.memref_slice %arg18[%add3A_28, %dma_wait3A] : memref<10112x80xf32, #tpu.memory_space<vmem_shared>> -> memref<128x80xf32, #tpu.memory_space<vmem_shared>>
        %dma_wait3A_45 = arith.constant 0 : i32
        %dma_wait3A_46 = tpu.memref_slice %arg18[%add3A_28, %dma_wait3A_45] : memref<10112x80xf32, #tpu.memory_space<vmem_shared>> -> memref<128x80xf32, #tpu.memory_space<vmem_shared>>
        tpu.wait_dma2 semaphore(%run_scoped3A : memref<!tpu.dma_semaphore, #tpu.memory_space<semaphore_mem>>) src(%arg17 : memref<128x80xf32, #tpu.memory_space<vmem>>) dst(%dma_wait3A_46 : memref<128x80xf32, #tpu.memory_space<vmem_shared>>)
        tpu.yield
      }) : () -> ()
      %add3A_29 = arith.constant 384 : i32
      %add3A_30 = arith.addi %mul3A_0, %add3A_29 : i32
      "tpu.region"() ({
        %run_scoped3A = tpu.sem_alloc : memref<!tpu.dma_semaphore, #tpu.memory_space<semaphore_mem>>
        %dma_start3A = arith.constant 0 : i32
        %dma_start3A_41 = tpu.memref_slice %arg18[%add3A_30, %dma_start3A] : memref<10112x80xf32, #tpu.memory_space<vmem_shared>> -> memref<128x80xf32, #tpu.memory_space<vmem_shared>>
        %dma_start3A_42 = arith.constant 0 : i32
        %dma_start3A_43 = tpu.memref_slice %arg18[%add3A_30, %dma_start3A_42] : memref<10112x80xf32, #tpu.memory_space<vmem_shared>> -> memref<128x80xf32, #tpu.memory_space<vmem_shared>>
        tpu.enqueue_dma source(%arg17 : memref<128x80xf32, #tpu.memory_space<vmem>>) target(%dma_start3A_43 : memref<128x80xf32, #tpu.memory_space<vmem_shared>>) target_semaphore(%run_scoped3A : memref<!tpu.dma_semaphore, #tpu.memory_space<semaphore_mem>>)
        %dma_wait3A = arith.constant 0 : i32
        %dma_wait3A_44 = tpu.memref_slice %arg18[%add3A_30, %dma_wait3A] : memref<10112x80xf32, #tpu.memory_space<vmem_shared>> -> memref<128x80xf32, #tpu.memory_space<vmem_shared>>
        %dma_wait3A_45 = arith.constant 0 : i32
        %dma_wait3A_46 = tpu.memref_slice %arg18[%add3A_30, %dma_wait3A_45] : memref<10112x80xf32, #tpu.memory_space<vmem_shared>> -> memref<128x80xf32, #tpu.memory_space<vmem_shared>>
        tpu.wait_dma2 semaphore(%run_scoped3A : memref<!tpu.dma_semaphore, #tpu.memory_space<semaphore_mem>>) src(%arg17 : memref<128x80xf32, #tpu.memory_space<vmem>>) dst(%dma_wait3A_46 : memref<128x80xf32, #tpu.memory_space<vmem_shared>>)
        tpu.yield
      }) : () -> ()
      %add3A_31 = arith.constant 512 : i32
      %add3A_32 = arith.addi %mul3A_0, %add3A_31 : i32
      "tpu.region"() ({
        %run_scoped3A = tpu.sem_alloc : memref<!tpu.dma_semaphore, #tpu.memory_space<semaphore_mem>>
        %dma_start3A = arith.constant 0 : i32
        %dma_start3A_41 = arith.constant 0 : i32
        %dma_start3A_42 = tpu.memref_slice %arg17[%dma_start3A, %dma_start3A_41] : memref<128x80xf32, #tpu.memory_space<vmem>> -> memref<120x80xf32, #tpu.memory_space<vmem>>
        %dma_start3A_43 = arith.constant 0 : i32
        %dma_start3A_44 = tpu.memref_slice %arg18[%add3A_32, %dma_start3A_43] : memref<10112x80xf32, #tpu.memory_space<vmem_shared>> -> memref<120x80xf32, #tpu.memory_space<vmem_shared>>
        %dma_start3A_45 = arith.constant 0 : i32
        %dma_start3A_46 = tpu.memref_slice %arg18[%add3A_32, %dma_start3A_45] : memref<10112x80xf32, #tpu.memory_space<vmem_shared>> -> memref<120x80xf32, #tpu.memory_space<vmem_shared>>
        %dma_start3A_47 = arith.constant 0 : i32
        %dma_start3A_48 = arith.constant 0 : i32
        %dma_start3A_49 = tpu.memref_slice %arg17[%dma_start3A_47, %dma_start3A_48] : memref<128x80xf32, #tpu.memory_space<vmem>> -> memref<120x80xf32, #tpu.memory_space<vmem>>
        tpu.enqueue_dma source(%dma_start3A_49 : memref<120x80xf32, #tpu.memory_space<vmem>>) target(%dma_start3A_46 : memref<120x80xf32, #tpu.memory_space<vmem_shared>>) target_semaphore(%run_scoped3A : memref<!tpu.dma_semaphore, #tpu.memory_space<semaphore_mem>>)
        %dma_wait3A = arith.constant 0 : i32
        %dma_wait3A_50 = arith.constant 0 : i32
        %dma_wait3A_51 = tpu.memref_slice %arg17[%dma_wait3A, %dma_wait3A_50] : memref<128x80xf32, #tpu.memory_space<vmem>> -> memref<120x80xf32, #tpu.memory_space<vmem>>
        %dma_wait3A_52 = arith.constant 0 : i32
        %dma_wait3A_53 = tpu.memref_slice %arg18[%add3A_32, %dma_wait3A_52] : memref<10112x80xf32, #tpu.memory_space<vmem_shared>> -> memref<120x80xf32, #tpu.memory_space<vmem_shared>>
        %dma_wait3A_54 = arith.constant 0 : i32
        %dma_wait3A_55 = tpu.memref_slice %arg18[%add3A_32, %dma_wait3A_54] : memref<10112x80xf32, #tpu.memory_space<vmem_shared>> -> memref<120x80xf32, #tpu.memory_space<vmem_shared>>
        %dma_wait3A_56 = arith.constant 0 : i32
        %dma_wait3A_57 = arith.constant 0 : i32
        %dma_wait3A_58 = tpu.memref_slice %arg17[%dma_wait3A_56, %dma_wait3A_57] : memref<128x80xf32, #tpu.memory_space<vmem>> -> memref<120x80xf32, #tpu.memory_space<vmem>>
        tpu.wait_dma2 semaphore(%run_scoped3A : memref<!tpu.dma_semaphore, #tpu.memory_space<semaphore_mem>>) src(%dma_wait3A_58 : memref<120x80xf32, #tpu.memory_space<vmem>>) dst(%dma_wait3A_55 : memref<120x80xf32, #tpu.memory_space<vmem_shared>>)
        tpu.yield
      }) : () -> ()
      %barrier3A_33 = arith.constant 0 : index
      tpu.barrier barrier_id(%barrier3A_33)
      %scan3A_34 = arith.constant 0 : i32
      %scan3A_35 = arith.constant 79 : i32
      %scan3A_36 = arith.addi %scan3A_34, %scan3A_35 : i32
      %scan3A_37 = arith.constant 1 : i32
      scf.for %scan3A_41 = %scan3A_34 to %scan3A_36 step %scan3A_37  : i32 {
        %mul3A_42 = arith.constant 1 : i32
        %mul3A_43 = arith.muli %scan3A_41, %mul3A_42 : i32
        %add3A_44 = arith.constant 0 : i32
        %add3A_45 = arith.addi %add3A_44, %mul3A_43 : i32
        "tpu.region"() ({
          %run_scoped3A = tpu.sem_alloc : memref<!tpu.dma_semaphore, #tpu.memory_space<semaphore_mem>>
          %dma_start3A = arith.constant 0 : i32
          %dma_start3A_46 = tpu.memref_slice %arg13[%add3A_45, %dma_start3A] : memref<79x128xi32, #tpu.memory_space<vmem>> -> memref<1x128xi32, #tpu.memory_space<vmem>>
          %dma_start3A_47 = tpu.memref_squeeze %dma_start3A_46 : memref<1x128xi32, #tpu.memory_space<vmem>> -> memref<128xi32, #tpu.memory_space<vmem>>
          %dma_start3A_48 = arith.constant 0 : i32
          %dma_start3A_49 = arith.constant 0 : i32
          %dma_start3A_50 = tpu.memref_slice %arg3[%dma_start3A_48, %dma_start3A_49] : memref<10112x80xf32, #tpu.memory_space<hbm>> -> memref<10112x80xf32, #tpu.memory_space<hbm>>
          tpu.enqueue_indirect_dma source(%dma_start3A_50 : memref<10112x80xf32, #tpu.memory_space<hbm>>) target(%arg15 : memref<128x80xf32, #tpu.memory_space<vmem>>) offsets(%dma_start3A_47 : memref<128xi32, #tpu.memory_space<vmem>>) semaphore(%run_scoped3A : memref<!tpu.dma_semaphore, #tpu.memory_space<semaphore_mem>>)
          %dma_wait3A = arith.constant 0 : i32
          %dma_wait3A_51 = tpu.memref_slice %arg13[%add3A_45, %dma_wait3A] : memref<79x128xi32, #tpu.memory_space<vmem>> -> memref<1x128xi32, #tpu.memory_space<vmem>>
          %dma_wait3A_52 = tpu.memref_squeeze %dma_wait3A_51 : memref<1x128xi32, #tpu.memory_space<vmem>> -> memref<128xi32, #tpu.memory_space<vmem>>
          %dma_wait3A_53 = arith.constant 0 : i32
          %dma_wait3A_54 = arith.constant 0 : i32
          %dma_wait3A_55 = tpu.memref_slice %arg3[%dma_wait3A_53, %dma_wait3A_54] : memref<10112x80xf32, #tpu.memory_space<hbm>> -> memref<10112x80xf32, #tpu.memory_space<hbm>>
          tpu.wait_indirect_dma semaphore(%run_scoped3A : memref<!tpu.dma_semaphore, #tpu.memory_space<semaphore_mem>>) src(%dma_wait3A_55 : memref<10112x80xf32, #tpu.memory_space<hbm>>) dst(%arg15 : memref<128x80xf32, #tpu.memory_space<vmem>>)
          tpu.yield
        }) : () -> ()
        "tpu.region"() ({
          %run_scoped3A = tpu.sem_alloc : memref<!tpu.dma_semaphore, #tpu.memory_space<semaphore_mem>>
          %dma_start3A = arith.constant 0 : i32
          %dma_start3A_46 = tpu.memref_slice %arg14[%add3A_45, %dma_start3A] : memref<79x128xi32, #tpu.memory_space<vmem>> -> memref<1x128xi32, #tpu.memory_space<vmem>>
          %dma_start3A_47 = tpu.memref_squeeze %dma_start3A_46 : memref<1x128xi32, #tpu.memory_space<vmem>> -> memref<128xi32, #tpu.memory_space<vmem>>
          %dma_start3A_48 = arith.constant 0 : i32
          %dma_start3A_49 = arith.constant 0 : i32
          %dma_start3A_50 = tpu.memref_slice %arg18[%dma_start3A_48, %dma_start3A_49] : memref<10112x80xf32, #tpu.memory_space<vmem_shared>> -> memref<10112x80xf32, #tpu.memory_space<vmem_shared>>
          tpu.enqueue_indirect_dma source(%arg15 : memref<128x80xf32, #tpu.memory_space<vmem>>) target(%dma_start3A_50 : memref<10112x80xf32, #tpu.memory_space<vmem_shared>>) offsets(%dma_start3A_47 : memref<128xi32, #tpu.memory_space<vmem>>) semaphore(%run_scoped3A : memref<!tpu.dma_semaphore, #tpu.memory_space<semaphore_mem>>) {add = true}
          %dma_wait3A = arith.constant 0 : i32
          %dma_wait3A_51 = tpu.memref_slice %arg14[%add3A_45, %dma_wait3A] : memref<79x128xi32, #tpu.memory_space<vmem>> -> memref<1x128xi32, #tpu.memory_space<vmem>>
          %dma_wait3A_52 = tpu.memref_squeeze %dma_wait3A_51 : memref<1x128xi32, #tpu.memory_space<vmem>> -> memref<128xi32, #tpu.memory_space<vmem>>
          %dma_wait3A_53 = arith.constant 0 : i32
          %dma_wait3A_54 = arith.constant 0 : i32
          %dma_wait3A_55 = tpu.memref_slice %arg18[%dma_wait3A_53, %dma_wait3A_54] : memref<10112x80xf32, #tpu.memory_space<vmem_shared>> -> memref<10112x80xf32, #tpu.memory_space<vmem_shared>>
          tpu.wait_indirect_dma semaphore(%run_scoped3A : memref<!tpu.dma_semaphore, #tpu.memory_space<semaphore_mem>>) src(%arg15 : memref<128x80xf32, #tpu.memory_space<vmem>>) dst(%dma_wait3A_55 : memref<10112x80xf32, #tpu.memory_space<vmem_shared>>)
          tpu.yield
        }) : () -> ()
      }
      %scan3A_38 = arith.constant 79 : i32
      %barrier3A_39 = arith.constant 0 : index
      tpu.barrier barrier_id(%barrier3A_39)
      "tpu.region"() ({
        %run_scoped3A = tpu.sem_alloc : memref<!tpu.dma_semaphore, #tpu.memory_space<semaphore_mem>>
        %dma_start3A = arith.constant 0 : i32
        %dma_start3A_41 = tpu.memref_slice %arg10[%mul3A_0, %dma_start3A] : memref<10112x80xf32, #tpu.memory_space<hbm>> -> memref<632x80xf32, #tpu.memory_space<hbm>>
        %dma_start3A_42 = arith.constant 0 : i32
        %dma_start3A_43 = tpu.memref_slice %arg18[%mul3A_0, %dma_start3A_42] : memref<10112x80xf32, #tpu.memory_space<vmem_shared>> -> memref<632x80xf32, #tpu.memory_space<vmem_shared>>
        tpu.enqueue_dma source(%dma_start3A_43 : memref<632x80xf32, #tpu.memory_space<vmem_shared>>) target(%dma_start3A_41 : memref<632x80xf32, #tpu.memory_space<hbm>>) target_semaphore(%run_scoped3A : memref<!tpu.dma_semaphore, #tpu.memory_space<semaphore_mem>>)
        %dma_wait3A = arith.constant 0 : i32
        %dma_wait3A_44 = tpu.memref_slice %arg10[%mul3A_0, %dma_wait3A] : memref<10112x80xf32, #tpu.memory_space<hbm>> -> memref<632x80xf32, #tpu.memory_space<hbm>>
        %dma_wait3A_45 = arith.constant 0 : i32
        %dma_wait3A_46 = tpu.memref_slice %arg18[%mul3A_0, %dma_wait3A_45] : memref<10112x80xf32, #tpu.memory_space<vmem_shared>> -> memref<632x80xf32, #tpu.memory_space<vmem_shared>>
        tpu.wait_dma2 semaphore(%run_scoped3A : memref<!tpu.dma_semaphore, #tpu.memory_space<semaphore_mem>>) src(%dma_wait3A_46 : memref<632x80xf32, #tpu.memory_space<vmem_shared>>) dst(%dma_wait3A_44 : memref<632x80xf32, #tpu.memory_space<hbm>>)
        tpu.yield
      }) : () -> ()
      %barrier3A_40 = arith.constant 0 : index
      tpu.barrier barrier_id(%barrier3A_40)
    } else {
    }
    %eq3A_3 = arith.constant 1 : i32
    %eq3A_4 = arith.cmpi eq, %arg0, %eq3A_3 : i32
    %convert_element_type3A_5 = arith.extui %eq3A_4 : i1 to i32
    %cond3A_6 = arith.constant 0 : i32
    %cond3A_7 = arith.cmpi ne, %convert_element_type3A_5, %cond3A_6 : i32
    scf.if %cond3A_7 {
      %add3A = arith.constant 0 : i32
      %add3A_8 = arith.addi %mul3A_0, %add3A : i32
      "tpu.region"() ({
        %run_scoped3A = tpu.sem_alloc : memref<!tpu.dma_semaphore, #tpu.memory_space<semaphore_mem>>
        %dma_start3A = arith.constant 0 : i32
        %dma_start3A_41 = tpu.memref_slice %arg18[%add3A_8, %dma_start3A] : memref<10112x80xf32, #tpu.memory_space<vmem_shared>> -> memref<128x80xf32, #tpu.memory_space<vmem_shared>>
        %dma_start3A_42 = arith.constant 0 : i32
        %dma_start3A_43 = tpu.memref_slice %arg18[%add3A_8, %dma_start3A_42] : memref<10112x80xf32, #tpu.memory_space<vmem_shared>> -> memref<128x80xf32, #tpu.memory_space<vmem_shared>>
        tpu.enqueue_dma source(%arg17 : memref<128x80xf32, #tpu.memory_space<vmem>>) target(%dma_start3A_43 : memref<128x80xf32, #tpu.memory_space<vmem_shared>>) target_semaphore(%run_scoped3A : memref<!tpu.dma_semaphore, #tpu.memory_space<semaphore_mem>>)
        %dma_wait3A = arith.constant 0 : i32
        %dma_wait3A_44 = tpu.memref_slice %arg18[%add3A_8, %dma_wait3A] : memref<10112x80xf32, #tpu.memory_space<vmem_shared>> -> memref<128x80xf32, #tpu.memory_space<vmem_shared>>
        %dma_wait3A_45 = arith.constant 0 : i32
        %dma_wait3A_46 = tpu.memref_slice %arg18[%add3A_8, %dma_wait3A_45] : memref<10112x80xf32, #tpu.memory_space<vmem_shared>> -> memref<128x80xf32, #tpu.memory_space<vmem_shared>>
        tpu.wait_dma2 semaphore(%run_scoped3A : memref<!tpu.dma_semaphore, #tpu.memory_space<semaphore_mem>>) src(%arg17 : memref<128x80xf32, #tpu.memory_space<vmem>>) dst(%dma_wait3A_46 : memref<128x80xf32, #tpu.memory_space<vmem_shared>>)
        tpu.yield
      }) : () -> ()
      %add3A_9 = arith.constant 128 : i32
      %add3A_10 = arith.addi %mul3A_0, %add3A_9 : i32
      "tpu.region"() ({
        %run_scoped3A = tpu.sem_alloc : memref<!tpu.dma_semaphore, #tpu.memory_space<semaphore_mem>>
        %dma_start3A = arith.constant 0 : i32
        %dma_start3A_41 = tpu.memref_slice %arg18[%add3A_10, %dma_start3A] : memref<10112x80xf32, #tpu.memory_space<vmem_shared>> -> memref<128x80xf32, #tpu.memory_space<vmem_shared>>
        %dma_start3A_42 = arith.constant 0 : i32
        %dma_start3A_43 = tpu.memref_slice %arg18[%add3A_10, %dma_start3A_42] : memref<10112x80xf32, #tpu.memory_space<vmem_shared>> -> memref<128x80xf32, #tpu.memory_space<vmem_shared>>
        tpu.enqueue_dma source(%arg17 : memref<128x80xf32, #tpu.memory_space<vmem>>) target(%dma_start3A_43 : memref<128x80xf32, #tpu.memory_space<vmem_shared>>) target_semaphore(%run_scoped3A : memref<!tpu.dma_semaphore, #tpu.memory_space<semaphore_mem>>)
        %dma_wait3A = arith.constant 0 : i32
        %dma_wait3A_44 = tpu.memref_slice %arg18[%add3A_10, %dma_wait3A] : memref<10112x80xf32, #tpu.memory_space<vmem_shared>> -> memref<128x80xf32, #tpu.memory_space<vmem_shared>>
        %dma_wait3A_45 = arith.constant 0 : i32
        %dma_wait3A_46 = tpu.memref_slice %arg18[%add3A_10, %dma_wait3A_45] : memref<10112x80xf32, #tpu.memory_space<vmem_shared>> -> memref<128x80xf32, #tpu.memory_space<vmem_shared>>
        tpu.wait_dma2 semaphore(%run_scoped3A : memref<!tpu.dma_semaphore, #tpu.memory_space<semaphore_mem>>) src(%arg17 : memref<128x80xf32, #tpu.memory_space<vmem>>) dst(%dma_wait3A_46 : memref<128x80xf32, #tpu.memory_space<vmem_shared>>)
        tpu.yield
      }) : () -> ()
      %add3A_11 = arith.constant 256 : i32
      %add3A_12 = arith.addi %mul3A_0, %add3A_11 : i32
      "tpu.region"() ({
        %run_scoped3A = tpu.sem_alloc : memref<!tpu.dma_semaphore, #tpu.memory_space<semaphore_mem>>
        %dma_start3A = arith.constant 0 : i32
        %dma_start3A_41 = tpu.memref_slice %arg18[%add3A_12, %dma_start3A] : memref<10112x80xf32, #tpu.memory_space<vmem_shared>> -> memref<128x80xf32, #tpu.memory_space<vmem_shared>>
        %dma_start3A_42 = arith.constant 0 : i32
        %dma_start3A_43 = tpu.memref_slice %arg18[%add3A_12, %dma_start3A_42] : memref<10112x80xf32, #tpu.memory_space<vmem_shared>> -> memref<128x80xf32, #tpu.memory_space<vmem_shared>>
        tpu.enqueue_dma source(%arg17 : memref<128x80xf32, #tpu.memory_space<vmem>>) target(%dma_start3A_43 : memref<128x80xf32, #tpu.memory_space<vmem_shared>>) target_semaphore(%run_scoped3A : memref<!tpu.dma_semaphore, #tpu.memory_space<semaphore_mem>>)
        %dma_wait3A = arith.constant 0 : i32
        %dma_wait3A_44 = tpu.memref_slice %arg18[%add3A_12, %dma_wait3A] : memref<10112x80xf32, #tpu.memory_space<vmem_shared>> -> memref<128x80xf32, #tpu.memory_space<vmem_shared>>
        %dma_wait3A_45 = arith.constant 0 : i32
        %dma_wait3A_46 = tpu.memref_slice %arg18[%add3A_12, %dma_wait3A_45] : memref<10112x80xf32, #tpu.memory_space<vmem_shared>> -> memref<128x80xf32, #tpu.memory_space<vmem_shared>>
        tpu.wait_dma2 semaphore(%run_scoped3A : memref<!tpu.dma_semaphore, #tpu.memory_space<semaphore_mem>>) src(%arg17 : memref<128x80xf32, #tpu.memory_space<vmem>>) dst(%dma_wait3A_46 : memref<128x80xf32, #tpu.memory_space<vmem_shared>>)
        tpu.yield
      }) : () -> ()
      %add3A_13 = arith.constant 384 : i32
      %add3A_14 = arith.addi %mul3A_0, %add3A_13 : i32
      "tpu.region"() ({
        %run_scoped3A = tpu.sem_alloc : memref<!tpu.dma_semaphore, #tpu.memory_space<semaphore_mem>>
        %dma_start3A = arith.constant 0 : i32
        %dma_start3A_41 = tpu.memref_slice %arg18[%add3A_14, %dma_start3A] : memref<10112x80xf32, #tpu.memory_space<vmem_shared>> -> memref<128x80xf32, #tpu.memory_space<vmem_shared>>
        %dma_start3A_42 = arith.constant 0 : i32
        %dma_start3A_43 = tpu.memref_slice %arg18[%add3A_14, %dma_start3A_42] : memref<10112x80xf32, #tpu.memory_space<vmem_shared>> -> memref<128x80xf32, #tpu.memory_space<vmem_shared>>
        tpu.enqueue_dma source(%arg17 : memref<128x80xf32, #tpu.memory_space<vmem>>) target(%dma_start3A_43 : memref<128x80xf32, #tpu.memory_space<vmem_shared>>) target_semaphore(%run_scoped3A : memref<!tpu.dma_semaphore, #tpu.memory_space<semaphore_mem>>)
        %dma_wait3A = arith.constant 0 : i32
        %dma_wait3A_44 = tpu.memref_slice %arg18[%add3A_14, %dma_wait3A] : memref<10112x80xf32, #tpu.memory_space<vmem_shared>> -> memref<128x80xf32, #tpu.memory_space<vmem_shared>>
        %dma_wait3A_45 = arith.constant 0 : i32
        %dma_wait3A_46 = tpu.memref_slice %arg18[%add3A_14, %dma_wait3A_45] : memref<10112x80xf32, #tpu.memory_space<vmem_shared>> -> memref<128x80xf32, #tpu.memory_space<vmem_shared>>
        tpu.wait_dma2 semaphore(%run_scoped3A : memref<!tpu.dma_semaphore, #tpu.memory_space<semaphore_mem>>) src(%arg17 : memref<128x80xf32, #tpu.memory_space<vmem>>) dst(%dma_wait3A_46 : memref<128x80xf32, #tpu.memory_space<vmem_shared>>)
        tpu.yield
      }) : () -> ()
      %add3A_15 = arith.constant 512 : i32
      %add3A_16 = arith.addi %mul3A_0, %add3A_15 : i32
      "tpu.region"() ({
        %run_scoped3A = tpu.sem_alloc : memref<!tpu.dma_semaphore, #tpu.memory_space<semaphore_mem>>
        %dma_start3A = arith.constant 0 : i32
        %dma_start3A_41 = arith.constant 0 : i32
        %dma_start3A_42 = tpu.memref_slice %arg17[%dma_start3A, %dma_start3A_41] : memref<128x80xf32, #tpu.memory_space<vmem>> -> memref<120x80xf32, #tpu.memory_space<vmem>>
        %dma_start3A_43 = arith.constant 0 : i32
        %dma_start3A_44 = tpu.memref_slice %arg18[%add3A_16, %dma_start3A_43] : memref<10112x80xf32, #tpu.memory_space<vmem_shared>> -> memref<120x80xf32, #tpu.memory_space<vmem_shared>>
        %dma_start3A_45 = arith.constant 0 : i32
        %dma_start3A_46 = tpu.memref_slice %arg18[%add3A_16, %dma_start3A_45] : memref<10112x80xf32, #tpu.memory_space<vmem_shared>> -> memref<120x80xf32, #tpu.memory_space<vmem_shared>>
        %dma_start3A_47 = arith.constant 0 : i32
        %dma_start3A_48 = arith.constant 0 : i32
        %dma_start3A_49 = tpu.memref_slice %arg17[%dma_start3A_47, %dma_start3A_48] : memref<128x80xf32, #tpu.memory_space<vmem>> -> memref<120x80xf32, #tpu.memory_space<vmem>>
        tpu.enqueue_dma source(%dma_start3A_49 : memref<120x80xf32, #tpu.memory_space<vmem>>) target(%dma_start3A_46 : memref<120x80xf32, #tpu.memory_space<vmem_shared>>) target_semaphore(%run_scoped3A : memref<!tpu.dma_semaphore, #tpu.memory_space<semaphore_mem>>)
        %dma_wait3A = arith.constant 0 : i32
        %dma_wait3A_50 = arith.constant 0 : i32
        %dma_wait3A_51 = tpu.memref_slice %arg17[%dma_wait3A, %dma_wait3A_50] : memref<128x80xf32, #tpu.memory_space<vmem>> -> memref<120x80xf32, #tpu.memory_space<vmem>>
        %dma_wait3A_52 = arith.constant 0 : i32
        %dma_wait3A_53 = tpu.memref_slice %arg18[%add3A_16, %dma_wait3A_52] : memref<10112x80xf32, #tpu.memory_space<vmem_shared>> -> memref<120x80xf32, #tpu.memory_space<vmem_shared>>
        %dma_wait3A_54 = arith.constant 0 : i32
        %dma_wait3A_55 = tpu.memref_slice %arg18[%add3A_16, %dma_wait3A_54] : memref<10112x80xf32, #tpu.memory_space<vmem_shared>> -> memref<120x80xf32, #tpu.memory_space<vmem_shared>>
        %dma_wait3A_56 = arith.constant 0 : i32
        %dma_wait3A_57 = arith.constant 0 : i32
        %dma_wait3A_58 = tpu.memref_slice %arg17[%dma_wait3A_56, %dma_wait3A_57] : memref<128x80xf32, #tpu.memory_space<vmem>> -> memref<120x80xf32, #tpu.memory_space<vmem>>
        tpu.wait_dma2 semaphore(%run_scoped3A : memref<!tpu.dma_semaphore, #tpu.memory_space<semaphore_mem>>) src(%dma_wait3A_58 : memref<120x80xf32, #tpu.memory_space<vmem>>) dst(%dma_wait3A_55 : memref<120x80xf32, #tpu.memory_space<vmem_shared>>)
        tpu.yield
      }) : () -> ()
      %barrier3A = arith.constant 0 : index
      tpu.barrier barrier_id(%barrier3A)
      %scan3A = arith.constant 0 : i32
      %scan3A_17 = arith.constant 79 : i32
      %scan3A_18 = arith.addi %scan3A, %scan3A_17 : i32
      %scan3A_19 = arith.constant 1 : i32
      scf.for %scan3A_41 = %scan3A to %scan3A_18 step %scan3A_19  : i32 {
        %mul3A_42 = arith.constant 1 : i32
        %mul3A_43 = arith.muli %scan3A_41, %mul3A_42 : i32
        %add3A_44 = arith.constant 0 : i32
        %add3A_45 = arith.addi %add3A_44, %mul3A_43 : i32
        "tpu.region"() ({
          %run_scoped3A = tpu.sem_alloc : memref<!tpu.dma_semaphore, #tpu.memory_space<semaphore_mem>>
          %dma_start3A = arith.constant 0 : i32
          %dma_start3A_46 = tpu.memref_slice %arg13[%add3A_45, %dma_start3A] : memref<79x128xi32, #tpu.memory_space<vmem>> -> memref<1x128xi32, #tpu.memory_space<vmem>>
          %dma_start3A_47 = tpu.memref_squeeze %dma_start3A_46 : memref<1x128xi32, #tpu.memory_space<vmem>> -> memref<128xi32, #tpu.memory_space<vmem>>
          %dma_start3A_48 = arith.constant 0 : i32
          %dma_start3A_49 = arith.constant 0 : i32
          %dma_start3A_50 = tpu.memref_slice %arg4[%dma_start3A_48, %dma_start3A_49] : memref<10112x80xf32, #tpu.memory_space<hbm>> -> memref<10112x80xf32, #tpu.memory_space<hbm>>
          tpu.enqueue_indirect_dma source(%dma_start3A_50 : memref<10112x80xf32, #tpu.memory_space<hbm>>) target(%arg15 : memref<128x80xf32, #tpu.memory_space<vmem>>) offsets(%dma_start3A_47 : memref<128xi32, #tpu.memory_space<vmem>>) semaphore(%run_scoped3A : memref<!tpu.dma_semaphore, #tpu.memory_space<semaphore_mem>>)
          %dma_wait3A = arith.constant 0 : i32
          %dma_wait3A_51 = tpu.memref_slice %arg13[%add3A_45, %dma_wait3A] : memref<79x128xi32, #tpu.memory_space<vmem>> -> memref<1x128xi32, #tpu.memory_space<vmem>>
          %dma_wait3A_52 = tpu.memref_squeeze %dma_wait3A_51 : memref<1x128xi32, #tpu.memory_space<vmem>> -> memref<128xi32, #tpu.memory_space<vmem>>
          %dma_wait3A_53 = arith.constant 0 : i32
          %dma_wait3A_54 = arith.constant 0 : i32
          %dma_wait3A_55 = tpu.memref_slice %arg4[%dma_wait3A_53, %dma_wait3A_54] : memref<10112x80xf32, #tpu.memory_space<hbm>> -> memref<10112x80xf32, #tpu.memory_space<hbm>>
          tpu.wait_indirect_dma semaphore(%run_scoped3A : memref<!tpu.dma_semaphore, #tpu.memory_space<semaphore_mem>>) src(%dma_wait3A_55 : memref<10112x80xf32, #tpu.memory_space<hbm>>) dst(%arg15 : memref<128x80xf32, #tpu.memory_space<vmem>>)
          tpu.yield
        }) : () -> ()
        "tpu.region"() ({
          %run_scoped3A = tpu.sem_alloc : memref<!tpu.dma_semaphore, #tpu.memory_space<semaphore_mem>>
          %dma_start3A = arith.constant 0 : i32
          %dma_start3A_46 = tpu.memref_slice %arg14[%add3A_45, %dma_start3A] : memref<79x128xi32, #tpu.memory_space<vmem>> -> memref<1x128xi32, #tpu.memory_space<vmem>>
          %dma_start3A_47 = tpu.memref_squeeze %dma_start3A_46 : memref<1x128xi32, #tpu.memory_space<vmem>> -> memref<128xi32, #tpu.memory_space<vmem>>
          %dma_start3A_48 = arith.constant 0 : i32
          %dma_start3A_49 = arith.constant 0 : i32
          %dma_start3A_50 = tpu.memref_slice %arg18[%dma_start3A_48, %dma_start3A_49] : memref<10112x80xf32, #tpu.memory_space<vmem_shared>> -> memref<10112x80xf32, #tpu.memory_space<vmem_shared>>
          tpu.enqueue_indirect_dma source(%arg15 : memref<128x80xf32, #tpu.memory_space<vmem>>) target(%dma_start3A_50 : memref<10112x80xf32, #tpu.memory_space<vmem_shared>>) offsets(%dma_start3A_47 : memref<128xi32, #tpu.memory_space<vmem>>) semaphore(%run_scoped3A : memref<!tpu.dma_semaphore, #tpu.memory_space<semaphore_mem>>) {add = true}
          %dma_wait3A = arith.constant 0 : i32
          %dma_wait3A_51 = tpu.memref_slice %arg14[%add3A_45, %dma_wait3A] : memref<79x128xi32, #tpu.memory_space<vmem>> -> memref<1x128xi32, #tpu.memory_space<vmem>>
          %dma_wait3A_52 = tpu.memref_squeeze %dma_wait3A_51 : memref<1x128xi32, #tpu.memory_space<vmem>> -> memref<128xi32, #tpu.memory_space<vmem>>
          %dma_wait3A_53 = arith.constant 0 : i32
          %dma_wait3A_54 = arith.constant 0 : i32
          %dma_wait3A_55 = tpu.memref_slice %arg18[%dma_wait3A_53, %dma_wait3A_54] : memref<10112x80xf32, #tpu.memory_space<vmem_shared>> -> memref<10112x80xf32, #tpu.memory_space<vmem_shared>>
          tpu.wait_indirect_dma semaphore(%run_scoped3A : memref<!tpu.dma_semaphore, #tpu.memory_space<semaphore_mem>>) src(%arg15 : memref<128x80xf32, #tpu.memory_space<vmem>>) dst(%dma_wait3A_55 : memref<10112x80xf32, #tpu.memory_space<vmem_shared>>)
          tpu.yield
        }) : () -> ()
      }
      %scan3A_20 = arith.constant 79 : i32
      %barrier3A_21 = arith.constant 0 : index
      tpu.barrier barrier_id(%barrier3A_21)
      "tpu.region"() ({
        %run_scoped3A = tpu.sem_alloc : memref<!tpu.dma_semaphore, #tpu.memory_space<semaphore_mem>>
        %dma_start3A = arith.constant 0 : i32
        %dma_start3A_41 = tpu.memref_slice %arg11[%mul3A_0, %dma_start3A] : memref<10112x80xf32, #tpu.memory_space<hbm>> -> memref<632x80xf32, #tpu.memory_space<hbm>>
        %dma_start3A_42 = arith.constant 0 : i32
        %dma_start3A_43 = tpu.memref_slice %arg18[%mul3A_0, %dma_start3A_42] : memref<10112x80xf32, #tpu.memory_space<vmem_shared>> -> memref<632x80xf32, #tpu.memory_space<vmem_shared>>
        tpu.enqueue_dma source(%dma_start3A_43 : memref<632x80xf32, #tpu.memory_space<vmem_shared>>) target(%dma_start3A_41 : memref<632x80xf32, #tpu.memory_space<hbm>>) target_semaphore(%run_scoped3A : memref<!tpu.dma_semaphore, #tpu.memory_space<semaphore_mem>>)
        %dma_wait3A = arith.constant 0 : i32
        %dma_wait3A_44 = tpu.memref_slice %arg11[%mul3A_0, %dma_wait3A] : memref<10112x80xf32, #tpu.memory_space<hbm>> -> memref<632x80xf32, #tpu.memory_space<hbm>>
        %dma_wait3A_45 = arith.constant 0 : i32
        %dma_wait3A_46 = tpu.memref_slice %arg18[%mul3A_0, %dma_wait3A_45] : memref<10112x80xf32, #tpu.memory_space<vmem_shared>> -> memref<632x80xf32, #tpu.memory_space<vmem_shared>>
        tpu.wait_dma2 semaphore(%run_scoped3A : memref<!tpu.dma_semaphore, #tpu.memory_space<semaphore_mem>>) src(%dma_wait3A_46 : memref<632x80xf32, #tpu.memory_space<vmem_shared>>) dst(%dma_wait3A_44 : memref<632x80xf32, #tpu.memory_space<hbm>>)
        tpu.yield
      }) : () -> ()
      %barrier3A_22 = arith.constant 0 : index
      tpu.barrier barrier_id(%barrier3A_22)
      %add3A_23 = arith.constant 0 : i32
      %add3A_24 = arith.addi %mul3A_0, %add3A_23 : i32
      "tpu.region"() ({
        %run_scoped3A = tpu.sem_alloc : memref<!tpu.dma_semaphore, #tpu.memory_space<semaphore_mem>>
        %dma_start3A = arith.constant 0 : i32
        %dma_start3A_41 = tpu.memref_slice %arg18[%add3A_24, %dma_start3A] : memref<10112x80xf32, #tpu.memory_space<vmem_shared>> -> memref<128x80xf32, #tpu.memory_space<vmem_shared>>
        %dma_start3A_42 = arith.constant 0 : i32
        %dma_start3A_43 = tpu.memref_slice %arg18[%add3A_24, %dma_start3A_42] : memref<10112x80xf32, #tpu.memory_space<vmem_shared>> -> memref<128x80xf32, #tpu.memory_space<vmem_shared>>
        tpu.enqueue_dma source(%arg17 : memref<128x80xf32, #tpu.memory_space<vmem>>) target(%dma_start3A_43 : memref<128x80xf32, #tpu.memory_space<vmem_shared>>) target_semaphore(%run_scoped3A : memref<!tpu.dma_semaphore, #tpu.memory_space<semaphore_mem>>)
        %dma_wait3A = arith.constant 0 : i32
        %dma_wait3A_44 = tpu.memref_slice %arg18[%add3A_24, %dma_wait3A] : memref<10112x80xf32, #tpu.memory_space<vmem_shared>> -> memref<128x80xf32, #tpu.memory_space<vmem_shared>>
        %dma_wait3A_45 = arith.constant 0 : i32
        %dma_wait3A_46 = tpu.memref_slice %arg18[%add3A_24, %dma_wait3A_45] : memref<10112x80xf32, #tpu.memory_space<vmem_shared>> -> memref<128x80xf32, #tpu.memory_space<vmem_shared>>
        tpu.wait_dma2 semaphore(%run_scoped3A : memref<!tpu.dma_semaphore, #tpu.memory_space<semaphore_mem>>) src(%arg17 : memref<128x80xf32, #tpu.memory_space<vmem>>) dst(%dma_wait3A_46 : memref<128x80xf32, #tpu.memory_space<vmem_shared>>)
        tpu.yield
      }) : () -> ()
      %add3A_25 = arith.constant 128 : i32
      %add3A_26 = arith.addi %mul3A_0, %add3A_25 : i32
      "tpu.region"() ({
        %run_scoped3A = tpu.sem_alloc : memref<!tpu.dma_semaphore, #tpu.memory_space<semaphore_mem>>
        %dma_start3A = arith.constant 0 : i32
        %dma_start3A_41 = tpu.memref_slice %arg18[%add3A_26, %dma_start3A] : memref<10112x80xf32, #tpu.memory_space<vmem_shared>> -> memref<128x80xf32, #tpu.memory_space<vmem_shared>>
        %dma_start3A_42 = arith.constant 0 : i32
        %dma_start3A_43 = tpu.memref_slice %arg18[%add3A_26, %dma_start3A_42] : memref<10112x80xf32, #tpu.memory_space<vmem_shared>> -> memref<128x80xf32, #tpu.memory_space<vmem_shared>>
        tpu.enqueue_dma source(%arg17 : memref<128x80xf32, #tpu.memory_space<vmem>>) target(%dma_start3A_43 : memref<128x80xf32, #tpu.memory_space<vmem_shared>>) target_semaphore(%run_scoped3A : memref<!tpu.dma_semaphore, #tpu.memory_space<semaphore_mem>>)
        %dma_wait3A = arith.constant 0 : i32
        %dma_wait3A_44 = tpu.memref_slice %arg18[%add3A_26, %dma_wait3A] : memref<10112x80xf32, #tpu.memory_space<vmem_shared>> -> memref<128x80xf32, #tpu.memory_space<vmem_shared>>
        %dma_wait3A_45 = arith.constant 0 : i32
        %dma_wait3A_46 = tpu.memref_slice %arg18[%add3A_26, %dma_wait3A_45] : memref<10112x80xf32, #tpu.memory_space<vmem_shared>> -> memref<128x80xf32, #tpu.memory_space<vmem_shared>>
        tpu.wait_dma2 semaphore(%run_scoped3A : memref<!tpu.dma_semaphore, #tpu.memory_space<semaphore_mem>>) src(%arg17 : memref<128x80xf32, #tpu.memory_space<vmem>>) dst(%dma_wait3A_46 : memref<128x80xf32, #tpu.memory_space<vmem_shared>>)
        tpu.yield
      }) : () -> ()
      %add3A_27 = arith.constant 256 : i32
      %add3A_28 = arith.addi %mul3A_0, %add3A_27 : i32
      "tpu.region"() ({
        %run_scoped3A = tpu.sem_alloc : memref<!tpu.dma_semaphore, #tpu.memory_space<semaphore_mem>>
        %dma_start3A = arith.constant 0 : i32
        %dma_start3A_41 = tpu.memref_slice %arg18[%add3A_28, %dma_start3A] : memref<10112x80xf32, #tpu.memory_space<vmem_shared>> -> memref<128x80xf32, #tpu.memory_space<vmem_shared>>
        %dma_start3A_42 = arith.constant 0 : i32
        %dma_start3A_43 = tpu.memref_slice %arg18[%add3A_28, %dma_start3A_42] : memref<10112x80xf32, #tpu.memory_space<vmem_shared>> -> memref<128x80xf32, #tpu.memory_space<vmem_shared>>
        tpu.enqueue_dma source(%arg17 : memref<128x80xf32, #tpu.memory_space<vmem>>) target(%dma_start3A_43 : memref<128x80xf32, #tpu.memory_space<vmem_shared>>) target_semaphore(%run_scoped3A : memref<!tpu.dma_semaphore, #tpu.memory_space<semaphore_mem>>)
        %dma_wait3A = arith.constant 0 : i32
        %dma_wait3A_44 = tpu.memref_slice %arg18[%add3A_28, %dma_wait3A] : memref<10112x80xf32, #tpu.memory_space<vmem_shared>> -> memref<128x80xf32, #tpu.memory_space<vmem_shared>>
        %dma_wait3A_45 = arith.constant 0 : i32
        %dma_wait3A_46 = tpu.memref_slice %arg18[%add3A_28, %dma_wait3A_45] : memref<10112x80xf32, #tpu.memory_space<vmem_shared>> -> memref<128x80xf32, #tpu.memory_space<vmem_shared>>
        tpu.wait_dma2 semaphore(%run_scoped3A : memref<!tpu.dma_semaphore, #tpu.memory_space<semaphore_mem>>) src(%arg17 : memref<128x80xf32, #tpu.memory_space<vmem>>) dst(%dma_wait3A_46 : memref<128x80xf32, #tpu.memory_space<vmem_shared>>)
        tpu.yield
      }) : () -> ()
      %add3A_29 = arith.constant 384 : i32
      %add3A_30 = arith.addi %mul3A_0, %add3A_29 : i32
      "tpu.region"() ({
        %run_scoped3A = tpu.sem_alloc : memref<!tpu.dma_semaphore, #tpu.memory_space<semaphore_mem>>
        %dma_start3A = arith.constant 0 : i32
        %dma_start3A_41 = tpu.memref_slice %arg18[%add3A_30, %dma_start3A] : memref<10112x80xf32, #tpu.memory_space<vmem_shared>> -> memref<128x80xf32, #tpu.memory_space<vmem_shared>>
        %dma_start3A_42 = arith.constant 0 : i32
        %dma_start3A_43 = tpu.memref_slice %arg18[%add3A_30, %dma_start3A_42] : memref<10112x80xf32, #tpu.memory_space<vmem_shared>> -> memref<128x80xf32, #tpu.memory_space<vmem_shared>>
        tpu.enqueue_dma source(%arg17 : memref<128x80xf32, #tpu.memory_space<vmem>>) target(%dma_start3A_43 : memref<128x80xf32, #tpu.memory_space<vmem_shared>>) target_semaphore(%run_scoped3A : memref<!tpu.dma_semaphore, #tpu.memory_space<semaphore_mem>>)
        %dma_wait3A = arith.constant 0 : i32
        %dma_wait3A_44 = tpu.memref_slice %arg18[%add3A_30, %dma_wait3A] : memref<10112x80xf32, #tpu.memory_space<vmem_shared>> -> memref<128x80xf32, #tpu.memory_space<vmem_shared>>
        %dma_wait3A_45 = arith.constant 0 : i32
        %dma_wait3A_46 = tpu.memref_slice %arg18[%add3A_30, %dma_wait3A_45] : memref<10112x80xf32, #tpu.memory_space<vmem_shared>> -> memref<128x80xf32, #tpu.memory_space<vmem_shared>>
        tpu.wait_dma2 semaphore(%run_scoped3A : memref<!tpu.dma_semaphore, #tpu.memory_space<semaphore_mem>>) src(%arg17 : memref<128x80xf32, #tpu.memory_space<vmem>>) dst(%dma_wait3A_46 : memref<128x80xf32, #tpu.memory_space<vmem_shared>>)
        tpu.yield
      }) : () -> ()
      %add3A_31 = arith.constant 512 : i32
      %add3A_32 = arith.addi %mul3A_0, %add3A_31 : i32
      "tpu.region"() ({
        %run_scoped3A = tpu.sem_alloc : memref<!tpu.dma_semaphore, #tpu.memory_space<semaphore_mem>>
        %dma_start3A = arith.constant 0 : i32
        %dma_start3A_41 = arith.constant 0 : i32
        %dma_start3A_42 = tpu.memref_slice %arg17[%dma_start3A, %dma_start3A_41] : memref<128x80xf32, #tpu.memory_space<vmem>> -> memref<120x80xf32, #tpu.memory_space<vmem>>
        %dma_start3A_43 = arith.constant 0 : i32
        %dma_start3A_44 = tpu.memref_slice %arg18[%add3A_32, %dma_start3A_43] : memref<10112x80xf32, #tpu.memory_space<vmem_shared>> -> memref<120x80xf32, #tpu.memory_space<vmem_shared>>
        %dma_start3A_45 = arith.constant 0 : i32
        %dma_start3A_46 = tpu.memref_slice %arg18[%add3A_32, %dma_start3A_45] : memref<10112x80xf32, #tpu.memory_space<vmem_shared>> -> memref<120x80xf32, #tpu.memory_space<vmem_shared>>
        %dma_start3A_47 = arith.constant 0 : i32
        %dma_start3A_48 = arith.constant 0 : i32
        %dma_start3A_49 = tpu.memref_slice %arg17[%dma_start3A_47, %dma_start3A_48] : memref<128x80xf32, #tpu.memory_space<vmem>> -> memref<120x80xf32, #tpu.memory_space<vmem>>
        tpu.enqueue_dma source(%dma_start3A_49 : memref<120x80xf32, #tpu.memory_space<vmem>>) target(%dma_start3A_46 : memref<120x80xf32, #tpu.memory_space<vmem_shared>>) target_semaphore(%run_scoped3A : memref<!tpu.dma_semaphore, #tpu.memory_space<semaphore_mem>>)
        %dma_wait3A = arith.constant 0 : i32
        %dma_wait3A_50 = arith.constant 0 : i32
        %dma_wait3A_51 = tpu.memref_slice %arg17[%dma_wait3A, %dma_wait3A_50] : memref<128x80xf32, #tpu.memory_space<vmem>> -> memref<120x80xf32, #tpu.memory_space<vmem>>
        %dma_wait3A_52 = arith.constant 0 : i32
        %dma_wait3A_53 = tpu.memref_slice %arg18[%add3A_32, %dma_wait3A_52] : memref<10112x80xf32, #tpu.memory_space<vmem_shared>> -> memref<120x80xf32, #tpu.memory_space<vmem_shared>>
        %dma_wait3A_54 = arith.constant 0 : i32
        %dma_wait3A_55 = tpu.memref_slice %arg18[%add3A_32, %dma_wait3A_54] : memref<10112x80xf32, #tpu.memory_space<vmem_shared>> -> memref<120x80xf32, #tpu.memory_space<vmem_shared>>
        %dma_wait3A_56 = arith.constant 0 : i32
        %dma_wait3A_57 = arith.constant 0 : i32
        %dma_wait3A_58 = tpu.memref_slice %arg17[%dma_wait3A_56, %dma_wait3A_57] : memref<128x80xf32, #tpu.memory_space<vmem>> -> memref<120x80xf32, #tpu.memory_space<vmem>>
        tpu.wait_dma2 semaphore(%run_scoped3A : memref<!tpu.dma_semaphore, #tpu.memory_space<semaphore_mem>>) src(%dma_wait3A_58 : memref<120x80xf32, #tpu.memory_space<vmem>>) dst(%dma_wait3A_55 : memref<120x80xf32, #tpu.memory_space<vmem_shared>>)
        tpu.yield
      }) : () -> ()
      %barrier3A_33 = arith.constant 0 : index
      tpu.barrier barrier_id(%barrier3A_33)
      %scan3A_34 = arith.constant 0 : i32
      %scan3A_35 = arith.constant 79 : i32
      %scan3A_36 = arith.addi %scan3A_34, %scan3A_35 : i32
      %scan3A_37 = arith.constant 1 : i32
      scf.for %scan3A_41 = %scan3A_34 to %scan3A_36 step %scan3A_37  : i32 {
        %mul3A_42 = arith.constant 1 : i32
        %mul3A_43 = arith.muli %scan3A_41, %mul3A_42 : i32
        %add3A_44 = arith.constant 0 : i32
        %add3A_45 = arith.addi %add3A_44, %mul3A_43 : i32
        "tpu.region"() ({
          %run_scoped3A = tpu.sem_alloc : memref<!tpu.dma_semaphore, #tpu.memory_space<semaphore_mem>>
          %dma_start3A = arith.constant 0 : i32
          %dma_start3A_46 = tpu.memref_slice %arg13[%add3A_45, %dma_start3A] : memref<79x128xi32, #tpu.memory_space<vmem>> -> memref<1x128xi32, #tpu.memory_space<vmem>>
          %dma_start3A_47 = tpu.memref_squeeze %dma_start3A_46 : memref<1x128xi32, #tpu.memory_space<vmem>> -> memref<128xi32, #tpu.memory_space<vmem>>
          %dma_start3A_48 = arith.constant 0 : i32
          %dma_start3A_49 = arith.constant 0 : i32
          %dma_start3A_50 = tpu.memref_slice %arg5[%dma_start3A_48, %dma_start3A_49] : memref<10112x80xf32, #tpu.memory_space<hbm>> -> memref<10112x80xf32, #tpu.memory_space<hbm>>
          tpu.enqueue_indirect_dma source(%dma_start3A_50 : memref<10112x80xf32, #tpu.memory_space<hbm>>) target(%arg15 : memref<128x80xf32, #tpu.memory_space<vmem>>) offsets(%dma_start3A_47 : memref<128xi32, #tpu.memory_space<vmem>>) semaphore(%run_scoped3A : memref<!tpu.dma_semaphore, #tpu.memory_space<semaphore_mem>>)
          %dma_wait3A = arith.constant 0 : i32
          %dma_wait3A_51 = tpu.memref_slice %arg13[%add3A_45, %dma_wait3A] : memref<79x128xi32, #tpu.memory_space<vmem>> -> memref<1x128xi32, #tpu.memory_space<vmem>>
          %dma_wait3A_52 = tpu.memref_squeeze %dma_wait3A_51 : memref<1x128xi32, #tpu.memory_space<vmem>> -> memref<128xi32, #tpu.memory_space<vmem>>
          %dma_wait3A_53 = arith.constant 0 : i32
          %dma_wait3A_54 = arith.constant 0 : i32
          %dma_wait3A_55 = tpu.memref_slice %arg5[%dma_wait3A_53, %dma_wait3A_54] : memref<10112x80xf32, #tpu.memory_space<hbm>> -> memref<10112x80xf32, #tpu.memory_space<hbm>>
          tpu.wait_indirect_dma semaphore(%run_scoped3A : memref<!tpu.dma_semaphore, #tpu.memory_space<semaphore_mem>>) src(%dma_wait3A_55 : memref<10112x80xf32, #tpu.memory_space<hbm>>) dst(%arg15 : memref<128x80xf32, #tpu.memory_space<vmem>>)
          tpu.yield
        }) : () -> ()
        "tpu.region"() ({
          %run_scoped3A = tpu.sem_alloc : memref<!tpu.dma_semaphore, #tpu.memory_space<semaphore_mem>>
          %dma_start3A = arith.constant 0 : i32
          %dma_start3A_46 = tpu.memref_slice %arg14[%add3A_45, %dma_start3A] : memref<79x128xi32, #tpu.memory_space<vmem>> -> memref<1x128xi32, #tpu.memory_space<vmem>>
          %dma_start3A_47 = tpu.memref_squeeze %dma_start3A_46 : memref<1x128xi32, #tpu.memory_space<vmem>> -> memref<128xi32, #tpu.memory_space<vmem>>
          %dma_start3A_48 = arith.constant 0 : i32
          %dma_start3A_49 = arith.constant 0 : i32
          %dma_start3A_50 = tpu.memref_slice %arg18[%dma_start3A_48, %dma_start3A_49] : memref<10112x80xf32, #tpu.memory_space<vmem_shared>> -> memref<10112x80xf32, #tpu.memory_space<vmem_shared>>
          tpu.enqueue_indirect_dma source(%arg15 : memref<128x80xf32, #tpu.memory_space<vmem>>) target(%dma_start3A_50 : memref<10112x80xf32, #tpu.memory_space<vmem_shared>>) offsets(%dma_start3A_47 : memref<128xi32, #tpu.memory_space<vmem>>) semaphore(%run_scoped3A : memref<!tpu.dma_semaphore, #tpu.memory_space<semaphore_mem>>) {add = true}
          %dma_wait3A = arith.constant 0 : i32
          %dma_wait3A_51 = tpu.memref_slice %arg14[%add3A_45, %dma_wait3A] : memref<79x128xi32, #tpu.memory_space<vmem>> -> memref<1x128xi32, #tpu.memory_space<vmem>>
          %dma_wait3A_52 = tpu.memref_squeeze %dma_wait3A_51 : memref<1x128xi32, #tpu.memory_space<vmem>> -> memref<128xi32, #tpu.memory_space<vmem>>
          %dma_wait3A_53 = arith.constant 0 : i32
          %dma_wait3A_54 = arith.constant 0 : i32
          %dma_wait3A_55 = tpu.memref_slice %arg18[%dma_wait3A_53, %dma_wait3A_54] : memref<10112x80xf32, #tpu.memory_space<vmem_shared>> -> memref<10112x80xf32, #tpu.memory_space<vmem_shared>>
          tpu.wait_indirect_dma semaphore(%run_scoped3A : memref<!tpu.dma_semaphore, #tpu.memory_space<semaphore_mem>>) src(%arg15 : memref<128x80xf32, #tpu.memory_space<vmem>>) dst(%dma_wait3A_55 : memref<10112x80xf32, #tpu.memory_space<vmem_shared>>)
          tpu.yield
        }) : () -> ()
      }
      %scan3A_38 = arith.constant 79 : i32
      %barrier3A_39 = arith.constant 0 : index
      tpu.barrier barrier_id(%barrier3A_39)
      "tpu.region"() ({
        %run_scoped3A = tpu.sem_alloc : memref<!tpu.dma_semaphore, #tpu.memory_space<semaphore_mem>>
        %dma_start3A = arith.constant 0 : i32
        %dma_start3A_41 = tpu.memref_slice %arg12[%mul3A_0, %dma_start3A] : memref<10112x80xf32, #tpu.memory_space<hbm>> -> memref<632x80xf32, #tpu.memory_space<hbm>>
        %dma_start3A_42 = arith.constant 0 : i32
        %dma_start3A_43 = tpu.memref_slice %arg18[%mul3A_0, %dma_start3A_42] : memref<10112x80xf32, #tpu.memory_space<vmem_shared>> -> memref<632x80xf32, #tpu.memory_space<vmem_shared>>
        tpu.enqueue_dma source(%dma_start3A_43 : memref<632x80xf32, #tpu.memory_space<vmem_shared>>) target(%dma_start3A_41 : memref<632x80xf32, #tpu.memory_space<hbm>>) target_semaphore(%run_scoped3A : memref<!tpu.dma_semaphore, #tpu.memory_space<semaphore_mem>>)
        %dma_wait3A = arith.constant 0 : i32
        %dma_wait3A_44 = tpu.memref_slice %arg12[%mul3A_0, %dma_wait3A] : memref<10112x80xf32, #tpu.memory_space<hbm>> -> memref<632x80xf32, #tpu.memory_space<hbm>>
        %dma_wait3A_45 = arith.constant 0 : i32
        %dma_wait3A_46 = tpu.memref_slice %arg18[%mul3A_0, %dma_wait3A_45] : memref<10112x80xf32, #tpu.memory_space<vmem_shared>> -> memref<632x80xf32, #tpu.memory_space<vmem_shared>>
        tpu.wait_dma2 semaphore(%run_scoped3A : memref<!tpu.dma_semaphore, #tpu.memory_space<semaphore_mem>>) src(%dma_wait3A_46 : memref<632x80xf32, #tpu.memory_space<vmem_shared>>) dst(%dma_wait3A_44 : memref<632x80xf32, #tpu.memory_space<hbm>>)
        tpu.yield
      }) : () -> ()
      %barrier3A_40 = arith.constant 0 : index
      tpu.barrier barrier_id(%barrier3A_40)
    } else {
    }
    return
  }
}

module attributes {stable_mosaic.version = 14 : i64} {
  func.func @_mlp_layer_body(%arg0: i32, %arg1: memref<1264x80xf32, #tpu.memory_space<vmem>>, %arg2: memref<1264x80xf32, #tpu.memory_space<vmem>>, %arg3: memref<1264x80xf32, #tpu.memory_space<vmem>>, %arg4: memref<1264x80xf32, #tpu.memory_space<vmem>>, %arg5: memref<1264x80xf32, #tpu.memory_space<vmem>>, %arg6: memref<1264x80xf32, #tpu.memory_space<vmem>>, %arg7: memref<1264x80xf32, #tpu.memory_space<vmem>>, %arg8: memref<1264x80xf32, #tpu.memory_space<vmem>>, %arg9: memref<300x300xf32, #tpu.memory_space<vmem>>, %arg10: memref<1x300xf32, #tpu.memory_space<vmem>>, %arg11: memref<300x300xf32, #tpu.memory_space<vmem>>, %arg12: memref<1x300xf32, #tpu.memory_space<vmem>>, %arg13: memref<1264x80xf32, #tpu.memory_space<vmem>>, %arg14: memref<1264x80xf32, #tpu.memory_space<vmem>>, %arg15: memref<1264x80xf32, #tpu.memory_space<vmem>>, %arg16: memref<1264x80xf32, #tpu.memory_space<vmem>>) attributes {dimension_semantics = [#tpu.dimension_semantics<arbitrary>], iteration_bounds = array<i64: 8>, scalar_prefetch = 0 : i64, scratch_operands = 0 : i64, tpu.core_type = #tpu.core_type<tc>, window_params = [{transform_indices = @transform_0, window_bounds = array<i64: 1264, 80>}, {transform_indices = @transform_1, window_bounds = array<i64: 1264, 80>}, {transform_indices = @transform_2, window_bounds = array<i64: 1264, 80>}, {transform_indices = @transform_3, window_bounds = array<i64: 1264, 80>}, {transform_indices = @transform_4, window_bounds = array<i64: 1264, 80>}, {transform_indices = @transform_5, window_bounds = array<i64: 1264, 80>}, {transform_indices = @transform_6, window_bounds = array<i64: 1264, 80>}, {transform_indices = @transform_7, window_bounds = array<i64: 1264, 80>}, {pipeline_mode = #tpu.pipeline_mode<synchronous>, transform_indices = @transform_8, window_bounds = array<i64: 300, 300>}, {pipeline_mode = #tpu.pipeline_mode<synchronous>, transform_indices = @transform_9, window_bounds = array<i64: 1, 300>}, {pipeline_mode = #tpu.pipeline_mode<synchronous>, transform_indices = @transform_10, window_bounds = array<i64: 300, 300>}, {pipeline_mode = #tpu.pipeline_mode<synchronous>, transform_indices = @transform_11, window_bounds = array<i64: 1, 300>}, {transform_indices = @transform_12, window_bounds = array<i64: 1264, 80>}, {transform_indices = @transform_13, window_bounds = array<i64: 1264, 80>}, {transform_indices = @transform_14, window_bounds = array<i64: 1264, 80>}, {transform_indices = @transform_15, window_bounds = array<i64: 1264, 80>}]} {
    %get3A = arith.constant 0 : index
    %get3A_0 = arith.constant 0 : index
    %get3A_1 = vector.load %arg1[%get3A, %get3A_0] : memref<1264x80xf32, #tpu.memory_space<vmem>>, vector<1264x80xf32>
    %get3A_2 = arith.constant 0 : index
    %get3A_3 = arith.constant 0 : index
    %get3A_4 = vector.load %arg5[%get3A_2, %get3A_3] : memref<1264x80xf32, #tpu.memory_space<vmem>>, vector<1264x80xf32>
    %add3A = arith.addf %get3A_1, %get3A_4 : vector<1264x80xf32>
    %slice3A = vector.extract_strided_slice %add3A {offsets = [0, 0], sizes = [1264, 75], strides = [1, 1]} : vector<1264x80xf32> to vector<1264x75xf32>
    %get3A_5 = arith.constant 0 : index
    %get3A_6 = arith.constant 0 : index
    %get3A_7 = vector.load %arg2[%get3A_5, %get3A_6] : memref<1264x80xf32, #tpu.memory_space<vmem>>, vector<1264x80xf32>
    %get3A_8 = arith.constant 0 : index
    %get3A_9 = arith.constant 0 : index
    %get3A_10 = vector.load %arg6[%get3A_8, %get3A_9] : memref<1264x80xf32, #tpu.memory_space<vmem>>, vector<1264x80xf32>
    %add3A_11 = arith.addf %get3A_7, %get3A_10 : vector<1264x80xf32>
    %slice3A_12 = vector.extract_strided_slice %add3A_11 {offsets = [0, 0], sizes = [1264, 75], strides = [1, 1]} : vector<1264x80xf32> to vector<1264x75xf32>
    %get3A_13 = arith.constant 0 : index
    %get3A_14 = arith.constant 0 : index
    %get3A_15 = vector.load %arg3[%get3A_13, %get3A_14] : memref<1264x80xf32, #tpu.memory_space<vmem>>, vector<1264x80xf32>
    %get3A_16 = arith.constant 0 : index
    %get3A_17 = arith.constant 0 : index
    %get3A_18 = vector.load %arg7[%get3A_16, %get3A_17] : memref<1264x80xf32, #tpu.memory_space<vmem>>, vector<1264x80xf32>
    %add3A_19 = arith.addf %get3A_15, %get3A_18 : vector<1264x80xf32>
    %slice3A_20 = vector.extract_strided_slice %add3A_19 {offsets = [0, 0], sizes = [1264, 75], strides = [1, 1]} : vector<1264x80xf32> to vector<1264x75xf32>
    %get3A_21 = arith.constant 0 : index
    %get3A_22 = arith.constant 0 : index
    %get3A_23 = vector.load %arg4[%get3A_21, %get3A_22] : memref<1264x80xf32, #tpu.memory_space<vmem>>, vector<1264x80xf32>
    %get3A_24 = arith.constant 0 : index
    %get3A_25 = arith.constant 0 : index
    %get3A_26 = vector.load %arg8[%get3A_24, %get3A_25] : memref<1264x80xf32, #tpu.memory_space<vmem>>, vector<1264x80xf32>
    %add3A_27 = arith.addf %get3A_23, %get3A_26 : vector<1264x80xf32>
    %slice3A_28 = vector.extract_strided_slice %add3A_27 {offsets = [0, 0], sizes = [1264, 75], strides = [1, 1]} : vector<1264x80xf32> to vector<1264x75xf32>
    %concatenate3A = tpu.concatenate %slice3A, %slice3A_12, %slice3A_20, %slice3A_28 in 1 : vector<1264x75xf32>, vector<1264x75xf32>, vector<1264x75xf32>, vector<1264x75xf32> -> vector<1264x300xf32>
    %get3A_29 = arith.constant 0 : index
    %get3A_30 = arith.constant 0 : index
    %get3A_31 = vector.load %arg9[%get3A_29, %get3A_30] : memref<300x300xf32, #tpu.memory_space<vmem>>, vector<300x300xf32>
    %dot_general3A = arith.constant dense<0.000000e+00> : vector<1264x300xf32>
    %dot_general3A_32 = tpu.matmul %concatenate3A, %get3A_31, %dot_general3A {dimension_numbers = #tpu.dot_dimension_numbers<[1], [0], [0], [1], [0, 0, 1, 1], [], []>, transpose_lhs_hint = false} : vector<1264x300xf32>, vector<300x300xf32>, vector<1264x300xf32> -> vector<1264x300xf32>
    %get3A_33 = arith.constant 0 : index
    %get3A_34 = arith.constant 0 : index
    %get3A_35 = vector.load %arg10[%get3A_33, %get3A_34] : memref<1x300xf32, #tpu.memory_space<vmem>>, vector<1x300xf32>
    %add3A_36 = vector.broadcast %get3A_35 : vector<1x300xf32> to vector<1264x300xf32>
    %add3A_37 = arith.addf %dot_general3A_32, %add3A_36 : vector<1264x300xf32>
    %max3A = arith.constant 0.000000e+00 : f32
    %max3A_38 = vector.broadcast %max3A : f32 to vector<1264x300xf32>
    %max3A_39 = arith.maximumf %add3A_37, %max3A_38 : vector<1264x300xf32>
    %get3A_40 = arith.constant 0 : index
    %get3A_41 = arith.constant 0 : index
    %get3A_42 = vector.load %arg11[%get3A_40, %get3A_41] : memref<300x300xf32, #tpu.memory_space<vmem>>, vector<300x300xf32>
    %dot_general3A_43 = arith.constant dense<0.000000e+00> : vector<1264x300xf32>
    %dot_general3A_44 = tpu.matmul %max3A_39, %get3A_42, %dot_general3A_43 {dimension_numbers = #tpu.dot_dimension_numbers<[1], [0], [0], [1], [0, 0, 1, 1], [], []>, transpose_lhs_hint = false} : vector<1264x300xf32>, vector<300x300xf32>, vector<1264x300xf32> -> vector<1264x300xf32>
    %get3A_45 = arith.constant 0 : index
    %get3A_46 = arith.constant 0 : index
    %get3A_47 = vector.load %arg12[%get3A_45, %get3A_46] : memref<1x300xf32, #tpu.memory_space<vmem>>, vector<1x300xf32>
    %add3A_48 = vector.broadcast %get3A_47 : vector<1x300xf32> to vector<1264x300xf32>
    %add3A_49 = arith.addf %dot_general3A_44, %add3A_48 : vector<1264x300xf32>
    %max3A_50 = arith.constant 0.000000e+00 : f32
    %max3A_51 = vector.broadcast %max3A_50 : f32 to vector<1264x300xf32>
    %max3A_52 = arith.maximumf %add3A_49, %max3A_51 : vector<1264x300xf32>
    %broadcast_in_dim3A = arith.constant 0.000000e+00 : f32
    %broadcast_in_dim3A_53 = vector.broadcast %broadcast_in_dim3A : f32 to vector<1264x5xf32>
    %slice3A_54 = vector.extract_strided_slice %max3A_52 {offsets = [0, 0], sizes = [1264, 75], strides = [1, 1]} : vector<1264x300xf32> to vector<1264x75xf32>
    %concatenate3A_55 = tpu.concatenate %slice3A_54, %broadcast_in_dim3A_53 in 1 : vector<1264x75xf32>, vector<1264x5xf32> -> vector<1264x80xf32>
    %swap3A = arith.constant 0 : index
    %swap3A_56 = arith.constant 0 : index
    %swap3A_57 = vector.load %arg13[%swap3A, %swap3A_56] : memref<1264x80xf32, #tpu.memory_space<vmem>>, vector<1264x80xf32>
    tpu.vector_store %arg13[%swap3A, %swap3A_56], %concatenate3A_55 {strides = array<i32>} : memref<1264x80xf32, #tpu.memory_space<vmem>>, vector<1264x80xf32>,
    %slice3A_58 = vector.extract_strided_slice %max3A_52 {offsets = [0, 75], sizes = [1264, 75], strides = [1, 1]} : vector<1264x300xf32> to vector<1264x75xf32>
    %concatenate3A_59 = tpu.concatenate %slice3A_58, %broadcast_in_dim3A_53 in 1 : vector<1264x75xf32>, vector<1264x5xf32> -> vector<1264x80xf32>
    %swap3A_60 = arith.constant 0 : index
    %swap3A_61 = arith.constant 0 : index
    %swap3A_62 = vector.load %arg14[%swap3A_60, %swap3A_61] : memref<1264x80xf32, #tpu.memory_space<vmem>>, vector<1264x80xf32>
    tpu.vector_store %arg14[%swap3A_60, %swap3A_61], %concatenate3A_59 {strides = array<i32>} : memref<1264x80xf32, #tpu.memory_space<vmem>>, vector<1264x80xf32>,
    %slice3A_63 = vector.extract_strided_slice %max3A_52 {offsets = [0, 150], sizes = [1264, 75], strides = [1, 1]} : vector<1264x300xf32> to vector<1264x75xf32>
    %concatenate3A_64 = tpu.concatenate %slice3A_63, %broadcast_in_dim3A_53 in 1 : vector<1264x75xf32>, vector<1264x5xf32> -> vector<1264x80xf32>
    %swap3A_65 = arith.constant 0 : index
    %swap3A_66 = arith.constant 0 : index
    %swap3A_67 = vector.load %arg15[%swap3A_65, %swap3A_66] : memref<1264x80xf32, #tpu.memory_space<vmem>>, vector<1264x80xf32>
    tpu.vector_store %arg15[%swap3A_65, %swap3A_66], %concatenate3A_64 {strides = array<i32>} : memref<1264x80xf32, #tpu.memory_space<vmem>>, vector<1264x80xf32>,
    %slice3A_68 = vector.extract_strided_slice %max3A_52 {offsets = [0, 225], sizes = [1264, 75], strides = [1, 1]} : vector<1264x300xf32> to vector<1264x75xf32>
    %concatenate3A_69 = tpu.concatenate %slice3A_68, %broadcast_in_dim3A_53 in 1 : vector<1264x75xf32>, vector<1264x5xf32> -> vector<1264x80xf32>
    %swap3A_70 = arith.constant 0 : index
    %swap3A_71 = arith.constant 0 : index
    %swap3A_72 = vector.load %arg16[%swap3A_70, %swap3A_71] : memref<1264x80xf32, #tpu.memory_space<vmem>>, vector<1264x80xf32>
    tpu.vector_store %arg16[%swap3A_70, %swap3A_71], %concatenate3A_69 {strides = array<i32>} : memref<1264x80xf32, #tpu.memory_space<vmem>>, vector<1264x80xf32>,
    return
  }
  func.func @transform_0(%arg0: i32) -> (i32, i32) {
    %c0_i32 = arith.constant 0 : i32
    %c0_i32_0 = arith.constant 0 : i32
    return %arg0, %c0_i32 : i32, i32
  }
  func.func @transform_1(%arg0: i32) -> (i32, i32) {
    %c0_i32 = arith.constant 0 : i32
    %c0_i32_0 = arith.constant 0 : i32
    return %arg0, %c0_i32 : i32, i32
  }
  func.func @transform_2(%arg0: i32) -> (i32, i32) {
    %c0_i32 = arith.constant 0 : i32
    %c0_i32_0 = arith.constant 0 : i32
    return %arg0, %c0_i32 : i32, i32
  }
  func.func @transform_3(%arg0: i32) -> (i32, i32) {
    %c0_i32 = arith.constant 0 : i32
    %c0_i32_0 = arith.constant 0 : i32
    return %arg0, %c0_i32 : i32, i32
  }
  func.func @transform_4(%arg0: i32) -> (i32, i32) {
    %c0_i32 = arith.constant 0 : i32
    %c0_i32_0 = arith.constant 0 : i32
    return %arg0, %c0_i32 : i32, i32
  }
  func.func @transform_5(%arg0: i32) -> (i32, i32) {
    %c0_i32 = arith.constant 0 : i32
    %c0_i32_0 = arith.constant 0 : i32
    return %arg0, %c0_i32 : i32, i32
  }
  func.func @transform_6(%arg0: i32) -> (i32, i32) {
    %c0_i32 = arith.constant 0 : i32
    %c0_i32_0 = arith.constant 0 : i32
    return %arg0, %c0_i32 : i32, i32
  }
  func.func @transform_7(%arg0: i32) -> (i32, i32) {
    %c0_i32 = arith.constant 0 : i32
    %c0_i32_0 = arith.constant 0 : i32
    return %arg0, %c0_i32 : i32, i32
  }
  func.func @transform_8(%arg0: i32) -> (i32, i32) {
    %c0_i32 = arith.constant 0 : i32
    %c0_i32_0 = arith.constant 0 : i32
    %c0_i32_1 = arith.constant 0 : i32
    return %c0_i32, %c0_i32_0 : i32, i32
  }
  func.func @transform_9(%arg0: i32) -> (i32, i32) {
    %c0_i32 = arith.constant 0 : i32
    %c0_i32_0 = arith.constant 0 : i32
    %c0_i32_1 = arith.constant 0 : i32
    return %c0_i32, %c0_i32_0 : i32, i32
  }
  func.func @transform_10(%arg0: i32) -> (i32, i32) {
    %c0_i32 = arith.constant 0 : i32
    %c0_i32_0 = arith.constant 0 : i32
    %c0_i32_1 = arith.constant 0 : i32
    return %c0_i32, %c0_i32_0 : i32, i32
  }
  func.func @transform_11(%arg0: i32) -> (i32, i32) {
    %c0_i32 = arith.constant 0 : i32
    %c0_i32_0 = arith.constant 0 : i32
    %c0_i32_1 = arith.constant 0 : i32
    return %c0_i32, %c0_i32_0 : i32, i32
  }
  func.func @transform_12(%arg0: i32) -> (i32, i32) {
    %c0_i32 = arith.constant 0 : i32
    %c0_i32_0 = arith.constant 0 : i32
    return %arg0, %c0_i32 : i32, i32
  }
  func.func @transform_13(%arg0: i32) -> (i32, i32) {
    %c0_i32 = arith.constant 0 : i32
    %c0_i32_0 = arith.constant 0 : i32
    return %arg0, %c0_i32 : i32, i32
  }
  func.func @transform_14(%arg0: i32) -> (i32, i32) {
    %c0_i32 = arith.constant 0 : i32
    %c0_i32_0 = arith.constant 0 : i32
    return %arg0, %c0_i32 : i32, i32
  }
  func.func @transform_15(%arg0: i32) -> (i32, i32) {
    %c0_i32 = arith.constant 0 : i32
    %c0_i32_0 = arith.constant 0 : i32
    return %arg0, %c0_i32 : i32, i32
  }
}

module attributes {stable_mosaic.version = 14 : i64} {
  func.func @_mlp_final_body(%arg0: i32, %arg1: memref<1264x80xf32, #tpu.memory_space<vmem>>, %arg2: memref<1264x80xf32, #tpu.memory_space<vmem>>, %arg3: memref<1264x80xf32, #tpu.memory_space<vmem>>, %arg4: memref<1264x80xf32, #tpu.memory_space<vmem>>, %arg5: memref<1264x80xf32, #tpu.memory_space<vmem>>, %arg6: memref<1264x80xf32, #tpu.memory_space<vmem>>, %arg7: memref<1264x80xf32, #tpu.memory_space<vmem>>, %arg8: memref<1264x80xf32, #tpu.memory_space<vmem>>, %arg9: memref<300x300xf32, #tpu.memory_space<vmem>>, %arg10: memref<1x300xf32, #tpu.memory_space<vmem>>, %arg11: memref<300x300xf32, #tpu.memory_space<vmem>>, %arg12: memref<1x300xf32, #tpu.memory_space<vmem>>, %arg13: memref<300x300xf32, #tpu.memory_space<vmem>>, %arg14: memref<1x300xf32, #tpu.memory_space<vmem>>, %arg15: memref<300x300xf32, #tpu.memory_space<vmem>>, %arg16: memref<1x300xf32, #tpu.memory_space<vmem>>, %arg17: memref<300x1xf32, #tpu.memory_space<vmem>>, %arg18: memref<1x1xf32, #tpu.memory_space<vmem>>, %arg19: memref<1264x1xf32, #tpu.memory_space<vmem>>) attributes {dimension_semantics = [#tpu.dimension_semantics<arbitrary>], iteration_bounds = array<i64: 8>, scalar_prefetch = 0 : i64, scratch_operands = 0 : i64, tpu.core_type = #tpu.core_type<tc>, window_params = [{transform_indices = @transform_0, window_bounds = array<i64: 1264, 80>}, {transform_indices = @transform_1, window_bounds = array<i64: 1264, 80>}, {transform_indices = @transform_2, window_bounds = array<i64: 1264, 80>}, {transform_indices = @transform_3, window_bounds = array<i64: 1264, 80>}, {transform_indices = @transform_4, window_bounds = array<i64: 1264, 80>}, {transform_indices = @transform_5, window_bounds = array<i64: 1264, 80>}, {transform_indices = @transform_6, window_bounds = array<i64: 1264, 80>}, {transform_indices = @transform_7, window_bounds = array<i64: 1264, 80>}, {pipeline_mode = #tpu.pipeline_mode<synchronous>, transform_indices = @transform_8, window_bounds = array<i64: 300, 300>}, {pipeline_mode = #tpu.pipeline_mode<synchronous>, transform_indices = @transform_9, window_bounds = array<i64: 1, 300>}, {pipeline_mode = #tpu.pipeline_mode<synchronous>, transform_indices = @transform_10, window_bounds = array<i64: 300, 300>}, {pipeline_mode = #tpu.pipeline_mode<synchronous>, transform_indices = @transform_11, window_bounds = array<i64: 1, 300>}, {pipeline_mode = #tpu.pipeline_mode<synchronous>, transform_indices = @transform_12, window_bounds = array<i64: 300, 300>}, {pipeline_mode = #tpu.pipeline_mode<synchronous>, transform_indices = @transform_13, window_bounds = array<i64: 1, 300>}, {pipeline_mode = #tpu.pipeline_mode<synchronous>, transform_indices = @transform_14, window_bounds = array<i64: 300, 300>}, {pipeline_mode = #tpu.pipeline_mode<synchronous>, transform_indices = @transform_15, window_bounds = array<i64: 1, 300>}, {pipeline_mode = #tpu.pipeline_mode<synchronous>, transform_indices = @transform_16, window_bounds = array<i64: 300, 1>}, {pipeline_mode = #tpu.pipeline_mode<synchronous>, transform_indices = @transform_17, window_bounds = array<i64: 1, 1>}, {transform_indices = @transform_18, window_bounds = array<i64: 1264, 1>}]} {
    %get3A = arith.constant 0 : index
    %get3A_0 = arith.constant 0 : index
    %get3A_1 = vector.load %arg1[%get3A, %get3A_0] : memref<1264x80xf32, #tpu.memory_space<vmem>>, vector<1264x80xf32>
    %get3A_2 = arith.constant 0 : index
    %get3A_3 = arith.constant 0 : index
    %get3A_4 = vector.load %arg5[%get3A_2, %get3A_3] : memref<1264x80xf32, #tpu.memory_space<vmem>>, vector<1264x80xf32>
    %add3A = arith.addf %get3A_1, %get3A_4 : vector<1264x80xf32>
    %slice3A = vector.extract_strided_slice %add3A {offsets = [0, 0], sizes = [1264, 75], strides = [1, 1]} : vector<1264x80xf32> to vector<1264x75xf32>
    %get3A_5 = arith.constant 0 : index
    %get3A_6 = arith.constant 0 : index
    %get3A_7 = vector.load %arg2[%get3A_5, %get3A_6] : memref<1264x80xf32, #tpu.memory_space<vmem>>, vector<1264x80xf32>
    %get3A_8 = arith.constant 0 : index
    %get3A_9 = arith.constant 0 : index
    %get3A_10 = vector.load %arg6[%get3A_8, %get3A_9] : memref<1264x80xf32, #tpu.memory_space<vmem>>, vector<1264x80xf32>
    %add3A_11 = arith.addf %get3A_7, %get3A_10 : vector<1264x80xf32>
    %slice3A_12 = vector.extract_strided_slice %add3A_11 {offsets = [0, 0], sizes = [1264, 75], strides = [1, 1]} : vector<1264x80xf32> to vector<1264x75xf32>
    %get3A_13 = arith.constant 0 : index
    %get3A_14 = arith.constant 0 : index
    %get3A_15 = vector.load %arg3[%get3A_13, %get3A_14] : memref<1264x80xf32, #tpu.memory_space<vmem>>, vector<1264x80xf32>
    %get3A_16 = arith.constant 0 : index
    %get3A_17 = arith.constant 0 : index
    %get3A_18 = vector.load %arg7[%get3A_16, %get3A_17] : memref<1264x80xf32, #tpu.memory_space<vmem>>, vector<1264x80xf32>
    %add3A_19 = arith.addf %get3A_15, %get3A_18 : vector<1264x80xf32>
    %slice3A_20 = vector.extract_strided_slice %add3A_19 {offsets = [0, 0], sizes = [1264, 75], strides = [1, 1]} : vector<1264x80xf32> to vector<1264x75xf32>
    %get3A_21 = arith.constant 0 : index
    %get3A_22 = arith.constant 0 : index
    %get3A_23 = vector.load %arg4[%get3A_21, %get3A_22] : memref<1264x80xf32, #tpu.memory_space<vmem>>, vector<1264x80xf32>
    %get3A_24 = arith.constant 0 : index
    %get3A_25 = arith.constant 0 : index
    %get3A_26 = vector.load %arg8[%get3A_24, %get3A_25] : memref<1264x80xf32, #tpu.memory_space<vmem>>, vector<1264x80xf32>
    %add3A_27 = arith.addf %get3A_23, %get3A_26 : vector<1264x80xf32>
    %slice3A_28 = vector.extract_strided_slice %add3A_27 {offsets = [0, 0], sizes = [1264, 75], strides = [1, 1]} : vector<1264x80xf32> to vector<1264x75xf32>
    %concatenate3A = tpu.concatenate %slice3A, %slice3A_12, %slice3A_20, %slice3A_28 in 1 : vector<1264x75xf32>, vector<1264x75xf32>, vector<1264x75xf32>, vector<1264x75xf32> -> vector<1264x300xf32>
    %get3A_29 = arith.constant 0 : index
    %get3A_30 = arith.constant 0 : index
    %get3A_31 = vector.load %arg9[%get3A_29, %get3A_30] : memref<300x300xf32, #tpu.memory_space<vmem>>, vector<300x300xf32>
    %dot_general3A = arith.constant dense<0.000000e+00> : vector<1264x300xf32>
    %dot_general3A_32 = tpu.matmul %concatenate3A, %get3A_31, %dot_general3A {dimension_numbers = #tpu.dot_dimension_numbers<[1], [0], [0], [1], [0, 0, 1, 1], [], []>, transpose_lhs_hint = false} : vector<1264x300xf32>, vector<300x300xf32>, vector<1264x300xf32> -> vector<1264x300xf32>
    %get3A_33 = arith.constant 0 : index
    %get3A_34 = arith.constant 0 : index
    %get3A_35 = vector.load %arg10[%get3A_33, %get3A_34] : memref<1x300xf32, #tpu.memory_space<vmem>>, vector<1x300xf32>
    %add3A_36 = vector.broadcast %get3A_35 : vector<1x300xf32> to vector<1264x300xf32>
    %add3A_37 = arith.addf %dot_general3A_32, %add3A_36 : vector<1264x300xf32>
    %max3A = arith.constant 0.000000e+00 : f32
    %max3A_38 = vector.broadcast %max3A : f32 to vector<1264x300xf32>
    %max3A_39 = arith.maximumf %add3A_37, %max3A_38 : vector<1264x300xf32>
    %get3A_40 = arith.constant 0 : index
    %get3A_41 = arith.constant 0 : index
    %get3A_42 = vector.load %arg11[%get3A_40, %get3A_41] : memref<300x300xf32, #tpu.memory_space<vmem>>, vector<300x300xf32>
    %dot_general3A_43 = arith.constant dense<0.000000e+00> : vector<1264x300xf32>
    %dot_general3A_44 = tpu.matmul %max3A_39, %get3A_42, %dot_general3A_43 {dimension_numbers = #tpu.dot_dimension_numbers<[1], [0], [0], [1], [0, 0, 1, 1], [], []>, transpose_lhs_hint = false} : vector<1264x300xf32>, vector<300x300xf32>, vector<1264x300xf32> -> vector<1264x300xf32>
    %get3A_45 = arith.constant 0 : index
    %get3A_46 = arith.constant 0 : index
    %get3A_47 = vector.load %arg12[%get3A_45, %get3A_46] : memref<1x300xf32, #tpu.memory_space<vmem>>, vector<1x300xf32>
    %add3A_48 = vector.broadcast %get3A_47 : vector<1x300xf32> to vector<1264x300xf32>
    %add3A_49 = arith.addf %dot_general3A_44, %add3A_48 : vector<1264x300xf32>
    %get3A_50 = arith.constant 0 : index
    %get3A_51 = arith.constant 0 : index
    %get3A_52 = vector.load %arg13[%get3A_50, %get3A_51] : memref<300x300xf32, #tpu.memory_space<vmem>>, vector<300x300xf32>
    %dot_general3A_53 = arith.constant dense<0.000000e+00> : vector<1264x300xf32>
    %dot_general3A_54 = tpu.matmul %add3A_49, %get3A_52, %dot_general3A_53 {dimension_numbers = #tpu.dot_dimension_numbers<[1], [0], [0], [1], [0, 0, 1, 1], [], []>, transpose_lhs_hint = false} : vector<1264x300xf32>, vector<300x300xf32>, vector<1264x300xf32> -> vector<1264x300xf32>
    %get3A_55 = arith.constant 0 : index
    %get3A_56 = arith.constant 0 : index
    %get3A_57 = vector.load %arg14[%get3A_55, %get3A_56] : memref<1x300xf32, #tpu.memory_space<vmem>>, vector<1x300xf32>
    %add3A_58 = vector.broadcast %get3A_57 : vector<1x300xf32> to vector<1264x300xf32>
    %add3A_59 = arith.addf %dot_general3A_54, %add3A_58 : vector<1264x300xf32>
    %max3A_60 = arith.constant 0.000000e+00 : f32
    %max3A_61 = vector.broadcast %max3A_60 : f32 to vector<1264x300xf32>
    %max3A_62 = arith.maximumf %add3A_59, %max3A_61 : vector<1264x300xf32>
    %get3A_63 = arith.constant 0 : index
    %get3A_64 = arith.constant 0 : index
    %get3A_65 = vector.load %arg15[%get3A_63, %get3A_64] : memref<300x300xf32, #tpu.memory_space<vmem>>, vector<300x300xf32>
    %dot_general3A_66 = arith.constant dense<0.000000e+00> : vector<1264x300xf32>
    %dot_general3A_67 = tpu.matmul %max3A_62, %get3A_65, %dot_general3A_66 {dimension_numbers = #tpu.dot_dimension_numbers<[1], [0], [0], [1], [0, 0, 1, 1], [], []>, transpose_lhs_hint = false} : vector<1264x300xf32>, vector<300x300xf32>, vector<1264x300xf32> -> vector<1264x300xf32>
    %get3A_68 = arith.constant 0 : index
    %get3A_69 = arith.constant 0 : index
    %get3A_70 = vector.load %arg16[%get3A_68, %get3A_69] : memref<1x300xf32, #tpu.memory_space<vmem>>, vector<1x300xf32>
    %add3A_71 = vector.broadcast %get3A_70 : vector<1x300xf32> to vector<1264x300xf32>
    %add3A_72 = arith.addf %dot_general3A_67, %add3A_71 : vector<1264x300xf32>
    %max3A_73 = arith.constant 0.000000e+00 : f32
    %max3A_74 = vector.broadcast %max3A_73 : f32 to vector<1264x300xf32>
    %max3A_75 = arith.maximumf %add3A_72, %max3A_74 : vector<1264x300xf32>
    %get3A_76 = arith.constant 0 : index
    %get3A_77 = arith.constant 0 : index
    %get3A_78 = vector.load %arg17[%get3A_76, %get3A_77] : memref<300x1xf32, #tpu.memory_space<vmem>>, vector<300x1xf32>
    %dot_general3A_79 = arith.constant dense<0.000000e+00> : vector<1264x1xf32>
    %dot_general3A_80 = tpu.matmul %max3A_75, %get3A_78, %dot_general3A_79 {dimension_numbers = #tpu.dot_dimension_numbers<[1], [0], [0], [1], [0, 0, 1, 1], [], []>, transpose_lhs_hint = false} : vector<1264x300xf32>, vector<300x1xf32>, vector<1264x1xf32> -> vector<1264x1xf32>
    %get3A_81 = arith.constant 0 : index
    %get3A_82 = arith.constant 0 : index
    %get3A_83 = vector.load %arg18[%get3A_81, %get3A_82] : memref<1x1xf32, #tpu.memory_space<vmem>>, vector<1x1xf32>
    %add3A_84 = vector.broadcast %get3A_83 : vector<1x1xf32> to vector<1264x1xf32>
    %add3A_85 = arith.addf %dot_general3A_80, %add3A_84 : vector<1264x1xf32>
    %swap3A = arith.constant 0 : index
    %swap3A_86 = arith.constant 0 : index
    %swap3A_87 = vector.load %arg19[%swap3A, %swap3A_86] : memref<1264x1xf32, #tpu.memory_space<vmem>>, vector<1264x1xf32>
    tpu.vector_store %arg19[%swap3A, %swap3A_86], %add3A_85 {strides = array<i32>} : memref<1264x1xf32, #tpu.memory_space<vmem>>, vector<1264x1xf32>,
    return
  }
  func.func @transform_0(%arg0: i32) -> (i32, i32) {
    %c0_i32 = arith.constant 0 : i32
    %c0_i32_0 = arith.constant 0 : i32
    return %arg0, %c0_i32 : i32, i32
  }
  func.func @transform_1(%arg0: i32) -> (i32, i32) {
    %c0_i32 = arith.constant 0 : i32
    %c0_i32_0 = arith.constant 0 : i32
    return %arg0, %c0_i32 : i32, i32
  }
  func.func @transform_2(%arg0: i32) -> (i32, i32) {
    %c0_i32 = arith.constant 0 : i32
    %c0_i32_0 = arith.constant 0 : i32
    return %arg0, %c0_i32 : i32, i32
  }
  func.func @transform_3(%arg0: i32) -> (i32, i32) {
    %c0_i32 = arith.constant 0 : i32
    %c0_i32_0 = arith.constant 0 : i32
    return %arg0, %c0_i32 : i32, i32
  }
  func.func @transform_4(%arg0: i32) -> (i32, i32) {
    %c0_i32 = arith.constant 0 : i32
    %c0_i32_0 = arith.constant 0 : i32
    return %arg0, %c0_i32 : i32, i32
  }
  func.func @transform_5(%arg0: i32) -> (i32, i32) {
    %c0_i32 = arith.constant 0 : i32
    %c0_i32_0 = arith.constant 0 : i32
    return %arg0, %c0_i32 : i32, i32
  }
  func.func @transform_6(%arg0: i32) -> (i32, i32) {
    %c0_i32 = arith.constant 0 : i32
    %c0_i32_0 = arith.constant 0 : i32
    return %arg0, %c0_i32 : i32, i32
  }
  func.func @transform_7(%arg0: i32) -> (i32, i32) {
    %c0_i32 = arith.constant 0 : i32
    %c0_i32_0 = arith.constant 0 : i32
    return %arg0, %c0_i32 : i32, i32
  }
  func.func @transform_8(%arg0: i32) -> (i32, i32) {
    %c0_i32 = arith.constant 0 : i32
    %c0_i32_0 = arith.constant 0 : i32
    %c0_i32_1 = arith.constant 0 : i32
    return %c0_i32, %c0_i32_0 : i32, i32
  }
  func.func @transform_9(%arg0: i32) -> (i32, i32) {
    %c0_i32 = arith.constant 0 : i32
    %c0_i32_0 = arith.constant 0 : i32
    %c0_i32_1 = arith.constant 0 : i32
    return %c0_i32, %c0_i32_0 : i32, i32
  }
  func.func @transform_10(%arg0: i32) -> (i32, i32) {
    %c0_i32 = arith.constant 0 : i32
    %c0_i32_0 = arith.constant 0 : i32
    %c0_i32_1 = arith.constant 0 : i32
    return %c0_i32, %c0_i32_0 : i32, i32
  }
  func.func @transform_11(%arg0: i32) -> (i32, i32) {
    %c0_i32 = arith.constant 0 : i32
    %c0_i32_0 = arith.constant 0 : i32
    %c0_i32_1 = arith.constant 0 : i32
    return %c0_i32, %c0_i32_0 : i32, i32
  }
  func.func @transform_12(%arg0: i32) -> (i32, i32) {
    %c0_i32 = arith.constant 0 : i32
    %c0_i32_0 = arith.constant 0 : i32
    %c0_i32_1 = arith.constant 0 : i32
    return %c0_i32, %c0_i32_0 : i32, i32
  }
  func.func @transform_13(%arg0: i32) -> (i32, i32) {
    %c0_i32 = arith.constant 0 : i32
    %c0_i32_0 = arith.constant 0 : i32
    %c0_i32_1 = arith.constant 0 : i32
    return %c0_i32, %c0_i32_0 : i32, i32
  }
  func.func @transform_14(%arg0: i32) -> (i32, i32) {
    %c0_i32 = arith.constant 0 : i32
    %c0_i32_0 = arith.constant 0 : i32
    %c0_i32_1 = arith.constant 0 : i32
    return %c0_i32, %c0_i32_0 : i32, i32
  }
  func.func @transform_15(%arg0: i32) -> (i32, i32) {
    %c0_i32 = arith.constant 0 : i32
    %c0_i32_0 = arith.constant 0 : i32
    %c0_i32_1 = arith.constant 0 : i32
    return %c0_i32, %c0_i32_0 : i32, i32
  }
  func.func @transform_16(%arg0: i32) -> (i32, i32) {
    %c0_i32 = arith.constant 0 : i32
    %c0_i32_0 = arith.constant 0 : i32
    %c0_i32_1 = arith.constant 0 : i32
    return %c0_i32, %c0_i32_0 : i32, i32
  }
  func.func @transform_17(%arg0: i32) -> (i32, i32) {
    %c0_i32 = arith.constant 0 : i32
    %c0_i32_0 = arith.constant 0 : i32
    %c0_i32_1 = arith.constant 0 : i32
    return %c0_i32, %c0_i32_0 : i32, i32
  }
  func.func @transform_18(%arg0: i32) -> (i32, i32) {
    %c0_i32 = arith.constant 0 : i32
    %c0_i32_0 = arith.constant 0 : i32
    return %arg0, %c0_i32 : i32, i32
  }
}

</mosaic_0001>

<sc_bundles>
// kernel: kernel.12.cloned.1.call-start
scs
__scs_entry_jumppad:
0x0: {  	(pc) =	sbr.rel $0x88, $3  }
0x1: {  	(tag) =	ssettag $0x0;
	lr =	simm.s32 $0x1  }
0x2: {  	[smem:$0x3F95] =	sst lr;
	_ =	strace $0xD0000000  }
0x3: {  	_ = 	snop  }
0x4: {  	_ = 	snop  }
0x5: {  	_ = 	snop  }
0x6: {  	_ = 	snop  }
0x7: {  	_ = 	snop  }
__scs_overlays_trampoline_lowered:
0x8: {  	[smem:$0x3FA4] =	sst s0  }
0x9: {  	[smem:$0x3FA5] =	sst s1  }
0xa: {  	[smem:$0x3FA6] =	sst s2  }
0xb: {  	[smem:$0x3FA7] =	sst s3  }
0xc: {  	[smem:$0x3FA8] =	sst s4  }
0xd: {  	[smem:$0x3FA9] =	sst s5  }
0xe: {  	[smem:$0x3FAA] =	sst s6  }
0xf: {  	[smem:$0x3FAB] =	sst s7  }
0x10: {  	[smem:$0x3FAC] =	sst s8  }
0x11: {  	[smem:$0x3FAD] =	sst s9;
	s0 =	simm.s32 @!p0 $0x0  }
0x12: {  	s1 =	sld [smem:$0x3F93];
	s0 =	simm.s32 @p0 $0x1  }
0x13: {  	[smem:$0x3FAE] =	sst s0;
	s0 =	simm.s32 @!p1 $0x0  }
0x14: {  	s2 =	sld [smem:$0x3F92];
	s0 =	simm.s32 @p1 $0x1  }
0x15: {  	[smem:$0x3FAF] =	sst s0;
	s0 =	simm.s32 @!p2 $0x0  }
0x16: {  	s3 =	sld [smem:$0x3FDB];
	s0 =	simm.s32 @p2 $0x1  }
0x17: {  	s4 =	simm.s32 $0x1BF5;
	[smem:$0x3FB1] =	sst s0  }
0x18: {  	s0 =	sld [smem:$0x3F94];
	_ =	swait.ge [sflag:s4], $0x0  }
0x19: {  	s7 =	sld [smem:$0x3F95]  }
0x1a: {  	s8 =	sadd.s32 $0xFFFFE003, lr  }
0x1b: {  	s9 =	sadd.s32 $0xFFFFFEF7, lr;
	s5 =	simm.s32 $0xFFFFFFFF;
	p2 =	slt.u32 s8, $0xFFFFF086  }
0x1c: {  	p1 =	slt.u32 s9, $0xF7A;
	s5 =	simm.s32 @!p2 $0x0  }
0x1d: {  	s5 =	simm.s32 @p1 $0x1;
	p0 =	seq.s32 s7, s2  }
0x1e: {  	s7 =	smul.u32 @!p0 $0xF7A, s2;
	p2 =	seq.s32 @!p0 s5, $0x0  }
0x1f: {  	s9 =	smul.u32 $0xF7A, s1;
	s8 =	simm.s32 @!p0 $0x1BF5;
	p2 =	por !p2, p0  }
0x20: {  	[sflag:s8] =	ssyncset.s32 @!p0 $0xFFFFF086;
	s6 =	sadd.s32 @!p0 s3, s7;
	s7 =	simm.s32 @!p0 $0x108  }
0x21: {  	s3 =	sadd.s32 s3, s9;
	s6 =	sadd.s32 @!p0 $0x88, s6;
	s7 =	simm.s32 @p2 $0x1082  }
0x22: {  	[simem:s7], [sflag:s8] =	dma.local @!p0 [hbm:s6], $0xF7A  }
0x23: {  	s9 =	sor.u32 $0xD0000000, s2;
	s6 =	simm.s32 $0x108;
	_ =	swait.ge @!p0 [sflag:s8], $0x0  }
0x24: {  	s3 =	sadd.s32 $0x88, s3;
	s6 =	simm.s32 @!p1 $0x1082;
	[sflag:s4] =	ssyncset.s32 $0xFFFFF086  }
0x25: {  	[simem:s6], [sflag:s4] =	dma.local [hbm:s3], $0xF7A  }
0x26: {  	[smem:$0x3F95] =	sst s1;
	(tag) =	ssettag s2;
	_ =	strace s9  }
0x27: {  	s1 =	sld [smem:$0x3FA5]  }
0x28: {  	s2 =	sld [smem:$0x3FA6]  }
0x29: {  	s4 =	sld [smem:$0x3FA8]  }
0x2a: {  	p0 =	seq.s32 s5, $0x0;
	s5 =	sld [smem:$0x3FA9]  }
0x2b: {  	s6 =	sld [smem:$0x3FAA]  }
0x2c: {  	s7 =	sld [smem:$0x3FAB]  }
0x2d: {  	s3 =	simm.s32 $0x108;
	s8 =	sld [smem:$0x3FAC]  }
0x2e: {  	s3 =	simm.s32 @!p0 $0x1082;
	s9 =	sld [smem:$0x3FAD]  }
0x2f: {  	lr =	sadd.s32 s0, s3;
	s0 =	sld [smem:$0x3FA4]  }
0x30: {  	s3 =	sld [smem:$0x3FA7]  }
0x31: {  	[smem:$0x3FB0] =	sst s10  }
0x32: {  	s10 =	sld [smem:$0x3FAE];
	_ =	sdelay $0x3  }
0x33: {  	p0 =	seq.s32 s10, $0x1;
	s10 =	sld [smem:$0x3FB0];
	_ =	sdelay $0x3  }
0x34: {  	[smem:$0x3FB0] =	sst s10  }
0x35: {  	s10 =	sld [smem:$0x3FAF];
	_ =	sdelay $0x3  }
0x36: {  	p1 =	seq.s32 s10, $0x1;
	s10 =	sld [smem:$0x3FB0];
	_ =	sdelay $0x3  }
0x37: {  	[smem:$0x3FB0] =	sst s10  }
0x38: {  	s10 =	sld [smem:$0x3FB1]  }
0x39: {  	_ = 	snop;
	(pc) =	sbr.ind lr, $3  }
0x3a: {  	_ = 	snop  }
0x3b: {  	_ = 	snop  }
0x3c: {  	p2 =	seq.s32 s10, $0x1;
	s10 =	sld [smem:$0x3FB0]  }
0x3d: {  	_ =	shalt  }
0x3e: {  	_ =	shalt  }
0x3f: {  	_ =	shalt  }
0x40: {  	_ =	shalt  }
0x41: {  	_ =	shalt  }
0x42: {  	_ =	shalt  }
0x43: {  	_ =	shalt  }
0x44: {  	_ =	shalt  }
0x45: {  	_ =	shalt  }
0x46: {  	_ =	shalt  }
0x47: {  	_ =	shalt  }
0x48: {  	_ =	shalt  }
0x49: {  	_ =	shalt  }
0x4a: {  	_ =	shalt  }
0x4b: {  	_ =	shalt  }
0x4c: {  	_ =	shalt  }
0x4d: {  	_ =	shalt  }
0x4e: {  	_ =	shalt  }
0x4f: {  	_ =	shalt  }
0x50: {  	_ =	shalt  }
0x51: {  	_ =	shalt  }
0x52: {  	_ =	shalt  }
0x53: {  	_ =	shalt  }
0x54: {  	_ =	shalt  }
0x55: {  	_ =	shalt  }
0x56: {  	_ =	shalt  }
0x57: {  	_ =	shalt  }
0x58: {  	_ =	shalt  }
0x59: {  	_ =	shalt  }
0x5a: {  	_ =	shalt  }
0x5b: {  	_ =	shalt  }
0x5c: {  	_ =	shalt  }
0x5d: {  	_ =	shalt  }
0x5e: {  	_ =	shalt  }
0x5f: {  	_ =	shalt  }
0x60: {  	_ =	shalt  }
0x61: {  	_ =	shalt  }
0x62: {  	_ =	shalt  }
0x63: {  	_ =	shalt  }
0x64: {  	_ =	shalt  }
0x65: {  	_ =	shalt  }
0x66: {  	_ =	shalt  }
0x67: {  	_ =	shalt  }
0x68: {  	_ =	shalt  }
0x69: {  	_ =	shalt  }
0x6a: {  	_ =	shalt  }
0x6b: {  	_ =	shalt  }
0x6c: {  	_ =	shalt  }
0x6d: {  	_ =	shalt  }
0x6e: {  	_ =	shalt  }
0x6f: {  	_ =	shalt  }
0x70: {  	_ =	shalt  }
0x71: {  	_ =	shalt  }
0x72: {  	_ =	shalt  }
0x73: {  	_ =	shalt  }
0x74: {  	_ =	shalt  }
0x75: {  	_ =	shalt  }
0x76: {  	_ =	shalt  }
0x77: {  	_ =	shalt  }
0x78: {  	_ =	shalt  }
0x79: {  	_ =	shalt  }
0x7a: {  	_ =	shalt  }
0x7b: {  	_ =	shalt  }
0x7c: {  	_ =	shalt  }
0x7d: {  	_ =	shalt  }
0x7e: {  	_ =	shalt  }
0x7f: {  	_ =	shalt  }
0x80: {  	_ =	shalt  }
0x81: {  	_ =	shalt  }
0x82: {  	_ =	shalt  }
0x83: {  	_ =	shalt  }
0x84: {  	_ =	shalt  }
0x85: {  	_ =	shalt  }
0x86: {  	_ =	shalt  }
0x87: {  	_ =	shalt  }
.Lfunc_end0:
.L_simem_size_0:
called_computation_lowered:
.L_overlay_start_0:
0x88: {  	s2 =	sld [smem:$0x3FD9]  }
0x89: {  	s3 =	sld [smem:$0x3FFE];
	_ =	sdelay $0x1  }
0x8a: {  	s1 =	srdreg.scid  }
0x8b: {  	s0 =	sand.u32 $0x1, s1  }
0x8c: {  	s17 =	sshll.u32 s0, $0xA;
	s2 =	sadd.s32 s3, s2  }
0x8d: {  	s2 =	sadd.s32 s2, s17  }
0x8e: {  	[smem:$0x3FBC] =	sst s2  }
0x8f: {  	_ = 	snop  }
0x90: {  	s2 =	sld [smem:$0x3FD0];
	(tm) =	ssettm $0x1  }
0x91: {  	s18 =	sld [smem:$0x3FFB];
	_ =	sdelay $0x3  }
0x92: {  	_ =	strace s18  }
0x93: {  	s3 =	sld [smem:$0x3FFC];
	_ =	sdelay $0x3  }
0x94: {  	_ =	strace s3  }
0x95: {  	s3 =	sld [smem:$0x3FFD];
	_ =	sdelay $0x3  }
0x96: {  	_ =	strace s3  }
0x97: {  	_ =	strace $0x8FFFFFFF  }
0x98: {  	s19 =	sld [smem:$0x3FDB];
	_ =	sdelay $0x1  }
0x99: {  	s4 =	simm.s32 $_scs_section_size  }
0x9a: {  	s5 =	simm.s32 $_size__tile_overlayer_lowered;
	s6 =	simm.s32 $_tile_overlayer_lowered  }
0x9b: {  	s22 =	simm.s32 $0x1BFF;
	s21 =	sshll.u32 s6, $0x1;
	s3 =	sadd.s32 s4, s19  }
0x9c: {  	s7 =	simm.s32 $0x0;
	s20 =	sshll.u32 s5, $0x1;
	s5 =	sadd.s32 s21, s3  }
0x9d: {  	[timem:s7], [sflag:s22] =	dma.local [hbm:s5], s20  }
0x9e: {  	_ =	swait.ge [sflag:s22], s20  }
0x9f: {  	s4 =	ssub.s32 $0x0, s20;
	[sflag:s22] =	ssyncset.done $0x0  }
0xa0: {  	[sflag:s22] =	ssyncadd.s32 s4;
	_ =	sdelay $0x1  }
0xa1: {  	s23 =	simm.s32 $0x1B8B  }
0xa2: {  	_ =	swait.ge [sflag:s23], $0x1  }
0xa3: {  	[sflag:s23] =	ssyncset.done $0x0  }
0xa4: {  	s25 =	simm.s32 $0x1B8E;
	s24 =	sld [smem:$0x3FFE];
	[sflag:s23] =	ssyncadd.s32 $0xFFFFFFFF  }
0xa5: {  	s26 =	simm.s32 $execute0_lowered;
	[smem:$0x3FD2] =	sst s25  }
0xa6: {  	s5 =	sshll.u32 s26, $0x1;
	_ =	strace $0x80000046;
	[dreg:$0x1] =	wrdreg $0xFFFFFFFF  }
0xa7: {  	s28 =	simm.s32 $_size_execute0_lowered;
	s3 =	sadd.s32 s3, s5;
	[dreg:$0x0] =	wrdreg $0x0  }
0xa8: {  	s5 =	sshll.u32 s28, $0x1;
	[dreg:$0x2] =	wrdreg s3  }
0xa9: {  	[dreg:$0x3] =	wrdreg s5  }
0xaa: {  	[dreg:$0x4] =	wrdreg $0xC0  }
0xab: {  	_ =	task [dreg:s7], $0x5FFFF  }
0xac: {  	[dreg:$0x1] =	wrdreg $0xFFFFFFFF  }
0xad: {  	[dreg:$0x0] =	wrdreg $0x60  }
0xae: {  	[dreg:$0x2] =	wrdreg s24  }
0xaf: {  	[dreg:$0x3] =	wrdreg s2  }
0xb0: {  	[dreg:$0x4] =	wrdreg $0x9F000  }
0xb1: {  	[dreg:$0x5] =	wrdreg $0x9  }
0xb2: {  	_ =	task.clear_ibuf [dreg:s7], $0x6FFFF;
	_ =	strace $0x90000046  }
0xb3: {  	s29 =	simm.s32 $0x9;
	_ =	strace $0x80000048  }
0xb4: {  	_ =	swait.ge [sflag:s29], $0x1  }
0xb5: {  	[sflag:s29] =	ssyncadd.s32 $0xFFFFFFFF  }
0xb6: {  	_ =	strace $0x90000048  }
0xb7: {  	_ =	sfence  }
0xb8: {  	s30 =	sld [smem:$0x0];
	_ =	sdelay $0x2  }
0xb9: {  	s31 =	sshll.u32 s1, $0xD;
	s1 =	sshrl.u32 s1, $0x2  }
0xba: {  	s3 =	sand.u32 $0x4000, s31;
	s1 =	sadd.s32 s1, s30  }
0xbb: {  	s0 =	sor.u32 s3, s0;
	s1 =	sshll.u32 s1, $0x11  }
0xbc: {  	s0 =	sor.u32 s1, s0  }
0xbd: {  	s0 =	sadd.s32 $0x8F2B, s0  }
0xbe: {  	[sflag:s0] =	ssyncadd.remote.s32 $0x1  }
0xbf: {  	_ =	sfence.sel $0xFFFF  }
0xc0: {  	[dreg:$0x0] =	wrdreg $0xFFFFFFFF;
	(pc) =	sbr.abs _section_cstart, $3  }
0xc1: {  	[dreg:$0x1] =	wrdreg $0xFFFFFFFF  }
0xc2: {  	_ =	task.clear_ibuf [dreg:s7], $0x2FFFF;
	_ =	strace $0x9FFFFFFF  }
0xc3: {  	(tm) =	ssettm $0x7FFFFFFF  }
tec
execute0_lowered:
.L_overlay_start_1:
0x0: {  	(tag) =	ssettag $0x1  }
0x1: {  	s11 =	rddreg [dreg:$0x0]  }
0x2: {  	s2 =	rddreg [dreg:$0x2];
	s4 =	simm.s32 $0x0;
	s3 =	stileid.u32  }
0x3: {  	s10 =	srdreg.scid;
	s22 =	simm.s32 $0x1;
	s23 =	simm.s32 $0x2780  }
0x4: {  	s24 =	simm.s32 $0x7700;
	s25 =	simm.s32 $0x80;
	s26 =	simm.s32 $0x4F00  }
0x5: {  	s28 =	simm.s32 $0x0;
	[smem:$0x7FF] =	sst s4;
	s9 =	smul.u32 $0x4F0, s3  }
0x6: {  	s5 =	sadd.s32 $0xF0A00, s11;
	s6 =	sadd.s32 $0xB0600, s11;
	s14 =	smul.u32 $0xC580, s3  }
0x7: {  	s7 =	sadd.s32 $0x70200, s11;
	s8 =	sadd.s32 $0x2FE00, s11;
	s16 =	smul.u32 $0x31600, s3  }
0x8: {  	s15 =	sand.u32 $0x1, s10;
	s10 =	sadd.s32 $0x144E00, s11;
	_ =	strace $0x80000047  }
0x9: {  	s12 =	ssub.s32 $0x2, s15;
	p0 =	seq.s32 s15, $0x1;
	s13 =	sadd.s32 s9, s11  }
0xa: {  	s9 =	sshrl.u32 s14, $0x3;
	s17 =	sshrl.u32 s12, $0x1;
	s16 =	sshrl.u32 s16, $0x2  }
.Ltmp0:
0xb: {  	s20 =	sadd.s32 s9, s11;
	s11 =	sadd.s32 $0x113600, s11;
	(pc) =	sbr.rel .LBB2_1-.Ltmp0, $4  }
0xc: {  	s21 =	ssub.s32 s12, s17;
	s12 =	sadd.s32 $0x10E600, s13;
	s18 =	sadd.s32 s16, s2  }
0xd: {  	s14 =	sadd.s32 s14, s2;
	s13 =	sadd.s32 $0x109600, s13;
	s15 =	sadd.s32 $0x2800, s18  }
0xe: {  	s16 =	sadd.s32 $0x5000, s18;
	s17 =	sadd.s32 $0x7800, s18;
	s18 =	sadd.s32 $0xA000, s18  }
0xf: {  	s19 =	sadd.s32 $0x15DA00, s20;
	s20 =	sadd.s32 $0x12C200, s20;
	s21 =	smax.u32 s21, $0x1  }
.LBB2_11:
0x10: {  	s0 =	sshra.s32 s30, $0x2;
	[sflag:s22] =	ssyncadd.s32 $0xFFFFD800  }
0x11: {  	[tilespmem:s26], [sflag:$0x1] =	stream.indirect.gather [hbm4b:s8+s25], $0x50, s0, s25, $0xb8;
	[tilespmem:$0x16480] =	vst v63  }
0x12: {  	_ =	swait.ge [sflag:s22], $0x2800  }
0x13: {  	[sflag:s22] =	ssyncset.done $0x0  }
0x14: {  	s0 =	sadd.s32 $0x2780, s0;
	[sflag:s22] =	ssyncadd.s32 $0xFFFFD800  }
0x15: {  	[spmem:s2] =	stream.indirect.scatter.add.f32 [tilespmem:s26], [sflag:$0x1], $0x50, s0, s25, $0xb8;
	[tilespmem:$0x16480] =	vst v63  }
0x16: {  	_ =	swait.ge [sflag:s22], $0x2800  }
0x17: {  	[sflag:s22] =	ssyncset.done $0x0  }
0x18: {  	s30 =	smov.u32 s11;
	[sflag:s22] =	ssyncadd.s32 $0xFFFFD800  }
.LBB2_12:
0x19: {  	s0 =	sadd.s32 s30, s9  }
0x1a: {  	[bflag:$0x0] =	sbarrier.arrive $0xFFFF;
	s1 =	sshrl.u32 s14, $0x3;
	s28 =	sadd.s32 $0x1, s28  }
0x1b: {  	[hbm:s0], [sflag:s29] =	dma.local [spmem:s1], $0x18B0  }
0x1c: {  	p1 =	sne.s32 s28, s21  }
.Ltmp1:
0x1d: {  	_ =	swait.ge [sflag:s22], $0x18B0;
	(pc) =	sbr.rel @!p1 .LBB2_13-.Ltmp1, $3  }
0x1e: {  	[sflag:s22] =	ssyncset.done $0x0  }
0x1f: {  	[sflag:s22] =	ssyncadd.s32 $0xFFFFE750  }
0x20: {  	[bflag:$0x0] =	sbarrier.arrive $0xFFFF;
	_ =	sdelay $0x1  }
.LBB2_1:
0x21: {  	[tilespmem:s4], [sflag:$0x1] =	stream.linear.gather [hbm4b:s12+s4], $0x2780, $0x38;
	[tilespmem:$0x16480] =	vst v63  }
0x22: {  	_ =	swait.ge [sflag:s22], $0x2780  }
0x23: {  	[sflag:s22] =	ssyncset.done $0x0  }
0x24: {  	[sflag:s22] =	ssyncadd.s32 $0xFFFFD880  }
0x25: {  	[tilespmem:s23], [sflag:$0x1] =	stream.linear.gather [hbm4b:s13+s4], $0x2780, $0x38;
	[tilespmem:$0x16480] =	vst v63  }
0x26: {  	_ =	swait.ge [sflag:s22], $0x2780  }
0x27: {  	[sflag:s22] =	ssyncset.done $0x0  }
0x28: {  	[sflag:s22] =	ssyncadd.s32 $0xFFFFD880  }
0x29: {  	s0 =	rddreg [dreg:$0x1]  }
0x2a: {  	[tilespmem:s24], [sflag:$0x1] =	stream.linear.gather [hbm4b:s0+s4], $0x2800, $0x38;
	[tilespmem:$0x16480] =	vst v63  }
0x2b: {  	_ =	swait.ge [sflag:s22], $0x2800  }
0x2c: {  	[sflag:s22] =	ssyncset.done $0x0  }
0x2d: {  	[sflag:s22] =	ssyncadd.s32 $0xFFFFD800  }
0x2e: {  	[spmem:s14] =	stream.linear.scatter [tilespmem:s24], [sflag:$0x1], $0x2800, $0x38;
	[tilespmem:$0x16480] =	vst v63  }
0x2f: {  	_ =	swait.ge [sflag:s22], $0x2800  }
0x30: {  	[sflag:s22] =	ssyncset.done $0x0  }
0x31: {  	[sflag:s22] =	ssyncadd.s32 $0xFFFFD800  }
0x32: {  	[spmem:s15] =	stream.linear.scatter [tilespmem:s24], [sflag:$0x1], $0x2800, $0x38;
	[tilespmem:$0x16480] =	vst v63  }
0x33: {  	_ =	swait.ge [sflag:s22], $0x2800  }
0x34: {  	[sflag:s22] =	ssyncset.done $0x0  }
0x35: {  	[sflag:s22] =	ssyncadd.s32 $0xFFFFD800  }
0x36: {  	[spmem:s16] =	stream.linear.scatter [tilespmem:s24], [sflag:$0x1], $0x2800, $0x38;
	[tilespmem:$0x16480] =	vst v63  }
0x37: {  	_ =	swait.ge [sflag:s22], $0x2800  }
0x38: {  	[sflag:s22] =	ssyncset.done $0x0  }
0x39: {  	[sflag:s22] =	ssyncadd.s32 $0xFFFFD800  }
0x3a: {  	[spmem:s17] =	stream.linear.scatter [tilespmem:s24], [sflag:$0x1], $0x2800, $0x38;
	[tilespmem:$0x16480] =	vst v63  }
0x3b: {  	_ =	swait.ge [sflag:s22], $0x2800  }
0x3c: {  	[sflag:s22] =	ssyncset.done $0x0  }
0x3d: {  	[sflag:s22] =	ssyncadd.s32 $0xFFFFD800  }
0x3e: {  	[spmem:s18] =	stream.linear.scatter [tilespmem:s24], [sflag:$0x1], $0x2580, $0x38;
	[tilespmem:$0x16480] =	vst v63  }
.Ltmp2:
0x3f: {  	_ =	swait.ge [sflag:s22], $0x2580;
	(pc) =	sbr.rel @!p0 .LBB2_2-.Ltmp2, $3  }
0x40: {  	[sflag:s22] =	ssyncset.done $0x0  }
0x41: {  	[sflag:s22] =	ssyncadd.s32 $0xFFFFDA80  }
0x42: {  	[bflag:$0x0] =	sbarrier.arrive $0xFFFF;
	_ =	sdelay $0x1  }
0x43: {  	s0 =	simm.s32 $0x0  }
0x44: {  	[tilespmem:s26], [sflag:$0x1] =	stream.indirect.gather [hbm4b:s7+s25], $0x50, s0, s25, $0xb8;
	[tilespmem:$0x16480] =	vst v63  }
0x45: {  	_ =	swait.ge [sflag:s22], $0x2800  }
0x46: {  	[sflag:s22] =	ssyncset.done $0x0  }
0x47: {  	s31 =	simm.s32 $0x2780;
	[sflag:s22] =	ssyncadd.s32 $0xFFFFD800  }
0x48: {  	[spmem:s2] =	stream.indirect.scatter.add.f32 [tilespmem:s26], [sflag:$0x1], $0x50, s31, s25, $0xb8;
	[tilespmem:$0x16480] =	vst v63  }
0x49: {  	_ =	swait.ge [sflag:s22], $0x2800  }
0x4a: {  	s29 =	simm.s32 $0x200;
	s30 =	simm.s32 $0x400;
	[sflag:s22] =	ssyncset.done $0x0  }
.LBB2_8:
0x4b: {  	s0 =	sshra.s32 s29, $0x2  }
0x4c: {  	[sflag:s22] =	ssyncadd.s32 $0xFFFFD800;
	s29 =	smov.u32 s30;
	s1 =	sadd.s32 $0x200, s30  }
0x4d: {  	[tilespmem:s26], [sflag:$0x1] =	stream.indirect.gather [hbm4b:s7+s25], $0x50, s0, s25, $0xb8;
	[tilespmem:$0x16480] =	vst v63  }
0x4e: {  	p1 =	sne.s32 s30, $0x9C00;
	_ =	swait.ge [sflag:s22], $0x2800  }
.Ltmp3:
0x4f: {  	[sflag:s22] =	ssyncset.done $0x0;
	(pc) =	sbr.rel @p1 .LBB2_8-.Ltmp3, $4  }
0x50: {  	s0 =	sadd.s32 $0x2780, s0;
	[sflag:s22] =	ssyncadd.s32 $0xFFFFD800  }
0x51: {  	[spmem:s2] =	stream.indirect.scatter.add.f32 [tilespmem:s26], [sflag:$0x1], $0x50, s0, s25, $0xb8;
	[tilespmem:$0x16480] =	vst v63  }
0x52: {  	_ =	swait.ge [sflag:s22], $0x2800  }
0x53: {  	s30 =	smov.u32 s1;
	[sflag:s22] =	ssyncset.done $0x0  }
0x54: {  	s0 =	sshra.s32 s29, $0x2;
	[sflag:s22] =	ssyncadd.s32 $0xFFFFD800  }
0x55: {  	[tilespmem:s26], [sflag:$0x1] =	stream.indirect.gather [hbm4b:s7+s25], $0x50, s0, s25, $0xb8;
	[tilespmem:$0x16480] =	vst v63  }
0x56: {  	_ =	swait.ge [sflag:s22], $0x2800  }
0x57: {  	[sflag:s22] =	ssyncset.done $0x0  }
0x58: {  	s0 =	sadd.s32 $0x2780, s0;
	[sflag:s22] =	ssyncadd.s32 $0xFFFFD800  }
0x59: {  	[spmem:s2] =	stream.indirect.scatter.add.f32 [tilespmem:s26], [sflag:$0x1], $0x50, s0, s25, $0xb8;
	[tilespmem:$0x16480] =	vst v63  }
0x5a: {  	_ =	swait.ge [sflag:s22], $0x2800  }
0x5b: {  	[sflag:s22] =	ssyncset.done $0x0  }
0x5c: {  	s1 =	sshll.u32 s3, $0x6;
	[sflag:s22] =	ssyncadd.s32 $0xFFFFD800  }
0x5d: {  	s29 =	sor.u32 $0x1C01, s1;
	s1 =	sshrl.u32 s14, $0x3;
	[bflag:$0x0] =	sbarrier.arrive $0xFFFF  }
0x5e: {  	[hbm:s20], [sflag:s29] =	dma.local [spmem:s1], $0x18B0  }
0x5f: {  	_ =	swait.ge [sflag:s22], $0x18B0  }
0x60: {  	[sflag:s22] =	ssyncset.done $0x0  }
0x61: {  	[sflag:s22] =	ssyncadd.s32 $0xFFFFE750  }
0x62: {  	[bflag:$0x0] =	sbarrier.arrive $0xFFFF  }
0x63: {  	[spmem:s14] =	stream.linear.scatter [tilespmem:s24], [sflag:$0x1], $0x2800, $0x38;
	[tilespmem:$0x16480] =	vst v63  }
0x64: {  	_ =	swait.ge [sflag:s22], $0x2800  }
0x65: {  	[sflag:s22] =	ssyncset.done $0x0  }
0x66: {  	[sflag:s22] =	ssyncadd.s32 $0xFFFFD800  }
0x67: {  	[spmem:s15] =	stream.linear.scatter [tilespmem:s24], [sflag:$0x1], $0x2800, $0x38;
	[tilespmem:$0x16480] =	vst v63  }
0x68: {  	_ =	swait.ge [sflag:s22], $0x2800  }
0x69: {  	[sflag:s22] =	ssyncset.done $0x0  }
0x6a: {  	[sflag:s22] =	ssyncadd.s32 $0xFFFFD800  }
0x6b: {  	[spmem:s16] =	stream.linear.scatter [tilespmem:s24], [sflag:$0x1], $0x2800, $0x38;
	[tilespmem:$0x16480] =	vst v63  }
0x6c: {  	_ =	swait.ge [sflag:s22], $0x2800  }
0x6d: {  	[sflag:s22] =	ssyncset.done $0x0  }
0x6e: {  	[sflag:s22] =	ssyncadd.s32 $0xFFFFD800  }
0x6f: {  	[spmem:s17] =	stream.linear.scatter [tilespmem:s24], [sflag:$0x1], $0x2800, $0x38;
	[tilespmem:$0x16480] =	vst v63  }
0x70: {  	_ =	swait.ge [sflag:s22], $0x2800  }
0x71: {  	[sflag:s22] =	ssyncset.done $0x0  }
0x72: {  	[sflag:s22] =	ssyncadd.s32 $0xFFFFD800  }
0x73: {  	[spmem:s18] =	stream.linear.scatter [tilespmem:s24], [sflag:$0x1], $0x2580, $0x38;
	[tilespmem:$0x16480] =	vst v63  }
0x74: {  	_ =	swait.ge [sflag:s22], $0x2580  }
0x75: {  	[sflag:s22] =	ssyncset.done $0x0  }
0x76: {  	[sflag:s22] =	ssyncadd.s32 $0xFFFFDA80  }
0x77: {  	s1 =	simm.s32 $0x0;
	[bflag:$0x0] =	sbarrier.arrive $0xFFFF  }
0x78: {  	[tilespmem:s26], [sflag:$0x1] =	stream.indirect.gather [hbm4b:s8+s25], $0x50, s1, s25, $0xb8;
	[tilespmem:$0x16480] =	vst v63  }
0x79: {  	_ =	swait.ge [sflag:s22], $0x2800  }
0x7a: {  	[sflag:s22] =	ssyncset.done $0x0  }
0x7b: {  	s1 =	simm.s32 $0x2780;
	[sflag:s22] =	ssyncadd.s32 $0xFFFFD800  }
0x7c: {  	[spmem:s2] =	stream.indirect.scatter.add.f32 [tilespmem:s26], [sflag:$0x1], $0x50, s1, s25, $0xb8;
	[tilespmem:$0x16480] =	vst v63  }
0x7d: {  	_ =	swait.ge [sflag:s22], $0x2800  }
0x7e: {  	s30 =	simm.s32 $0x200;
	s31 =	simm.s32 $0x400;
	[sflag:s22] =	ssyncset.done $0x0  }
.LBB2_10:
0x7f: {  	s0 =	sshra.s32 s30, $0x2  }
0x80: {  	[sflag:s22] =	ssyncadd.s32 $0xFFFFD800;
	s30 =	smov.u32 s31;
	s1 =	sadd.s32 $0x200, s31  }
0x81: {  	[tilespmem:s26], [sflag:$0x1] =	stream.indirect.gather [hbm4b:s8+s25], $0x50, s0, s25, $0xb8;
	[tilespmem:$0x16480] =	vst v63  }
0x82: {  	p1 =	sne.s32 s31, $0x9C00;
	_ =	swait.ge [sflag:s22], $0x2800  }
.Ltmp4:
0x83: {  	[sflag:s22] =	ssyncset.done $0x0;
	(pc) =	sbr.rel @p1 .LBB2_10-.Ltmp4, $4  }
0x84: {  	s0 =	sadd.s32 $0x2780, s0;
	[sflag:s22] =	ssyncadd.s32 $0xFFFFD800  }
0x85: {  	[spmem:s2] =	stream.indirect.scatter.add.f32 [tilespmem:s26], [sflag:$0x1], $0x50, s0, s25, $0xb8;
	[tilespmem:$0x16480] =	vst v63  }
0x86: {  	_ =	swait.ge [sflag:s22], $0x2800  }
0x87: {  	s31 =	smov.u32 s1;
	[sflag:s22] =	ssyncset.done $0x0  }
.Ltmp5:
0x88: {  	_ = 	snop;
	(pc) =	sbr.rel .LBB2_11-.Ltmp5, $1  }
0x89: {  	_ =	sdelay $0x3  }
.LBB2_2:
0x8a: {  	s29 =	simm.s32 $0x0  }
0x8b: {  	[tilespmem:s26], [sflag:$0x1] =	stream.indirect.gather [hbm4b:s5+s25], $0x50, s29, s25, $0xb8;
	[tilespmem:$0x16480] =	vst v63  }
0x8c: {  	_ =	swait.ge [sflag:s22], $0x2800  }
0x8d: {  	[sflag:s22] =	ssyncset.done $0x0  }
0x8e: {  	s29 =	simm.s32 $0x2780;
	[sflag:s22] =	ssyncadd.s32 $0xFFFFD800  }
0x8f: {  	[spmem:s2] =	stream.indirect.scatter.add.f32 [tilespmem:s26], [sflag:$0x1], $0x50, s29, s25, $0xb8;
	[tilespmem:$0x16480] =	vst v63  }
0x90: {  	_ =	swait.ge [sflag:s22], $0x2800  }
0x91: {  	s30 =	simm.s32 $0x400;
	s29 =	simm.s32 $0x200;
	[sflag:s22] =	ssyncset.done $0x0  }
.LBB2_3:
0x92: {  	s31 =	sshra.s32 s29, $0x2  }
0x93: {  	[sflag:s22] =	ssyncadd.s32 $0xFFFFD800;
	s29 =	smov.u32 s30;
	s0 =	sadd.s32 $0x200, s30  }
0x94: {  	[tilespmem:s26], [sflag:$0x1] =	stream.indirect.gather [hbm4b:s5+s25], $0x50, s31, s25, $0xb8;
	[tilespmem:$0x16480] =	vst v63  }
0x95: {  	p1 =	sne.s32 s30, $0x9C00;
	_ =	swait.ge [sflag:s22], $0x2800  }
.Ltmp6:
0x96: {  	[sflag:s22] =	ssyncset.done $0x0;
	(pc) =	sbr.rel @p1 .LBB2_3-.Ltmp6, $4  }
0x97: {  	s30 =	sadd.s32 $0x2780, s31;
	[sflag:s22] =	ssyncadd.s32 $0xFFFFD800  }
0x98: {  	[spmem:s2] =	stream.indirect.scatter.add.f32 [tilespmem:s26], [sflag:$0x1], $0x50, s30, s25, $0xb8;
	[tilespmem:$0x16480] =	vst v63  }
0x99: {  	_ =	swait.ge [sflag:s22], $0x2800  }
0x9a: {  	s30 =	smov.u32 s0;
	[sflag:s22] =	ssyncset.done $0x0  }
0x9b: {  	s0 =	sshra.s32 s29, $0x2;
	[sflag:s22] =	ssyncadd.s32 $0xFFFFD800  }
0x9c: {  	[tilespmem:s26], [sflag:$0x1] =	stream.indirect.gather [hbm4b:s5+s25], $0x50, s0, s25, $0xb8;
	[tilespmem:$0x16480] =	vst v63  }
0x9d: {  	_ =	swait.ge [sflag:s22], $0x2800  }
0x9e: {  	[sflag:s22] =	ssyncset.done $0x0  }
0x9f: {  	s0 =	sadd.s32 $0x2780, s0;
	[sflag:s22] =	ssyncadd.s32 $0xFFFFD800  }
0xa0: {  	[spmem:s2] =	stream.indirect.scatter.add.f32 [tilespmem:s26], [sflag:$0x1], $0x50, s0, s25, $0xb8;
	[tilespmem:$0x16480] =	vst v63  }
0xa1: {  	_ =	swait.ge [sflag:s22], $0x2800  }
0xa2: {  	[sflag:s22] =	ssyncset.done $0x0  }
0xa3: {  	s1 =	sshll.u32 s3, $0x6;
	[sflag:s22] =	ssyncadd.s32 $0xFFFFD800  }
0xa4: {  	s29 =	sor.u32 $0x1C01, s1;
	s1 =	sshrl.u32 s14, $0x3;
	[bflag:$0x0] =	sbarrier.arrive $0xFFFF  }
0xa5: {  	[hbm:s19], [sflag:s29] =	dma.local [spmem:s1], $0x18B0  }
0xa6: {  	_ =	swait.ge [sflag:s22], $0x18B0  }
0xa7: {  	[sflag:s22] =	ssyncset.done $0x0  }
0xa8: {  	[sflag:s22] =	ssyncadd.s32 $0xFFFFE750  }
0xa9: {  	[bflag:$0x0] =	sbarrier.arrive $0xFFFF  }
0xaa: {  	[spmem:s14] =	stream.linear.scatter [tilespmem:s24], [sflag:$0x1], $0x2800, $0x38;
	[tilespmem:$0x16480] =	vst v63  }
0xab: {  	_ =	swait.ge [sflag:s22], $0x2800  }
0xac: {  	[sflag:s22] =	ssyncset.done $0x0  }
0xad: {  	[sflag:s22] =	ssyncadd.s32 $0xFFFFD800  }
0xae: {  	[spmem:s15] =	stream.linear.scatter [tilespmem:s24], [sflag:$0x1], $0x2800, $0x38;
	[tilespmem:$0x16480] =	vst v63  }
0xaf: {  	_ =	swait.ge [sflag:s22], $0x2800  }
0xb0: {  	[sflag:s22] =	ssyncset.done $0x0  }
0xb1: {  	[sflag:s22] =	ssyncadd.s32 $0xFFFFD800  }
0xb2: {  	[spmem:s16] =	stream.linear.scatter [tilespmem:s24], [sflag:$0x1], $0x2800, $0x38;
	[tilespmem:$0x16480] =	vst v63  }
0xb3: {  	_ =	swait.ge [sflag:s22], $0x2800  }
0xb4: {  	[sflag:s22] =	ssyncset.done $0x0  }
0xb5: {  	[sflag:s22] =	ssyncadd.s32 $0xFFFFD800  }
0xb6: {  	[spmem:s17] =	stream.linear.scatter [tilespmem:s24], [sflag:$0x1], $0x2800, $0x38;
	[tilespmem:$0x16480] =	vst v63  }
0xb7: {  	_ =	swait.ge [sflag:s22], $0x2800  }
0xb8: {  	[sflag:s22] =	ssyncset.done $0x0  }
0xb9: {  	[sflag:s22] =	ssyncadd.s32 $0xFFFFD800  }
0xba: {  	[spmem:s18] =	stream.linear.scatter [tilespmem:s24], [sflag:$0x1], $0x2580, $0x38;
	[tilespmem:$0x16480] =	vst v63  }
0xbb: {  	_ =	swait.ge [sflag:s22], $0x2580  }
0xbc: {  	[sflag:s22] =	ssyncset.done $0x0  }
0xbd: {  	[sflag:s22] =	ssyncadd.s32 $0xFFFFDA80  }
0xbe: {  	s1 =	simm.s32 $0x0;
	[bflag:$0x0] =	sbarrier.arrive $0xFFFF  }
0xbf: {  	[tilespmem:s26], [sflag:$0x1] =	stream.indirect.gather [hbm4b:s6+s25], $0x50, s1, s25, $0xb8;
	[tilespmem:$0x16480] =	vst v63  }
0xc0: {  	_ =	swait.ge [sflag:s22], $0x2800  }
0xc1: {  	[sflag:s22] =	ssyncset.done $0x0  }
0xc2: {  	s1 =	simm.s32 $0x2780;
	[sflag:s22] =	ssyncadd.s32 $0xFFFFD800  }
0xc3: {  	[spmem:s2] =	stream.indirect.scatter.add.f32 [tilespmem:s26], [sflag:$0x1], $0x50, s1, s25, $0xb8;
	[tilespmem:$0x16480] =	vst v63  }
0xc4: {  	_ =	swait.ge [sflag:s22], $0x2800  }
0xc5: {  	s30 =	simm.s32 $0x200;
	s31 =	simm.s32 $0x400;
	[sflag:s22] =	ssyncset.done $0x0  }
.LBB2_5:
0xc6: {  	s0 =	sshra.s32 s30, $0x2  }
0xc7: {  	[sflag:s22] =	ssyncadd.s32 $0xFFFFD800;
	s30 =	smov.u32 s31;
	s1 =	sadd.s32 $0x200, s31  }
0xc8: {  	[tilespmem:s26], [sflag:$0x1] =	stream.indirect.gather [hbm4b:s6+s25], $0x50, s0, s25, $0xb8;
	[tilespmem:$0x16480] =	vst v63  }
0xc9: {  	p1 =	seq.s32 s31, $0x9C00;
	_ =	swait.ge [sflag:s22], $0x2800  }
.Ltmp7:
0xca: {  	[sflag:s22] =	ssyncset.done $0x0;
	(pc) =	sbr.rel @!p1 .LBB2_5-.Ltmp7, $4  }
0xcb: {  	s0 =	sadd.s32 $0x2780, s0;
	[sflag:s22] =	ssyncadd.s32 $0xFFFFD800  }
0xcc: {  	[spmem:s2] =	stream.indirect.scatter.add.f32 [tilespmem:s26], [sflag:$0x1], $0x50, s0, s25, $0xb8;
	[tilespmem:$0x16480] =	vst v63  }
0xcd: {  	_ =	swait.ge [sflag:s22], $0x2800  }
0xce: {  	s31 =	smov.u32 s1;
	[sflag:s22] =	ssyncset.done $0x0  }
0xcf: {  	s0 =	sshra.s32 s30, $0x2;
	[sflag:s22] =	ssyncadd.s32 $0xFFFFD800  }
0xd0: {  	[tilespmem:s26], [sflag:$0x1] =	stream.indirect.gather [hbm4b:s6+s25], $0x50, s0, s25, $0xb8;
	[tilespmem:$0x16480] =	vst v63  }
0xd1: {  	_ =	swait.ge [sflag:s22], $0x2800  }
0xd2: {  	[sflag:s22] =	ssyncset.done $0x0  }
.Ltmp8:
0xd3: {  	s0 =	sadd.s32 $0x2780, s0;
	[sflag:s22] =	ssyncadd.s32 $0xFFFFD800;
	(pc) =	sbr.rel .LBB2_12-.Ltmp8, $4  }
0xd4: {  	[spmem:s2] =	stream.indirect.scatter.add.f32 [tilespmem:s26], [sflag:$0x1], $0x50, s0, s25, $0xb8;
	[tilespmem:$0x16480] =	vst v63  }
0xd5: {  	_ =	swait.ge [sflag:s22], $0x2800  }
0xd6: {  	[sflag:s22] =	ssyncset.done $0x0  }
0xd7: {  	s30 =	smov.u32 s10;
	[sflag:s22] =	ssyncadd.s32 $0xFFFFD800  }
.LBB2_13:
0xd8: {  	_ =	sfence.sel $0x180000  }
0xd9: {  	[bflag:$0x0] =	sbarrier.arrive $0xFFFF  }
0xda: {  	_ =	strace $0x90000047  }
0xdb: {  	[bflag:$0x2] =	sbarrier.arrive $0xFFFF  }
0xdc: {  	p0 =	sne.s32 s3, $0x0;
	s0 =	rddreg [dreg:$0x3]  }
0xdd: {  	s0 =	sadd.s32 @!p0 $0x100000, s0  }
0xde: {  	[sflag:s0] =	ssyncadd.tile.s32 @!p0 $0x1;
	_ =	shalt  }
.Lfunc_end2:
_tile_overlayer_lowered:
.L_overlay_start_2:
0xdf: {  	(tag) =	ssettag $0x2  }
0xe0: {  	s0 =	rddreg [dreg:$0x0];
	s2 =	stileid.u32  }
0xe1: {  	s1 =	rddreg [dreg:$0x1];
	p0 =	sne.s32 s2, $0x0  }
0xe2: {  	s3 =	rddreg [dreg:$0x2];
	[bflag:$0x3] =	sbarrier.arrive $0xFFFF;
	s2 =	simm.s32 @!p0 $0x1C01  }
0xe3: {  	[timem:s3], [sflag:s2] =	dma.local @!p0 [hbm:s0], s1  }
0xe4: {  	s0 =	simm.s32 @!p0 $0x1  }
0xe5: {  	_ =	swait.ge @!p0 [sflag:s0], s1  }
0xe6: {  	s1 =	ssub.s32 @!p0 $0x0, s1;
	[sflag:s0] =	ssyncset.done @!p0 $0x0  }
0xe7: {  	[sflag:s0] =	ssyncadd.s32 @!p0 s1  }
0xe8: {  	[bflag:$0x3] =	sbarrier.arrive $0xFFFF  }
0xe9: {  	_ =	shalt  }

// kernel: kernel.15.cloned.1.call-start
scs
__scs_entry_jumppad:
0x0: {  	(pc) =	sbr.rel $0x88, $3  }
0x1: {  	(tag) =	ssettag $0x0;
	lr =	simm.s32 $0x1  }
0x2: {  	[smem:$0x3F95] =	sst lr;
	_ =	strace $0xD0000000  }
0x3: {  	_ = 	snop  }
0x4: {  	_ = 	snop  }
0x5: {  	_ = 	snop  }
0x6: {  	_ = 	snop  }
0x7: {  	_ = 	snop  }
__scs_overlays_trampoline_lowered:
0x8: {  	[smem:$0x3FA4] =	sst s0  }
0x9: {  	[smem:$0x3FA5] =	sst s1  }
0xa: {  	[smem:$0x3FA6] =	sst s2  }
0xb: {  	[smem:$0x3FA7] =	sst s3  }
0xc: {  	[smem:$0x3FA8] =	sst s4  }
0xd: {  	[smem:$0x3FA9] =	sst s5  }
0xe: {  	[smem:$0x3FAA] =	sst s6  }
0xf: {  	[smem:$0x3FAB] =	sst s7  }
0x10: {  	[smem:$0x3FAC] =	sst s8  }
0x11: {  	[smem:$0x3FAD] =	sst s9;
	s0 =	simm.s32 @!p0 $0x0  }
0x12: {  	s1 =	sld [smem:$0x3F93];
	s0 =	simm.s32 @p0 $0x1  }
0x13: {  	[smem:$0x3FAE] =	sst s0;
	s0 =	simm.s32 @!p1 $0x0  }
0x14: {  	s2 =	sld [smem:$0x3F92];
	s0 =	simm.s32 @p1 $0x1  }
0x15: {  	[smem:$0x3FAF] =	sst s0;
	s0 =	simm.s32 @!p2 $0x0  }
0x16: {  	s3 =	sld [smem:$0x3FDB];
	s0 =	simm.s32 @p2 $0x1  }
0x17: {  	s4 =	simm.s32 $0x1BF5;
	[smem:$0x3FB1] =	sst s0  }
0x18: {  	s0 =	sld [smem:$0x3F94];
	_ =	swait.ge [sflag:s4], $0x0  }
0x19: {  	s7 =	sld [smem:$0x3F95]  }
0x1a: {  	s8 =	sadd.s32 $0xFFFFE003, lr  }
0x1b: {  	s9 =	sadd.s32 $0xFFFFFEF7, lr;
	s5 =	simm.s32 $0xFFFFFFFF;
	p2 =	slt.u32 s8, $0xFFFFF086  }
0x1c: {  	p1 =	slt.u32 s9, $0xF7A;
	s5 =	simm.s32 @!p2 $0x0  }
0x1d: {  	s5 =	simm.s32 @p1 $0x1;
	p0 =	seq.s32 s7, s2  }
0x1e: {  	s7 =	smul.u32 @!p0 $0xF7A, s2;
	p2 =	seq.s32 @!p0 s5, $0x0  }
0x1f: {  	s9 =	smul.u32 $0xF7A, s1;
	s8 =	simm.s32 @!p0 $0x1BF5;
	p2 =	por !p2, p0  }
0x20: {  	[sflag:s8] =	ssyncset.s32 @!p0 $0xFFFFF086;
	s6 =	sadd.s32 @!p0 s3, s7;
	s7 =	simm.s32 @!p0 $0x108  }
0x21: {  	s3 =	sadd.s32 s3, s9;
	s6 =	sadd.s32 @!p0 $0x88, s6;
	s7 =	simm.s32 @p2 $0x1082  }
0x22: {  	[simem:s7], [sflag:s8] =	dma.local @!p0 [hbm:s6], $0xF7A  }
0x23: {  	s9 =	sor.u32 $0xD0000000, s2;
	s6 =	simm.s32 $0x108;
	_ =	swait.ge @!p0 [sflag:s8], $0x0  }
0x24: {  	s3 =	sadd.s32 $0x88, s3;
	s6 =	simm.s32 @!p1 $0x1082;
	[sflag:s4] =	ssyncset.s32 $0xFFFFF086  }
0x25: {  	[simem:s6], [sflag:s4] =	dma.local [hbm:s3], $0xF7A  }
0x26: {  	[smem:$0x3F95] =	sst s1;
	(tag) =	ssettag s2;
	_ =	strace s9  }
0x27: {  	s1 =	sld [smem:$0x3FA5]  }
0x28: {  	s2 =	sld [smem:$0x3FA6]  }
0x29: {  	s4 =	sld [smem:$0x3FA8]  }
0x2a: {  	p0 =	seq.s32 s5, $0x0;
	s5 =	sld [smem:$0x3FA9]  }
0x2b: {  	s6 =	sld [smem:$0x3FAA]  }
0x2c: {  	s7 =	sld [smem:$0x3FAB]  }
0x2d: {  	s3 =	simm.s32 $0x108;
	s8 =	sld [smem:$0x3FAC]  }
0x2e: {  	s3 =	simm.s32 @!p0 $0x1082;
	s9 =	sld [smem:$0x3FAD]  }
0x2f: {  	lr =	sadd.s32 s0, s3;
	s0 =	sld [smem:$0x3FA4]  }
0x30: {  	s3 =	sld [smem:$0x3FA7]  }
0x31: {  	[smem:$0x3FB0] =	sst s10  }
0x32: {  	s10 =	sld [smem:$0x3FAE];
	_ =	sdelay $0x3  }
0x33: {  	p0 =	seq.s32 s10, $0x1;
	s10 =	sld [smem:$0x3FB0];
	_ =	sdelay $0x3  }
0x34: {  	[smem:$0x3FB0] =	sst s10  }
0x35: {  	s10 =	sld [smem:$0x3FAF];
	_ =	sdelay $0x3  }
0x36: {  	p1 =	seq.s32 s10, $0x1;
	s10 =	sld [smem:$0x3FB0];
	_ =	sdelay $0x3  }
0x37: {  	[smem:$0x3FB0] =	sst s10  }
0x38: {  	s10 =	sld [smem:$0x3FB1]  }
0x39: {  	_ = 	snop;
	(pc) =	sbr.ind lr, $3  }
0x3a: {  	_ = 	snop  }
0x3b: {  	_ = 	snop  }
0x3c: {  	p2 =	seq.s32 s10, $0x1;
	s10 =	sld [smem:$0x3FB0]  }
0x3d: {  	_ =	shalt  }
0x3e: {  	_ =	shalt  }
0x3f: {  	_ =	shalt  }
0x40: {  	_ =	shalt  }
0x41: {  	_ =	shalt  }
0x42: {  	_ =	shalt  }
0x43: {  	_ =	shalt  }
0x44: {  	_ =	shalt  }
0x45: {  	_ =	shalt  }
0x46: {  	_ =	shalt  }
0x47: {  	_ =	shalt  }
0x48: {  	_ =	shalt  }
0x49: {  	_ =	shalt  }
0x4a: {  	_ =	shalt  }
0x4b: {  	_ =	shalt  }
0x4c: {  	_ =	shalt  }
0x4d: {  	_ =	shalt  }
0x4e: {  	_ =	shalt  }
0x4f: {  	_ =	shalt  }
0x50: {  	_ =	shalt  }
0x51: {  	_ =	shalt  }
0x52: {  	_ =	shalt  }
0x53: {  	_ =	shalt  }
0x54: {  	_ =	shalt  }
0x55: {  	_ =	shalt  }
0x56: {  	_ =	shalt  }
0x57: {  	_ =	shalt  }
0x58: {  	_ =	shalt  }
0x59: {  	_ =	shalt  }
0x5a: {  	_ =	shalt  }
0x5b: {  	_ =	shalt  }
0x5c: {  	_ =	shalt  }
0x5d: {  	_ =	shalt  }
0x5e: {  	_ =	shalt  }
0x5f: {  	_ =	shalt  }
0x60: {  	_ =	shalt  }
0x61: {  	_ =	shalt  }
0x62: {  	_ =	shalt  }
0x63: {  	_ =	shalt  }
0x64: {  	_ =	shalt  }
0x65: {  	_ =	shalt  }
0x66: {  	_ =	shalt  }
0x67: {  	_ =	shalt  }
0x68: {  	_ =	shalt  }
0x69: {  	_ =	shalt  }
0x6a: {  	_ =	shalt  }
0x6b: {  	_ =	shalt  }
0x6c: {  	_ =	shalt  }
0x6d: {  	_ =	shalt  }
0x6e: {  	_ =	shalt  }
0x6f: {  	_ =	shalt  }
0x70: {  	_ =	shalt  }
0x71: {  	_ =	shalt  }
0x72: {  	_ =	shalt  }
0x73: {  	_ =	shalt  }
0x74: {  	_ =	shalt  }
0x75: {  	_ =	shalt  }
0x76: {  	_ =	shalt  }
0x77: {  	_ =	shalt  }
0x78: {  	_ =	shalt  }
0x79: {  	_ =	shalt  }
0x7a: {  	_ =	shalt  }
0x7b: {  	_ =	shalt  }
0x7c: {  	_ =	shalt  }
0x7d: {  	_ =	shalt  }
0x7e: {  	_ =	shalt  }
0x7f: {  	_ =	shalt  }
0x80: {  	_ =	shalt  }
0x81: {  	_ =	shalt  }
0x82: {  	_ =	shalt  }
0x83: {  	_ =	shalt  }
0x84: {  	_ =	shalt  }
0x85: {  	_ =	shalt  }
0x86: {  	_ =	shalt  }
0x87: {  	_ =	shalt  }
.Lfunc_end0:
.L_simem_size_0:
called_computation.1_lowered:
.L_overlay_start_0:
0x88: {  	s2 =	sld [smem:$0x3FD9]  }
0x89: {  	s3 =	sld [smem:$0x3FFE];
	_ =	sdelay $0x1  }
0x8a: {  	s1 =	srdreg.scid  }
0x8b: {  	s0 =	sand.u32 $0x1, s1  }
0x8c: {  	s17 =	sshll.u32 s0, $0xA;
	s2 =	sadd.s32 s3, s2  }
0x8d: {  	s2 =	sadd.s32 s2, s17  }
0x8e: {  	[smem:$0x3FBC] =	sst s2  }
0x8f: {  	_ = 	snop  }
0x90: {  	s2 =	sld [smem:$0x3FD0];
	(tm) =	ssettm $0x1  }
0x91: {  	s18 =	sld [smem:$0x3FFB];
	_ =	sdelay $0x3  }
0x92: {  	_ =	strace s18  }
0x93: {  	s3 =	sld [smem:$0x3FFC];
	_ =	sdelay $0x3  }
0x94: {  	_ =	strace s3  }
0x95: {  	s3 =	sld [smem:$0x3FFD];
	_ =	sdelay $0x3  }
0x96: {  	_ =	strace s3  }
0x97: {  	_ =	strace $0x8FFFFFFF  }
0x98: {  	s19 =	sld [smem:$0x3FDB];
	_ =	sdelay $0x1  }
0x99: {  	s4 =	simm.s32 $_scs_section_size  }
0x9a: {  	s5 =	simm.s32 $_size__tile_overlayer_lowered;
	s6 =	simm.s32 $_tile_overlayer_lowered  }
0x9b: {  	s22 =	simm.s32 $0x1BFF;
	s21 =	sshll.u32 s6, $0x1;
	s3 =	sadd.s32 s4, s19  }
0x9c: {  	s7 =	simm.s32 $0x0;
	s20 =	sshll.u32 s5, $0x1;
	s5 =	sadd.s32 s21, s3  }
0x9d: {  	[timem:s7], [sflag:s22] =	dma.local [hbm:s5], s20  }
0x9e: {  	_ =	swait.ge [sflag:s22], s20  }
0x9f: {  	s4 =	ssub.s32 $0x0, s20;
	[sflag:s22] =	ssyncset.done $0x0  }
0xa0: {  	[sflag:s22] =	ssyncadd.s32 s4;
	_ =	sdelay $0x1  }
0xa1: {  	s23 =	simm.s32 $0x1B8B  }
0xa2: {  	_ =	swait.ge [sflag:s23], $0x1  }
0xa3: {  	[sflag:s23] =	ssyncset.done $0x0  }
0xa4: {  	s25 =	simm.s32 $0x1B8E;
	s24 =	sld [smem:$0x3FFE];
	[sflag:s23] =	ssyncadd.s32 $0xFFFFFFFF  }
0xa5: {  	s26 =	simm.s32 $execute0_lowered;
	[smem:$0x3FD2] =	sst s25  }
0xa6: {  	s5 =	sshll.u32 s26, $0x1;
	_ =	strace $0x80000049;
	[dreg:$0x1] =	wrdreg $0xFFFFFFFF  }
0xa7: {  	s28 =	simm.s32 $_size_execute0_lowered;
	s3 =	sadd.s32 s3, s5;
	[dreg:$0x0] =	wrdreg $0x0  }
0xa8: {  	s5 =	sshll.u32 s28, $0x1;
	[dreg:$0x2] =	wrdreg s3  }
0xa9: {  	[dreg:$0x3] =	wrdreg s5  }
0xaa: {  	[dreg:$0x4] =	wrdreg $0xC0  }
0xab: {  	_ =	task [dreg:s7], $0x5FFFF  }
0xac: {  	[dreg:$0x1] =	wrdreg $0xFFFFFFFF  }
0xad: {  	[dreg:$0x0] =	wrdreg $0x60  }
0xae: {  	[dreg:$0x2] =	wrdreg s24  }
0xaf: {  	[dreg:$0x3] =	wrdreg s2  }
0xb0: {  	[dreg:$0x4] =	wrdreg $0x9F000  }
0xb1: {  	[dreg:$0x5] =	wrdreg $0x9  }
0xb2: {  	_ =	task.clear_ibuf [dreg:s7], $0x6FFFF;
	_ =	strace $0x90000049  }
0xb3: {  	s29 =	simm.s32 $0x9;
	_ =	strace $0x8000004B  }
0xb4: {  	_ =	swait.ge [sflag:s29], $0x1  }
0xb5: {  	[sflag:s29] =	ssyncadd.s32 $0xFFFFFFFF  }
0xb6: {  	_ =	strace $0x9000004B  }
0xb7: {  	_ =	sfence  }
0xb8: {  	s30 =	sld [smem:$0x0];
	_ =	sdelay $0x2  }
0xb9: {  	s31 =	sshll.u32 s1, $0xD;
	s1 =	sshrl.u32 s1, $0x2  }
0xba: {  	s3 =	sand.u32 $0x4000, s31;
	s1 =	sadd.s32 s1, s30  }
0xbb: {  	s0 =	sor.u32 s3, s0;
	s1 =	sshll.u32 s1, $0x11  }
0xbc: {  	s0 =	sor.u32 s1, s0  }
0xbd: {  	s0 =	sadd.s32 $0x8F2B, s0  }
0xbe: {  	[sflag:s0] =	ssyncadd.remote.s32 $0x1  }
0xbf: {  	_ =	sfence.sel $0xFFFF  }
0xc0: {  	[dreg:$0x0] =	wrdreg $0xFFFFFFFF;
	(pc) =	sbr.abs _section_cstart, $3  }
0xc1: {  	[dreg:$0x1] =	wrdreg $0xFFFFFFFF  }
0xc2: {  	_ =	task.clear_ibuf [dreg:s7], $0x2FFFF;
	_ =	strace $0x9FFFFFFF  }
0xc3: {  	(tm) =	ssettm $0x7FFFFFFF  }
tec
execute0_lowered:
.L_overlay_start_1:
0x0: {  	(tag) =	ssettag $0x1  }
0x1: {  	s11 =	rddreg [dreg:$0x0]  }
0x2: {  	s2 =	rddreg [dreg:$0x2];
	s4 =	simm.s32 $0x0;
	s3 =	stileid.u32  }
0x3: {  	s10 =	srdreg.scid;
	s22 =	simm.s32 $0x1;
	s23 =	simm.s32 $0x2780  }
0x4: {  	s24 =	simm.s32 $0x7700;
	s25 =	simm.s32 $0x80;
	s26 =	simm.s32 $0x4F00  }
0x5: {  	s28 =	simm.s32 $0x0;
	[smem:$0x7FF] =	sst s4;
	s5 =	sadd.s32 $0xA1A00, s11  }
0x6: {  	s6 =	sadd.s32 $0x88E00, s11;
	s9 =	smul.u32 $0x4F0, s3;
	s7 =	sadd.s32 $0x70200, s11  }
0x7: {  	s14 =	smul.u32 $0xC580, s3;
	s8 =	sadd.s32 $0x57600, s11;
	s15 =	sand.u32 $0x1, s10  }
0x8: {  	s16 =	smul.u32 $0x31600, s3;
	s10 =	sadd.s32 $0xEBE00, s11;
	_ =	strace $0x8000004A  }
0x9: {  	s12 =	ssub.s32 $0x2, s15;
	p0 =	seq.s32 s15, $0x1;
	s13 =	sadd.s32 s9, s11  }
0xa: {  	s9 =	sshrl.u32 s14, $0x3;
	s17 =	sshrl.u32 s12, $0x1;
	s16 =	sshrl.u32 s16, $0x2  }
.Ltmp0:
0xb: {  	s14 =	sadd.s32 s14, s2;
	s20 =	sadd.s32 s9, s11;
	(pc) =	sbr.rel .LBB2_1-.Ltmp0, $4  }
0xc: {  	s21 =	ssub.s32 s12, s17;
	s12 =	sadd.s32 $0x10E600, s13;
	s18 =	sadd.s32 s16, s2  }
0xd: {  	s11 =	sadd.s32 $0xBA600, s11;
	s13 =	sadd.s32 $0x109600, s13;
	s15 =	sadd.s32 $0x2800, s18  }
0xe: {  	s16 =	sadd.s32 $0x5000, s18;
	s17 =	sadd.s32 $0x7800, s18;
	s18 =	sadd.s32 $0xA000, s18  }
0xf: {  	s19 =	sadd.s32 $0x185200, s20;
	s20 =	sadd.s32 $0xD3200, s20;
	s21 =	smax.u32 s21, $0x1  }
.LBB2_11:
0x10: {  	s0 =	sshra.s32 s30, $0x2;
	[sflag:s22] =	ssyncadd.s32 $0xFFFFD800  }
0x11: {  	[tilespmem:s26], [sflag:$0x1] =	stream.indirect.gather [hbm4b:s8+s25], $0x50, s0, s25, $0xb8;
	[tilespmem:$0x16480] =	vst v63  }
0x12: {  	_ =	swait.ge [sflag:s22], $0x2800  }
0x13: {  	[sflag:s22] =	ssyncset.done $0x0  }
0x14: {  	s0 =	sadd.s32 $0x2780, s0;
	[sflag:s22] =	ssyncadd.s32 $0xFFFFD800  }
0x15: {  	[spmem:s2] =	stream.indirect.scatter.add.f32 [tilespmem:s26], [sflag:$0x1], $0x50, s0, s25, $0xb8;
	[tilespmem:$0x16480] =	vst v63  }
0x16: {  	_ =	swait.ge [sflag:s22], $0x2800  }
0x17: {  	[sflag:s22] =	ssyncset.done $0x0  }
0x18: {  	s30 =	smov.u32 s11;
	[sflag:s22] =	ssyncadd.s32 $0xFFFFD800  }
.LBB2_12:
0x19: {  	s0 =	sadd.s32 s30, s9  }
0x1a: {  	[bflag:$0x0] =	sbarrier.arrive $0xFFFF;
	s1 =	sshrl.u32 s14, $0x3;
	s28 =	sadd.s32 $0x1, s28  }
0x1b: {  	[hbm:s0], [sflag:s29] =	dma.local [spmem:s1], $0x18B0  }
0x1c: {  	p1 =	sne.s32 s28, s21  }
.Ltmp1:
0x1d: {  	_ =	swait.ge [sflag:s22], $0x18B0;
	(pc) =	sbr.rel @!p1 .LBB2_13-.Ltmp1, $3  }
0x1e: {  	[sflag:s22] =	ssyncset.done $0x0  }
0x1f: {  	[sflag:s22] =	ssyncadd.s32 $0xFFFFE750  }
0x20: {  	[bflag:$0x0] =	sbarrier.arrive $0xFFFF;
	_ =	sdelay $0x1  }
.LBB2_1:
0x21: {  	[tilespmem:s4], [sflag:$0x1] =	stream.linear.gather [hbm4b:s12+s4], $0x2780, $0x38;
	[tilespmem:$0x16480] =	vst v63  }
0x22: {  	_ =	swait.ge [sflag:s22], $0x2780  }
0x23: {  	[sflag:s22] =	ssyncset.done $0x0  }
0x24: {  	[sflag:s22] =	ssyncadd.s32 $0xFFFFD880  }
0x25: {  	[tilespmem:s23], [sflag:$0x1] =	stream.linear.gather [hbm4b:s13+s4], $0x2780, $0x38;
	[tilespmem:$0x16480] =	vst v63  }
0x26: {  	_ =	swait.ge [sflag:s22], $0x2780  }
0x27: {  	[sflag:s22] =	ssyncset.done $0x0  }
0x28: {  	[sflag:s22] =	ssyncadd.s32 $0xFFFFD880  }
0x29: {  	s0 =	rddreg [dreg:$0x1]  }
0x2a: {  	[tilespmem:s24], [sflag:$0x1] =	stream.linear.gather [hbm4b:s0+s4], $0x2800, $0x38;
	[tilespmem:$0x16480] =	vst v63  }
0x2b: {  	_ =	swait.ge [sflag:s22], $0x2800  }
0x2c: {  	[sflag:s22] =	ssyncset.done $0x0  }
0x2d: {  	[sflag:s22] =	ssyncadd.s32 $0xFFFFD800  }
0x2e: {  	[spmem:s14] =	stream.linear.scatter [tilespmem:s24], [sflag:$0x1], $0x2800, $0x38;
	[tilespmem:$0x16480] =	vst v63  }
0x2f: {  	_ =	swait.ge [sflag:s22], $0x2800  }
0x30: {  	[sflag:s22] =	ssyncset.done $0x0  }
0x31: {  	[sflag:s22] =	ssyncadd.s32 $0xFFFFD800  }
0x32: {  	[spmem:s15] =	stream.linear.scatter [tilespmem:s24], [sflag:$0x1], $0x2800, $0x38;
	[tilespmem:$0x16480] =	vst v63  }
0x33: {  	_ =	swait.ge [sflag:s22], $0x2800  }
0x34: {  	[sflag:s22] =	ssyncset.done $0x0  }
0x35: {  	[sflag:s22] =	ssyncadd.s32 $0xFFFFD800  }
0x36: {  	[spmem:s16] =	stream.linear.scatter [tilespmem:s24], [sflag:$0x1], $0x2800, $0x38;
	[tilespmem:$0x16480] =	vst v63  }
0x37: {  	_ =	swait.ge [sflag:s22], $0x2800  }
0x38: {  	[sflag:s22] =	ssyncset.done $0x0  }
0x39: {  	[sflag:s22] =	ssyncadd.s32 $0xFFFFD800  }
0x3a: {  	[spmem:s17] =	stream.linear.scatter [tilespmem:s24], [sflag:$0x1], $0x2800, $0x38;
	[tilespmem:$0x16480] =	vst v63  }
0x3b: {  	_ =	swait.ge [sflag:s22], $0x2800  }
0x3c: {  	[sflag:s22] =	ssyncset.done $0x0  }
0x3d: {  	[sflag:s22] =	ssyncadd.s32 $0xFFFFD800  }
0x3e: {  	[spmem:s18] =	stream.linear.scatter [tilespmem:s24], [sflag:$0x1], $0x2580, $0x38;
	[tilespmem:$0x16480] =	vst v63  }
.Ltmp2:
0x3f: {  	_ =	swait.ge [sflag:s22], $0x2580;
	(pc) =	sbr.rel @!p0 .LBB2_2-.Ltmp2, $3  }
0x40: {  	[sflag:s22] =	ssyncset.done $0x0  }
0x41: {  	[sflag:s22] =	ssyncadd.s32 $0xFFFFDA80  }
0x42: {  	[bflag:$0x0] =	sbarrier.arrive $0xFFFF;
	_ =	sdelay $0x1  }
0x43: {  	s0 =	simm.s32 $0x0  }
0x44: {  	[tilespmem:s26], [sflag:$0x1] =	stream.indirect.gather [hbm4b:s7+s25], $0x50, s0, s25, $0xb8;
	[tilespmem:$0x16480] =	vst v63  }
0x45: {  	_ =	swait.ge [sflag:s22], $0x2800  }
0x46: {  	[sflag:s22] =	ssyncset.done $0x0  }
0x47: {  	s31 =	simm.s32 $0x2780;
	[sflag:s22] =	ssyncadd.s32 $0xFFFFD800  }
0x48: {  	[spmem:s2] =	stream.indirect.scatter.add.f32 [tilespmem:s26], [sflag:$0x1], $0x50, s31, s25, $0xb8;
	[tilespmem:$0x16480] =	vst v63  }
0x49: {  	_ =	swait.ge [sflag:s22], $0x2800  }
0x4a: {  	s29 =	simm.s32 $0x200;
	s30 =	simm.s32 $0x400;
	[sflag:s22] =	ssyncset.done $0x0  }
.LBB2_8:
0x4b: {  	s0 =	sshra.s32 s29, $0x2  }
0x4c: {  	[sflag:s22] =	ssyncadd.s32 $0xFFFFD800;
	s29 =	smov.u32 s30;
	s1 =	sadd.s32 $0x200, s30  }
0x4d: {  	[tilespmem:s26], [sflag:$0x1] =	stream.indirect.gather [hbm4b:s7+s25], $0x50, s0, s25, $0xb8;
	[tilespmem:$0x16480] =	vst v63  }
0x4e: {  	p1 =	sne.s32 s30, $0x9C00;
	_ =	swait.ge [sflag:s22], $0x2800  }
.Ltmp3:
0x4f: {  	[sflag:s22] =	ssyncset.done $0x0;
	(pc) =	sbr.rel @p1 .LBB2_8-.Ltmp3, $4  }
0x50: {  	s0 =	sadd.s32 $0x2780, s0;
	[sflag:s22] =	ssyncadd.s32 $0xFFFFD800  }
0x51: {  	[spmem:s2] =	stream.indirect.scatter.add.f32 [tilespmem:s26], [sflag:$0x1], $0x50, s0, s25, $0xb8;
	[tilespmem:$0x16480] =	vst v63  }
0x52: {  	_ =	swait.ge [sflag:s22], $0x2800  }
0x53: {  	s30 =	smov.u32 s1;
	[sflag:s22] =	ssyncset.done $0x0  }
0x54: {  	s0 =	sshra.s32 s29, $0x2;
	[sflag:s22] =	ssyncadd.s32 $0xFFFFD800  }
0x55: {  	[tilespmem:s26], [sflag:$0x1] =	stream.indirect.gather [hbm4b:s7+s25], $0x50, s0, s25, $0xb8;
	[tilespmem:$0x16480] =	vst v63  }
0x56: {  	_ =	swait.ge [sflag:s22], $0x2800  }
0x57: {  	[sflag:s22] =	ssyncset.done $0x0  }
0x58: {  	s0 =	sadd.s32 $0x2780, s0;
	[sflag:s22] =	ssyncadd.s32 $0xFFFFD800  }
0x59: {  	[spmem:s2] =	stream.indirect.scatter.add.f32 [tilespmem:s26], [sflag:$0x1], $0x50, s0, s25, $0xb8;
	[tilespmem:$0x16480] =	vst v63  }
0x5a: {  	_ =	swait.ge [sflag:s22], $0x2800  }
0x5b: {  	[sflag:s22] =	ssyncset.done $0x0  }
0x5c: {  	s1 =	sshll.u32 s3, $0x6;
	[sflag:s22] =	ssyncadd.s32 $0xFFFFD800  }
0x5d: {  	s29 =	sor.u32 $0x1C01, s1;
	s1 =	sshrl.u32 s14, $0x3;
	[bflag:$0x0] =	sbarrier.arrive $0xFFFF  }
0x5e: {  	[hbm:s20], [sflag:s29] =	dma.local [spmem:s1], $0x18B0  }
0x5f: {  	_ =	swait.ge [sflag:s22], $0x18B0  }
0x60: {  	[sflag:s22] =	ssyncset.done $0x0  }
0x61: {  	[sflag:s22] =	ssyncadd.s32 $0xFFFFE750  }
0x62: {  	[bflag:$0x0] =	sbarrier.arrive $0xFFFF  }
0x63: {  	[spmem:s14] =	stream.linear.scatter [tilespmem:s24], [sflag:$0x1], $0x2800, $0x38;
	[tilespmem:$0x16480] =	vst v63  }
0x64: {  	_ =	swait.ge [sflag:s22], $0x2800  }
0x65: {  	[sflag:s22] =	ssyncset.done $0x0  }
0x66: {  	[sflag:s22] =	ssyncadd.s32 $0xFFFFD800  }
0x67: {  	[spmem:s15] =	stream.linear.scatter [tilespmem:s24], [sflag:$0x1], $0x2800, $0x38;
	[tilespmem:$0x16480] =	vst v63  }
0x68: {  	_ =	swait.ge [sflag:s22], $0x2800  }
0x69: {  	[sflag:s22] =	ssyncset.done $0x0  }
0x6a: {  	[sflag:s22] =	ssyncadd.s32 $0xFFFFD800  }
0x6b: {  	[spmem:s16] =	stream.linear.scatter [tilespmem:s24], [sflag:$0x1], $0x2800, $0x38;
	[tilespmem:$0x16480] =	vst v63  }
0x6c: {  	_ =	swait.ge [sflag:s22], $0x2800  }
0x6d: {  	[sflag:s22] =	ssyncset.done $0x0  }
0x6e: {  	[sflag:s22] =	ssyncadd.s32 $0xFFFFD800  }
0x6f: {  	[spmem:s17] =	stream.linear.scatter [tilespmem:s24], [sflag:$0x1], $0x2800, $0x38;
	[tilespmem:$0x16480] =	vst v63  }
0x70: {  	_ =	swait.ge [sflag:s22], $0x2800  }
0x71: {  	[sflag:s22] =	ssyncset.done $0x0  }
0x72: {  	[sflag:s22] =	ssyncadd.s32 $0xFFFFD800  }
0x73: {  	[spmem:s18] =	stream.linear.scatter [tilespmem:s24], [sflag:$0x1], $0x2580, $0x38;
	[tilespmem:$0x16480] =	vst v63  }
0x74: {  	_ =	swait.ge [sflag:s22], $0x2580  }
0x75: {  	[sflag:s22] =	ssyncset.done $0x0  }
0x76: {  	[sflag:s22] =	ssyncadd.s32 $0xFFFFDA80  }
0x77: {  	s1 =	simm.s32 $0x0;
	[bflag:$0x0] =	sbarrier.arrive $0xFFFF  }
0x78: {  	[tilespmem:s26], [sflag:$0x1] =	stream.indirect.gather [hbm4b:s8+s25], $0x50, s1, s25, $0xb8;
	[tilespmem:$0x16480] =	vst v63  }
0x79: {  	_ =	swait.ge [sflag:s22], $0x2800  }
0x7a: {  	[sflag:s22] =	ssyncset.done $0x0  }
0x7b: {  	s1 =	simm.s32 $0x2780;
	[sflag:s22] =	ssyncadd.s32 $0xFFFFD800  }
0x7c: {  	[spmem:s2] =	stream.indirect.scatter.add.f32 [tilespmem:s26], [sflag:$0x1], $0x50, s1, s25, $0xb8;
	[tilespmem:$0x16480] =	vst v63  }
0x7d: {  	_ =	swait.ge [sflag:s22], $0x2800  }
0x7e: {  	s30 =	simm.s32 $0x200;
	s31 =	simm.s32 $0x400;
	[sflag:s22] =	ssyncset.done $0x0  }
.LBB2_10:
0x7f: {  	s0 =	sshra.s32 s30, $0x2  }
0x80: {  	[sflag:s22] =	ssyncadd.s32 $0xFFFFD800;
	s30 =	smov.u32 s31;
	s1 =	sadd.s32 $0x200, s31  }
0x81: {  	[tilespmem:s26], [sflag:$0x1] =	stream.indirect.gather [hbm4b:s8+s25], $0x50, s0, s25, $0xb8;
	[tilespmem:$0x16480] =	vst v63  }
0x82: {  	p1 =	sne.s32 s31, $0x9C00;
	_ =	swait.ge [sflag:s22], $0x2800  }
.Ltmp4:
0x83: {  	[sflag:s22] =	ssyncset.done $0x0;
	(pc) =	sbr.rel @p1 .LBB2_10-.Ltmp4, $4  }
0x84: {  	s0 =	sadd.s32 $0x2780, s0;
	[sflag:s22] =	ssyncadd.s32 $0xFFFFD800  }
0x85: {  	[spmem:s2] =	stream.indirect.scatter.add.f32 [tilespmem:s26], [sflag:$0x1], $0x50, s0, s25, $0xb8;
	[tilespmem:$0x16480] =	vst v63  }
0x86: {  	_ =	swait.ge [sflag:s22], $0x2800  }
0x87: {  	s31 =	smov.u32 s1;
	[sflag:s22] =	ssyncset.done $0x0  }
.Ltmp5:
0x88: {  	_ = 	snop;
	(pc) =	sbr.rel .LBB2_11-.Ltmp5, $1  }
0x89: {  	_ =	sdelay $0x3  }
.LBB2_2:
0x8a: {  	s29 =	simm.s32 $0x0  }
0x8b: {  	[tilespmem:s26], [sflag:$0x1] =	stream.indirect.gather [hbm4b:s5+s25], $0x50, s29, s25, $0xb8;
	[tilespmem:$0x16480] =	vst v63  }
0x8c: {  	_ =	swait.ge [sflag:s22], $0x2800  }
0x8d: {  	[sflag:s22] =	ssyncset.done $0x0  }
0x8e: {  	s29 =	simm.s32 $0x2780;
	[sflag:s22] =	ssyncadd.s32 $0xFFFFD800  }
0x8f: {  	[spmem:s2] =	stream.indirect.scatter.add.f32 [tilespmem:s26], [sflag:$0x1], $0x50, s29, s25, $0xb8;
	[tilespmem:$0x16480] =	vst v63  }
0x90: {  	_ =	swait.ge [sflag:s22], $0x2800  }
0x91: {  	s30 =	simm.s32 $0x400;
	s29 =	simm.s32 $0x200;
	[sflag:s22] =	ssyncset.done $0x0  }
.LBB2_3:
0x92: {  	s31 =	sshra.s32 s29, $0x2  }
0x93: {  	[sflag:s22] =	ssyncadd.s32 $0xFFFFD800;
	s29 =	smov.u32 s30;
	s0 =	sadd.s32 $0x200, s30  }
0x94: {  	[tilespmem:s26], [sflag:$0x1] =	stream.indirect.gather [hbm4b:s5+s25], $0x50, s31, s25, $0xb8;
	[tilespmem:$0x16480] =	vst v63  }
0x95: {  	p1 =	sne.s32 s30, $0x9C00;
	_ =	swait.ge [sflag:s22], $0x2800  }
.Ltmp6:
0x96: {  	[sflag:s22] =	ssyncset.done $0x0;
	(pc) =	sbr.rel @p1 .LBB2_3-.Ltmp6, $4  }
0x97: {  	s30 =	sadd.s32 $0x2780, s31;
	[sflag:s22] =	ssyncadd.s32 $0xFFFFD800  }
0x98: {  	[spmem:s2] =	stream.indirect.scatter.add.f32 [tilespmem:s26], [sflag:$0x1], $0x50, s30, s25, $0xb8;
	[tilespmem:$0x16480] =	vst v63  }
0x99: {  	_ =	swait.ge [sflag:s22], $0x2800  }
0x9a: {  	s30 =	smov.u32 s0;
	[sflag:s22] =	ssyncset.done $0x0  }
0x9b: {  	s0 =	sshra.s32 s29, $0x2;
	[sflag:s22] =	ssyncadd.s32 $0xFFFFD800  }
0x9c: {  	[tilespmem:s26], [sflag:$0x1] =	stream.indirect.gather [hbm4b:s5+s25], $0x50, s0, s25, $0xb8;
	[tilespmem:$0x16480] =	vst v63  }
0x9d: {  	_ =	swait.ge [sflag:s22], $0x2800  }
0x9e: {  	[sflag:s22] =	ssyncset.done $0x0  }
0x9f: {  	s0 =	sadd.s32 $0x2780, s0;
	[sflag:s22] =	ssyncadd.s32 $0xFFFFD800  }
0xa0: {  	[spmem:s2] =	stream.indirect.scatter.add.f32 [tilespmem:s26], [sflag:$0x1], $0x50, s0, s25, $0xb8;
	[tilespmem:$0x16480] =	vst v63  }
0xa1: {  	_ =	swait.ge [sflag:s22], $0x2800  }
0xa2: {  	[sflag:s22] =	ssyncset.done $0x0  }
0xa3: {  	s1 =	sshll.u32 s3, $0x6;
	[sflag:s22] =	ssyncadd.s32 $0xFFFFD800  }
0xa4: {  	s29 =	sor.u32 $0x1C01, s1;
	s1 =	sshrl.u32 s14, $0x3;
	[bflag:$0x0] =	sbarrier.arrive $0xFFFF  }
0xa5: {  	[hbm:s19], [sflag:s29] =	dma.local [spmem:s1], $0x18B0  }
0xa6: {  	_ =	swait.ge [sflag:s22], $0x18B0  }
0xa7: {  	[sflag:s22] =	ssyncset.done $0x0  }
0xa8: {  	[sflag:s22] =	ssyncadd.s32 $0xFFFFE750  }
0xa9: {  	[bflag:$0x0] =	sbarrier.arrive $0xFFFF  }
0xaa: {  	[spmem:s14] =	stream.linear.scatter [tilespmem:s24], [sflag:$0x1], $0x2800, $0x38;
	[tilespmem:$0x16480] =	vst v63  }
0xab: {  	_ =	swait.ge [sflag:s22], $0x2800  }
0xac: {  	[sflag:s22] =	ssyncset.done $0x0  }
0xad: {  	[sflag:s22] =	ssyncadd.s32 $0xFFFFD800  }
0xae: {  	[spmem:s15] =	stream.linear.scatter [tilespmem:s24], [sflag:$0x1], $0x2800, $0x38;
	[tilespmem:$0x16480] =	vst v63  }
0xaf: {  	_ =	swait.ge [sflag:s22], $0x2800  }
0xb0: {  	[sflag:s22] =	ssyncset.done $0x0  }
0xb1: {  	[sflag:s22] =	ssyncadd.s32 $0xFFFFD800  }
0xb2: {  	[spmem:s16] =	stream.linear.scatter [tilespmem:s24], [sflag:$0x1], $0x2800, $0x38;
	[tilespmem:$0x16480] =	vst v63  }
0xb3: {  	_ =	swait.ge [sflag:s22], $0x2800  }
0xb4: {  	[sflag:s22] =	ssyncset.done $0x0  }
0xb5: {  	[sflag:s22] =	ssyncadd.s32 $0xFFFFD800  }
0xb6: {  	[spmem:s17] =	stream.linear.scatter [tilespmem:s24], [sflag:$0x1], $0x2800, $0x38;
	[tilespmem:$0x16480] =	vst v63  }
0xb7: {  	_ =	swait.ge [sflag:s22], $0x2800  }
0xb8: {  	[sflag:s22] =	ssyncset.done $0x0  }
0xb9: {  	[sflag:s22] =	ssyncadd.s32 $0xFFFFD800  }
0xba: {  	[spmem:s18] =	stream.linear.scatter [tilespmem:s24], [sflag:$0x1], $0x2580, $0x38;
	[tilespmem:$0x16480] =	vst v63  }
0xbb: {  	_ =	swait.ge [sflag:s22], $0x2580  }
0xbc: {  	[sflag:s22] =	ssyncset.done $0x0  }
0xbd: {  	[sflag:s22] =	ssyncadd.s32 $0xFFFFDA80  }
0xbe: {  	s1 =	simm.s32 $0x0;
	[bflag:$0x0] =	sbarrier.arrive $0xFFFF  }
0xbf: {  	[tilespmem:s26], [sflag:$0x1] =	stream.indirect.gather [hbm4b:s6+s25], $0x50, s1, s25, $0xb8;
	[tilespmem:$0x16480] =	vst v63  }
0xc0: {  	_ =	swait.ge [sflag:s22], $0x2800  }
0xc1: {  	[sflag:s22] =	ssyncset.done $0x0  }
0xc2: {  	s1 =	simm.s32 $0x2780;
	[sflag:s22] =	ssyncadd.s32 $0xFFFFD800  }
0xc3: {  	[spmem:s2] =	stream.indirect.scatter.add.f32 [tilespmem:s26], [sflag:$0x1], $0x50, s1, s25, $0xb8;
	[tilespmem:$0x16480] =	vst v63  }
0xc4: {  	_ =	swait.ge [sflag:s22], $0x2800  }
0xc5: {  	s30 =	simm.s32 $0x200;
	s31 =	simm.s32 $0x400;
	[sflag:s22] =	ssyncset.done $0x0  }
.LBB2_5:
0xc6: {  	s0 =	sshra.s32 s30, $0x2  }
0xc7: {  	[sflag:s22] =	ssyncadd.s32 $0xFFFFD800;
	s30 =	smov.u32 s31;
	s1 =	sadd.s32 $0x200, s31  }
0xc8: {  	[tilespmem:s26], [sflag:$0x1] =	stream.indirect.gather [hbm4b:s6+s25], $0x50, s0, s25, $0xb8;
	[tilespmem:$0x16480] =	vst v63  }
0xc9: {  	p1 =	seq.s32 s31, $0x9C00;
	_ =	swait.ge [sflag:s22], $0x2800  }
.Ltmp7:
0xca: {  	[sflag:s22] =	ssyncset.done $0x0;
	(pc) =	sbr.rel @!p1 .LBB2_5-.Ltmp7, $4  }
0xcb: {  	s0 =	sadd.s32 $0x2780, s0;
	[sflag:s22] =	ssyncadd.s32 $0xFFFFD800  }
0xcc: {  	[spmem:s2] =	stream.indirect.scatter.add.f32 [tilespmem:s26], [sflag:$0x1], $0x50, s0, s25, $0xb8;
	[tilespmem:$0x16480] =	vst v63  }
0xcd: {  	_ =	swait.ge [sflag:s22], $0x2800  }
0xce: {  	s31 =	smov.u32 s1;
	[sflag:s22] =	ssyncset.done $0x0  }
0xcf: {  	s0 =	sshra.s32 s30, $0x2;
	[sflag:s22] =	ssyncadd.s32 $0xFFFFD800  }
0xd0: {  	[tilespmem:s26], [sflag:$0x1] =	stream.indirect.gather [hbm4b:s6+s25], $0x50, s0, s25, $0xb8;
	[tilespmem:$0x16480] =	vst v63  }
0xd1: {  	_ =	swait.ge [sflag:s22], $0x2800  }
0xd2: {  	[sflag:s22] =	ssyncset.done $0x0  }
.Ltmp8:
0xd3: {  	s0 =	sadd.s32 $0x2780, s0;
	[sflag:s22] =	ssyncadd.s32 $0xFFFFD800;
	(pc) =	sbr.rel .LBB2_12-.Ltmp8, $4  }
0xd4: {  	[spmem:s2] =	stream.indirect.scatter.add.f32 [tilespmem:s26], [sflag:$0x1], $0x50, s0, s25, $0xb8;
	[tilespmem:$0x16480] =	vst v63  }
0xd5: {  	_ =	swait.ge [sflag:s22], $0x2800  }
0xd6: {  	[sflag:s22] =	ssyncset.done $0x0  }
0xd7: {  	s30 =	smov.u32 s10;
	[sflag:s22] =	ssyncadd.s32 $0xFFFFD800  }
.LBB2_13:
0xd8: {  	_ =	sfence.sel $0x180000  }
0xd9: {  	[bflag:$0x0] =	sbarrier.arrive $0xFFFF  }
0xda: {  	_ =	strace $0x9000004A  }
0xdb: {  	[bflag:$0x2] =	sbarrier.arrive $0xFFFF  }
0xdc: {  	p0 =	sne.s32 s3, $0x0;
	s0 =	rddreg [dreg:$0x3]  }
0xdd: {  	s0 =	sadd.s32 @!p0 $0x100000, s0  }
0xde: {  	[sflag:s0] =	ssyncadd.tile.s32 @!p0 $0x1;
	_ =	shalt  }
.Lfunc_end2:
_tile_overlayer_lowered:
.L_overlay_start_2:
0xdf: {  	(tag) =	ssettag $0x2  }
0xe0: {  	s0 =	rddreg [dreg:$0x0];
	s2 =	stileid.u32  }
0xe1: {  	s1 =	rddreg [dreg:$0x1];
	p0 =	sne.s32 s2, $0x0  }
0xe2: {  	s3 =	rddreg [dreg:$0x2];
	[bflag:$0x3] =	sbarrier.arrive $0xFFFF;
	s2 =	simm.s32 @!p0 $0x1C01  }
0xe3: {  	[timem:s3], [sflag:s2] =	dma.local @!p0 [hbm:s0], s1  }
0xe4: {  	s0 =	simm.s32 @!p0 $0x1  }
0xe5: {  	_ =	swait.ge @!p0 [sflag:s0], s1  }
0xe6: {  	s1 =	ssub.s32 @!p0 $0x0, s1;
	[sflag:s0] =	ssyncset.done @!p0 $0x0  }
0xe7: {  	[sflag:s0] =	ssyncadd.s32 @!p0 s1  }
0xe8: {  	[bflag:$0x3] =	sbarrier.arrive $0xFFFF  }
0xe9: {  	_ =	shalt  }

// kernel: kernel.18.cloned.1.call-start
scs
__scs_entry_jumppad:
0x0: {  	(pc) =	sbr.rel $0x88, $3  }
0x1: {  	(tag) =	ssettag $0x0;
	lr =	simm.s32 $0x1  }
0x2: {  	[smem:$0x3F95] =	sst lr;
	_ =	strace $0xD0000000  }
0x3: {  	_ = 	snop  }
0x4: {  	_ = 	snop  }
0x5: {  	_ = 	snop  }
0x6: {  	_ = 	snop  }
0x7: {  	_ = 	snop  }
__scs_overlays_trampoline_lowered:
0x8: {  	[smem:$0x3FA4] =	sst s0  }
0x9: {  	[smem:$0x3FA5] =	sst s1  }
0xa: {  	[smem:$0x3FA6] =	sst s2  }
0xb: {  	[smem:$0x3FA7] =	sst s3  }
0xc: {  	[smem:$0x3FA8] =	sst s4  }
0xd: {  	[smem:$0x3FA9] =	sst s5  }
0xe: {  	[smem:$0x3FAA] =	sst s6  }
0xf: {  	[smem:$0x3FAB] =	sst s7  }
0x10: {  	[smem:$0x3FAC] =	sst s8  }
0x11: {  	[smem:$0x3FAD] =	sst s9;
	s0 =	simm.s32 @!p0 $0x0  }
0x12: {  	s1 =	sld [smem:$0x3F93];
	s0 =	simm.s32 @p0 $0x1  }
0x13: {  	[smem:$0x3FAE] =	sst s0;
	s0 =	simm.s32 @!p1 $0x0  }
0x14: {  	s2 =	sld [smem:$0x3F92];
	s0 =	simm.s32 @p1 $0x1  }
0x15: {  	[smem:$0x3FAF] =	sst s0;
	s0 =	simm.s32 @!p2 $0x0  }
0x16: {  	s3 =	sld [smem:$0x3FDB];
	s0 =	simm.s32 @p2 $0x1  }
0x17: {  	s4 =	simm.s32 $0x1BF5;
	[smem:$0x3FB1] =	sst s0  }
0x18: {  	s0 =	sld [smem:$0x3F94];
	_ =	swait.ge [sflag:s4], $0x0  }
0x19: {  	s7 =	sld [smem:$0x3F95]  }
0x1a: {  	s8 =	sadd.s32 $0xFFFFE003, lr  }
0x1b: {  	s9 =	sadd.s32 $0xFFFFFEF7, lr;
	s5 =	simm.s32 $0xFFFFFFFF;
	p2 =	slt.u32 s8, $0xFFFFF086  }
0x1c: {  	p1 =	slt.u32 s9, $0xF7A;
	s5 =	simm.s32 @!p2 $0x0  }
0x1d: {  	s5 =	simm.s32 @p1 $0x1;
	p0 =	seq.s32 s7, s2  }
0x1e: {  	s7 =	smul.u32 @!p0 $0xF7A, s2;
	p2 =	seq.s32 @!p0 s5, $0x0  }
0x1f: {  	s9 =	smul.u32 $0xF7A, s1;
	s8 =	simm.s32 @!p0 $0x1BF5;
	p2 =	por !p2, p0  }
0x20: {  	[sflag:s8] =	ssyncset.s32 @!p0 $0xFFFFF086;
	s6 =	sadd.s32 @!p0 s3, s7;
	s7 =	simm.s32 @!p0 $0x108  }
0x21: {  	s3 =	sadd.s32 s3, s9;
	s6 =	sadd.s32 @!p0 $0x88, s6;
	s7 =	simm.s32 @p2 $0x1082  }
0x22: {  	[simem:s7], [sflag:s8] =	dma.local @!p0 [hbm:s6], $0xF7A  }
0x23: {  	s9 =	sor.u32 $0xD0000000, s2;
	s6 =	simm.s32 $0x108;
	_ =	swait.ge @!p0 [sflag:s8], $0x0  }
0x24: {  	s3 =	sadd.s32 $0x88, s3;
	s6 =	simm.s32 @!p1 $0x1082;
	[sflag:s4] =	ssyncset.s32 $0xFFFFF086  }
0x25: {  	[simem:s6], [sflag:s4] =	dma.local [hbm:s3], $0xF7A  }
0x26: {  	[smem:$0x3F95] =	sst s1;
	(tag) =	ssettag s2;
	_ =	strace s9  }
0x27: {  	s1 =	sld [smem:$0x3FA5]  }
0x28: {  	s2 =	sld [smem:$0x3FA6]  }
0x29: {  	s4 =	sld [smem:$0x3FA8]  }
0x2a: {  	p0 =	seq.s32 s5, $0x0;
	s5 =	sld [smem:$0x3FA9]  }
0x2b: {  	s6 =	sld [smem:$0x3FAA]  }
0x2c: {  	s7 =	sld [smem:$0x3FAB]  }
0x2d: {  	s3 =	simm.s32 $0x108;
	s8 =	sld [smem:$0x3FAC]  }
0x2e: {  	s3 =	simm.s32 @!p0 $0x1082;
	s9 =	sld [smem:$0x3FAD]  }
0x2f: {  	lr =	sadd.s32 s0, s3;
	s0 =	sld [smem:$0x3FA4]  }
0x30: {  	s3 =	sld [smem:$0x3FA7]  }
0x31: {  	[smem:$0x3FB0] =	sst s10  }
0x32: {  	s10 =	sld [smem:$0x3FAE];
	_ =	sdelay $0x3  }
0x33: {  	p0 =	seq.s32 s10, $0x1;
	s10 =	sld [smem:$0x3FB0];
	_ =	sdelay $0x3  }
0x34: {  	[smem:$0x3FB0] =	sst s10  }
0x35: {  	s10 =	sld [smem:$0x3FAF];
	_ =	sdelay $0x3  }
0x36: {  	p1 =	seq.s32 s10, $0x1;
	s10 =	sld [smem:$0x3FB0];
	_ =	sdelay $0x3  }
0x37: {  	[smem:$0x3FB0] =	sst s10  }
0x38: {  	s10 =	sld [smem:$0x3FB1]  }
0x39: {  	_ = 	snop;
	(pc) =	sbr.ind lr, $3  }
0x3a: {  	_ = 	snop  }
0x3b: {  	_ = 	snop  }
0x3c: {  	p2 =	seq.s32 s10, $0x1;
	s10 =	sld [smem:$0x3FB0]  }
0x3d: {  	_ =	shalt  }
0x3e: {  	_ =	shalt  }
0x3f: {  	_ =	shalt  }
0x40: {  	_ =	shalt  }
0x41: {  	_ =	shalt  }
0x42: {  	_ =	shalt  }
0x43: {  	_ =	shalt  }
0x44: {  	_ =	shalt  }
0x45: {  	_ =	shalt  }
0x46: {  	_ =	shalt  }
0x47: {  	_ =	shalt  }
0x48: {  	_ =	shalt  }
0x49: {  	_ =	shalt  }
0x4a: {  	_ =	shalt  }
0x4b: {  	_ =	shalt  }
0x4c: {  	_ =	shalt  }
0x4d: {  	_ =	shalt  }
0x4e: {  	_ =	shalt  }
0x4f: {  	_ =	shalt  }
0x50: {  	_ =	shalt  }
0x51: {  	_ =	shalt  }
0x52: {  	_ =	shalt  }
0x53: {  	_ =	shalt  }
0x54: {  	_ =	shalt  }
0x55: {  	_ =	shalt  }
0x56: {  	_ =	shalt  }
0x57: {  	_ =	shalt  }
0x58: {  	_ =	shalt  }
0x59: {  	_ =	shalt  }
0x5a: {  	_ =	shalt  }
0x5b: {  	_ =	shalt  }
0x5c: {  	_ =	shalt  }
0x5d: {  	_ =	shalt  }
0x5e: {  	_ =	shalt  }
0x5f: {  	_ =	shalt  }
0x60: {  	_ =	shalt  }
0x61: {  	_ =	shalt  }
0x62: {  	_ =	shalt  }
0x63: {  	_ =	shalt  }
0x64: {  	_ =	shalt  }
0x65: {  	_ =	shalt  }
0x66: {  	_ =	shalt  }
0x67: {  	_ =	shalt  }
0x68: {  	_ =	shalt  }
0x69: {  	_ =	shalt  }
0x6a: {  	_ =	shalt  }
0x6b: {  	_ =	shalt  }
0x6c: {  	_ =	shalt  }
0x6d: {  	_ =	shalt  }
0x6e: {  	_ =	shalt  }
0x6f: {  	_ =	shalt  }
0x70: {  	_ =	shalt  }
0x71: {  	_ =	shalt  }
0x72: {  	_ =	shalt  }
0x73: {  	_ =	shalt  }
0x74: {  	_ =	shalt  }
0x75: {  	_ =	shalt  }
0x76: {  	_ =	shalt  }
0x77: {  	_ =	shalt  }
0x78: {  	_ =	shalt  }
0x79: {  	_ =	shalt  }
0x7a: {  	_ =	shalt  }
0x7b: {  	_ =	shalt  }
0x7c: {  	_ =	shalt  }
0x7d: {  	_ =	shalt  }
0x7e: {  	_ =	shalt  }
0x7f: {  	_ =	shalt  }
0x80: {  	_ =	shalt  }
0x81: {  	_ =	shalt  }
0x82: {  	_ =	shalt  }
0x83: {  	_ =	shalt  }
0x84: {  	_ =	shalt  }
0x85: {  	_ =	shalt  }
0x86: {  	_ =	shalt  }
0x87: {  	_ =	shalt  }
.Lfunc_end0:
.L_simem_size_0:
called_computation.2_lowered:
.L_overlay_start_0:
0x88: {  	s2 =	sld [smem:$0x3FD9]  }
0x89: {  	s3 =	sld [smem:$0x3FFE];
	_ =	sdelay $0x1  }
0x8a: {  	s1 =	srdreg.scid  }
0x8b: {  	s0 =	sand.u32 $0x1, s1  }
0x8c: {  	s17 =	sshll.u32 s0, $0xA;
	s2 =	sadd.s32 s3, s2  }
0x8d: {  	s2 =	sadd.s32 s2, s17  }
0x8e: {  	[smem:$0x3FBC] =	sst s2  }
0x8f: {  	_ = 	snop  }
0x90: {  	s2 =	sld [smem:$0x3FD0];
	(tm) =	ssettm $0x1  }
0x91: {  	s18 =	sld [smem:$0x3FFB];
	_ =	sdelay $0x3  }
0x92: {  	_ =	strace s18  }
0x93: {  	s3 =	sld [smem:$0x3FFC];
	_ =	sdelay $0x3  }
0x94: {  	_ =	strace s3  }
0x95: {  	s3 =	sld [smem:$0x3FFD];
	_ =	sdelay $0x3  }
0x96: {  	_ =	strace s3  }
0x97: {  	_ =	strace $0x8FFFFFFF  }
0x98: {  	s19 =	sld [smem:$0x3FDB];
	_ =	sdelay $0x1  }
0x99: {  	s4 =	simm.s32 $_scs_section_size  }
0x9a: {  	s5 =	simm.s32 $_size__tile_overlayer_lowered;
	s6 =	simm.s32 $_tile_overlayer_lowered  }
0x9b: {  	s22 =	simm.s32 $0x1BFF;
	s21 =	sshll.u32 s6, $0x1;
	s3 =	sadd.s32 s4, s19  }
0x9c: {  	s7 =	simm.s32 $0x0;
	s20 =	sshll.u32 s5, $0x1;
	s5 =	sadd.s32 s21, s3  }
0x9d: {  	[timem:s7], [sflag:s22] =	dma.local [hbm:s5], s20  }
0x9e: {  	_ =	swait.ge [sflag:s22], s20  }
0x9f: {  	s4 =	ssub.s32 $0x0, s20;
	[sflag:s22] =	ssyncset.done $0x0  }
0xa0: {  	[sflag:s22] =	ssyncadd.s32 s4;
	_ =	sdelay $0x1  }
0xa1: {  	s23 =	simm.s32 $0x1B8B  }
0xa2: {  	_ =	swait.ge [sflag:s23], $0x1  }
0xa3: {  	[sflag:s23] =	ssyncset.done $0x0  }
0xa4: {  	s25 =	simm.s32 $0x1B8E;
	s24 =	sld [smem:$0x3FFE];
	[sflag:s23] =	ssyncadd.s32 $0xFFFFFFFF  }
0xa5: {  	s26 =	simm.s32 $execute0_lowered;
	[smem:$0x3FD2] =	sst s25  }
0xa6: {  	s5 =	sshll.u32 s26, $0x1;
	_ =	strace $0x8000004C;
	[dreg:$0x1] =	wrdreg $0xFFFFFFFF  }
0xa7: {  	s28 =	simm.s32 $_size_execute0_lowered;
	s3 =	sadd.s32 s3, s5;
	[dreg:$0x0] =	wrdreg $0x0  }
0xa8: {  	s5 =	sshll.u32 s28, $0x1;
	[dreg:$0x2] =	wrdreg s3  }
0xa9: {  	[dreg:$0x3] =	wrdreg s5  }
0xaa: {  	[dreg:$0x4] =	wrdreg $0xC0  }
0xab: {  	_ =	task [dreg:s7], $0x5FFFF  }
0xac: {  	[dreg:$0x1] =	wrdreg $0xFFFFFFFF  }
0xad: {  	[dreg:$0x0] =	wrdreg $0x60  }
0xae: {  	[dreg:$0x2] =	wrdreg s24  }
0xaf: {  	[dreg:$0x3] =	wrdreg s2  }
0xb0: {  	[dreg:$0x4] =	wrdreg $0x9F000  }
0xb1: {  	[dreg:$0x5] =	wrdreg $0x9  }
0xb2: {  	_ =	task.clear_ibuf [dreg:s7], $0x6FFFF;
	_ =	strace $0x9000004C  }
0xb3: {  	s29 =	simm.s32 $0x9;
	_ =	strace $0x8000004E  }
0xb4: {  	_ =	swait.ge [sflag:s29], $0x1  }
0xb5: {  	[sflag:s29] =	ssyncadd.s32 $0xFFFFFFFF  }
0xb6: {  	_ =	strace $0x9000004E  }
0xb7: {  	_ =	sfence  }
0xb8: {  	s30 =	sld [smem:$0x0];
	_ =	sdelay $0x2  }
0xb9: {  	s31 =	sshll.u32 s1, $0xD;
	s1 =	sshrl.u32 s1, $0x2  }
0xba: {  	s3 =	sand.u32 $0x4000, s31;
	s1 =	sadd.s32 s1, s30  }
0xbb: {  	s0 =	sor.u32 s3, s0;
	s1 =	sshll.u32 s1, $0x11  }
0xbc: {  	s0 =	sor.u32 s1, s0  }
0xbd: {  	s0 =	sadd.s32 $0x8F2B, s0  }
0xbe: {  	[sflag:s0] =	ssyncadd.remote.s32 $0x1  }
0xbf: {  	_ =	sfence.sel $0xFFFF  }
0xc0: {  	[dreg:$0x0] =	wrdreg $0xFFFFFFFF;
	(pc) =	sbr.abs _section_cstart, $3  }
0xc1: {  	[dreg:$0x1] =	wrdreg $0xFFFFFFFF  }
0xc2: {  	_ =	task.clear_ibuf [dreg:s7], $0x2FFFF;
	_ =	strace $0x9FFFFFFF  }
0xc3: {  	(tm) =	ssettm $0x7FFFFFFF  }
tec
execute0_lowered:
.L_overlay_start_1:
0x0: {  	(tag) =	ssettag $0x1  }
0x1: {  	s11 =	rddreg [dreg:$0x0]  }
0x2: {  	s2 =	rddreg [dreg:$0x2];
	s4 =	simm.s32 $0x0;
	s3 =	stileid.u32  }
0x3: {  	s10 =	srdreg.scid;
	s22 =	simm.s32 $0x1;
	s23 =	simm.s32 $0x2780  }
0x4: {  	s24 =	simm.s32 $0x7700;
	s25 =	simm.s32 $0x80;
	s26 =	simm.s32 $0x4F00  }
0x5: {  	s28 =	simm.s32 $0x0;
	[smem:$0x7FF] =	sst s4;
	s5 =	sadd.s32 $0xA1A00, s11  }
0x6: {  	s6 =	sadd.s32 $0x88E00, s11;
	s9 =	smul.u32 $0x4F0, s3;
	s7 =	sadd.s32 $0x70200, s11  }
0x7: {  	s14 =	smul.u32 $0xC580, s3;
	s8 =	sadd.s32 $0x57600, s11;
	s15 =	sand.u32 $0x1, s10  }
0x8: {  	s16 =	smul.u32 $0x31600, s3;
	s10 =	sadd.s32 $0xEBE00, s11;
	_ =	strace $0x8000004D  }
0x9: {  	s12 =	ssub.s32 $0x2, s15;
	p0 =	seq.s32 s15, $0x1;
	s13 =	sadd.s32 s9, s11  }
0xa: {  	s9 =	sshrl.u32 s14, $0x3;
	s17 =	sshrl.u32 s12, $0x1;
	s16 =	sshrl.u32 s16, $0x2  }
.Ltmp0:
0xb: {  	s14 =	sadd.s32 s14, s2;
	s20 =	sadd.s32 s9, s11;
	(pc) =	sbr.rel .LBB2_1-.Ltmp0, $4  }
0xc: {  	s21 =	ssub.s32 s12, s17;
	s12 =	sadd.s32 $0x10E600, s13;
	s18 =	sadd.s32 s16, s2  }
0xd: {  	s11 =	sadd.s32 $0xBA600, s11;
	s13 =	sadd.s32 $0x109600, s13;
	s15 =	sadd.s32 $0x2800, s18  }
0xe: {  	s16 =	sadd.s32 $0x5000, s18;
	s17 =	sadd.s32 $0x7800, s18;
	s18 =	sadd.s32 $0xA000, s18  }
0xf: {  	s19 =	sadd.s32 $0x185200, s20;
	s20 =	sadd.s32 $0xD3200, s20;
	s21 =	smax.u32 s21, $0x1  }
.LBB2_11:
0x10: {  	s0 =	sshra.s32 s30, $0x2;
	[sflag:s22] =	ssyncadd.s32 $0xFFFFD800  }
0x11: {  	[tilespmem:s26], [sflag:$0x1] =	stream.indirect.gather [hbm4b:s8+s25], $0x50, s0, s25, $0xb8;
	[tilespmem:$0x16480] =	vst v63  }
0x12: {  	_ =	swait.ge [sflag:s22], $0x2800  }
0x13: {  	[sflag:s22] =	ssyncset.done $0x0  }
0x14: {  	s0 =	sadd.s32 $0x2780, s0;
	[sflag:s22] =	ssyncadd.s32 $0xFFFFD800  }
0x15: {  	[spmem:s2] =	stream.indirect.scatter.add.f32 [tilespmem:s26], [sflag:$0x1], $0x50, s0, s25, $0xb8;
	[tilespmem:$0x16480] =	vst v63  }
0x16: {  	_ =	swait.ge [sflag:s22], $0x2800  }
0x17: {  	[sflag:s22] =	ssyncset.done $0x0  }
0x18: {  	s30 =	smov.u32 s11;
	[sflag:s22] =	ssyncadd.s32 $0xFFFFD800  }
.LBB2_12:
0x19: {  	s0 =	sadd.s32 s30, s9  }
0x1a: {  	[bflag:$0x0] =	sbarrier.arrive $0xFFFF;
	s1 =	sshrl.u32 s14, $0x3;
	s28 =	sadd.s32 $0x1, s28  }
0x1b: {  	[hbm:s0], [sflag:s29] =	dma.local [spmem:s1], $0x18B0  }
0x1c: {  	p1 =	sne.s32 s28, s21  }
.Ltmp1:
0x1d: {  	_ =	swait.ge [sflag:s22], $0x18B0;
	(pc) =	sbr.rel @!p1 .LBB2_13-.Ltmp1, $3  }
0x1e: {  	[sflag:s22] =	ssyncset.done $0x0  }
0x1f: {  	[sflag:s22] =	ssyncadd.s32 $0xFFFFE750  }
0x20: {  	[bflag:$0x0] =	sbarrier.arrive $0xFFFF;
	_ =	sdelay $0x1  }
.LBB2_1:
0x21: {  	[tilespmem:s4], [sflag:$0x1] =	stream.linear.gather [hbm4b:s12+s4], $0x2780, $0x38;
	[tilespmem:$0x16480] =	vst v63  }
0x22: {  	_ =	swait.ge [sflag:s22], $0x2780  }
0x23: {  	[sflag:s22] =	ssyncset.done $0x0  }
0x24: {  	[sflag:s22] =	ssyncadd.s32 $0xFFFFD880  }
0x25: {  	[tilespmem:s23], [sflag:$0x1] =	stream.linear.gather [hbm4b:s13+s4], $0x2780, $0x38;
	[tilespmem:$0x16480] =	vst v63  }
0x26: {  	_ =	swait.ge [sflag:s22], $0x2780  }
0x27: {  	[sflag:s22] =	ssyncset.done $0x0  }
0x28: {  	[sflag:s22] =	ssyncadd.s32 $0xFFFFD880  }
0x29: {  	s0 =	rddreg [dreg:$0x1]  }
0x2a: {  	[tilespmem:s24], [sflag:$0x1] =	stream.linear.gather [hbm4b:s0+s4], $0x2800, $0x38;
	[tilespmem:$0x16480] =	vst v63  }
0x2b: {  	_ =	swait.ge [sflag:s22], $0x2800  }
0x2c: {  	[sflag:s22] =	ssyncset.done $0x0  }
0x2d: {  	[sflag:s22] =	ssyncadd.s32 $0xFFFFD800  }
0x2e: {  	[spmem:s14] =	stream.linear.scatter [tilespmem:s24], [sflag:$0x1], $0x2800, $0x38;
	[tilespmem:$0x16480] =	vst v63  }
0x2f: {  	_ =	swait.ge [sflag:s22], $0x2800  }
0x30: {  	[sflag:s22] =	ssyncset.done $0x0  }
0x31: {  	[sflag:s22] =	ssyncadd.s32 $0xFFFFD800  }
0x32: {  	[spmem:s15] =	stream.linear.scatter [tilespmem:s24], [sflag:$0x1], $0x2800, $0x38;
	[tilespmem:$0x16480] =	vst v63  }
0x33: {  	_ =	swait.ge [sflag:s22], $0x2800  }
0x34: {  	[sflag:s22] =	ssyncset.done $0x0  }
0x35: {  	[sflag:s22] =	ssyncadd.s32 $0xFFFFD800  }
0x36: {  	[spmem:s16] =	stream.linear.scatter [tilespmem:s24], [sflag:$0x1], $0x2800, $0x38;
	[tilespmem:$0x16480] =	vst v63  }
0x37: {  	_ =	swait.ge [sflag:s22], $0x2800  }
0x38: {  	[sflag:s22] =	ssyncset.done $0x0  }
0x39: {  	[sflag:s22] =	ssyncadd.s32 $0xFFFFD800  }
0x3a: {  	[spmem:s17] =	stream.linear.scatter [tilespmem:s24], [sflag:$0x1], $0x2800, $0x38;
	[tilespmem:$0x16480] =	vst v63  }
0x3b: {  	_ =	swait.ge [sflag:s22], $0x2800  }
0x3c: {  	[sflag:s22] =	ssyncset.done $0x0  }
0x3d: {  	[sflag:s22] =	ssyncadd.s32 $0xFFFFD800  }
0x3e: {  	[spmem:s18] =	stream.linear.scatter [tilespmem:s24], [sflag:$0x1], $0x2580, $0x38;
	[tilespmem:$0x16480] =	vst v63  }
.Ltmp2:
0x3f: {  	_ =	swait.ge [sflag:s22], $0x2580;
	(pc) =	sbr.rel @!p0 .LBB2_2-.Ltmp2, $3  }
0x40: {  	[sflag:s22] =	ssyncset.done $0x0  }
0x41: {  	[sflag:s22] =	ssyncadd.s32 $0xFFFFDA80  }
0x42: {  	[bflag:$0x0] =	sbarrier.arrive $0xFFFF;
	_ =	sdelay $0x1  }
0x43: {  	s0 =	simm.s32 $0x0  }
0x44: {  	[tilespmem:s26], [sflag:$0x1] =	stream.indirect.gather [hbm4b:s7+s25], $0x50, s0, s25, $0xb8;
	[tilespmem:$0x16480] =	vst v63  }
0x45: {  	_ =	swait.ge [sflag:s22], $0x2800  }
0x46: {  	[sflag:s22] =	ssyncset.done $0x0  }
0x47: {  	s31 =	simm.s32 $0x2780;
	[sflag:s22] =	ssyncadd.s32 $0xFFFFD800  }
0x48: {  	[spmem:s2] =	stream.indirect.scatter.add.f32 [tilespmem:s26], [sflag:$0x1], $0x50, s31, s25, $0xb8;
	[tilespmem:$0x16480] =	vst v63  }
0x49: {  	_ =	swait.ge [sflag:s22], $0x2800  }
0x4a: {  	s29 =	simm.s32 $0x200;
	s30 =	simm.s32 $0x400;
	[sflag:s22] =	ssyncset.done $0x0  }
.LBB2_8:
0x4b: {  	s0 =	sshra.s32 s29, $0x2  }
0x4c: {  	[sflag:s22] =	ssyncadd.s32 $0xFFFFD800;
	s29 =	smov.u32 s30;
	s1 =	sadd.s32 $0x200, s30  }
0x4d: {  	[tilespmem:s26], [sflag:$0x1] =	stream.indirect.gather [hbm4b:s7+s25], $0x50, s0, s25, $0xb8;
	[tilespmem:$0x16480] =	vst v63  }
0x4e: {  	p1 =	sne.s32 s30, $0x9C00;
	_ =	swait.ge [sflag:s22], $0x2800  }
.Ltmp3:
0x4f: {  	[sflag:s22] =	ssyncset.done $0x0;
	(pc) =	sbr.rel @p1 .LBB2_8-.Ltmp3, $4  }
0x50: {  	s0 =	sadd.s32 $0x2780, s0;
	[sflag:s22] =	ssyncadd.s32 $0xFFFFD800  }
0x51: {  	[spmem:s2] =	stream.indirect.scatter.add.f32 [tilespmem:s26], [sflag:$0x1], $0x50, s0, s25, $0xb8;
	[tilespmem:$0x16480] =	vst v63  }
0x52: {  	_ =	swait.ge [sflag:s22], $0x2800  }
0x53: {  	s30 =	smov.u32 s1;
	[sflag:s22] =	ssyncset.done $0x0  }
0x54: {  	s0 =	sshra.s32 s29, $0x2;
	[sflag:s22] =	ssyncadd.s32 $0xFFFFD800  }
0x55: {  	[tilespmem:s26], [sflag:$0x1] =	stream.indirect.gather [hbm4b:s7+s25], $0x50, s0, s25, $0xb8;
	[tilespmem:$0x16480] =	vst v63  }
0x56: {  	_ =	swait.ge [sflag:s22], $0x2800  }
0x57: {  	[sflag:s22] =	ssyncset.done $0x0  }
0x58: {  	s0 =	sadd.s32 $0x2780, s0;
	[sflag:s22] =	ssyncadd.s32 $0xFFFFD800  }
0x59: {  	[spmem:s2] =	stream.indirect.scatter.add.f32 [tilespmem:s26], [sflag:$0x1], $0x50, s0, s25, $0xb8;
	[tilespmem:$0x16480] =	vst v63  }
0x5a: {  	_ =	swait.ge [sflag:s22], $0x2800  }
0x5b: {  	[sflag:s22] =	ssyncset.done $0x0  }
0x5c: {  	s1 =	sshll.u32 s3, $0x6;
	[sflag:s22] =	ssyncadd.s32 $0xFFFFD800  }
0x5d: {  	s29 =	sor.u32 $0x1C01, s1;
	s1 =	sshrl.u32 s14, $0x3;
	[bflag:$0x0] =	sbarrier.arrive $0xFFFF  }
0x5e: {  	[hbm:s20], [sflag:s29] =	dma.local [spmem:s1], $0x18B0  }
0x5f: {  	_ =	swait.ge [sflag:s22], $0x18B0  }
0x60: {  	[sflag:s22] =	ssyncset.done $0x0  }
0x61: {  	[sflag:s22] =	ssyncadd.s32 $0xFFFFE750  }
0x62: {  	[bflag:$0x0] =	sbarrier.arrive $0xFFFF  }
0x63: {  	[spmem:s14] =	stream.linear.scatter [tilespmem:s24], [sflag:$0x1], $0x2800, $0x38;
	[tilespmem:$0x16480] =	vst v63  }
0x64: {  	_ =	swait.ge [sflag:s22], $0x2800  }
0x65: {  	[sflag:s22] =	ssyncset.done $0x0  }
0x66: {  	[sflag:s22] =	ssyncadd.s32 $0xFFFFD800  }
0x67: {  	[spmem:s15] =	stream.linear.scatter [tilespmem:s24], [sflag:$0x1], $0x2800, $0x38;
	[tilespmem:$0x16480] =	vst v63  }
0x68: {  	_ =	swait.ge [sflag:s22], $0x2800  }
0x69: {  	[sflag:s22] =	ssyncset.done $0x0  }
0x6a: {  	[sflag:s22] =	ssyncadd.s32 $0xFFFFD800  }
0x6b: {  	[spmem:s16] =	stream.linear.scatter [tilespmem:s24], [sflag:$0x1], $0x2800, $0x38;
	[tilespmem:$0x16480] =	vst v63  }
0x6c: {  	_ =	swait.ge [sflag:s22], $0x2800  }
0x6d: {  	[sflag:s22] =	ssyncset.done $0x0  }
0x6e: {  	[sflag:s22] =	ssyncadd.s32 $0xFFFFD800  }
0x6f: {  	[spmem:s17] =	stream.linear.scatter [tilespmem:s24], [sflag:$0x1], $0x2800, $0x38;
	[tilespmem:$0x16480] =	vst v63  }
0x70: {  	_ =	swait.ge [sflag:s22], $0x2800  }
0x71: {  	[sflag:s22] =	ssyncset.done $0x0  }
0x72: {  	[sflag:s22] =	ssyncadd.s32 $0xFFFFD800  }
0x73: {  	[spmem:s18] =	stream.linear.scatter [tilespmem:s24], [sflag:$0x1], $0x2580, $0x38;
	[tilespmem:$0x16480] =	vst v63  }
0x74: {  	_ =	swait.ge [sflag:s22], $0x2580  }
0x75: {  	[sflag:s22] =	ssyncset.done $0x0  }
0x76: {  	[sflag:s22] =	ssyncadd.s32 $0xFFFFDA80  }
0x77: {  	s1 =	simm.s32 $0x0;
	[bflag:$0x0] =	sbarrier.arrive $0xFFFF  }
0x78: {  	[tilespmem:s26], [sflag:$0x1] =	stream.indirect.gather [hbm4b:s8+s25], $0x50, s1, s25, $0xb8;
	[tilespmem:$0x16480] =	vst v63  }
0x79: {  	_ =	swait.ge [sflag:s22], $0x2800  }
0x7a: {  	[sflag:s22] =	ssyncset.done $0x0  }
0x7b: {  	s1 =	simm.s32 $0x2780;
	[sflag:s22] =	ssyncadd.s32 $0xFFFFD800  }
0x7c: {  	[spmem:s2] =	stream.indirect.scatter.add.f32 [tilespmem:s26], [sflag:$0x1], $0x50, s1, s25, $0xb8;
	[tilespmem:$0x16480] =	vst v63  }
0x7d: {  	_ =	swait.ge [sflag:s22], $0x2800  }
0x7e: {  	s30 =	simm.s32 $0x200;
	s31 =	simm.s32 $0x400;
	[sflag:s22] =	ssyncset.done $0x0  }
.LBB2_10:
0x7f: {  	s0 =	sshra.s32 s30, $0x2  }
0x80: {  	[sflag:s22] =	ssyncadd.s32 $0xFFFFD800;
	s30 =	smov.u32 s31;
	s1 =	sadd.s32 $0x200, s31  }
0x81: {  	[tilespmem:s26], [sflag:$0x1] =	stream.indirect.gather [hbm4b:s8+s25], $0x50, s0, s25, $0xb8;
	[tilespmem:$0x16480] =	vst v63  }
0x82: {  	p1 =	sne.s32 s31, $0x9C00;
	_ =	swait.ge [sflag:s22], $0x2800  }
.Ltmp4:
0x83: {  	[sflag:s22] =	ssyncset.done $0x0;
	(pc) =	sbr.rel @p1 .LBB2_10-.Ltmp4, $4  }
0x84: {  	s0 =	sadd.s32 $0x2780, s0;
	[sflag:s22] =	ssyncadd.s32 $0xFFFFD800  }
0x85: {  	[spmem:s2] =	stream.indirect.scatter.add.f32 [tilespmem:s26], [sflag:$0x1], $0x50, s0, s25, $0xb8;
	[tilespmem:$0x16480] =	vst v63  }
0x86: {  	_ =	swait.ge [sflag:s22], $0x2800  }
0x87: {  	s31 =	smov.u32 s1;
	[sflag:s22] =	ssyncset.done $0x0  }
.Ltmp5:
0x88: {  	_ = 	snop;
	(pc) =	sbr.rel .LBB2_11-.Ltmp5, $1  }
0x89: {  	_ =	sdelay $0x3  }
.LBB2_2:
0x8a: {  	s29 =	simm.s32 $0x0  }
0x8b: {  	[tilespmem:s26], [sflag:$0x1] =	stream.indirect.gather [hbm4b:s5+s25], $0x50, s29, s25, $0xb8;
	[tilespmem:$0x16480] =	vst v63  }
0x8c: {  	_ =	swait.ge [sflag:s22], $0x2800  }
0x8d: {  	[sflag:s22] =	ssyncset.done $0x0  }
0x8e: {  	s29 =	simm.s32 $0x2780;
	[sflag:s22] =	ssyncadd.s32 $0xFFFFD800  }
0x8f: {  	[spmem:s2] =	stream.indirect.scatter.add.f32 [tilespmem:s26], [sflag:$0x1], $0x50, s29, s25, $0xb8;
	[tilespmem:$0x16480] =	vst v63  }
0x90: {  	_ =	swait.ge [sflag:s22], $0x2800  }
0x91: {  	s30 =	simm.s32 $0x400;
	s29 =	simm.s32 $0x200;
	[sflag:s22] =	ssyncset.done $0x0  }
.LBB2_3:
0x92: {  	s31 =	sshra.s32 s29, $0x2  }
0x93: {  	[sflag:s22] =	ssyncadd.s32 $0xFFFFD800;
	s29 =	smov.u32 s30;
	s0 =	sadd.s32 $0x200, s30  }
0x94: {  	[tilespmem:s26], [sflag:$0x1] =	stream.indirect.gather [hbm4b:s5+s25], $0x50, s31, s25, $0xb8;
	[tilespmem:$0x16480] =	vst v63  }
0x95: {  	p1 =	sne.s32 s30, $0x9C00;
	_ =	swait.ge [sflag:s22], $0x2800  }
.Ltmp6:
0x96: {  	[sflag:s22] =	ssyncset.done $0x0;
	(pc) =	sbr.rel @p1 .LBB2_3-.Ltmp6, $4  }
0x97: {  	s30 =	sadd.s32 $0x2780, s31;
	[sflag:s22] =	ssyncadd.s32 $0xFFFFD800  }
0x98: {  	[spmem:s2] =	stream.indirect.scatter.add.f32 [tilespmem:s26], [sflag:$0x1], $0x50, s30, s25, $0xb8;
	[tilespmem:$0x16480] =	vst v63  }
0x99: {  	_ =	swait.ge [sflag:s22], $0x2800  }
0x9a: {  	s30 =	smov.u32 s0;
	[sflag:s22] =	ssyncset.done $0x0  }
0x9b: {  	s0 =	sshra.s32 s29, $0x2;
	[sflag:s22] =	ssyncadd.s32 $0xFFFFD800  }
0x9c: {  	[tilespmem:s26], [sflag:$0x1] =	stream.indirect.gather [hbm4b:s5+s25], $0x50, s0, s25, $0xb8;
	[tilespmem:$0x16480] =	vst v63  }
0x9d: {  	_ =	swait.ge [sflag:s22], $0x2800  }
0x9e: {  	[sflag:s22] =	ssyncset.done $0x0  }
0x9f: {  	s0 =	sadd.s32 $0x2780, s0;
	[sflag:s22] =	ssyncadd.s32 $0xFFFFD800  }
0xa0: {  	[spmem:s2] =	stream.indirect.scatter.add.f32 [tilespmem:s26], [sflag:$0x1], $0x50, s0, s25, $0xb8;
	[tilespmem:$0x16480] =	vst v63  }
0xa1: {  	_ =	swait.ge [sflag:s22], $0x2800  }
0xa2: {  	[sflag:s22] =	ssyncset.done $0x0  }
0xa3: {  	s1 =	sshll.u32 s3, $0x6;
	[sflag:s22] =	ssyncadd.s32 $0xFFFFD800  }
0xa4: {  	s29 =	sor.u32 $0x1C01, s1;
	s1 =	sshrl.u32 s14, $0x3;
	[bflag:$0x0] =	sbarrier.arrive $0xFFFF  }
0xa5: {  	[hbm:s19], [sflag:s29] =	dma.local [spmem:s1], $0x18B0  }
0xa6: {  	_ =	swait.ge [sflag:s22], $0x18B0  }
0xa7: {  	[sflag:s22] =	ssyncset.done $0x0  }
0xa8: {  	[sflag:s22] =	ssyncadd.s32 $0xFFFFE750  }
0xa9: {  	[bflag:$0x0] =	sbarrier.arrive $0xFFFF  }
0xaa: {  	[spmem:s14] =	stream.linear.scatter [tilespmem:s24], [sflag:$0x1], $0x2800, $0x38;
	[tilespmem:$0x16480] =	vst v63  }
0xab: {  	_ =	swait.ge [sflag:s22], $0x2800  }
0xac: {  	[sflag:s22] =	ssyncset.done $0x0  }
0xad: {  	[sflag:s22] =	ssyncadd.s32 $0xFFFFD800  }
0xae: {  	[spmem:s15] =	stream.linear.scatter [tilespmem:s24], [sflag:$0x1], $0x2800, $0x38;
	[tilespmem:$0x16480] =	vst v63  }
0xaf: {  	_ =	swait.ge [sflag:s22], $0x2800  }
0xb0: {  	[sflag:s22] =	ssyncset.done $0x0  }
0xb1: {  	[sflag:s22] =	ssyncadd.s32 $0xFFFFD800  }
0xb2: {  	[spmem:s16] =	stream.linear.scatter [tilespmem:s24], [sflag:$0x1], $0x2800, $0x38;
	[tilespmem:$0x16480] =	vst v63  }
0xb3: {  	_ =	swait.ge [sflag:s22], $0x2800  }
0xb4: {  	[sflag:s22] =	ssyncset.done $0x0  }
0xb5: {  	[sflag:s22] =	ssyncadd.s32 $0xFFFFD800  }
0xb6: {  	[spmem:s17] =	stream.linear.scatter [tilespmem:s24], [sflag:$0x1], $0x2800, $0x38;
	[tilespmem:$0x16480] =	vst v63  }
0xb7: {  	_ =	swait.ge [sflag:s22], $0x2800  }
0xb8: {  	[sflag:s22] =	ssyncset.done $0x0  }
0xb9: {  	[sflag:s22] =	ssyncadd.s32 $0xFFFFD800  }
0xba: {  	[spmem:s18] =	stream.linear.scatter [tilespmem:s24], [sflag:$0x1], $0x2580, $0x38;
	[tilespmem:$0x16480] =	vst v63  }
0xbb: {  	_ =	swait.ge [sflag:s22], $0x2580  }
0xbc: {  	[sflag:s22] =	ssyncset.done $0x0  }
0xbd: {  	[sflag:s22] =	ssyncadd.s32 $0xFFFFDA80  }
0xbe: {  	s1 =	simm.s32 $0x0;
	[bflag:$0x0] =	sbarrier.arrive $0xFFFF  }
0xbf: {  	[tilespmem:s26], [sflag:$0x1] =	stream.indirect.gather [hbm4b:s6+s25], $0x50, s1, s25, $0xb8;
	[tilespmem:$0x16480] =	vst v63  }
0xc0: {  	_ =	swait.ge [sflag:s22], $0x2800  }
0xc1: {  	[sflag:s22] =	ssyncset.done $0x0  }
0xc2: {  	s1 =	simm.s32 $0x2780;
	[sflag:s22] =	ssyncadd.s32 $0xFFFFD800  }
0xc3: {  	[spmem:s2] =	stream.indirect.scatter.add.f32 [tilespmem:s26], [sflag:$0x1], $0x50, s1, s25, $0xb8;
	[tilespmem:$0x16480] =	vst v63  }
0xc4: {  	_ =	swait.ge [sflag:s22], $0x2800  }
0xc5: {  	s30 =	simm.s32 $0x200;
	s31 =	simm.s32 $0x400;
	[sflag:s22] =	ssyncset.done $0x0  }
.LBB2_5:
0xc6: {  	s0 =	sshra.s32 s30, $0x2  }
0xc7: {  	[sflag:s22] =	ssyncadd.s32 $0xFFFFD800;
	s30 =	smov.u32 s31;
	s1 =	sadd.s32 $0x200, s31  }
0xc8: {  	[tilespmem:s26], [sflag:$0x1] =	stream.indirect.gather [hbm4b:s6+s25], $0x50, s0, s25, $0xb8;
	[tilespmem:$0x16480] =	vst v63  }
0xc9: {  	p1 =	seq.s32 s31, $0x9C00;
	_ =	swait.ge [sflag:s22], $0x2800  }
.Ltmp7:
0xca: {  	[sflag:s22] =	ssyncset.done $0x0;
	(pc) =	sbr.rel @!p1 .LBB2_5-.Ltmp7, $4  }
0xcb: {  	s0 =	sadd.s32 $0x2780, s0;
	[sflag:s22] =	ssyncadd.s32 $0xFFFFD800  }
0xcc: {  	[spmem:s2] =	stream.indirect.scatter.add.f32 [tilespmem:s26], [sflag:$0x1], $0x50, s0, s25, $0xb8;
	[tilespmem:$0x16480] =	vst v63  }
0xcd: {  	_ =	swait.ge [sflag:s22], $0x2800  }
0xce: {  	s31 =	smov.u32 s1;
	[sflag:s22] =	ssyncset.done $0x0  }
0xcf: {  	s0 =	sshra.s32 s30, $0x2;
	[sflag:s22] =	ssyncadd.s32 $0xFFFFD800  }
0xd0: {  	[tilespmem:s26], [sflag:$0x1] =	stream.indirect.gather [hbm4b:s6+s25], $0x50, s0, s25, $0xb8;
	[tilespmem:$0x16480] =	vst v63  }
0xd1: {  	_ =	swait.ge [sflag:s22], $0x2800  }
0xd2: {  	[sflag:s22] =	ssyncset.done $0x0  }
.Ltmp8:
0xd3: {  	s0 =	sadd.s32 $0x2780, s0;
	[sflag:s22] =	ssyncadd.s32 $0xFFFFD800;
	(pc) =	sbr.rel .LBB2_12-.Ltmp8, $4  }
0xd4: {  	[spmem:s2] =	stream.indirect.scatter.add.f32 [tilespmem:s26], [sflag:$0x1], $0x50, s0, s25, $0xb8;
	[tilespmem:$0x16480] =	vst v63  }
0xd5: {  	_ =	swait.ge [sflag:s22], $0x2800  }
0xd6: {  	[sflag:s22] =	ssyncset.done $0x0  }
0xd7: {  	s30 =	smov.u32 s10;
	[sflag:s22] =	ssyncadd.s32 $0xFFFFD800  }
.LBB2_13:
0xd8: {  	_ =	sfence.sel $0x180000  }
0xd9: {  	[bflag:$0x0] =	sbarrier.arrive $0xFFFF  }
0xda: {  	_ =	strace $0x9000004D  }
0xdb: {  	[bflag:$0x2] =	sbarrier.arrive $0xFFFF  }
0xdc: {  	p0 =	sne.s32 s3, $0x0;
	s0 =	rddreg [dreg:$0x3]  }
0xdd: {  	s0 =	sadd.s32 @!p0 $0x100000, s0  }
0xde: {  	[sflag:s0] =	ssyncadd.tile.s32 @!p0 $0x1;
	_ =	shalt  }
.Lfunc_end2:
_tile_overlayer_lowered:
.L_overlay_start_2:
0xdf: {  	(tag) =	ssettag $0x2  }
0xe0: {  	s0 =	rddreg [dreg:$0x0];
	s2 =	stileid.u32  }
0xe1: {  	s1 =	rddreg [dreg:$0x1];
	p0 =	sne.s32 s2, $0x0  }
0xe2: {  	s3 =	rddreg [dreg:$0x2];
	[bflag:$0x3] =	sbarrier.arrive $0xFFFF;
	s2 =	simm.s32 @!p0 $0x1C01  }
0xe3: {  	[timem:s3], [sflag:s2] =	dma.local @!p0 [hbm:s0], s1  }
0xe4: {  	s0 =	simm.s32 @!p0 $0x1  }
0xe5: {  	_ =	swait.ge @!p0 [sflag:s0], s1  }
0xe6: {  	s1 =	ssub.s32 @!p0 $0x0, s1;
	[sflag:s0] =	ssyncset.done @!p0 $0x0  }
0xe7: {  	[sflag:s0] =	ssyncadd.s32 @!p0 s1  }
0xe8: {  	[bflag:$0x3] =	sbarrier.arrive $0xFFFF  }
0xe9: {  	_ =	shalt  }

// kernel: kernel.21.cloned.1.call-start
scs
__scs_entry_jumppad:
0x0: {  	(pc) =	sbr.rel $0x88, $3  }
0x1: {  	(tag) =	ssettag $0x0;
	lr =	simm.s32 $0x1  }
0x2: {  	[smem:$0x3F95] =	sst lr;
	_ =	strace $0xD0000000  }
0x3: {  	_ = 	snop  }
0x4: {  	_ = 	snop  }
0x5: {  	_ = 	snop  }
0x6: {  	_ = 	snop  }
0x7: {  	_ = 	snop  }
__scs_overlays_trampoline_lowered:
0x8: {  	[smem:$0x3FA4] =	sst s0  }
0x9: {  	[smem:$0x3FA5] =	sst s1  }
0xa: {  	[smem:$0x3FA6] =	sst s2  }
0xb: {  	[smem:$0x3FA7] =	sst s3  }
0xc: {  	[smem:$0x3FA8] =	sst s4  }
0xd: {  	[smem:$0x3FA9] =	sst s5  }
0xe: {  	[smem:$0x3FAA] =	sst s6  }
0xf: {  	[smem:$0x3FAB] =	sst s7  }
0x10: {  	[smem:$0x3FAC] =	sst s8  }
0x11: {  	[smem:$0x3FAD] =	sst s9;
	s0 =	simm.s32 @!p0 $0x0  }
0x12: {  	s1 =	sld [smem:$0x3F93];
	s0 =	simm.s32 @p0 $0x1  }
0x13: {  	[smem:$0x3FAE] =	sst s0;
	s0 =	simm.s32 @!p1 $0x0  }
0x14: {  	s2 =	sld [smem:$0x3F92];
	s0 =	simm.s32 @p1 $0x1  }
0x15: {  	[smem:$0x3FAF] =	sst s0;
	s0 =	simm.s32 @!p2 $0x0  }
0x16: {  	s3 =	sld [smem:$0x3FDB];
	s0 =	simm.s32 @p2 $0x1  }
0x17: {  	s4 =	simm.s32 $0x1BF5;
	[smem:$0x3FB1] =	sst s0  }
0x18: {  	s0 =	sld [smem:$0x3F94];
	_ =	swait.ge [sflag:s4], $0x0  }
0x19: {  	s7 =	sld [smem:$0x3F95]  }
0x1a: {  	s8 =	sadd.s32 $0xFFFFE003, lr  }
0x1b: {  	s9 =	sadd.s32 $0xFFFFFEF7, lr;
	s5 =	simm.s32 $0xFFFFFFFF;
	p2 =	slt.u32 s8, $0xFFFFF086  }
0x1c: {  	p1 =	slt.u32 s9, $0xF7A;
	s5 =	simm.s32 @!p2 $0x0  }
0x1d: {  	s5 =	simm.s32 @p1 $0x1;
	p0 =	seq.s32 s7, s2  }
0x1e: {  	s7 =	smul.u32 @!p0 $0xF7A, s2;
	p2 =	seq.s32 @!p0 s5, $0x0  }
0x1f: {  	s9 =	smul.u32 $0xF7A, s1;
	s8 =	simm.s32 @!p0 $0x1BF5;
	p2 =	por !p2, p0  }
0x20: {  	[sflag:s8] =	ssyncset.s32 @!p0 $0xFFFFF086;
	s6 =	sadd.s32 @!p0 s3, s7;
	s7 =	simm.s32 @!p0 $0x108  }
0x21: {  	s3 =	sadd.s32 s3, s9;
	s6 =	sadd.s32 @!p0 $0x88, s6;
	s7 =	simm.s32 @p2 $0x1082  }
0x22: {  	[simem:s7], [sflag:s8] =	dma.local @!p0 [hbm:s6], $0xF7A  }
0x23: {  	s9 =	sor.u32 $0xD0000000, s2;
	s6 =	simm.s32 $0x108;
	_ =	swait.ge @!p0 [sflag:s8], $0x0  }
0x24: {  	s3 =	sadd.s32 $0x88, s3;
	s6 =	simm.s32 @!p1 $0x1082;
	[sflag:s4] =	ssyncset.s32 $0xFFFFF086  }
0x25: {  	[simem:s6], [sflag:s4] =	dma.local [hbm:s3], $0xF7A  }
0x26: {  	[smem:$0x3F95] =	sst s1;
	(tag) =	ssettag s2;
	_ =	strace s9  }
0x27: {  	s1 =	sld [smem:$0x3FA5]  }
0x28: {  	s2 =	sld [smem:$0x3FA6]  }
0x29: {  	s4 =	sld [smem:$0x3FA8]  }
0x2a: {  	p0 =	seq.s32 s5, $0x0;
	s5 =	sld [smem:$0x3FA9]  }
0x2b: {  	s6 =	sld [smem:$0x3FAA]  }
0x2c: {  	s7 =	sld [smem:$0x3FAB]  }
0x2d: {  	s3 =	simm.s32 $0x108;
	s8 =	sld [smem:$0x3FAC]  }
0x2e: {  	s3 =	simm.s32 @!p0 $0x1082;
	s9 =	sld [smem:$0x3FAD]  }
0x2f: {  	lr =	sadd.s32 s0, s3;
	s0 =	sld [smem:$0x3FA4]  }
0x30: {  	s3 =	sld [smem:$0x3FA7]  }
0x31: {  	[smem:$0x3FB0] =	sst s10  }
0x32: {  	s10 =	sld [smem:$0x3FAE];
	_ =	sdelay $0x3  }
0x33: {  	p0 =	seq.s32 s10, $0x1;
	s10 =	sld [smem:$0x3FB0];
	_ =	sdelay $0x3  }
0x34: {  	[smem:$0x3FB0] =	sst s10  }
0x35: {  	s10 =	sld [smem:$0x3FAF];
	_ =	sdelay $0x3  }
0x36: {  	p1 =	seq.s32 s10, $0x1;
	s10 =	sld [smem:$0x3FB0];
	_ =	sdelay $0x3  }
0x37: {  	[smem:$0x3FB0] =	sst s10  }
0x38: {  	s10 =	sld [smem:$0x3FB1]  }
0x39: {  	_ = 	snop;
	(pc) =	sbr.ind lr, $3  }
0x3a: {  	_ = 	snop  }
0x3b: {  	_ = 	snop  }
0x3c: {  	p2 =	seq.s32 s10, $0x1;
	s10 =	sld [smem:$0x3FB0]  }
0x3d: {  	_ =	shalt  }
0x3e: {  	_ =	shalt  }
0x3f: {  	_ =	shalt  }
0x40: {  	_ =	shalt  }
0x41: {  	_ =	shalt  }
0x42: {  	_ =	shalt  }
0x43: {  	_ =	shalt  }
0x44: {  	_ =	shalt  }
0x45: {  	_ =	shalt  }
0x46: {  	_ =	shalt  }
0x47: {  	_ =	shalt  }
0x48: {  	_ =	shalt  }
0x49: {  	_ =	shalt  }
0x4a: {  	_ =	shalt  }
0x4b: {  	_ =	shalt  }
0x4c: {  	_ =	shalt  }
0x4d: {  	_ =	shalt  }
0x4e: {  	_ =	shalt  }
0x4f: {  	_ =	shalt  }
0x50: {  	_ =	shalt  }
0x51: {  	_ =	shalt  }
0x52: {  	_ =	shalt  }
0x53: {  	_ =	shalt  }
0x54: {  	_ =	shalt  }
0x55: {  	_ =	shalt  }
0x56: {  	_ =	shalt  }
0x57: {  	_ =	shalt  }
0x58: {  	_ =	shalt  }
0x59: {  	_ =	shalt  }
0x5a: {  	_ =	shalt  }
0x5b: {  	_ =	shalt  }
0x5c: {  	_ =	shalt  }
0x5d: {  	_ =	shalt  }
0x5e: {  	_ =	shalt  }
0x5f: {  	_ =	shalt  }
0x60: {  	_ =	shalt  }
0x61: {  	_ =	shalt  }
0x62: {  	_ =	shalt  }
0x63: {  	_ =	shalt  }
0x64: {  	_ =	shalt  }
0x65: {  	_ =	shalt  }
0x66: {  	_ =	shalt  }
0x67: {  	_ =	shalt  }
0x68: {  	_ =	shalt  }
0x69: {  	_ =	shalt  }
0x6a: {  	_ =	shalt  }
0x6b: {  	_ =	shalt  }
0x6c: {  	_ =	shalt  }
0x6d: {  	_ =	shalt  }
0x6e: {  	_ =	shalt  }
0x6f: {  	_ =	shalt  }
0x70: {  	_ =	shalt  }
0x71: {  	_ =	shalt  }
0x72: {  	_ =	shalt  }
0x73: {  	_ =	shalt  }
0x74: {  	_ =	shalt  }
0x75: {  	_ =	shalt  }
0x76: {  	_ =	shalt  }
0x77: {  	_ =	shalt  }
0x78: {  	_ =	shalt  }
0x79: {  	_ =	shalt  }
0x7a: {  	_ =	shalt  }
0x7b: {  	_ =	shalt  }
0x7c: {  	_ =	shalt  }
0x7d: {  	_ =	shalt  }
0x7e: {  	_ =	shalt  }
0x7f: {  	_ =	shalt  }
0x80: {  	_ =	shalt  }
0x81: {  	_ =	shalt  }
0x82: {  	_ =	shalt  }
0x83: {  	_ =	shalt  }
0x84: {  	_ =	shalt  }
0x85: {  	_ =	shalt  }
0x86: {  	_ =	shalt  }
0x87: {  	_ =	shalt  }
.Lfunc_end0:
.L_simem_size_0:
called_computation.3_lowered:
.L_overlay_start_0:
0x88: {  	s2 =	sld [smem:$0x3FD9]  }
0x89: {  	s3 =	sld [smem:$0x3FFE];
	_ =	sdelay $0x1  }
0x8a: {  	s1 =	srdreg.scid  }
0x8b: {  	s0 =	sand.u32 $0x1, s1  }
0x8c: {  	s17 =	sshll.u32 s0, $0xA;
	s2 =	sadd.s32 s3, s2  }
0x8d: {  	s2 =	sadd.s32 s2, s17  }
0x8e: {  	[smem:$0x3FBC] =	sst s2  }
0x8f: {  	_ = 	snop  }
0x90: {  	s2 =	sld [smem:$0x3FD0];
	(tm) =	ssettm $0x1  }
0x91: {  	s18 =	sld [smem:$0x3FFB];
	_ =	sdelay $0x3  }
0x92: {  	_ =	strace s18  }
0x93: {  	s3 =	sld [smem:$0x3FFC];
	_ =	sdelay $0x3  }
0x94: {  	_ =	strace s3  }
0x95: {  	s3 =	sld [smem:$0x3FFD];
	_ =	sdelay $0x3  }
0x96: {  	_ =	strace s3  }
0x97: {  	_ =	strace $0x8FFFFFFF  }
0x98: {  	s19 =	sld [smem:$0x3FDB];
	_ =	sdelay $0x1  }
0x99: {  	s4 =	simm.s32 $_scs_section_size  }
0x9a: {  	s5 =	simm.s32 $_size__tile_overlayer_lowered;
	s6 =	simm.s32 $_tile_overlayer_lowered  }
0x9b: {  	s22 =	simm.s32 $0x1BFF;
	s21 =	sshll.u32 s6, $0x1;
	s3 =	sadd.s32 s4, s19  }
0x9c: {  	s7 =	simm.s32 $0x0;
	s20 =	sshll.u32 s5, $0x1;
	s5 =	sadd.s32 s21, s3  }
0x9d: {  	[timem:s7], [sflag:s22] =	dma.local [hbm:s5], s20  }
0x9e: {  	_ =	swait.ge [sflag:s22], s20  }
0x9f: {  	s4 =	ssub.s32 $0x0, s20;
	[sflag:s22] =	ssyncset.done $0x0  }
0xa0: {  	[sflag:s22] =	ssyncadd.s32 s4;
	_ =	sdelay $0x1  }
0xa1: {  	s23 =	simm.s32 $0x1B8B  }
0xa2: {  	_ =	swait.ge [sflag:s23], $0x1  }
0xa3: {  	[sflag:s23] =	ssyncset.done $0x0  }
0xa4: {  	s25 =	simm.s32 $0x1B8E;
	s24 =	sld [smem:$0x3FFE];
	[sflag:s23] =	ssyncadd.s32 $0xFFFFFFFF  }
0xa5: {  	s26 =	simm.s32 $execute0_lowered;
	[smem:$0x3FD2] =	sst s25  }
0xa6: {  	s5 =	sshll.u32 s26, $0x1;
	_ =	strace $0x8000004F;
	[dreg:$0x1] =	wrdreg $0xFFFFFFFF  }
0xa7: {  	s28 =	simm.s32 $_size_execute0_lowered;
	s3 =	sadd.s32 s3, s5;
	[dreg:$0x0] =	wrdreg $0x0  }
0xa8: {  	s5 =	sshll.u32 s28, $0x1;
	[dreg:$0x2] =	wrdreg s3  }
0xa9: {  	[dreg:$0x3] =	wrdreg s5  }
0xaa: {  	[dreg:$0x4] =	wrdreg $0xC0  }
0xab: {  	_ =	task [dreg:s7], $0x5FFFF  }
0xac: {  	[dreg:$0x1] =	wrdreg $0xFFFFFFFF  }
0xad: {  	[dreg:$0x0] =	wrdreg $0x60  }
0xae: {  	[dreg:$0x2] =	wrdreg s24  }
0xaf: {  	[dreg:$0x3] =	wrdreg s2  }
0xb0: {  	[dreg:$0x4] =	wrdreg $0x9F000  }
0xb1: {  	[dreg:$0x5] =	wrdreg $0x9  }
0xb2: {  	_ =	task.clear_ibuf [dreg:s7], $0x6FFFF;
	_ =	strace $0x9000004F  }
0xb3: {  	s29 =	simm.s32 $0x9;
	_ =	strace $0x80000051  }
0xb4: {  	_ =	swait.ge [sflag:s29], $0x1  }
0xb5: {  	[sflag:s29] =	ssyncadd.s32 $0xFFFFFFFF  }
0xb6: {  	_ =	strace $0x90000051  }
0xb7: {  	_ =	sfence  }
0xb8: {  	s30 =	sld [smem:$0x0];
	_ =	sdelay $0x2  }
0xb9: {  	s31 =	sshll.u32 s1, $0xD;
	s1 =	sshrl.u32 s1, $0x2  }
0xba: {  	s3 =	sand.u32 $0x4000, s31;
	s1 =	sadd.s32 s1, s30  }
0xbb: {  	s0 =	sor.u32 s3, s0;
	s1 =	sshll.u32 s1, $0x11  }
0xbc: {  	s0 =	sor.u32 s1, s0  }
0xbd: {  	s0 =	sadd.s32 $0x8F2B, s0  }
0xbe: {  	[sflag:s0] =	ssyncadd.remote.s32 $0x1  }
0xbf: {  	_ =	sfence.sel $0xFFFF  }
0xc0: {  	[dreg:$0x0] =	wrdreg $0xFFFFFFFF;
	(pc) =	sbr.abs _section_cstart, $3  }
0xc1: {  	[dreg:$0x1] =	wrdreg $0xFFFFFFFF  }
0xc2: {  	_ =	task.clear_ibuf [dreg:s7], $0x2FFFF;
	_ =	strace $0x9FFFFFFF  }
0xc3: {  	(tm) =	ssettm $0x7FFFFFFF  }
tec
execute0_lowered:
.L_overlay_start_1:
0x0: {  	(tag) =	ssettag $0x1  }
0x1: {  	s11 =	rddreg [dreg:$0x0]  }
0x2: {  	s2 =	rddreg [dreg:$0x2];
	s4 =	simm.s32 $0x0;
	s3 =	stileid.u32  }
0x3: {  	s10 =	srdreg.scid;
	s22 =	simm.s32 $0x1;
	s23 =	simm.s32 $0x2780  }
0x4: {  	s24 =	simm.s32 $0x7700;
	s25 =	simm.s32 $0x80;
	s26 =	simm.s32 $0x4F00  }
0x5: {  	s28 =	simm.s32 $0x0;
	[smem:$0x7FF] =	sst s4;
	s5 =	sadd.s32 $0xA1A00, s11  }
0x6: {  	s6 =	sadd.s32 $0x88E00, s11;
	s9 =	smul.u32 $0x4F0, s3;
	s7 =	sadd.s32 $0x70200, s11  }
0x7: {  	s14 =	smul.u32 $0xC580, s3;
	s8 =	sadd.s32 $0x57600, s11;
	s15 =	sand.u32 $0x1, s10  }
0x8: {  	s16 =	smul.u32 $0x31600, s3;
	s10 =	sadd.s32 $0xEBE00, s11;
	_ =	strace $0x80000050  }
0x9: {  	s12 =	ssub.s32 $0x2, s15;
	p0 =	seq.s32 s15, $0x1;
	s13 =	sadd.s32 s9, s11  }
0xa: {  	s9 =	sshrl.u32 s14, $0x3;
	s17 =	sshrl.u32 s12, $0x1;
	s16 =	sshrl.u32 s16, $0x2  }
.Ltmp0:
0xb: {  	s14 =	sadd.s32 s14, s2;
	s20 =	sadd.s32 s9, s11;
	(pc) =	sbr.rel .LBB2_1-.Ltmp0, $4  }
0xc: {  	s21 =	ssub.s32 s12, s17;
	s12 =	sadd.s32 $0x10E600, s13;
	s18 =	sadd.s32 s16, s2  }
0xd: {  	s11 =	sadd.s32 $0xBA600, s11;
	s13 =	sadd.s32 $0x109600, s13;
	s15 =	sadd.s32 $0x2800, s18  }
0xe: {  	s16 =	sadd.s32 $0x5000, s18;
	s17 =	sadd.s32 $0x7800, s18;
	s18 =	sadd.s32 $0xA000, s18  }
0xf: {  	s19 =	sadd.s32 $0x185200, s20;
	s20 =	sadd.s32 $0xD3200, s20;
	s21 =	smax.u32 s21, $0x1  }
.LBB2_11:
0x10: {  	s0 =	sshra.s32 s30, $0x2;
	[sflag:s22] =	ssyncadd.s32 $0xFFFFD800  }
0x11: {  	[tilespmem:s26], [sflag:$0x1] =	stream.indirect.gather [hbm4b:s8+s25], $0x50, s0, s25, $0xb8;
	[tilespmem:$0x16480] =	vst v63  }
0x12: {  	_ =	swait.ge [sflag:s22], $0x2800  }
0x13: {  	[sflag:s22] =	ssyncset.done $0x0  }
0x14: {  	s0 =	sadd.s32 $0x2780, s0;
	[sflag:s22] =	ssyncadd.s32 $0xFFFFD800  }
0x15: {  	[spmem:s2] =	stream.indirect.scatter.add.f32 [tilespmem:s26], [sflag:$0x1], $0x50, s0, s25, $0xb8;
	[tilespmem:$0x16480] =	vst v63  }
0x16: {  	_ =	swait.ge [sflag:s22], $0x2800  }
0x17: {  	[sflag:s22] =	ssyncset.done $0x0  }
0x18: {  	s30 =	smov.u32 s11;
	[sflag:s22] =	ssyncadd.s32 $0xFFFFD800  }
.LBB2_12:
0x19: {  	s0 =	sadd.s32 s30, s9  }
0x1a: {  	[bflag:$0x0] =	sbarrier.arrive $0xFFFF;
	s1 =	sshrl.u32 s14, $0x3;
	s28 =	sadd.s32 $0x1, s28  }
0x1b: {  	[hbm:s0], [sflag:s29] =	dma.local [spmem:s1], $0x18B0  }
0x1c: {  	p1 =	sne.s32 s28, s21  }
.Ltmp1:
0x1d: {  	_ =	swait.ge [sflag:s22], $0x18B0;
	(pc) =	sbr.rel @!p1 .LBB2_13-.Ltmp1, $3  }
0x1e: {  	[sflag:s22] =	ssyncset.done $0x0  }
0x1f: {  	[sflag:s22] =	ssyncadd.s32 $0xFFFFE750  }
0x20: {  	[bflag:$0x0] =	sbarrier.arrive $0xFFFF;
	_ =	sdelay $0x1  }
.LBB2_1:
0x21: {  	[tilespmem:s4], [sflag:$0x1] =	stream.linear.gather [hbm4b:s12+s4], $0x2780, $0x38;
	[tilespmem:$0x16480] =	vst v63  }
0x22: {  	_ =	swait.ge [sflag:s22], $0x2780  }
0x23: {  	[sflag:s22] =	ssyncset.done $0x0  }
0x24: {  	[sflag:s22] =	ssyncadd.s32 $0xFFFFD880  }
0x25: {  	[tilespmem:s23], [sflag:$0x1] =	stream.linear.gather [hbm4b:s13+s4], $0x2780, $0x38;
	[tilespmem:$0x16480] =	vst v63  }
0x26: {  	_ =	swait.ge [sflag:s22], $0x2780  }
0x27: {  	[sflag:s22] =	ssyncset.done $0x0  }
0x28: {  	[sflag:s22] =	ssyncadd.s32 $0xFFFFD880  }
0x29: {  	s0 =	rddreg [dreg:$0x1]  }
0x2a: {  	[tilespmem:s24], [sflag:$0x1] =	stream.linear.gather [hbm4b:s0+s4], $0x2800, $0x38;
	[tilespmem:$0x16480] =	vst v63  }
0x2b: {  	_ =	swait.ge [sflag:s22], $0x2800  }
0x2c: {  	[sflag:s22] =	ssyncset.done $0x0  }
0x2d: {  	[sflag:s22] =	ssyncadd.s32 $0xFFFFD800  }
0x2e: {  	[spmem:s14] =	stream.linear.scatter [tilespmem:s24], [sflag:$0x1], $0x2800, $0x38;
	[tilespmem:$0x16480] =	vst v63  }
0x2f: {  	_ =	swait.ge [sflag:s22], $0x2800  }
0x30: {  	[sflag:s22] =	ssyncset.done $0x0  }
0x31: {  	[sflag:s22] =	ssyncadd.s32 $0xFFFFD800  }
0x32: {  	[spmem:s15] =	stream.linear.scatter [tilespmem:s24], [sflag:$0x1], $0x2800, $0x38;
	[tilespmem:$0x16480] =	vst v63  }
0x33: {  	_ =	swait.ge [sflag:s22], $0x2800  }
0x34: {  	[sflag:s22] =	ssyncset.done $0x0  }
0x35: {  	[sflag:s22] =	ssyncadd.s32 $0xFFFFD800  }
0x36: {  	[spmem:s16] =	stream.linear.scatter [tilespmem:s24], [sflag:$0x1], $0x2800, $0x38;
	[tilespmem:$0x16480] =	vst v63  }
0x37: {  	_ =	swait.ge [sflag:s22], $0x2800  }
0x38: {  	[sflag:s22] =	ssyncset.done $0x0  }
0x39: {  	[sflag:s22] =	ssyncadd.s32 $0xFFFFD800  }
0x3a: {  	[spmem:s17] =	stream.linear.scatter [tilespmem:s24], [sflag:$0x1], $0x2800, $0x38;
	[tilespmem:$0x16480] =	vst v63  }
0x3b: {  	_ =	swait.ge [sflag:s22], $0x2800  }
0x3c: {  	[sflag:s22] =	ssyncset.done $0x0  }
0x3d: {  	[sflag:s22] =	ssyncadd.s32 $0xFFFFD800  }
0x3e: {  	[spmem:s18] =	stream.linear.scatter [tilespmem:s24], [sflag:$0x1], $0x2580, $0x38;
	[tilespmem:$0x16480] =	vst v63  }
.Ltmp2:
0x3f: {  	_ =	swait.ge [sflag:s22], $0x2580;
	(pc) =	sbr.rel @!p0 .LBB2_2-.Ltmp2, $3  }
0x40: {  	[sflag:s22] =	ssyncset.done $0x0  }
0x41: {  	[sflag:s22] =	ssyncadd.s32 $0xFFFFDA80  }
0x42: {  	[bflag:$0x0] =	sbarrier.arrive $0xFFFF;
	_ =	sdelay $0x1  }
0x43: {  	s0 =	simm.s32 $0x0  }
0x44: {  	[tilespmem:s26], [sflag:$0x1] =	stream.indirect.gather [hbm4b:s7+s25], $0x50, s0, s25, $0xb8;
	[tilespmem:$0x16480] =	vst v63  }
0x45: {  	_ =	swait.ge [sflag:s22], $0x2800  }
0x46: {  	[sflag:s22] =	ssyncset.done $0x0  }
0x47: {  	s31 =	simm.s32 $0x2780;
	[sflag:s22] =	ssyncadd.s32 $0xFFFFD800  }
0x48: {  	[spmem:s2] =	stream.indirect.scatter.add.f32 [tilespmem:s26], [sflag:$0x1], $0x50, s31, s25, $0xb8;
	[tilespmem:$0x16480] =	vst v63  }
0x49: {  	_ =	swait.ge [sflag:s22], $0x2800  }
0x4a: {  	s29 =	simm.s32 $0x200;
	s30 =	simm.s32 $0x400;
	[sflag:s22] =	ssyncset.done $0x0  }
.LBB2_8:
0x4b: {  	s0 =	sshra.s32 s29, $0x2  }
0x4c: {  	[sflag:s22] =	ssyncadd.s32 $0xFFFFD800;
	s29 =	smov.u32 s30;
	s1 =	sadd.s32 $0x200, s30  }
0x4d: {  	[tilespmem:s26], [sflag:$0x1] =	stream.indirect.gather [hbm4b:s7+s25], $0x50, s0, s25, $0xb8;
	[tilespmem:$0x16480] =	vst v63  }
0x4e: {  	p1 =	sne.s32 s30, $0x9C00;
	_ =	swait.ge [sflag:s22], $0x2800  }
.Ltmp3:
0x4f: {  	[sflag:s22] =	ssyncset.done $0x0;
	(pc) =	sbr.rel @p1 .LBB2_8-.Ltmp3, $4  }
0x50: {  	s0 =	sadd.s32 $0x2780, s0;
	[sflag:s22] =	ssyncadd.s32 $0xFFFFD800  }
0x51: {  	[spmem:s2] =	stream.indirect.scatter.add.f32 [tilespmem:s26], [sflag:$0x1], $0x50, s0, s25, $0xb8;
	[tilespmem:$0x16480] =	vst v63  }
0x52: {  	_ =	swait.ge [sflag:s22], $0x2800  }
0x53: {  	s30 =	smov.u32 s1;
	[sflag:s22] =	ssyncset.done $0x0  }
0x54: {  	s0 =	sshra.s32 s29, $0x2;
	[sflag:s22] =	ssyncadd.s32 $0xFFFFD800  }
0x55: {  	[tilespmem:s26], [sflag:$0x1] =	stream.indirect.gather [hbm4b:s7+s25], $0x50, s0, s25, $0xb8;
	[tilespmem:$0x16480] =	vst v63  }
0x56: {  	_ =	swait.ge [sflag:s22], $0x2800  }
0x57: {  	[sflag:s22] =	ssyncset.done $0x0  }
0x58: {  	s0 =	sadd.s32 $0x2780, s0;
	[sflag:s22] =	ssyncadd.s32 $0xFFFFD800  }
0x59: {  	[spmem:s2] =	stream.indirect.scatter.add.f32 [tilespmem:s26], [sflag:$0x1], $0x50, s0, s25, $0xb8;
	[tilespmem:$0x16480] =	vst v63  }
0x5a: {  	_ =	swait.ge [sflag:s22], $0x2800  }
0x5b: {  	[sflag:s22] =	ssyncset.done $0x0  }
0x5c: {  	s1 =	sshll.u32 s3, $0x6;
	[sflag:s22] =	ssyncadd.s32 $0xFFFFD800  }
0x5d: {  	s29 =	sor.u32 $0x1C01, s1;
	s1 =	sshrl.u32 s14, $0x3;
	[bflag:$0x0] =	sbarrier.arrive $0xFFFF  }
0x5e: {  	[hbm:s20], [sflag:s29] =	dma.local [spmem:s1], $0x18B0  }
0x5f: {  	_ =	swait.ge [sflag:s22], $0x18B0  }
0x60: {  	[sflag:s22] =	ssyncset.done $0x0  }
0x61: {  	[sflag:s22] =	ssyncadd.s32 $0xFFFFE750  }
0x62: {  	[bflag:$0x0] =	sbarrier.arrive $0xFFFF  }
0x63: {  	[spmem:s14] =	stream.linear.scatter [tilespmem:s24], [sflag:$0x1], $0x2800, $0x38;
	[tilespmem:$0x16480] =	vst v63  }
0x64: {  	_ =	swait.ge [sflag:s22], $0x2800  }
0x65: {  	[sflag:s22] =	ssyncset.done $0x0  }
0x66: {  	[sflag:s22] =	ssyncadd.s32 $0xFFFFD800  }
0x67: {  	[spmem:s15] =	stream.linear.scatter [tilespmem:s24], [sflag:$0x1], $0x2800, $0x38;
	[tilespmem:$0x16480] =	vst v63  }
0x68: {  	_ =	swait.ge [sflag:s22], $0x2800  }
0x69: {  	[sflag:s22] =	ssyncset.done $0x0  }
0x6a: {  	[sflag:s22] =	ssyncadd.s32 $0xFFFFD800  }
0x6b: {  	[spmem:s16] =	stream.linear.scatter [tilespmem:s24], [sflag:$0x1], $0x2800, $0x38;
	[tilespmem:$0x16480] =	vst v63  }
0x6c: {  	_ =	swait.ge [sflag:s22], $0x2800  }
0x6d: {  	[sflag:s22] =	ssyncset.done $0x0  }
0x6e: {  	[sflag:s22] =	ssyncadd.s32 $0xFFFFD800  }
0x6f: {  	[spmem:s17] =	stream.linear.scatter [tilespmem:s24], [sflag:$0x1], $0x2800, $0x38;
	[tilespmem:$0x16480] =	vst v63  }
0x70: {  	_ =	swait.ge [sflag:s22], $0x2800  }
0x71: {  	[sflag:s22] =	ssyncset.done $0x0  }
0x72: {  	[sflag:s22] =	ssyncadd.s32 $0xFFFFD800  }
0x73: {  	[spmem:s18] =	stream.linear.scatter [tilespmem:s24], [sflag:$0x1], $0x2580, $0x38;
	[tilespmem:$0x16480] =	vst v63  }
0x74: {  	_ =	swait.ge [sflag:s22], $0x2580  }
0x75: {  	[sflag:s22] =	ssyncset.done $0x0  }
0x76: {  	[sflag:s22] =	ssyncadd.s32 $0xFFFFDA80  }
0x77: {  	s1 =	simm.s32 $0x0;
	[bflag:$0x0] =	sbarrier.arrive $0xFFFF  }
0x78: {  	[tilespmem:s26], [sflag:$0x1] =	stream.indirect.gather [hbm4b:s8+s25], $0x50, s1, s25, $0xb8;
	[tilespmem:$0x16480] =	vst v63  }
0x79: {  	_ =	swait.ge [sflag:s22], $0x2800  }
0x7a: {  	[sflag:s22] =	ssyncset.done $0x0  }
0x7b: {  	s1 =	simm.s32 $0x2780;
	[sflag:s22] =	ssyncadd.s32 $0xFFFFD800  }
0x7c: {  	[spmem:s2] =	stream.indirect.scatter.add.f32 [tilespmem:s26], [sflag:$0x1], $0x50, s1, s25, $0xb8;
	[tilespmem:$0x16480] =	vst v63  }
0x7d: {  	_ =	swait.ge [sflag:s22], $0x2800  }
0x7e: {  	s30 =	simm.s32 $0x200;
	s31 =	simm.s32 $0x400;
	[sflag:s22] =	ssyncset.done $0x0  }
.LBB2_10:
0x7f: {  	s0 =	sshra.s32 s30, $0x2  }
0x80: {  	[sflag:s22] =	ssyncadd.s32 $0xFFFFD800;
	s30 =	smov.u32 s31;
	s1 =	sadd.s32 $0x200, s31  }
0x81: {  	[tilespmem:s26], [sflag:$0x1] =	stream.indirect.gather [hbm4b:s8+s25], $0x50, s0, s25, $0xb8;
	[tilespmem:$0x16480] =	vst v63  }
0x82: {  	p1 =	sne.s32 s31, $0x9C00;
	_ =	swait.ge [sflag:s22], $0x2800  }
.Ltmp4:
0x83: {  	[sflag:s22] =	ssyncset.done $0x0;
	(pc) =	sbr.rel @p1 .LBB2_10-.Ltmp4, $4  }
0x84: {  	s0 =	sadd.s32 $0x2780, s0;
	[sflag:s22] =	ssyncadd.s32 $0xFFFFD800  }
0x85: {  	[spmem:s2] =	stream.indirect.scatter.add.f32 [tilespmem:s26], [sflag:$0x1], $0x50, s0, s25, $0xb8;
	[tilespmem:$0x16480] =	vst v63  }
0x86: {  	_ =	swait.ge [sflag:s22], $0x2800  }
0x87: {  	s31 =	smov.u32 s1;
	[sflag:s22] =	ssyncset.done $0x0  }
.Ltmp5:
0x88: {  	_ = 	snop;
	(pc) =	sbr.rel .LBB2_11-.Ltmp5, $1  }
0x89: {  	_ =	sdelay $0x3  }
.LBB2_2:
0x8a: {  	s29 =	simm.s32 $0x0  }
0x8b: {  	[tilespmem:s26], [sflag:$0x1] =	stream.indirect.gather [hbm4b:s5+s25], $0x50, s29, s25, $0xb8;
	[tilespmem:$0x16480] =	vst v63  }
0x8c: {  	_ =	swait.ge [sflag:s22], $0x2800  }
0x8d: {  	[sflag:s22] =	ssyncset.done $0x0  }
0x8e: {  	s29 =	simm.s32 $0x2780;
	[sflag:s22] =	ssyncadd.s32 $0xFFFFD800  }
0x8f: {  	[spmem:s2] =	stream.indirect.scatter.add.f32 [tilespmem:s26], [sflag:$0x1], $0x50, s29, s25, $0xb8;
	[tilespmem:$0x16480] =	vst v63  }
0x90: {  	_ =	swait.ge [sflag:s22], $0x2800  }
0x91: {  	s30 =	simm.s32 $0x400;
	s29 =	simm.s32 $0x200;
	[sflag:s22] =	ssyncset.done $0x0  }
.LBB2_3:
0x92: {  	s31 =	sshra.s32 s29, $0x2  }
0x93: {  	[sflag:s22] =	ssyncadd.s32 $0xFFFFD800;
	s29 =	smov.u32 s30;
	s0 =	sadd.s32 $0x200, s30  }
0x94: {  	[tilespmem:s26], [sflag:$0x1] =	stream.indirect.gather [hbm4b:s5+s25], $0x50, s31, s25, $0xb8;
	[tilespmem:$0x16480] =	vst v63  }
0x95: {  	p1 =	sne.s32 s30, $0x9C00;
	_ =	swait.ge [sflag:s22], $0x2800  }
.Ltmp6:
0x96: {  	[sflag:s22] =	ssyncset.done $0x0;
	(pc) =	sbr.rel @p1 .LBB2_3-.Ltmp6, $4  }
0x97: {  	s30 =	sadd.s32 $0x2780, s31;
	[sflag:s22] =	ssyncadd.s32 $0xFFFFD800  }
0x98: {  	[spmem:s2] =	stream.indirect.scatter.add.f32 [tilespmem:s26], [sflag:$0x1], $0x50, s30, s25, $0xb8;
	[tilespmem:$0x16480] =	vst v63  }
0x99: {  	_ =	swait.ge [sflag:s22], $0x2800  }
0x9a: {  	s30 =	smov.u32 s0;
	[sflag:s22] =	ssyncset.done $0x0  }
0x9b: {  	s0 =	sshra.s32 s29, $0x2;
	[sflag:s22] =	ssyncadd.s32 $0xFFFFD800  }
0x9c: {  	[tilespmem:s26], [sflag:$0x1] =	stream.indirect.gather [hbm4b:s5+s25], $0x50, s0, s25, $0xb8;
	[tilespmem:$0x16480] =	vst v63  }
0x9d: {  	_ =	swait.ge [sflag:s22], $0x2800  }
0x9e: {  	[sflag:s22] =	ssyncset.done $0x0  }
0x9f: {  	s0 =	sadd.s32 $0x2780, s0;
	[sflag:s22] =	ssyncadd.s32 $0xFFFFD800  }
0xa0: {  	[spmem:s2] =	stream.indirect.scatter.add.f32 [tilespmem:s26], [sflag:$0x1], $0x50, s0, s25, $0xb8;
	[tilespmem:$0x16480] =	vst v63  }
0xa1: {  	_ =	swait.ge [sflag:s22], $0x2800  }
0xa2: {  	[sflag:s22] =	ssyncset.done $0x0  }
0xa3: {  	s1 =	sshll.u32 s3, $0x6;
	[sflag:s22] =	ssyncadd.s32 $0xFFFFD800  }
0xa4: {  	s29 =	sor.u32 $0x1C01, s1;
	s1 =	sshrl.u32 s14, $0x3;
	[bflag:$0x0] =	sbarrier.arrive $0xFFFF  }
0xa5: {  	[hbm:s19], [sflag:s29] =	dma.local [spmem:s1], $0x18B0  }
0xa6: {  	_ =	swait.ge [sflag:s22], $0x18B0  }
0xa7: {  	[sflag:s22] =	ssyncset.done $0x0  }
0xa8: {  	[sflag:s22] =	ssyncadd.s32 $0xFFFFE750  }
0xa9: {  	[bflag:$0x0] =	sbarrier.arrive $0xFFFF  }
0xaa: {  	[spmem:s14] =	stream.linear.scatter [tilespmem:s24], [sflag:$0x1], $0x2800, $0x38;
	[tilespmem:$0x16480] =	vst v63  }
0xab: {  	_ =	swait.ge [sflag:s22], $0x2800  }
0xac: {  	[sflag:s22] =	ssyncset.done $0x0  }
0xad: {  	[sflag:s22] =	ssyncadd.s32 $0xFFFFD800  }
0xae: {  	[spmem:s15] =	stream.linear.scatter [tilespmem:s24], [sflag:$0x1], $0x2800, $0x38;
	[tilespmem:$0x16480] =	vst v63  }
0xaf: {  	_ =	swait.ge [sflag:s22], $0x2800  }
0xb0: {  	[sflag:s22] =	ssyncset.done $0x0  }
0xb1: {  	[sflag:s22] =	ssyncadd.s32 $0xFFFFD800  }
0xb2: {  	[spmem:s16] =	stream.linear.scatter [tilespmem:s24], [sflag:$0x1], $0x2800, $0x38;
	[tilespmem:$0x16480] =	vst v63  }
0xb3: {  	_ =	swait.ge [sflag:s22], $0x2800  }
0xb4: {  	[sflag:s22] =	ssyncset.done $0x0  }
0xb5: {  	[sflag:s22] =	ssyncadd.s32 $0xFFFFD800  }
0xb6: {  	[spmem:s17] =	stream.linear.scatter [tilespmem:s24], [sflag:$0x1], $0x2800, $0x38;
	[tilespmem:$0x16480] =	vst v63  }
0xb7: {  	_ =	swait.ge [sflag:s22], $0x2800  }
0xb8: {  	[sflag:s22] =	ssyncset.done $0x0  }
0xb9: {  	[sflag:s22] =	ssyncadd.s32 $0xFFFFD800  }
0xba: {  	[spmem:s18] =	stream.linear.scatter [tilespmem:s24], [sflag:$0x1], $0x2580, $0x38;
	[tilespmem:$0x16480] =	vst v63  }
0xbb: {  	_ =	swait.ge [sflag:s22], $0x2580  }
0xbc: {  	[sflag:s22] =	ssyncset.done $0x0  }
0xbd: {  	[sflag:s22] =	ssyncadd.s32 $0xFFFFDA80  }
0xbe: {  	s1 =	simm.s32 $0x0;
	[bflag:$0x0] =	sbarrier.arrive $0xFFFF  }
0xbf: {  	[tilespmem:s26], [sflag:$0x1] =	stream.indirect.gather [hbm4b:s6+s25], $0x50, s1, s25, $0xb8;
	[tilespmem:$0x16480] =	vst v63  }
0xc0: {  	_ =	swait.ge [sflag:s22], $0x2800  }
0xc1: {  	[sflag:s22] =	ssyncset.done $0x0  }
0xc2: {  	s1 =	simm.s32 $0x2780;
	[sflag:s22] =	ssyncadd.s32 $0xFFFFD800  }
0xc3: {  	[spmem:s2] =	stream.indirect.scatter.add.f32 [tilespmem:s26], [sflag:$0x1], $0x50, s1, s25, $0xb8;
	[tilespmem:$0x16480] =	vst v63  }
0xc4: {  	_ =	swait.ge [sflag:s22], $0x2800  }
0xc5: {  	s30 =	simm.s32 $0x200;
	s31 =	simm.s32 $0x400;
	[sflag:s22] =	ssyncset.done $0x0  }
.LBB2_5:
0xc6: {  	s0 =	sshra.s32 s30, $0x2  }
0xc7: {  	[sflag:s22] =	ssyncadd.s32 $0xFFFFD800;
	s30 =	smov.u32 s31;
	s1 =	sadd.s32 $0x200, s31  }
0xc8: {  	[tilespmem:s26], [sflag:$0x1] =	stream.indirect.gather [hbm4b:s6+s25], $0x50, s0, s25, $0xb8;
	[tilespmem:$0x16480] =	vst v63  }
0xc9: {  	p1 =	seq.s32 s31, $0x9C00;
	_ =	swait.ge [sflag:s22], $0x2800  }
.Ltmp7:
0xca: {  	[sflag:s22] =	ssyncset.done $0x0;
	(pc) =	sbr.rel @!p1 .LBB2_5-.Ltmp7, $4  }
0xcb: {  	s0 =	sadd.s32 $0x2780, s0;
	[sflag:s22] =	ssyncadd.s32 $0xFFFFD800  }
0xcc: {  	[spmem:s2] =	stream.indirect.scatter.add.f32 [tilespmem:s26], [sflag:$0x1], $0x50, s0, s25, $0xb8;
	[tilespmem:$0x16480] =	vst v63  }
0xcd: {  	_ =	swait.ge [sflag:s22], $0x2800  }
0xce: {  	s31 =	smov.u32 s1;
	[sflag:s22] =	ssyncset.done $0x0  }
0xcf: {  	s0 =	sshra.s32 s30, $0x2;
	[sflag:s22] =	ssyncadd.s32 $0xFFFFD800  }
0xd0: {  	[tilespmem:s26], [sflag:$0x1] =	stream.indirect.gather [hbm4b:s6+s25], $0x50, s0, s25, $0xb8;
	[tilespmem:$0x16480] =	vst v63  }
0xd1: {  	_ =	swait.ge [sflag:s22], $0x2800  }
0xd2: {  	[sflag:s22] =	ssyncset.done $0x0  }
.Ltmp8:
0xd3: {  	s0 =	sadd.s32 $0x2780, s0;
	[sflag:s22] =	ssyncadd.s32 $0xFFFFD800;
	(pc) =	sbr.rel .LBB2_12-.Ltmp8, $4  }
0xd4: {  	[spmem:s2] =	stream.indirect.scatter.add.f32 [tilespmem:s26], [sflag:$0x1], $0x50, s0, s25, $0xb8;
	[tilespmem:$0x16480] =	vst v63  }
0xd5: {  	_ =	swait.ge [sflag:s22], $0x2800  }
0xd6: {  	[sflag:s22] =	ssyncset.done $0x0  }
0xd7: {  	s30 =	smov.u32 s10;
	[sflag:s22] =	ssyncadd.s32 $0xFFFFD800  }
.LBB2_13:
0xd8: {  	_ =	sfence.sel $0x180000  }
0xd9: {  	[bflag:$0x0] =	sbarrier.arrive $0xFFFF  }
0xda: {  	_ =	strace $0x90000050  }
0xdb: {  	[bflag:$0x2] =	sbarrier.arrive $0xFFFF  }
0xdc: {  	p0 =	sne.s32 s3, $0x0;
	s0 =	rddreg [dreg:$0x3]  }
0xdd: {  	s0 =	sadd.s32 @!p0 $0x100000, s0  }
0xde: {  	[sflag:s0] =	ssyncadd.tile.s32 @!p0 $0x1;
	_ =	shalt  }
.Lfunc_end2:
_tile_overlayer_lowered:
.L_overlay_start_2:
0xdf: {  	(tag) =	ssettag $0x2  }
0xe0: {  	s0 =	rddreg [dreg:$0x0];
	s2 =	stileid.u32  }
0xe1: {  	s1 =	rddreg [dreg:$0x1];
	p0 =	sne.s32 s2, $0x0  }
0xe2: {  	s3 =	rddreg [dreg:$0x2];
	[bflag:$0x3] =	sbarrier.arrive $0xFFFF;
	s2 =	simm.s32 @!p0 $0x1C01  }
0xe3: {  	[timem:s3], [sflag:s2] =	dma.local @!p0 [hbm:s0], s1  }
0xe4: {  	s0 =	simm.s32 @!p0 $0x1  }
0xe5: {  	_ =	swait.ge @!p0 [sflag:s0], s1  }
0xe6: {  	s1 =	ssub.s32 @!p0 $0x0, s1;
	[sflag:s0] =	ssyncset.done @!p0 $0x0  }
0xe7: {  	[sflag:s0] =	ssyncadd.s32 @!p0 s1  }
0xe8: {  	[bflag:$0x3] =	sbarrier.arrive $0xFFFF  }
0xe9: {  	_ =	shalt  }

// kernel: kernel.24.cloned.1.call-start
scs
__scs_entry_jumppad:
0x0: {  	(pc) =	sbr.rel $0x88, $3  }
0x1: {  	(tag) =	ssettag $0x0;
	lr =	simm.s32 $0x1  }
0x2: {  	[smem:$0x3F95] =	sst lr;
	_ =	strace $0xD0000000  }
0x3: {  	_ = 	snop  }
0x4: {  	_ = 	snop  }
0x5: {  	_ = 	snop  }
0x6: {  	_ = 	snop  }
0x7: {  	_ = 	snop  }
__scs_overlays_trampoline_lowered:
0x8: {  	[smem:$0x3FA4] =	sst s0  }
0x9: {  	[smem:$0x3FA5] =	sst s1  }
0xa: {  	[smem:$0x3FA6] =	sst s2  }
0xb: {  	[smem:$0x3FA7] =	sst s3  }
0xc: {  	[smem:$0x3FA8] =	sst s4  }
0xd: {  	[smem:$0x3FA9] =	sst s5  }
0xe: {  	[smem:$0x3FAA] =	sst s6  }
0xf: {  	[smem:$0x3FAB] =	sst s7  }
0x10: {  	[smem:$0x3FAC] =	sst s8  }
0x11: {  	[smem:$0x3FAD] =	sst s9;
	s0 =	simm.s32 @!p0 $0x0  }
0x12: {  	s1 =	sld [smem:$0x3F93];
	s0 =	simm.s32 @p0 $0x1  }
0x13: {  	[smem:$0x3FAE] =	sst s0;
	s0 =	simm.s32 @!p1 $0x0  }
0x14: {  	s2 =	sld [smem:$0x3F92];
	s0 =	simm.s32 @p1 $0x1  }
0x15: {  	[smem:$0x3FAF] =	sst s0;
	s0 =	simm.s32 @!p2 $0x0  }
0x16: {  	s3 =	sld [smem:$0x3FDB];
	s0 =	simm.s32 @p2 $0x1  }
0x17: {  	s4 =	simm.s32 $0x1BF5;
	[smem:$0x3FB1] =	sst s0  }
0x18: {  	s0 =	sld [smem:$0x3F94];
	_ =	swait.ge [sflag:s4], $0x0  }
0x19: {  	s7 =	sld [smem:$0x3F95]  }
0x1a: {  	s8 =	sadd.s32 $0xFFFFE003, lr  }
0x1b: {  	s9 =	sadd.s32 $0xFFFFFEF7, lr;
	s5 =	simm.s32 $0xFFFFFFFF;
	p2 =	slt.u32 s8, $0xFFFFF086  }
0x1c: {  	p1 =	slt.u32 s9, $0xF7A;
	s5 =	simm.s32 @!p2 $0x0  }
0x1d: {  	s5 =	simm.s32 @p1 $0x1;
	p0 =	seq.s32 s7, s2  }
0x1e: {  	s7 =	smul.u32 @!p0 $0xF7A, s2;
	p2 =	seq.s32 @!p0 s5, $0x0  }
0x1f: {  	s9 =	smul.u32 $0xF7A, s1;
	s8 =	simm.s32 @!p0 $0x1BF5;
	p2 =	por !p2, p0  }
0x20: {  	[sflag:s8] =	ssyncset.s32 @!p0 $0xFFFFF086;
	s6 =	sadd.s32 @!p0 s3, s7;
	s7 =	simm.s32 @!p0 $0x108  }
0x21: {  	s3 =	sadd.s32 s3, s9;
	s6 =	sadd.s32 @!p0 $0x88, s6;
	s7 =	simm.s32 @p2 $0x1082  }
0x22: {  	[simem:s7], [sflag:s8] =	dma.local @!p0 [hbm:s6], $0xF7A  }
0x23: {  	s9 =	sor.u32 $0xD0000000, s2;
	s6 =	simm.s32 $0x108;
	_ =	swait.ge @!p0 [sflag:s8], $0x0  }
0x24: {  	s3 =	sadd.s32 $0x88, s3;
	s6 =	simm.s32 @!p1 $0x1082;
	[sflag:s4] =	ssyncset.s32 $0xFFFFF086  }
0x25: {  	[simem:s6], [sflag:s4] =	dma.local [hbm:s3], $0xF7A  }
0x26: {  	[smem:$0x3F95] =	sst s1;
	(tag) =	ssettag s2;
	_ =	strace s9  }
0x27: {  	s1 =	sld [smem:$0x3FA5]  }
0x28: {  	s2 =	sld [smem:$0x3FA6]  }
0x29: {  	s4 =	sld [smem:$0x3FA8]  }
0x2a: {  	p0 =	seq.s32 s5, $0x0;
	s5 =	sld [smem:$0x3FA9]  }
0x2b: {  	s6 =	sld [smem:$0x3FAA]  }
0x2c: {  	s7 =	sld [smem:$0x3FAB]  }
0x2d: {  	s3 =	simm.s32 $0x108;
	s8 =	sld [smem:$0x3FAC]  }
0x2e: {  	s3 =	simm.s32 @!p0 $0x1082;
	s9 =	sld [smem:$0x3FAD]  }
0x2f: {  	lr =	sadd.s32 s0, s3;
	s0 =	sld [smem:$0x3FA4]  }
0x30: {  	s3 =	sld [smem:$0x3FA7]  }
0x31: {  	[smem:$0x3FB0] =	sst s10  }
0x32: {  	s10 =	sld [smem:$0x3FAE];
	_ =	sdelay $0x3  }
0x33: {  	p0 =	seq.s32 s10, $0x1;
	s10 =	sld [smem:$0x3FB0];
	_ =	sdelay $0x3  }
0x34: {  	[smem:$0x3FB0] =	sst s10  }
0x35: {  	s10 =	sld [smem:$0x3FAF];
	_ =	sdelay $0x3  }
0x36: {  	p1 =	seq.s32 s10, $0x1;
	s10 =	sld [smem:$0x3FB0];
	_ =	sdelay $0x3  }
0x37: {  	[smem:$0x3FB0] =	sst s10  }
0x38: {  	s10 =	sld [smem:$0x3FB1]  }
0x39: {  	_ = 	snop;
	(pc) =	sbr.ind lr, $3  }
0x3a: {  	_ = 	snop  }
0x3b: {  	_ = 	snop  }
0x3c: {  	p2 =	seq.s32 s10, $0x1;
	s10 =	sld [smem:$0x3FB0]  }
0x3d: {  	_ =	shalt  }
0x3e: {  	_ =	shalt  }
0x3f: {  	_ =	shalt  }
0x40: {  	_ =	shalt  }
0x41: {  	_ =	shalt  }
0x42: {  	_ =	shalt  }
0x43: {  	_ =	shalt  }
0x44: {  	_ =	shalt  }
0x45: {  	_ =	shalt  }
0x46: {  	_ =	shalt  }
0x47: {  	_ =	shalt  }
0x48: {  	_ =	shalt  }
0x49: {  	_ =	shalt  }
0x4a: {  	_ =	shalt  }
0x4b: {  	_ =	shalt  }
0x4c: {  	_ =	shalt  }
0x4d: {  	_ =	shalt  }
0x4e: {  	_ =	shalt  }
0x4f: {  	_ =	shalt  }
0x50: {  	_ =	shalt  }
0x51: {  	_ =	shalt  }
0x52: {  	_ =	shalt  }
0x53: {  	_ =	shalt  }
0x54: {  	_ =	shalt  }
0x55: {  	_ =	shalt  }
0x56: {  	_ =	shalt  }
0x57: {  	_ =	shalt  }
0x58: {  	_ =	shalt  }
0x59: {  	_ =	shalt  }
0x5a: {  	_ =	shalt  }
0x5b: {  	_ =	shalt  }
0x5c: {  	_ =	shalt  }
0x5d: {  	_ =	shalt  }
0x5e: {  	_ =	shalt  }
0x5f: {  	_ =	shalt  }
0x60: {  	_ =	shalt  }
0x61: {  	_ =	shalt  }
0x62: {  	_ =	shalt  }
0x63: {  	_ =	shalt  }
0x64: {  	_ =	shalt  }
0x65: {  	_ =	shalt  }
0x66: {  	_ =	shalt  }
0x67: {  	_ =	shalt  }
0x68: {  	_ =	shalt  }
0x69: {  	_ =	shalt  }
0x6a: {  	_ =	shalt  }
0x6b: {  	_ =	shalt  }
0x6c: {  	_ =	shalt  }
0x6d: {  	_ =	shalt  }
0x6e: {  	_ =	shalt  }
0x6f: {  	_ =	shalt  }
0x70: {  	_ =	shalt  }
0x71: {  	_ =	shalt  }
0x72: {  	_ =	shalt  }
0x73: {  	_ =	shalt  }
0x74: {  	_ =	shalt  }
0x75: {  	_ =	shalt  }
0x76: {  	_ =	shalt  }
0x77: {  	_ =	shalt  }
0x78: {  	_ =	shalt  }
0x79: {  	_ =	shalt  }
0x7a: {  	_ =	shalt  }
0x7b: {  	_ =	shalt  }
0x7c: {  	_ =	shalt  }
0x7d: {  	_ =	shalt  }
0x7e: {  	_ =	shalt  }
0x7f: {  	_ =	shalt  }
0x80: {  	_ =	shalt  }
0x81: {  	_ =	shalt  }
0x82: {  	_ =	shalt  }
0x83: {  	_ =	shalt  }
0x84: {  	_ =	shalt  }
0x85: {  	_ =	shalt  }
0x86: {  	_ =	shalt  }
0x87: {  	_ =	shalt  }
.Lfunc_end0:
.L_simem_size_0:
called_computation.4_lowered:
.L_overlay_start_0:
0x88: {  	s2 =	sld [smem:$0x3FD9]  }
0x89: {  	s3 =	sld [smem:$0x3FFE];
	_ =	sdelay $0x1  }
0x8a: {  	s1 =	srdreg.scid  }
0x8b: {  	s0 =	sand.u32 $0x1, s1  }
0x8c: {  	s17 =	sshll.u32 s0, $0xA;
	s2 =	sadd.s32 s3, s2  }
0x8d: {  	s2 =	sadd.s32 s2, s17  }
0x8e: {  	[smem:$0x3FBC] =	sst s2  }
0x8f: {  	_ = 	snop  }
0x90: {  	s2 =	sld [smem:$0x3FD0];
	(tm) =	ssettm $0x1  }
0x91: {  	s18 =	sld [smem:$0x3FFB];
	_ =	sdelay $0x3  }
0x92: {  	_ =	strace s18  }
0x93: {  	s3 =	sld [smem:$0x3FFC];
	_ =	sdelay $0x3  }
0x94: {  	_ =	strace s3  }
0x95: {  	s3 =	sld [smem:$0x3FFD];
	_ =	sdelay $0x3  }
0x96: {  	_ =	strace s3  }
0x97: {  	_ =	strace $0x8FFFFFFF  }
0x98: {  	s19 =	sld [smem:$0x3FDB];
	_ =	sdelay $0x1  }
0x99: {  	s4 =	simm.s32 $_scs_section_size  }
0x9a: {  	s5 =	simm.s32 $_size__tile_overlayer_lowered;
	s6 =	simm.s32 $_tile_overlayer_lowered  }
0x9b: {  	s22 =	simm.s32 $0x1BFF;
	s21 =	sshll.u32 s6, $0x1;
	s3 =	sadd.s32 s4, s19  }
0x9c: {  	s7 =	simm.s32 $0x0;
	s20 =	sshll.u32 s5, $0x1;
	s5 =	sadd.s32 s21, s3  }
0x9d: {  	[timem:s7], [sflag:s22] =	dma.local [hbm:s5], s20  }
0x9e: {  	_ =	swait.ge [sflag:s22], s20  }
0x9f: {  	s4 =	ssub.s32 $0x0, s20;
	[sflag:s22] =	ssyncset.done $0x0  }
0xa0: {  	[sflag:s22] =	ssyncadd.s32 s4;
	_ =	sdelay $0x1  }
0xa1: {  	s23 =	simm.s32 $0x1B8B  }
0xa2: {  	_ =	swait.ge [sflag:s23], $0x1  }
0xa3: {  	[sflag:s23] =	ssyncset.done $0x0  }
0xa4: {  	s25 =	simm.s32 $0x1B8E;
	s24 =	sld [smem:$0x3FFE];
	[sflag:s23] =	ssyncadd.s32 $0xFFFFFFFF  }
0xa5: {  	s26 =	simm.s32 $execute0_lowered;
	[smem:$0x3FD2] =	sst s25  }
0xa6: {  	s5 =	sshll.u32 s26, $0x1;
	_ =	strace $0x80000052;
	[dreg:$0x1] =	wrdreg $0xFFFFFFFF  }
0xa7: {  	s28 =	simm.s32 $_size_execute0_lowered;
	s3 =	sadd.s32 s3, s5;
	[dreg:$0x0] =	wrdreg $0x0  }
0xa8: {  	s5 =	sshll.u32 s28, $0x1;
	[dreg:$0x2] =	wrdreg s3  }
0xa9: {  	[dreg:$0x3] =	wrdreg s5  }
0xaa: {  	[dreg:$0x4] =	wrdreg $0xC0  }
0xab: {  	_ =	task [dreg:s7], $0x5FFFF  }
0xac: {  	[dreg:$0x1] =	wrdreg $0xFFFFFFFF  }
0xad: {  	[dreg:$0x0] =	wrdreg $0x60  }
0xae: {  	[dreg:$0x2] =	wrdreg s24  }
0xaf: {  	[dreg:$0x3] =	wrdreg s2  }
0xb0: {  	[dreg:$0x4] =	wrdreg $0x9F000  }
0xb1: {  	[dreg:$0x5] =	wrdreg $0x9  }
0xb2: {  	_ =	task.clear_ibuf [dreg:s7], $0x6FFFF;
	_ =	strace $0x90000052  }
0xb3: {  	s29 =	simm.s32 $0x9;
	_ =	strace $0x80000054  }
0xb4: {  	_ =	swait.ge [sflag:s29], $0x1  }
0xb5: {  	[sflag:s29] =	ssyncadd.s32 $0xFFFFFFFF  }
0xb6: {  	_ =	strace $0x90000054  }
0xb7: {  	_ =	sfence  }
0xb8: {  	s30 =	sld [smem:$0x0];
	_ =	sdelay $0x2  }
0xb9: {  	s31 =	sshll.u32 s1, $0xD;
	s1 =	sshrl.u32 s1, $0x2  }
0xba: {  	s3 =	sand.u32 $0x4000, s31;
	s1 =	sadd.s32 s1, s30  }
0xbb: {  	s0 =	sor.u32 s3, s0;
	s1 =	sshll.u32 s1, $0x11  }
0xbc: {  	s0 =	sor.u32 s1, s0  }
0xbd: {  	s0 =	sadd.s32 $0x8F2B, s0  }
0xbe: {  	[sflag:s0] =	ssyncadd.remote.s32 $0x1  }
0xbf: {  	_ =	sfence.sel $0xFFFF  }
0xc0: {  	[dreg:$0x0] =	wrdreg $0xFFFFFFFF;
	(pc) =	sbr.abs _section_cstart, $3  }
0xc1: {  	[dreg:$0x1] =	wrdreg $0xFFFFFFFF  }
0xc2: {  	_ =	task.clear_ibuf [dreg:s7], $0x2FFFF;
	_ =	strace $0x9FFFFFFF  }
0xc3: {  	(tm) =	ssettm $0x7FFFFFFF  }
tec
execute0_lowered:
.L_overlay_start_1:
0x0: {  	(tag) =	ssettag $0x1  }
0x1: {  	s11 =	rddreg [dreg:$0x0]  }
0x2: {  	s2 =	rddreg [dreg:$0x2];
	s4 =	simm.s32 $0x0;
	s3 =	stileid.u32  }
0x3: {  	s10 =	srdreg.scid;
	s22 =	simm.s32 $0x1;
	s23 =	simm.s32 $0x2780  }
0x4: {  	s24 =	simm.s32 $0x7700;
	s25 =	simm.s32 $0x80;
	s26 =	simm.s32 $0x4F00  }
0x5: {  	s28 =	simm.s32 $0x0;
	[smem:$0x7FF] =	sst s4;
	s5 =	sadd.s32 $0x13AE00, s11  }
0x6: {  	s6 =	sadd.s32 $0x21200, s11;
	s9 =	smul.u32 $0x4F0, s3;
	s7 =	sadd.s32 $0x8600, s11  }
0x7: {  	s14 =	smul.u32 $0xC580, s3;
	s8 =	sadd.s32 $0x153A00, s11;
	s15 =	sand.u32 $0x1, s10  }
0x8: {  	s16 =	smul.u32 $0x31600, s3;
	s10 =	sadd.s32 $0x6B600, s11;
	_ =	strace $0x80000053  }
0x9: {  	s12 =	ssub.s32 $0x2, s15;
	p0 =	seq.s32 s15, $0x1;
	s13 =	sadd.s32 s9, s11  }
0xa: {  	s9 =	sshrl.u32 s14, $0x3;
	s17 =	sshrl.u32 s12, $0x1;
	s16 =	sshrl.u32 s16, $0x2  }
.Ltmp0:
0xb: {  	s14 =	sadd.s32 s14, s2;
	s20 =	sadd.s32 s9, s11;
	(pc) =	sbr.rel .LBB2_1-.Ltmp0, $4  }
0xc: {  	s21 =	ssub.s32 s12, s17;
	s12 =	sadd.s32 $0x10E600, s13;
	s18 =	sadd.s32 s16, s2  }
0xd: {  	s11 =	sadd.s32 $0x39E00, s11;
	s13 =	sadd.s32 $0x109600, s13;
	s15 =	sadd.s32 $0x2800, s18  }
0xe: {  	s16 =	sadd.s32 $0x5000, s18;
	s17 =	sadd.s32 $0x7800, s18;
	s18 =	sadd.s32 $0xA000, s18  }
0xf: {  	s19 =	sadd.s32 $0x84200, s20;
	s20 =	sadd.s32 $0x52A00, s20;
	s21 =	smax.u32 s21, $0x1  }
.LBB2_11:
0x10: {  	s0 =	sshra.s32 s30, $0x2;
	[sflag:s22] =	ssyncadd.s32 $0xFFFFD800  }
0x11: {  	[tilespmem:s26], [sflag:$0x1] =	stream.indirect.gather [hbm4b:s8+s25], $0x50, s0, s25, $0xb8;
	[tilespmem:$0x16480] =	vst v63  }
0x12: {  	_ =	swait.ge [sflag:s22], $0x2800  }
0x13: {  	[sflag:s22] =	ssyncset.done $0x0  }
0x14: {  	s0 =	sadd.s32 $0x2780, s0;
	[sflag:s22] =	ssyncadd.s32 $0xFFFFD800  }
0x15: {  	[spmem:s2] =	stream.indirect.scatter.add.f32 [tilespmem:s26], [sflag:$0x1], $0x50, s0, s25, $0xb8;
	[tilespmem:$0x16480] =	vst v63  }
0x16: {  	_ =	swait.ge [sflag:s22], $0x2800  }
0x17: {  	[sflag:s22] =	ssyncset.done $0x0  }
0x18: {  	s30 =	smov.u32 s11;
	[sflag:s22] =	ssyncadd.s32 $0xFFFFD800  }
.LBB2_12:
0x19: {  	s0 =	sadd.s32 s30, s9  }
0x1a: {  	[bflag:$0x0] =	sbarrier.arrive $0xFFFF;
	s1 =	sshrl.u32 s14, $0x3;
	s28 =	sadd.s32 $0x1, s28  }
0x1b: {  	[hbm:s0], [sflag:s29] =	dma.local [spmem:s1], $0x18B0  }
0x1c: {  	p1 =	sne.s32 s28, s21  }
.Ltmp1:
0x1d: {  	_ =	swait.ge [sflag:s22], $0x18B0;
	(pc) =	sbr.rel @!p1 .LBB2_13-.Ltmp1, $3  }
0x1e: {  	[sflag:s22] =	ssyncset.done $0x0  }
0x1f: {  	[sflag:s22] =	ssyncadd.s32 $0xFFFFE750  }
0x20: {  	[bflag:$0x0] =	sbarrier.arrive $0xFFFF;
	_ =	sdelay $0x1  }
.LBB2_1:
0x21: {  	[tilespmem:s4], [sflag:$0x1] =	stream.linear.gather [hbm4b:s12+s4], $0x2780, $0x38;
	[tilespmem:$0x16480] =	vst v63  }
0x22: {  	_ =	swait.ge [sflag:s22], $0x2780  }
0x23: {  	[sflag:s22] =	ssyncset.done $0x0  }
0x24: {  	[sflag:s22] =	ssyncadd.s32 $0xFFFFD880  }
0x25: {  	[tilespmem:s23], [sflag:$0x1] =	stream.linear.gather [hbm4b:s13+s4], $0x2780, $0x38;
	[tilespmem:$0x16480] =	vst v63  }
0x26: {  	_ =	swait.ge [sflag:s22], $0x2780  }
0x27: {  	[sflag:s22] =	ssyncset.done $0x0  }
0x28: {  	[sflag:s22] =	ssyncadd.s32 $0xFFFFD880  }
0x29: {  	s0 =	rddreg [dreg:$0x1]  }
0x2a: {  	[tilespmem:s24], [sflag:$0x1] =	stream.linear.gather [hbm4b:s0+s4], $0x2800, $0x38;
	[tilespmem:$0x16480] =	vst v63  }
0x2b: {  	_ =	swait.ge [sflag:s22], $0x2800  }
0x2c: {  	[sflag:s22] =	ssyncset.done $0x0  }
0x2d: {  	[sflag:s22] =	ssyncadd.s32 $0xFFFFD800  }
0x2e: {  	[spmem:s14] =	stream.linear.scatter [tilespmem:s24], [sflag:$0x1], $0x2800, $0x38;
	[tilespmem:$0x16480] =	vst v63  }
0x2f: {  	_ =	swait.ge [sflag:s22], $0x2800  }
0x30: {  	[sflag:s22] =	ssyncset.done $0x0  }
0x31: {  	[sflag:s22] =	ssyncadd.s32 $0xFFFFD800  }
0x32: {  	[spmem:s15] =	stream.linear.scatter [tilespmem:s24], [sflag:$0x1], $0x2800, $0x38;
	[tilespmem:$0x16480] =	vst v63  }
0x33: {  	_ =	swait.ge [sflag:s22], $0x2800  }
0x34: {  	[sflag:s22] =	ssyncset.done $0x0  }
0x35: {  	[sflag:s22] =	ssyncadd.s32 $0xFFFFD800  }
0x36: {  	[spmem:s16] =	stream.linear.scatter [tilespmem:s24], [sflag:$0x1], $0x2800, $0x38;
	[tilespmem:$0x16480] =	vst v63  }
0x37: {  	_ =	swait.ge [sflag:s22], $0x2800  }
0x38: {  	[sflag:s22] =	ssyncset.done $0x0  }
0x39: {  	[sflag:s22] =	ssyncadd.s32 $0xFFFFD800  }
0x3a: {  	[spmem:s17] =	stream.linear.scatter [tilespmem:s24], [sflag:$0x1], $0x2800, $0x38;
	[tilespmem:$0x16480] =	vst v63  }
0x3b: {  	_ =	swait.ge [sflag:s22], $0x2800  }
0x3c: {  	[sflag:s22] =	ssyncset.done $0x0  }
0x3d: {  	[sflag:s22] =	ssyncadd.s32 $0xFFFFD800  }
0x3e: {  	[spmem:s18] =	stream.linear.scatter [tilespmem:s24], [sflag:$0x1], $0x2580, $0x38;
	[tilespmem:$0x16480] =	vst v63  }
.Ltmp2:
0x3f: {  	_ =	swait.ge [sflag:s22], $0x2580;
	(pc) =	sbr.rel @!p0 .LBB2_2-.Ltmp2, $3  }
0x40: {  	[sflag:s22] =	ssyncset.done $0x0  }
0x41: {  	[sflag:s22] =	ssyncadd.s32 $0xFFFFDA80  }
0x42: {  	[bflag:$0x0] =	sbarrier.arrive $0xFFFF;
	_ =	sdelay $0x1  }
0x43: {  	s0 =	simm.s32 $0x0  }
0x44: {  	[tilespmem:s26], [sflag:$0x1] =	stream.indirect.gather [hbm4b:s7+s25], $0x50, s0, s25, $0xb8;
	[tilespmem:$0x16480] =	vst v63  }
0x45: {  	_ =	swait.ge [sflag:s22], $0x2800  }
0x46: {  	[sflag:s22] =	ssyncset.done $0x0  }
0x47: {  	s31 =	simm.s32 $0x2780;
	[sflag:s22] =	ssyncadd.s32 $0xFFFFD800  }
0x48: {  	[spmem:s2] =	stream.indirect.scatter.add.f32 [tilespmem:s26], [sflag:$0x1], $0x50, s31, s25, $0xb8;
	[tilespmem:$0x16480] =	vst v63  }
0x49: {  	_ =	swait.ge [sflag:s22], $0x2800  }
0x4a: {  	s29 =	simm.s32 $0x200;
	s30 =	simm.s32 $0x400;
	[sflag:s22] =	ssyncset.done $0x0  }
.LBB2_8:
0x4b: {  	s0 =	sshra.s32 s29, $0x2  }
0x4c: {  	[sflag:s22] =	ssyncadd.s32 $0xFFFFD800;
	s29 =	smov.u32 s30;
	s1 =	sadd.s32 $0x200, s30  }
0x4d: {  	[tilespmem:s26], [sflag:$0x1] =	stream.indirect.gather [hbm4b:s7+s25], $0x50, s0, s25, $0xb8;
	[tilespmem:$0x16480] =	vst v63  }
0x4e: {  	p1 =	sne.s32 s30, $0x9C00;
	_ =	swait.ge [sflag:s22], $0x2800  }
.Ltmp3:
0x4f: {  	[sflag:s22] =	ssyncset.done $0x0;
	(pc) =	sbr.rel @p1 .LBB2_8-.Ltmp3, $4  }
0x50: {  	s0 =	sadd.s32 $0x2780, s0;
	[sflag:s22] =	ssyncadd.s32 $0xFFFFD800  }
0x51: {  	[spmem:s2] =	stream.indirect.scatter.add.f32 [tilespmem:s26], [sflag:$0x1], $0x50, s0, s25, $0xb8;
	[tilespmem:$0x16480] =	vst v63  }
0x52: {  	_ =	swait.ge [sflag:s22], $0x2800  }
0x53: {  	s30 =	smov.u32 s1;
	[sflag:s22] =	ssyncset.done $0x0  }
0x54: {  	s0 =	sshra.s32 s29, $0x2;
	[sflag:s22] =	ssyncadd.s32 $0xFFFFD800  }
0x55: {  	[tilespmem:s26], [sflag:$0x1] =	stream.indirect.gather [hbm4b:s7+s25], $0x50, s0, s25, $0xb8;
	[tilespmem:$0x16480] =	vst v63  }
0x56: {  	_ =	swait.ge [sflag:s22], $0x2800  }
0x57: {  	[sflag:s22] =	ssyncset.done $0x0  }
0x58: {  	s0 =	sadd.s32 $0x2780, s0;
	[sflag:s22] =	ssyncadd.s32 $0xFFFFD800  }
0x59: {  	[spmem:s2] =	stream.indirect.scatter.add.f32 [tilespmem:s26], [sflag:$0x1], $0x50, s0, s25, $0xb8;
	[tilespmem:$0x16480] =	vst v63  }
0x5a: {  	_ =	swait.ge [sflag:s22], $0x2800  }
0x5b: {  	[sflag:s22] =	ssyncset.done $0x0  }
0x5c: {  	s1 =	sshll.u32 s3, $0x6;
	[sflag:s22] =	ssyncadd.s32 $0xFFFFD800  }
0x5d: {  	s29 =	sor.u32 $0x1C01, s1;
	s1 =	sshrl.u32 s14, $0x3;
	[bflag:$0x0] =	sbarrier.arrive $0xFFFF  }
0x5e: {  	[hbm:s20], [sflag:s29] =	dma.local [spmem:s1], $0x18B0  }
0x5f: {  	_ =	swait.ge [sflag:s22], $0x18B0  }
0x60: {  	[sflag:s22] =	ssyncset.done $0x0  }
0x61: {  	[sflag:s22] =	ssyncadd.s32 $0xFFFFE750  }
0x62: {  	[bflag:$0x0] =	sbarrier.arrive $0xFFFF  }
0x63: {  	[spmem:s14] =	stream.linear.scatter [tilespmem:s24], [sflag:$0x1], $0x2800, $0x38;
	[tilespmem:$0x16480] =	vst v63  }
0x64: {  	_ =	swait.ge [sflag:s22], $0x2800  }
0x65: {  	[sflag:s22] =	ssyncset.done $0x0  }
0x66: {  	[sflag:s22] =	ssyncadd.s32 $0xFFFFD800  }
0x67: {  	[spmem:s15] =	stream.linear.scatter [tilespmem:s24], [sflag:$0x1], $0x2800, $0x38;
	[tilespmem:$0x16480] =	vst v63  }
0x68: {  	_ =	swait.ge [sflag:s22], $0x2800  }
0x69: {  	[sflag:s22] =	ssyncset.done $0x0  }
0x6a: {  	[sflag:s22] =	ssyncadd.s32 $0xFFFFD800  }
0x6b: {  	[spmem:s16] =	stream.linear.scatter [tilespmem:s24], [sflag:$0x1], $0x2800, $0x38;
	[tilespmem:$0x16480] =	vst v63  }
0x6c: {  	_ =	swait.ge [sflag:s22], $0x2800  }
0x6d: {  	[sflag:s22] =	ssyncset.done $0x0  }
0x6e: {  	[sflag:s22] =	ssyncadd.s32 $0xFFFFD800  }
0x6f: {  	[spmem:s17] =	stream.linear.scatter [tilespmem:s24], [sflag:$0x1], $0x2800, $0x38;
	[tilespmem:$0x16480] =	vst v63  }
0x70: {  	_ =	swait.ge [sflag:s22], $0x2800  }
0x71: {  	[sflag:s22] =	ssyncset.done $0x0  }
0x72: {  	[sflag:s22] =	ssyncadd.s32 $0xFFFFD800  }
0x73: {  	[spmem:s18] =	stream.linear.scatter [tilespmem:s24], [sflag:$0x1], $0x2580, $0x38;
	[tilespmem:$0x16480] =	vst v63  }
0x74: {  	_ =	swait.ge [sflag:s22], $0x2580  }
0x75: {  	[sflag:s22] =	ssyncset.done $0x0  }
0x76: {  	[sflag:s22] =	ssyncadd.s32 $0xFFFFDA80  }
0x77: {  	s1 =	simm.s32 $0x0;
	[bflag:$0x0] =	sbarrier.arrive $0xFFFF  }
0x78: {  	[tilespmem:s26], [sflag:$0x1] =	stream.indirect.gather [hbm4b:s8+s25], $0x50, s1, s25, $0xb8;
	[tilespmem:$0x16480] =	vst v63  }
0x79: {  	_ =	swait.ge [sflag:s22], $0x2800  }
0x7a: {  	[sflag:s22] =	ssyncset.done $0x0  }
0x7b: {  	s1 =	simm.s32 $0x2780;
	[sflag:s22] =	ssyncadd.s32 $0xFFFFD800  }
0x7c: {  	[spmem:s2] =	stream.indirect.scatter.add.f32 [tilespmem:s26], [sflag:$0x1], $0x50, s1, s25, $0xb8;
	[tilespmem:$0x16480] =	vst v63  }
0x7d: {  	_ =	swait.ge [sflag:s22], $0x2800  }
0x7e: {  	s30 =	simm.s32 $0x200;
	s31 =	simm.s32 $0x400;
	[sflag:s22] =	ssyncset.done $0x0  }
.LBB2_10:
0x7f: {  	s0 =	sshra.s32 s30, $0x2  }
0x80: {  	[sflag:s22] =	ssyncadd.s32 $0xFFFFD800;
	s30 =	smov.u32 s31;
	s1 =	sadd.s32 $0x200, s31  }
0x81: {  	[tilespmem:s26], [sflag:$0x1] =	stream.indirect.gather [hbm4b:s8+s25], $0x50, s0, s25, $0xb8;
	[tilespmem:$0x16480] =	vst v63  }
0x82: {  	p1 =	sne.s32 s31, $0x9C00;
	_ =	swait.ge [sflag:s22], $0x2800  }
.Ltmp4:
0x83: {  	[sflag:s22] =	ssyncset.done $0x0;
	(pc) =	sbr.rel @p1 .LBB2_10-.Ltmp4, $4  }
0x84: {  	s0 =	sadd.s32 $0x2780, s0;
	[sflag:s22] =	ssyncadd.s32 $0xFFFFD800  }
0x85: {  	[spmem:s2] =	stream.indirect.scatter.add.f32 [tilespmem:s26], [sflag:$0x1], $0x50, s0, s25, $0xb8;
	[tilespmem:$0x16480] =	vst v63  }
0x86: {  	_ =	swait.ge [sflag:s22], $0x2800  }
0x87: {  	s31 =	smov.u32 s1;
	[sflag:s22] =	ssyncset.done $0x0  }
.Ltmp5:
0x88: {  	_ = 	snop;
	(pc) =	sbr.rel .LBB2_11-.Ltmp5, $1  }
0x89: {  	_ =	sdelay $0x3  }
.LBB2_2:
0x8a: {  	s29 =	simm.s32 $0x0  }
0x8b: {  	[tilespmem:s26], [sflag:$0x1] =	stream.indirect.gather [hbm4b:s5+s25], $0x50, s29, s25, $0xb8;
	[tilespmem:$0x16480] =	vst v63  }
0x8c: {  	_ =	swait.ge [sflag:s22], $0x2800  }
0x8d: {  	[sflag:s22] =	ssyncset.done $0x0  }
0x8e: {  	s29 =	simm.s32 $0x2780;
	[sflag:s22] =	ssyncadd.s32 $0xFFFFD800  }
0x8f: {  	[spmem:s2] =	stream.indirect.scatter.add.f32 [tilespmem:s26], [sflag:$0x1], $0x50, s29, s25, $0xb8;
	[tilespmem:$0x16480] =	vst v63  }
0x90: {  	_ =	swait.ge [sflag:s22], $0x2800  }
0x91: {  	s30 =	simm.s32 $0x400;
	s29 =	simm.s32 $0x200;
	[sflag:s22] =	ssyncset.done $0x0  }
.LBB2_3:
0x92: {  	s31 =	sshra.s32 s29, $0x2  }
0x93: {  	[sflag:s22] =	ssyncadd.s32 $0xFFFFD800;
	s29 =	smov.u32 s30;
	s0 =	sadd.s32 $0x200, s30  }
0x94: {  	[tilespmem:s26], [sflag:$0x1] =	stream.indirect.gather [hbm4b:s5+s25], $0x50, s31, s25, $0xb8;
	[tilespmem:$0x16480] =	vst v63  }
0x95: {  	p1 =	sne.s32 s30, $0x9C00;
	_ =	swait.ge [sflag:s22], $0x2800  }
.Ltmp6:
0x96: {  	[sflag:s22] =	ssyncset.done $0x0;
	(pc) =	sbr.rel @p1 .LBB2_3-.Ltmp6, $4  }
0x97: {  	s30 =	sadd.s32 $0x2780, s31;
	[sflag:s22] =	ssyncadd.s32 $0xFFFFD800  }
0x98: {  	[spmem:s2] =	stream.indirect.scatter.add.f32 [tilespmem:s26], [sflag:$0x1], $0x50, s30, s25, $0xb8;
	[tilespmem:$0x16480] =	vst v63  }
0x99: {  	_ =	swait.ge [sflag:s22], $0x2800  }
0x9a: {  	s30 =	smov.u32 s0;
	[sflag:s22] =	ssyncset.done $0x0  }
0x9b: {  	s0 =	sshra.s32 s29, $0x2;
	[sflag:s22] =	ssyncadd.s32 $0xFFFFD800  }
0x9c: {  	[tilespmem:s26], [sflag:$0x1] =	stream.indirect.gather [hbm4b:s5+s25], $0x50, s0, s25, $0xb8;
	[tilespmem:$0x16480] =	vst v63  }
0x9d: {  	_ =	swait.ge [sflag:s22], $0x2800  }
0x9e: {  	[sflag:s22] =	ssyncset.done $0x0  }
0x9f: {  	s0 =	sadd.s32 $0x2780, s0;
	[sflag:s22] =	ssyncadd.s32 $0xFFFFD800  }
0xa0: {  	[spmem:s2] =	stream.indirect.scatter.add.f32 [tilespmem:s26], [sflag:$0x1], $0x50, s0, s25, $0xb8;
	[tilespmem:$0x16480] =	vst v63  }
0xa1: {  	_ =	swait.ge [sflag:s22], $0x2800  }
0xa2: {  	[sflag:s22] =	ssyncset.done $0x0  }
0xa3: {  	s1 =	sshll.u32 s3, $0x6;
	[sflag:s22] =	ssyncadd.s32 $0xFFFFD800  }
0xa4: {  	s29 =	sor.u32 $0x1C01, s1;
	s1 =	sshrl.u32 s14, $0x3;
	[bflag:$0x0] =	sbarrier.arrive $0xFFFF  }
0xa5: {  	[hbm:s19], [sflag:s29] =	dma.local [spmem:s1], $0x18B0  }
0xa6: {  	_ =	swait.ge [sflag:s22], $0x18B0  }
0xa7: {  	[sflag:s22] =	ssyncset.done $0x0  }
0xa8: {  	[sflag:s22] =	ssyncadd.s32 $0xFFFFE750  }
0xa9: {  	[bflag:$0x0] =	sbarrier.arrive $0xFFFF  }
0xaa: {  	[spmem:s14] =	stream.linear.scatter [tilespmem:s24], [sflag:$0x1], $0x2800, $0x38;
	[tilespmem:$0x16480] =	vst v63  }
0xab: {  	_ =	swait.ge [sflag:s22], $0x2800  }
0xac: {  	[sflag:s22] =	ssyncset.done $0x0  }
0xad: {  	[sflag:s22] =	ssyncadd.s32 $0xFFFFD800  }
0xae: {  	[spmem:s15] =	stream.linear.scatter [tilespmem:s24], [sflag:$0x1], $0x2800, $0x38;
	[tilespmem:$0x16480] =	vst v63  }
0xaf: {  	_ =	swait.ge [sflag:s22], $0x2800  }
0xb0: {  	[sflag:s22] =	ssyncset.done $0x0  }
0xb1: {  	[sflag:s22] =	ssyncadd.s32 $0xFFFFD800  }
0xb2: {  	[spmem:s16] =	stream.linear.scatter [tilespmem:s24], [sflag:$0x1], $0x2800, $0x38;
	[tilespmem:$0x16480] =	vst v63  }
0xb3: {  	_ =	swait.ge [sflag:s22], $0x2800  }
0xb4: {  	[sflag:s22] =	ssyncset.done $0x0  }
0xb5: {  	[sflag:s22] =	ssyncadd.s32 $0xFFFFD800  }
0xb6: {  	[spmem:s17] =	stream.linear.scatter [tilespmem:s24], [sflag:$0x1], $0x2800, $0x38;
	[tilespmem:$0x16480] =	vst v63  }
0xb7: {  	_ =	swait.ge [sflag:s22], $0x2800  }
0xb8: {  	[sflag:s22] =	ssyncset.done $0x0  }
0xb9: {  	[sflag:s22] =	ssyncadd.s32 $0xFFFFD800  }
0xba: {  	[spmem:s18] =	stream.linear.scatter [tilespmem:s24], [sflag:$0x1], $0x2580, $0x38;
	[tilespmem:$0x16480] =	vst v63  }
0xbb: {  	_ =	swait.ge [sflag:s22], $0x2580  }
0xbc: {  	[sflag:s22] =	ssyncset.done $0x0  }
0xbd: {  	[sflag:s22] =	ssyncadd.s32 $0xFFFFDA80  }
0xbe: {  	s1 =	simm.s32 $0x0;
	[bflag:$0x0] =	sbarrier.arrive $0xFFFF  }
0xbf: {  	[tilespmem:s26], [sflag:$0x1] =	stream.indirect.gather [hbm4b:s6+s25], $0x50, s1, s25, $0xb8;
	[tilespmem:$0x16480] =	vst v63  }
0xc0: {  	_ =	swait.ge [sflag:s22], $0x2800  }
0xc1: {  	[sflag:s22] =	ssyncset.done $0x0  }
0xc2: {  	s1 =	simm.s32 $0x2780;
	[sflag:s22] =	ssyncadd.s32 $0xFFFFD800  }
0xc3: {  	[spmem:s2] =	stream.indirect.scatter.add.f32 [tilespmem:s26], [sflag:$0x1], $0x50, s1, s25, $0xb8;
	[tilespmem:$0x16480] =	vst v63  }
0xc4: {  	_ =	swait.ge [sflag:s22], $0x2800  }
0xc5: {  	s30 =	simm.s32 $0x200;
	s31 =	simm.s32 $0x400;
	[sflag:s22] =	ssyncset.done $0x0  }
.LBB2_5:
0xc6: {  	s0 =	sshra.s32 s30, $0x2  }
0xc7: {  	[sflag:s22] =	ssyncadd.s32 $0xFFFFD800;
	s30 =	smov.u32 s31;
	s1 =	sadd.s32 $0x200, s31  }
0xc8: {  	[tilespmem:s26], [sflag:$0x1] =	stream.indirect.gather [hbm4b:s6+s25], $0x50, s0, s25, $0xb8;
	[tilespmem:$0x16480] =	vst v63  }
0xc9: {  	p1 =	seq.s32 s31, $0x9C00;
	_ =	swait.ge [sflag:s22], $0x2800  }
.Ltmp7:
0xca: {  	[sflag:s22] =	ssyncset.done $0x0;
	(pc) =	sbr.rel @!p1 .LBB2_5-.Ltmp7, $4  }
0xcb: {  	s0 =	sadd.s32 $0x2780, s0;
	[sflag:s22] =	ssyncadd.s32 $0xFFFFD800  }
0xcc: {  	[spmem:s2] =	stream.indirect.scatter.add.f32 [tilespmem:s26], [sflag:$0x1], $0x50, s0, s25, $0xb8;
	[tilespmem:$0x16480] =	vst v63  }
0xcd: {  	_ =	swait.ge [sflag:s22], $0x2800  }
0xce: {  	s31 =	smov.u32 s1;
	[sflag:s22] =	ssyncset.done $0x0  }
0xcf: {  	s0 =	sshra.s32 s30, $0x2;
	[sflag:s22] =	ssyncadd.s32 $0xFFFFD800  }
0xd0: {  	[tilespmem:s26], [sflag:$0x1] =	stream.indirect.gather [hbm4b:s6+s25], $0x50, s0, s25, $0xb8;
	[tilespmem:$0x16480] =	vst v63  }
0xd1: {  	_ =	swait.ge [sflag:s22], $0x2800  }
0xd2: {  	[sflag:s22] =	ssyncset.done $0x0  }
.Ltmp8:
0xd3: {  	s0 =	sadd.s32 $0x2780, s0;
	[sflag:s22] =	ssyncadd.s32 $0xFFFFD800;
	(pc) =	sbr.rel .LBB2_12-.Ltmp8, $4  }
0xd4: {  	[spmem:s2] =	stream.indirect.scatter.add.f32 [tilespmem:s26], [sflag:$0x1], $0x50, s0, s25, $0xb8;
	[tilespmem:$0x16480] =	vst v63  }
0xd5: {  	_ =	swait.ge [sflag:s22], $0x2800  }
0xd6: {  	[sflag:s22] =	ssyncset.done $0x0  }
0xd7: {  	s30 =	smov.u32 s10;
	[sflag:s22] =	ssyncadd.s32 $0xFFFFD800  }
.LBB2_13:
0xd8: {  	_ =	sfence.sel $0x180000  }
0xd9: {  	[bflag:$0x0] =	sbarrier.arrive $0xFFFF  }
0xda: {  	_ =	strace $0x90000053  }
0xdb: {  	[bflag:$0x2] =	sbarrier.arrive $0xFFFF  }
0xdc: {  	p0 =	sne.s32 s3, $0x0;
	s0 =	rddreg [dreg:$0x3]  }
0xdd: {  	s0 =	sadd.s32 @!p0 $0x100000, s0  }
0xde: {  	[sflag:s0] =	ssyncadd.tile.s32 @!p0 $0x1;
	_ =	shalt  }
.Lfunc_end2:
_tile_overlayer_lowered:
.L_overlay_start_2:
0xdf: {  	(tag) =	ssettag $0x2  }
0xe0: {  	s0 =	rddreg [dreg:$0x0];
	s2 =	stileid.u32  }
0xe1: {  	s1 =	rddreg [dreg:$0x1];
	p0 =	sne.s32 s2, $0x0  }
0xe2: {  	s3 =	rddreg [dreg:$0x2];
	[bflag:$0x3] =	sbarrier.arrive $0xFFFF;
	s2 =	simm.s32 @!p0 $0x1C01  }
0xe3: {  	[timem:s3], [sflag:s2] =	dma.local @!p0 [hbm:s0], s1  }
0xe4: {  	s0 =	simm.s32 @!p0 $0x1  }
0xe5: {  	_ =	swait.ge @!p0 [sflag:s0], s1  }
0xe6: {  	s1 =	ssub.s32 @!p0 $0x0, s1;
	[sflag:s0] =	ssyncset.done @!p0 $0x0  }
0xe7: {  	[sflag:s0] =	ssyncadd.s32 @!p0 s1  }
0xe8: {  	[bflag:$0x3] =	sbarrier.arrive $0xFFFF  }
0xe9: {  	_ =	shalt  }

</sc_bundles>
